<compile_context>
chip_gen: v7x
topology: tpu7x:2x2x1
jax: 0.10.2.dev20260603
libtpu: 0.0.44.dev20260713+nightly
codegen_flags: <defaults>
</compile_context>

<pallas_src>
import functools

import jax
import jax.numpy as jnp
from jax import lax
from jax.experimental import pallas as pl
from jax.experimental.pallas import tpu as pltpu
from jax.experimental.pallas import tpu_sc as plsc

N = 10000
E = 320000
DN = 128
DE = 16
NPAD = 10240
TRASH = NPAD - 1
NC, NSUB = 2, 16
NW = NC * NSUB
GPW = 80
EPAD = NW * GPW * 128
RPT = NPAD // NSUB
BN = 1024
GRID = NPAD // BN
EF = float(E)

DEA = 24
DH = 16


def _sc_body(mode, *refs):
    (x_hbm, row_hbm, col_hbm, side_hbm, zn, zs,
     ns_out, sd_out,
     idx_r, idx_c, rows_v, side_v, ns_acc, sd_acc, sem_g) = refs

    cid = lax.axis_index("c")
    sid = lax.axis_index("s")
    wid = cid * NSUB + sid
    base_grp = wid * GPW
    r0 = sid * RPT
    ob = cid * NPAD + r0

    @pl.loop(0, RPT // 128)
    def _(k):
        pltpu.sync_copy(zn.at[pl.ds(r0 + k * 128, 128)], rows_v)
        pltpu.sync_copy(rows_v, ns_acc.at[pl.ds(r0 + k * 128, 128)])
        pltpu.sync_copy(zs.at[pl.ds(r0 + k * 128, 128)], side_v)
        pltpu.sync_copy(side_v, sd_acc.at[pl.ds(r0 + k * 128, 128)])

    if mode == 'b':
        pltpu.sync_copy(side_hbm.at[pl.ds(0, 128)], side_v)
    plsc.subcore_barrier()

    @pl.loop(0, GPW)
    def _(g):
        gg = base_grp + g
        pltpu.sync_copy(col_hbm.at[pl.ds(gg * 128, 128)], idx_c)
        pltpu.sync_copy(row_hbm.at[pl.ds(gg * 128, 128)], idx_r)
        pltpu.async_copy(x_hbm.at[idx_r], rows_v, sem_g).wait()
        pltpu.sync_copy(rows_v, ns_acc.at[idx_c], add=True)
        if mode == 'a':
            pltpu.sync_copy(side_hbm.at[pl.ds(gg * 128, 128)], side_v)
            pltpu.sync_copy(side_v, sd_acc.at[idx_c], add=True)
        else:
            pltpu.sync_copy(side_v, sd_acc.at[idx_r], add=True)

    plsc.subcore_barrier()

    @pl.loop(0, RPT // 128)
    def _(k):
        pltpu.sync_copy(ns_acc.at[pl.ds(r0 + k * 128, 128)], rows_v)
        pltpu.sync_copy(rows_v, ns_out.at[pl.ds(ob + k * 128, 128)])
        pltpu.sync_copy(sd_acc.at[pl.ds(r0 + k * 128, 128)], side_v)
        pltpu.sync_copy(side_v, sd_out.at[pl.ds(ob + k * 128, 128)])


def _sc_ns_body(x_hbm, row_hbm, col_hbm, zn, ns_out,
                idx_r, idx_c, rows_v, ns_acc, sem_g):
    cid = lax.axis_index("c")
    sid = lax.axis_index("s")
    wid = cid * NSUB + sid
    base_grp = wid * GPW
    r0 = sid * RPT
    ob = cid * NPAD + r0

    @pl.loop(0, RPT // 128)
    def _(k):
        pltpu.sync_copy(zn.at[pl.ds(r0 + k * 128, 128)], rows_v)
        pltpu.sync_copy(rows_v, ns_acc.at[pl.ds(r0 + k * 128, 128)])

    plsc.subcore_barrier()

    @pl.loop(0, GPW)
    def _(g):
        gg = base_grp + g
        pltpu.sync_copy(col_hbm.at[pl.ds(gg * 128, 128)], idx_c)
        pltpu.sync_copy(row_hbm.at[pl.ds(gg * 128, 128)], idx_r)
        pltpu.async_copy(x_hbm.at[idx_r], rows_v, sem_g).wait()
        pltpu.sync_copy(rows_v, ns_acc.at[idx_c], add=True)

    plsc.subcore_barrier()

    @pl.loop(0, RPT // 128)
    def _(k):
        pltpu.sync_copy(ns_acc.at[pl.ds(r0 + k * 128, 128)], rows_v)
        pltpu.sync_copy(rows_v, ns_out.at[pl.ds(ob + k * 128, 128)])


@functools.lru_cache(maxsize=None)
def _sc_ns_pass():
    mesh = plsc.VectorSubcoreMesh(core_axis_name="c", subcore_axis_name="s",
                                  num_cores=NC, num_subcores=NSUB)
    f32, i32 = jnp.float32, jnp.int32
    return pl.kernel(
        _sc_ns_body,
        out_type=(jax.ShapeDtypeStruct((NC * NPAD, DN), f32),),
        mesh=mesh,
        scratch_types=(
            pltpu.VMEM((128,), i32),
            pltpu.VMEM((128,), i32),
            pltpu.VMEM((128, DN), f32),
            pltpu.VMEM_SHARED((NPAD, DN), f32),
            pltpu.SemaphoreType.DMA,
        ),
    )


@functools.lru_cache(maxsize=None)
def _sc_pass(mode):
    mesh = plsc.VectorSubcoreMesh(core_axis_name="c", subcore_axis_name="s",
                                  num_cores=NC, num_subcores=NSUB)
    f32, i32 = jnp.float32, jnp.int32
    side = DEA if mode == 'a' else DH
    out_type = (jax.ShapeDtypeStruct((NC * NPAD, DN), f32),
                jax.ShapeDtypeStruct((NC * NPAD, side), f32))
    scratch = (
        pltpu.VMEM((128,), i32),
        pltpu.VMEM((128,), i32),
        pltpu.VMEM((128, DN), f32),
        pltpu.VMEM((128, side), f32),
        pltpu.VMEM_SHARED((NPAD, DN), f32),
        pltpu.VMEM_SHARED((NPAD, side), f32),
        pltpu.SemaphoreType.DMA,
    )
    return pl.kernel(
        functools.partial(_sc_body, mode),
        out_type=out_type,
        mesh=mesh,
        scratch_types=scratch,
    )


def _tc1_body(ns_ref, e0_ref, x_ref,
              At, Bt, Ct, be, Pt, Qt, bn1, Ut, Vt, bn2,
              x1_ref, e16_ref, red_ref, acc):
    i = pl.program_id(0)
    f32 = jnp.float32
    dot = functools.partial(jnp.dot, preferred_element_type=f32)

    e0f = e0_ref[0] + e0_ref[1]
    ns = ns_ref[0] + ns_ref[1]
    e0 = e0f[:, :DE]
    deg = e0f[:, DE:DE + 1]
    xb = x_ref[...]

    e16 = dot(ns, At[...]) + deg * dot(xb, Bt[...]) + dot(e0, Ct[...]) + deg * be[...]
    agg = dot(ns, Pt[...]) + dot(e16, Qt[...]) + deg * bn1[...]
    x1 = dot(xb, Ut[...]) + dot(agg, Vt[...]) + bn2[...]
    gid = i * BN + lax.broadcasted_iota(jnp.int32, (BN, 1), 0)
    x1 = x1 * (gid < N).astype(f32)
    x1_ref[...] = x1
    e16_ref[...] = jnp.concatenate(
        [e16, deg, jnp.zeros((BN, DEA - DE - 1), f32)], axis=1)

    @pl.when(i == 0)
    def _():
        acc[...] = jnp.zeros_like(acc)

    deg_t = deg.reshape(1, BN)
    acc[0:1, :] += dot(deg_t, xb)
    acc[1:2, :] += dot(deg_t, x1)
    se0 = jnp.sum(e0, axis=0)[None, :]
    acc[2:3, :] += jnp.concatenate([se0, jnp.zeros((1, DN - DE), f32)], axis=1)

    @pl.when(i == GRID - 1)
    def _():
        red_ref[...] = acc[...]


def _tc2_body(ns_ref, x1_ref, e16_ref, hr_ref, x_ref, red_ref,
              At1, Bt1, Ct1, be1,
              At, Bt, Ct, be, Pt, Qt, bn1, Ut, Vt, bn2,
              Rt, Stp, bg1, G1t, G2t, bg2, Wot, bo,
              out_ref, acc):
    i = pl.program_id(0)
    f32 = jnp.float32
    dot = functools.partial(jnp.dot, preferred_element_type=f32)

    ns = ns_ref[0] + ns_ref[1]
    e16f = e16_ref[...]
    deg = e16f[:, DE:DE + 1]
    degr = (hr_ref[0] + hr_ref[1])[:, 0:1]
    x1 = x1_ref[...]
    xb = x_ref[...]
    e16p = e16f[:, :DE]

    e16 = dot(ns, At[...]) + deg * dot(x1, Bt[...]) + dot(e16p, Ct[...]) + deg * be[...]
    agg = dot(ns, Pt[...]) + dot(e16, Qt[...]) + deg * bn1[...]
    x2 = dot(x1, Ut[...]) + dot(agg, Vt[...]) + bn2[...]
    gid = i * BN + lax.broadcasted_iota(jnp.int32, (BN, 1), 0)
    x2 = x2 * (gid < N).astype(f32)

    @pl.when(i == 0)
    def _():
        acc[...] = jnp.zeros_like(acc)

    ones_row = jnp.ones((1, BN), f32)
    degr_t = degr.reshape(1, BN)
    acc[0:1, :] += dot(ones_row, x2)
    acc[1:2, :] += dot(degr_t, x2)
    acc[2:3, :] += dot(degr_t, xb)
    acc[3:4, :] += dot(degr_t, x1)

    @pl.when(i == GRID - 1)
    def _():
        red = red_ref[...]
        se1 = (dot(acc[2:3, :], At1[...]) + dot(red[0:1, :], Bt1[...])
               + dot(red[2:3, :DE], Ct1[...]) + EF * be1[...])
        se2 = (dot(acc[3:4, :], At[...]) + dot(red[1:2, :], Bt[...])
               + dot(se1, Ct[...]) + EF * be[...])
        gg2 = dot(acc[1:2, :], Rt[...]) + dot(se2, Stp[...]) + EF * bg1[...]
        u2 = dot(acc[0:1, :], G1t[...]) + dot(gg2, G2t[...]) + bg2[...]
        out_ref[...] = dot(u2, Wot[...]) + bo[...]


def _compose_affine(layers):
    W, b = layers[0]
    for (W2, b2) in layers[1:]:
        W = W2 @ W
        b = b @ W2.T + b2
    return W, b


def _full(shape):
    return pl.BlockSpec(shape, lambda i: (0,) * len(shape))


def kernel(x, edge_index, edge_attr, u, batch, params):
    f32 = jnp.float32
    row, col = edge_index[0], edge_index[1]
    rp = jnp.full((EPAD,), TRASH, jnp.int32).at[:E].set(row)
    cp = jnp.full((EPAD,), TRASH, jnp.int32).at[:E].set(col)
    ea = (jnp.zeros((EPAD, DEA), f32).at[:E, :DE].set(edge_attr)
          .at[:E, DE].set(1.0))
    oneh = jnp.zeros((128, DH), f32).at[:, 0].set(1.0)
    xp = jnp.zeros((NPAD, DN), f32).at[:N].set(x)
    zn = jnp.zeros((NPAD, DN), f32)
    ze = jnp.zeros((NPAD, DEA), f32)
    zh = jnp.zeros((NPAD, DH), f32)

    steps = []
    for st in params['steps']:
        We, be = _compose_affine(st['edge'])
        Wn1, bn1 = _compose_affine(st['node1'])
        Wn2, bn2 = _compose_affine(st['node2'])
        Wg1, bg1 = _compose_affine(st['glob1'])
        Wg2, bg2 = _compose_affine(st['glob2'])
        steps.append(dict(
            At=We[:, :DN].T, Bt=We[:, DN:2 * DN].T, Ct=We[:, 2 * DN:].T,
            be=be[None, :],
            Pt=Wn1[:, :DN].T, Qt=Wn1[:, DN:].T, bn1=bn1[None, :],
            Ut=Wn2[:, :DN].T, Vt=Wn2[:, DN:].T, bn2=bn2[None, :],
            Rt=Wg1[:, :DN].T, Stp=Wg1[:, DN:].T, bg1=bg1[None, :],
            G1t=Wg2[:, :DN].T, G2t=Wg2[:, DN:].T, bg2=bg2[None, :],
        ))
    Wo, bo = _compose_affine(params['out'])
    Wot, bo = Wo.T, bo[None, :]

    s1, s2 = steps

    def _seg(v, i):
        return jax.ops.segment_sum(v, i, num_segments=NPAD)

    (ns1,) = _sc_ns_pass()(xp, rp, cp, zn)
    ns1 = ns1.reshape(NC, NPAD, DN)
    _e0 = _seg(ea, cp)
    e0p = jnp.stack([_e0, jnp.zeros_like(_e0)])

    wk1 = [s1[k] for k in ('At', 'Bt', 'Ct', 'be', 'Pt', 'Qt', 'bn1',
                           'Ut', 'Vt', 'bn2')]
    x1p, e16_1, red = pl.pallas_call(
        _tc1_body,
        grid=(GRID,),
        in_specs=[
            pl.BlockSpec((NC, BN, DN), lambda i: (0, i, 0)),
            pl.BlockSpec((NC, BN, DEA), lambda i: (0, i, 0)),
            pl.BlockSpec((BN, DN), lambda i: (i, 0)),
            _full((DN, DE)), _full((DN, DE)), _full((DE, DE)), _full((1, DE)),
            _full((DN, DN)), _full((DE, DN)), _full((1, DN)),
            _full((DN, DN)), _full((DN, DN)), _full((1, DN)),
        ],
        out_specs=[
            pl.BlockSpec((BN, DN), lambda i: (i, 0)),
            pl.BlockSpec((BN, DEA), lambda i: (i, 0)),
            pl.BlockSpec((8, DN), lambda i: (0, 0)),
        ],
        out_shape=[
            jax.ShapeDtypeStruct((NPAD, DN), f32),
            jax.ShapeDtypeStruct((NPAD, DEA), f32),
            jax.ShapeDtypeStruct((8, DN), f32),
        ],
        scratch_shapes=[pltpu.VMEM((8, DN), f32)],
    )(ns1, e0p, xp, *wk1)

    (ns2,) = _sc_ns_pass()(x1p, rp, cp, zn)
    ns2 = ns2.reshape(NC, NPAD, DN)
    _hr = _seg(jnp.tile(oneh, (NW * GPW, 1)), rp)
    hrp = jnp.stack([_hr, jnp.zeros_like(_hr)])

    wk2 = ([s1[k] for k in ('At', 'Bt', 'Ct', 'be')]
           + [s2[k] for k in ('At', 'Bt', 'Ct', 'be', 'Pt', 'Qt', 'bn1',
                              'Ut', 'Vt', 'bn2', 'Rt', 'Stp', 'bg1',
                              'G1t', 'G2t', 'bg2')] + [Wot, bo])
    out = pl.pallas_call(
        _tc2_body,
        grid=(GRID,),
        in_specs=[
            pl.BlockSpec((NC, BN, DN), lambda i: (0, i, 0)),
            pl.BlockSpec((BN, DN), lambda i: (i, 0)),
            pl.BlockSpec((BN, DEA), lambda i: (i, 0)),
            pl.BlockSpec((NC, BN, DH), lambda i: (0, i, 0)),
            pl.BlockSpec((BN, DN), lambda i: (i, 0)),
            _full((8, DN)),
            _full((DN, DE)), _full((DN, DE)), _full((DE, DE)), _full((1, DE)),
            _full((DN, DE)), _full((DN, DE)), _full((DE, DE)), _full((1, DE)),
            _full((DN, DN)), _full((DE, DN)), _full((1, DN)),
            _full((DN, DN)), _full((DN, DN)), _full((1, DN)),
            _full((DN, DN)), _full((DE, DN)), _full((1, DN)),
            _full((DN, DN)), _full((DN, DN)), _full((1, DN)),
            _full((DN, 1)), _full((1, 1)),
        ],
        out_specs=pl.BlockSpec((1, 1), lambda i: (0, 0)),
        out_shape=jax.ShapeDtypeStruct((1, 1), f32),
        scratch_shapes=[pltpu.VMEM((8, DN), f32)],
    )(ns2, x1p, e16_1, hrp, xp, red, *wk2)

    return out

# --- scband reference (transcript-rebuilt; emitter-appended) ---
"""Pipeline reference for scband-gnn-23854248362705 (READ-ONLY COPY).

The authoritative reference and input builder live on the scoring server;
editing this copy changes nothing except your own understanding.
"""

import jax, jax.numpy as jnp
import numpy as np

N_NODES = 10000
N_EDGES = 320000
D_NODE = 128
D_EDGE = 16
D_GLOB = 128
HID = 128
NUM_MP = 2
NUM_OUT = 1


def _lin(key, din, dout):
    k1, k2 = jax.random.split(key)
    scale = (2.0 / (din + dout)) ** 0.5
    W = jax.random.normal(k1, (dout, din), dtype=jnp.float32) * scale
    b = jnp.full((dout,), 0.01, dtype=jnp.float32)
    return (W, b)


def _mlp_params(key, dims):
    return [_lin(jax.random.fold_in(key, i), dims[i], dims[i + 1]) for i in range(len(dims) - 1)]


def _make_params(key):
    steps = []
    for s in range(NUM_MP):
        ks = jax.random.fold_in(key, s)
        step = {
            'edge': _mlp_params(jax.random.fold_in(ks, 0), [D_EDGE + 2 * D_NODE, HID, HID, D_EDGE]),
            'node1': _mlp_params(jax.random.fold_in(ks, 1), [D_EDGE + D_NODE, HID, HID, HID]),
            'node2': _mlp_params(jax.random.fold_in(ks, 2), [HID + D_NODE, HID, HID, D_NODE]),
            'glob1': _mlp_params(jax.random.fold_in(ks, 3), [D_EDGE + D_NODE, HID, HID, HID]),
            'glob2': _mlp_params(jax.random.fold_in(ks, 4), [HID + D_NODE, HID, HID, D_GLOB]),
        }
        steps.append(step)
    out = _mlp_params(jax.random.fold_in(key, 1000), [D_GLOB, HID, HID, NUM_OUT])
    return {'steps': steps, 'out': out}


def _mlp(params, h):
    for (W, b) in params:
        h = h @ W.T + b
    return h


def setup_inputs(seed: int = 0):
    key = jax.random.key(seed)
    ks = jax.random.split(key, 6)
    x = jax.random.normal(ks[0], (N_NODES, D_NODE), dtype=jnp.float32)
    edge_index = jax.random.randint(ks[1], (2, N_EDGES), 0, N_NODES, dtype=jnp.int32)
    edge_attr = jax.random.normal(ks[2], (N_EDGES, D_EDGE), dtype=jnp.float32)
    u = jax.random.normal(ks[3], (1, D_GLOB), dtype=jnp.float32)
    batch = jnp.zeros((N_NODES,), dtype=jnp.int32)
    params = _make_params(ks[4])
    return {'x': x, 'edge_index': edge_index, 'edge_attr': edge_attr, 'u': u, 'batch': batch, 'params': params}


def _forward(params, x, edge_attr, u, edge_index, batch):
    row = edge_index[0]
    col = edge_index[1]
    n_graphs = 1
    for step in params['steps']:
        # EdgeModel: edge_attr' = MLP([x[src], x[dst], edge_attr])
        src = jnp.take(x, row, axis=0)
        dst = jnp.take(x, col, axis=0)
        edge_attr = _mlp(step['edge'], jnp.concatenate([src, dst, edge_attr], axis=1))
        # NodeModel: h = MLP1([x[row], edge_attr]); agg = scatter_add(h, col); x' = MLP2([x, agg])
        h = _mlp(step['node1'], jnp.concatenate([jnp.take(x, row, axis=0), edge_attr], axis=1))
        agg = jax.ops.segment_sum(h, col, num_segments=N_NODES)
        x = _mlp(step['node2'], jnp.concatenate([x, agg], axis=1))
        # GlobalModel: g = MLP1([x[row], edge_attr]); scatter_add over col; pool over batch
        g = _mlp(step['glob1'], jnp.concatenate([jnp.take(x, row, axis=0), edge_attr], axis=1))
        g = jax.ops.segment_sum(g, col, num_segments=N_NODES)
        xg = jax.ops.segment_sum(x, batch, num_segments=n_graphs)
        gg = jax.ops.segment_sum(g, batch, num_segments=n_graphs)
        u = _mlp(step['glob2'], jnp.concatenate([xg, gg], axis=1))
    return _mlp(params['out'], u)


def reference(x, edge_index, edge_attr, u, batch, params):
    return _forward(params, x, edge_attr, u, edge_index, batch)

if __name__ == "__main__":
    import jax
    _d = setup_inputs()
    print(jax.jit(kernel)(*tuple(_d.values())))

</pallas_src>

<mosaic_0001>
#map = affine_map<(d0, d1) -> (0, 0)>
#map1 = affine_map<(d0, d1) -> (0)>
module attributes {stable_mosaic.version = 14 : i64} {
  func.func @_sc_ns_body(%arg0: i32, %arg1: i32, %arg2: memref<10240x128xf32, #tpu.memory_space<hbm>>, %arg3: memref<327680xi32, #tpu.memory_space<hbm>>, %arg4: memref<327680xi32, #tpu.memory_space<hbm>>, %arg5: memref<10240x128xf32, #tpu.memory_space<hbm>>, %arg6: memref<20480x128xf32, #tpu.memory_space<hbm>>, %arg7: memref<128xi32, #tpu.memory_space<vmem>>, %arg8: memref<128xi32, #tpu.memory_space<vmem>>, %arg9: memref<128x128xf32, #tpu.memory_space<vmem>>, %arg10: memref<10240x128xf32, #tpu.memory_space<vmem_shared>>, %arg11: memref<!tpu.dma_semaphore, #tpu.memory_space<semaphore_mem>>) attributes {dimension_semantics = [#tpu.dimension_semantics<core_parallel>, #tpu.dimension_semantics<subcore_parallel>], iteration_bounds = array<i64: 2, 16>, scalar_prefetch = 0 : i64, scratch_operands = 5 : i64, tpu.core_type = #tpu.core_type<sc_vector_subcore>, window_params = [{transform_indices = #map}, {transform_indices = #map1}, {transform_indices = #map1}, {transform_indices = #map}, {transform_indices = #map}]} {
    %mul3A = arith.constant 16 : i32
    %mul3A_0 = arith.muli %arg0, %mul3A : i32
    %add3A = arith.addi %mul3A_0, %arg1 : i32
    %mul3A_1 = arith.constant 80 : i32
    %mul3A_2 = arith.muli %add3A, %mul3A_1 : i32
    %mul3A_3 = arith.constant 640 : i32
    %mul3A_4 = arith.muli %arg1, %mul3A_3 : i32
    %mul3A_5 = arith.constant 10240 : i32
    %mul3A_6 = arith.muli %arg0, %mul3A_5 : i32
    %add3A_7 = arith.addi %mul3A_6, %mul3A_4 : i32
    %scan3A = arith.constant 0 : i32
    %scan3A_8 = arith.constant 5 : i32
    %scan3A_9 = arith.addi %scan3A, %scan3A_8 : i32
    %scan3A_10 = arith.constant 1 : i32
    scf.for %scan3A_23 = %scan3A to %scan3A_9 step %scan3A_10  : i32 {
      %mul3A_24 = arith.constant 1 : i32
      %mul3A_25 = arith.muli %scan3A_23, %mul3A_24 : i32
      %add3A_26 = arith.constant 0 : i32
      %add3A_27 = arith.addi %add3A_26, %mul3A_25 : i32
      %mul3A_28 = arith.constant 128 : i32
      %mul3A_29 = arith.muli %add3A_27, %mul3A_28 : i32
      %add3A_30 = arith.addi %mul3A_4, %mul3A_29 : i32
      "tpu.region"() ({
        %run_scoped3A = tpu.sem_alloc : memref<!tpu.dma_semaphore, #tpu.memory_space<semaphore_mem>>
        %dma_start3A = arith.constant 0 : i32
        %dma_start3A_34 = tpu.memref_slice %arg5[%add3A_30, %dma_start3A] : memref<10240x128xf32, #tpu.memory_space<hbm>> -> memref<128x128xf32, #tpu.memory_space<hbm>>
        %dma_start3A_35 = arith.constant 0 : i32
        %dma_start3A_36 = tpu.memref_slice %arg5[%add3A_30, %dma_start3A_35] : memref<10240x128xf32, #tpu.memory_space<hbm>> -> memref<128x128xf32, #tpu.memory_space<hbm>>
        tpu.enqueue_dma source(%dma_start3A_36 : memref<128x128xf32, #tpu.memory_space<hbm>>) target(%arg9 : memref<128x128xf32, #tpu.memory_space<vmem>>) target_semaphore(%run_scoped3A : memref<!tpu.dma_semaphore, #tpu.memory_space<semaphore_mem>>)
        %dma_wait3A = arith.constant 0 : i32
        %dma_wait3A_37 = tpu.memref_slice %arg5[%add3A_30, %dma_wait3A] : memref<10240x128xf32, #tpu.memory_space<hbm>> -> memref<128x128xf32, #tpu.memory_space<hbm>>
        %dma_wait3A_38 = arith.constant 0 : i32
        %dma_wait3A_39 = tpu.memref_slice %arg5[%add3A_30, %dma_wait3A_38] : memref<10240x128xf32, #tpu.memory_space<hbm>> -> memref<128x128xf32, #tpu.memory_space<hbm>>
        tpu.wait_dma2 semaphore(%run_scoped3A : memref<!tpu.dma_semaphore, #tpu.memory_space<semaphore_mem>>) src(%dma_wait3A_39 : memref<128x128xf32, #tpu.memory_space<hbm>>) dst(%arg9 : memref<128x128xf32, #tpu.memory_space<vmem>>)
        tpu.yield
      }) : () -> ()
      %mul3A_31 = arith.constant 128 : i32
      %mul3A_32 = arith.muli %add3A_27, %mul3A_31 : i32
      %add3A_33 = arith.addi %mul3A_4, %mul3A_32 : i32
      "tpu.region"() ({
        %run_scoped3A = tpu.sem_alloc : memref<!tpu.dma_semaphore, #tpu.memory_space<semaphore_mem>>
        %dma_start3A = arith.constant 0 : i32
        %dma_start3A_34 = tpu.memref_slice %arg10[%add3A_33, %dma_start3A] : memref<10240x128xf32, #tpu.memory_space<vmem_shared>> -> memref<128x128xf32, #tpu.memory_space<vmem_shared>>
        %dma_start3A_35 = arith.constant 0 : i32
        %dma_start3A_36 = tpu.memref_slice %arg10[%add3A_33, %dma_start3A_35] : memref<10240x128xf32, #tpu.memory_space<vmem_shared>> -> memref<128x128xf32, #tpu.memory_space<vmem_shared>>
        tpu.enqueue_dma source(%arg9 : memref<128x128xf32, #tpu.memory_space<vmem>>) target(%dma_start3A_36 : memref<128x128xf32, #tpu.memory_space<vmem_shared>>) target_semaphore(%run_scoped3A : memref<!tpu.dma_semaphore, #tpu.memory_space<semaphore_mem>>)
        %dma_wait3A = arith.constant 0 : i32
        %dma_wait3A_37 = tpu.memref_slice %arg10[%add3A_33, %dma_wait3A] : memref<10240x128xf32, #tpu.memory_space<vmem_shared>> -> memref<128x128xf32, #tpu.memory_space<vmem_shared>>
        %dma_wait3A_38 = arith.constant 0 : i32
        %dma_wait3A_39 = tpu.memref_slice %arg10[%add3A_33, %dma_wait3A_38] : memref<10240x128xf32, #tpu.memory_space<vmem_shared>> -> memref<128x128xf32, #tpu.memory_space<vmem_shared>>
        tpu.wait_dma2 semaphore(%run_scoped3A : memref<!tpu.dma_semaphore, #tpu.memory_space<semaphore_mem>>) src(%arg9 : memref<128x128xf32, #tpu.memory_space<vmem>>) dst(%dma_wait3A_39 : memref<128x128xf32, #tpu.memory_space<vmem_shared>>)
        tpu.yield
      }) : () -> ()
    }
    %scan3A_11 = arith.constant 5 : i32
    %barrier3A = arith.constant 0 : index
    tpu.barrier barrier_id(%barrier3A)
    %scan3A_12 = arith.constant 0 : i32
    %scan3A_13 = arith.constant 80 : i32
    %scan3A_14 = arith.addi %scan3A_12, %scan3A_13 : i32
    %scan3A_15 = arith.constant 1 : i32
    scf.for %scan3A_23 = %scan3A_12 to %scan3A_14 step %scan3A_15  : i32 {
      %mul3A_24 = arith.constant 1 : i32
      %mul3A_25 = arith.muli %scan3A_23, %mul3A_24 : i32
      %add3A_26 = arith.constant 0 : i32
      %add3A_27 = arith.addi %add3A_26, %mul3A_25 : i32
      %add3A_28 = arith.addi %mul3A_2, %add3A_27 : i32
      %mul3A_29 = arith.constant 128 : i32
      %mul3A_30 = arith.muli %add3A_28, %mul3A_29 : i32
      "tpu.region"() ({
        %run_scoped3A = tpu.sem_alloc : memref<!tpu.dma_semaphore, #tpu.memory_space<semaphore_mem>>
        %dma_start3A_37 = tpu.memref_slice %arg4[%mul3A_30] : memref<327680xi32, #tpu.memory_space<hbm>> -> memref<128xi32, #tpu.memory_space<hbm>>
        %dma_start3A_38 = tpu.memref_slice %arg4[%mul3A_30] : memref<327680xi32, #tpu.memory_space<hbm>> -> memref<128xi32, #tpu.memory_space<hbm>>
        tpu.enqueue_dma source(%dma_start3A_38 : memref<128xi32, #tpu.memory_space<hbm>>) target(%arg8 : memref<128xi32, #tpu.memory_space<vmem>>) target_semaphore(%run_scoped3A : memref<!tpu.dma_semaphore, #tpu.memory_space<semaphore_mem>>)
        %dma_wait3A_39 = tpu.memref_slice %arg4[%mul3A_30] : memref<327680xi32, #tpu.memory_space<hbm>> -> memref<128xi32, #tpu.memory_space<hbm>>
        %dma_wait3A_40 = tpu.memref_slice %arg4[%mul3A_30] : memref<327680xi32, #tpu.memory_space<hbm>> -> memref<128xi32, #tpu.memory_space<hbm>>
        tpu.wait_dma2 semaphore(%run_scoped3A : memref<!tpu.dma_semaphore, #tpu.memory_space<semaphore_mem>>) src(%dma_wait3A_40 : memref<128xi32, #tpu.memory_space<hbm>>) dst(%arg8 : memref<128xi32, #tpu.memory_space<vmem>>)
        tpu.yield
      }) : () -> ()
      %mul3A_31 = arith.constant 128 : i32
      %mul3A_32 = arith.muli %add3A_28, %mul3A_31 : i32
      "tpu.region"() ({
        %run_scoped3A = tpu.sem_alloc : memref<!tpu.dma_semaphore, #tpu.memory_space<semaphore_mem>>
        %dma_start3A_37 = tpu.memref_slice %arg3[%mul3A_32] : memref<327680xi32, #tpu.memory_space<hbm>> -> memref<128xi32, #tpu.memory_space<hbm>>
        %dma_start3A_38 = tpu.memref_slice %arg3[%mul3A_32] : memref<327680xi32, #tpu.memory_space<hbm>> -> memref<128xi32, #tpu.memory_space<hbm>>
        tpu.enqueue_dma source(%dma_start3A_38 : memref<128xi32, #tpu.memory_space<hbm>>) target(%arg7 : memref<128xi32, #tpu.memory_space<vmem>>) target_semaphore(%run_scoped3A : memref<!tpu.dma_semaphore, #tpu.memory_space<semaphore_mem>>)
        %dma_wait3A_39 = tpu.memref_slice %arg3[%mul3A_32] : memref<327680xi32, #tpu.memory_space<hbm>> -> memref<128xi32, #tpu.memory_space<hbm>>
        %dma_wait3A_40 = tpu.memref_slice %arg3[%mul3A_32] : memref<327680xi32, #tpu.memory_space<hbm>> -> memref<128xi32, #tpu.memory_space<hbm>>
        tpu.wait_dma2 semaphore(%run_scoped3A : memref<!tpu.dma_semaphore, #tpu.memory_space<semaphore_mem>>) src(%dma_wait3A_40 : memref<128xi32, #tpu.memory_space<hbm>>) dst(%arg7 : memref<128xi32, #tpu.memory_space<vmem>>)
        tpu.yield
      }) : () -> ()
      %dma_start3A = arith.constant 0 : i32
      %dma_start3A_33 = arith.constant 0 : i32
      %dma_start3A_34 = tpu.memref_slice %arg2[%dma_start3A, %dma_start3A_33] : memref<10240x128xf32, #tpu.memory_space<hbm>> -> memref<10240x128xf32, #tpu.memory_space<hbm>>
      tpu.enqueue_indirect_dma source(%dma_start3A_34 : memref<10240x128xf32, #tpu.memory_space<hbm>>) target(%arg9 : memref<128x128xf32, #tpu.memory_space<vmem>>) offsets(%arg7 : memref<128xi32, #tpu.memory_space<vmem>>) semaphore(%arg11 : memref<!tpu.dma_semaphore, #tpu.memory_space<semaphore_mem>>)
      %dma_wait3A = arith.constant 0 : i32
      %dma_wait3A_35 = arith.constant 0 : i32
      %dma_wait3A_36 = tpu.memref_slice %arg2[%dma_wait3A, %dma_wait3A_35] : memref<10240x128xf32, #tpu.memory_space<hbm>> -> memref<10240x128xf32, #tpu.memory_space<hbm>>
      tpu.wait_indirect_dma semaphore(%arg11 : memref<!tpu.dma_semaphore, #tpu.memory_space<semaphore_mem>>) src(%dma_wait3A_36 : memref<10240x128xf32, #tpu.memory_space<hbm>>) dst(%arg9 : memref<128x128xf32, #tpu.memory_space<vmem>>)
      "tpu.region"() ({
        %run_scoped3A = tpu.sem_alloc : memref<!tpu.dma_semaphore, #tpu.memory_space<semaphore_mem>>
        %dma_start3A_37 = arith.constant 0 : i32
        %dma_start3A_38 = arith.constant 0 : i32
        %dma_start3A_39 = tpu.memref_slice %arg10[%dma_start3A_37, %dma_start3A_38] : memref<10240x128xf32, #tpu.memory_space<vmem_shared>> -> memref<10240x128xf32, #tpu.memory_space<vmem_shared>>
        tpu.enqueue_indirect_dma source(%arg9 : memref<128x128xf32, #tpu.memory_space<vmem>>) target(%dma_start3A_39 : memref<10240x128xf32, #tpu.memory_space<vmem_shared>>) offsets(%arg8 : memref<128xi32, #tpu.memory_space<vmem>>) semaphore(%run_scoped3A : memref<!tpu.dma_semaphore, #tpu.memory_space<semaphore_mem>>) {add = true}
        %dma_wait3A_40 = arith.constant 0 : i32
        %dma_wait3A_41 = arith.constant 0 : i32
        %dma_wait3A_42 = tpu.memref_slice %arg10[%dma_wait3A_40, %dma_wait3A_41] : memref<10240x128xf32, #tpu.memory_space<vmem_shared>> -> memref<10240x128xf32, #tpu.memory_space<vmem_shared>>
        tpu.wait_indirect_dma semaphore(%run_scoped3A : memref<!tpu.dma_semaphore, #tpu.memory_space<semaphore_mem>>) src(%arg9 : memref<128x128xf32, #tpu.memory_space<vmem>>) dst(%dma_wait3A_42 : memref<10240x128xf32, #tpu.memory_space<vmem_shared>>)
        tpu.yield
      }) : () -> ()
    }
    %scan3A_16 = arith.constant 80 : i32
    %barrier3A_17 = arith.constant 0 : index
    tpu.barrier barrier_id(%barrier3A_17)
    %scan3A_18 = arith.constant 0 : i32
    %scan3A_19 = arith.constant 5 : i32
    %scan3A_20 = arith.addi %scan3A_18, %scan3A_19 : i32
    %scan3A_21 = arith.constant 1 : i32
    scf.for %scan3A_23 = %scan3A_18 to %scan3A_20 step %scan3A_21  : i32 {
      %mul3A_24 = arith.constant 1 : i32
      %mul3A_25 = arith.muli %scan3A_23, %mul3A_24 : i32
      %add3A_26 = arith.constant 0 : i32
      %add3A_27 = arith.addi %add3A_26, %mul3A_25 : i32
      %mul3A_28 = arith.constant 128 : i32
      %mul3A_29 = arith.muli %add3A_27, %mul3A_28 : i32
      %add3A_30 = arith.addi %mul3A_4, %mul3A_29 : i32
      "tpu.region"() ({
        %run_scoped3A = tpu.sem_alloc : memref<!tpu.dma_semaphore, #tpu.memory_space<semaphore_mem>>
        %dma_start3A = arith.constant 0 : i32
        %dma_start3A_34 = tpu.memref_slice %arg10[%add3A_30, %dma_start3A] : memref<10240x128xf32, #tpu.memory_space<vmem_shared>> -> memref<128x128xf32, #tpu.memory_space<vmem_shared>>
        %dma_start3A_35 = arith.constant 0 : i32
        %dma_start3A_36 = tpu.memref_slice %arg10[%add3A_30, %dma_start3A_35] : memref<10240x128xf32, #tpu.memory_space<vmem_shared>> -> memref<128x128xf32, #tpu.memory_space<vmem_shared>>
        tpu.enqueue_dma source(%dma_start3A_36 : memref<128x128xf32, #tpu.memory_space<vmem_shared>>) target(%arg9 : memref<128x128xf32, #tpu.memory_space<vmem>>) target_semaphore(%run_scoped3A : memref<!tpu.dma_semaphore, #tpu.memory_space<semaphore_mem>>)
        %dma_wait3A = arith.constant 0 : i32
        %dma_wait3A_37 = tpu.memref_slice %arg10[%add3A_30, %dma_wait3A] : memref<10240x128xf32, #tpu.memory_space<vmem_shared>> -> memref<128x128xf32, #tpu.memory_space<vmem_shared>>
        %dma_wait3A_38 = arith.constant 0 : i32
        %dma_wait3A_39 = tpu.memref_slice %arg10[%add3A_30, %dma_wait3A_38] : memref<10240x128xf32, #tpu.memory_space<vmem_shared>> -> memref<128x128xf32, #tpu.memory_space<vmem_shared>>
        tpu.wait_dma2 semaphore(%run_scoped3A : memref<!tpu.dma_semaphore, #tpu.memory_space<semaphore_mem>>) src(%dma_wait3A_39 : memref<128x128xf32, #tpu.memory_space<vmem_shared>>) dst(%arg9 : memref<128x128xf32, #tpu.memory_space<vmem>>)
        tpu.yield
      }) : () -> ()
      %mul3A_31 = arith.constant 128 : i32
      %mul3A_32 = arith.muli %add3A_27, %mul3A_31 : i32
      %add3A_33 = arith.addi %add3A_7, %mul3A_32 : i32
      "tpu.region"() ({
        %run_scoped3A = tpu.sem_alloc : memref<!tpu.dma_semaphore, #tpu.memory_space<semaphore_mem>>
        %dma_start3A = arith.constant 0 : i32
        %dma_start3A_34 = tpu.memref_slice %arg6[%add3A_33, %dma_start3A] : memref<20480x128xf32, #tpu.memory_space<hbm>> -> memref<128x128xf32, #tpu.memory_space<hbm>>
        %dma_start3A_35 = arith.constant 0 : i32
        %dma_start3A_36 = tpu.memref_slice %arg6[%add3A_33, %dma_start3A_35] : memref<20480x128xf32, #tpu.memory_space<hbm>> -> memref<128x128xf32, #tpu.memory_space<hbm>>
        tpu.enqueue_dma source(%arg9 : memref<128x128xf32, #tpu.memory_space<vmem>>) target(%dma_start3A_36 : memref<128x128xf32, #tpu.memory_space<hbm>>) target_semaphore(%run_scoped3A : memref<!tpu.dma_semaphore, #tpu.memory_space<semaphore_mem>>)
        %dma_wait3A = arith.constant 0 : i32
        %dma_wait3A_37 = tpu.memref_slice %arg6[%add3A_33, %dma_wait3A] : memref<20480x128xf32, #tpu.memory_space<hbm>> -> memref<128x128xf32, #tpu.memory_space<hbm>>
        %dma_wait3A_38 = arith.constant 0 : i32
        %dma_wait3A_39 = tpu.memref_slice %arg6[%add3A_33, %dma_wait3A_38] : memref<20480x128xf32, #tpu.memory_space<hbm>> -> memref<128x128xf32, #tpu.memory_space<hbm>>
        tpu.wait_dma2 semaphore(%run_scoped3A : memref<!tpu.dma_semaphore, #tpu.memory_space<semaphore_mem>>) src(%arg9 : memref<128x128xf32, #tpu.memory_space<vmem>>) dst(%dma_wait3A_39 : memref<128x128xf32, #tpu.memory_space<hbm>>)
        tpu.yield
      }) : () -> ()
    }
    %scan3A_22 = arith.constant 5 : i32
    return
  }
}

#map = affine_map<(d0, d1) -> (0, 0)>
#map1 = affine_map<(d0, d1) -> (0)>
module attributes {stable_mosaic.version = 14 : i64} {
  func.func @_sc_ns_body(%arg0: i32, %arg1: i32, %arg2: memref<10240x128xf32, #tpu.memory_space<hbm>>, %arg3: memref<327680xi32, #tpu.memory_space<hbm>>, %arg4: memref<327680xi32, #tpu.memory_space<hbm>>, %arg5: memref<10240x128xf32, #tpu.memory_space<hbm>>, %arg6: memref<20480x128xf32, #tpu.memory_space<hbm>>, %arg7: memref<128xi32, #tpu.memory_space<vmem>>, %arg8: memref<128xi32, #tpu.memory_space<vmem>>, %arg9: memref<128x128xf32, #tpu.memory_space<vmem>>, %arg10: memref<10240x128xf32, #tpu.memory_space<vmem_shared>>, %arg11: memref<!tpu.dma_semaphore, #tpu.memory_space<semaphore_mem>>) attributes {dimension_semantics = [#tpu.dimension_semantics<core_parallel>, #tpu.dimension_semantics<subcore_parallel>], iteration_bounds = array<i64: 2, 16>, scalar_prefetch = 0 : i64, scratch_operands = 5 : i64, tpu.core_type = #tpu.core_type<sc_vector_subcore>, window_params = [{transform_indices = #map}, {transform_indices = #map1}, {transform_indices = #map1}, {transform_indices = #map}, {transform_indices = #map}]} {
    %mul3A = arith.constant 16 : i32
    %mul3A_0 = arith.muli %arg0, %mul3A : i32
    %add3A = arith.addi %mul3A_0, %arg1 : i32
    %mul3A_1 = arith.constant 80 : i32
    %mul3A_2 = arith.muli %add3A, %mul3A_1 : i32
    %mul3A_3 = arith.constant 640 : i32
    %mul3A_4 = arith.muli %arg1, %mul3A_3 : i32
    %mul3A_5 = arith.constant 10240 : i32
    %mul3A_6 = arith.muli %arg0, %mul3A_5 : i32
    %add3A_7 = arith.addi %mul3A_6, %mul3A_4 : i32
    %scan3A = arith.constant 0 : i32
    %scan3A_8 = arith.constant 5 : i32
    %scan3A_9 = arith.addi %scan3A, %scan3A_8 : i32
    %scan3A_10 = arith.constant 1 : i32
    scf.for %scan3A_23 = %scan3A to %scan3A_9 step %scan3A_10  : i32 {
      %mul3A_24 = arith.constant 1 : i32
      %mul3A_25 = arith.muli %scan3A_23, %mul3A_24 : i32
      %add3A_26 = arith.constant 0 : i32
      %add3A_27 = arith.addi %add3A_26, %mul3A_25 : i32
      %mul3A_28 = arith.constant 128 : i32
      %mul3A_29 = arith.muli %add3A_27, %mul3A_28 : i32
      %add3A_30 = arith.addi %mul3A_4, %mul3A_29 : i32
      "tpu.region"() ({
        %run_scoped3A = tpu.sem_alloc : memref<!tpu.dma_semaphore, #tpu.memory_space<semaphore_mem>>
        %dma_start3A = arith.constant 0 : i32
        %dma_start3A_34 = tpu.memref_slice %arg5[%add3A_30, %dma_start3A] : memref<10240x128xf32, #tpu.memory_space<hbm>> -> memref<128x128xf32, #tpu.memory_space<hbm>>
        %dma_start3A_35 = arith.constant 0 : i32
        %dma_start3A_36 = tpu.memref_slice %arg5[%add3A_30, %dma_start3A_35] : memref<10240x128xf32, #tpu.memory_space<hbm>> -> memref<128x128xf32, #tpu.memory_space<hbm>>
        tpu.enqueue_dma source(%dma_start3A_36 : memref<128x128xf32, #tpu.memory_space<hbm>>) target(%arg9 : memref<128x128xf32, #tpu.memory_space<vmem>>) target_semaphore(%run_scoped3A : memref<!tpu.dma_semaphore, #tpu.memory_space<semaphore_mem>>)
        %dma_wait3A = arith.constant 0 : i32
        %dma_wait3A_37 = tpu.memref_slice %arg5[%add3A_30, %dma_wait3A] : memref<10240x128xf32, #tpu.memory_space<hbm>> -> memref<128x128xf32, #tpu.memory_space<hbm>>
        %dma_wait3A_38 = arith.constant 0 : i32
        %dma_wait3A_39 = tpu.memref_slice %arg5[%add3A_30, %dma_wait3A_38] : memref<10240x128xf32, #tpu.memory_space<hbm>> -> memref<128x128xf32, #tpu.memory_space<hbm>>
        tpu.wait_dma2 semaphore(%run_scoped3A : memref<!tpu.dma_semaphore, #tpu.memory_space<semaphore_mem>>) src(%dma_wait3A_39 : memref<128x128xf32, #tpu.memory_space<hbm>>) dst(%arg9 : memref<128x128xf32, #tpu.memory_space<vmem>>)
        tpu.yield
      }) : () -> ()
      %mul3A_31 = arith.constant 128 : i32
      %mul3A_32 = arith.muli %add3A_27, %mul3A_31 : i32
      %add3A_33 = arith.addi %mul3A_4, %mul3A_32 : i32
      "tpu.region"() ({
        %run_scoped3A = tpu.sem_alloc : memref<!tpu.dma_semaphore, #tpu.memory_space<semaphore_mem>>
        %dma_start3A = arith.constant 0 : i32
        %dma_start3A_34 = tpu.memref_slice %arg10[%add3A_33, %dma_start3A] : memref<10240x128xf32, #tpu.memory_space<vmem_shared>> -> memref<128x128xf32, #tpu.memory_space<vmem_shared>>
        %dma_start3A_35 = arith.constant 0 : i32
        %dma_start3A_36 = tpu.memref_slice %arg10[%add3A_33, %dma_start3A_35] : memref<10240x128xf32, #tpu.memory_space<vmem_shared>> -> memref<128x128xf32, #tpu.memory_space<vmem_shared>>
        tpu.enqueue_dma source(%arg9 : memref<128x128xf32, #tpu.memory_space<vmem>>) target(%dma_start3A_36 : memref<128x128xf32, #tpu.memory_space<vmem_shared>>) target_semaphore(%run_scoped3A : memref<!tpu.dma_semaphore, #tpu.memory_space<semaphore_mem>>)
        %dma_wait3A = arith.constant 0 : i32
        %dma_wait3A_37 = tpu.memref_slice %arg10[%add3A_33, %dma_wait3A] : memref<10240x128xf32, #tpu.memory_space<vmem_shared>> -> memref<128x128xf32, #tpu.memory_space<vmem_shared>>
        %dma_wait3A_38 = arith.constant 0 : i32
        %dma_wait3A_39 = tpu.memref_slice %arg10[%add3A_33, %dma_wait3A_38] : memref<10240x128xf32, #tpu.memory_space<vmem_shared>> -> memref<128x128xf32, #tpu.memory_space<vmem_shared>>
        tpu.wait_dma2 semaphore(%run_scoped3A : memref<!tpu.dma_semaphore, #tpu.memory_space<semaphore_mem>>) src(%arg9 : memref<128x128xf32, #tpu.memory_space<vmem>>) dst(%dma_wait3A_39 : memref<128x128xf32, #tpu.memory_space<vmem_shared>>)
        tpu.yield
      }) : () -> ()
    }
    %scan3A_11 = arith.constant 5 : i32
    %barrier3A = arith.constant 0 : index
    tpu.barrier barrier_id(%barrier3A)
    %scan3A_12 = arith.constant 0 : i32
    %scan3A_13 = arith.constant 80 : i32
    %scan3A_14 = arith.addi %scan3A_12, %scan3A_13 : i32
    %scan3A_15 = arith.constant 1 : i32
    scf.for %scan3A_23 = %scan3A_12 to %scan3A_14 step %scan3A_15  : i32 {
      %mul3A_24 = arith.constant 1 : i32
      %mul3A_25 = arith.muli %scan3A_23, %mul3A_24 : i32
      %add3A_26 = arith.constant 0 : i32
      %add3A_27 = arith.addi %add3A_26, %mul3A_25 : i32
      %add3A_28 = arith.addi %mul3A_2, %add3A_27 : i32
      %mul3A_29 = arith.constant 128 : i32
      %mul3A_30 = arith.muli %add3A_28, %mul3A_29 : i32
      "tpu.region"() ({
        %run_scoped3A = tpu.sem_alloc : memref<!tpu.dma_semaphore, #tpu.memory_space<semaphore_mem>>
        %dma_start3A_37 = tpu.memref_slice %arg4[%mul3A_30] : memref<327680xi32, #tpu.memory_space<hbm>> -> memref<128xi32, #tpu.memory_space<hbm>>
        %dma_start3A_38 = tpu.memref_slice %arg4[%mul3A_30] : memref<327680xi32, #tpu.memory_space<hbm>> -> memref<128xi32, #tpu.memory_space<hbm>>
        tpu.enqueue_dma source(%dma_start3A_38 : memref<128xi32, #tpu.memory_space<hbm>>) target(%arg8 : memref<128xi32, #tpu.memory_space<vmem>>) target_semaphore(%run_scoped3A : memref<!tpu.dma_semaphore, #tpu.memory_space<semaphore_mem>>)
        %dma_wait3A_39 = tpu.memref_slice %arg4[%mul3A_30] : memref<327680xi32, #tpu.memory_space<hbm>> -> memref<128xi32, #tpu.memory_space<hbm>>
        %dma_wait3A_40 = tpu.memref_slice %arg4[%mul3A_30] : memref<327680xi32, #tpu.memory_space<hbm>> -> memref<128xi32, #tpu.memory_space<hbm>>
        tpu.wait_dma2 semaphore(%run_scoped3A : memref<!tpu.dma_semaphore, #tpu.memory_space<semaphore_mem>>) src(%dma_wait3A_40 : memref<128xi32, #tpu.memory_space<hbm>>) dst(%arg8 : memref<128xi32, #tpu.memory_space<vmem>>)
        tpu.yield
      }) : () -> ()
      %mul3A_31 = arith.constant 128 : i32
      %mul3A_32 = arith.muli %add3A_28, %mul3A_31 : i32
      "tpu.region"() ({
        %run_scoped3A = tpu.sem_alloc : memref<!tpu.dma_semaphore, #tpu.memory_space<semaphore_mem>>
        %dma_start3A_37 = tpu.memref_slice %arg3[%mul3A_32] : memref<327680xi32, #tpu.memory_space<hbm>> -> memref<128xi32, #tpu.memory_space<hbm>>
        %dma_start3A_38 = tpu.memref_slice %arg3[%mul3A_32] : memref<327680xi32, #tpu.memory_space<hbm>> -> memref<128xi32, #tpu.memory_space<hbm>>
        tpu.enqueue_dma source(%dma_start3A_38 : memref<128xi32, #tpu.memory_space<hbm>>) target(%arg7 : memref<128xi32, #tpu.memory_space<vmem>>) target_semaphore(%run_scoped3A : memref<!tpu.dma_semaphore, #tpu.memory_space<semaphore_mem>>)
        %dma_wait3A_39 = tpu.memref_slice %arg3[%mul3A_32] : memref<327680xi32, #tpu.memory_space<hbm>> -> memref<128xi32, #tpu.memory_space<hbm>>
        %dma_wait3A_40 = tpu.memref_slice %arg3[%mul3A_32] : memref<327680xi32, #tpu.memory_space<hbm>> -> memref<128xi32, #tpu.memory_space<hbm>>
        tpu.wait_dma2 semaphore(%run_scoped3A : memref<!tpu.dma_semaphore, #tpu.memory_space<semaphore_mem>>) src(%dma_wait3A_40 : memref<128xi32, #tpu.memory_space<hbm>>) dst(%arg7 : memref<128xi32, #tpu.memory_space<vmem>>)
        tpu.yield
      }) : () -> ()
      %dma_start3A = arith.constant 0 : i32
      %dma_start3A_33 = arith.constant 0 : i32
      %dma_start3A_34 = tpu.memref_slice %arg2[%dma_start3A, %dma_start3A_33] : memref<10240x128xf32, #tpu.memory_space<hbm>> -> memref<10240x128xf32, #tpu.memory_space<hbm>>
      tpu.enqueue_indirect_dma source(%dma_start3A_34 : memref<10240x128xf32, #tpu.memory_space<hbm>>) target(%arg9 : memref<128x128xf32, #tpu.memory_space<vmem>>) offsets(%arg7 : memref<128xi32, #tpu.memory_space<vmem>>) semaphore(%arg11 : memref<!tpu.dma_semaphore, #tpu.memory_space<semaphore_mem>>)
      %dma_wait3A = arith.constant 0 : i32
      %dma_wait3A_35 = arith.constant 0 : i32
      %dma_wait3A_36 = tpu.memref_slice %arg2[%dma_wait3A, %dma_wait3A_35] : memref<10240x128xf32, #tpu.memory_space<hbm>> -> memref<10240x128xf32, #tpu.memory_space<hbm>>
      tpu.wait_indirect_dma semaphore(%arg11 : memref<!tpu.dma_semaphore, #tpu.memory_space<semaphore_mem>>) src(%dma_wait3A_36 : memref<10240x128xf32, #tpu.memory_space<hbm>>) dst(%arg9 : memref<128x128xf32, #tpu.memory_space<vmem>>)
      "tpu.region"() ({
        %run_scoped3A = tpu.sem_alloc : memref<!tpu.dma_semaphore, #tpu.memory_space<semaphore_mem>>
        %dma_start3A_37 = arith.constant 0 : i32
        %dma_start3A_38 = arith.constant 0 : i32
        %dma_start3A_39 = tpu.memref_slice %arg10[%dma_start3A_37, %dma_start3A_38] : memref<10240x128xf32, #tpu.memory_space<vmem_shared>> -> memref<10240x128xf32, #tpu.memory_space<vmem_shared>>
        tpu.enqueue_indirect_dma source(%arg9 : memref<128x128xf32, #tpu.memory_space<vmem>>) target(%dma_start3A_39 : memref<10240x128xf32, #tpu.memory_space<vmem_shared>>) offsets(%arg8 : memref<128xi32, #tpu.memory_space<vmem>>) semaphore(%run_scoped3A : memref<!tpu.dma_semaphore, #tpu.memory_space<semaphore_mem>>) {add = true}
        %dma_wait3A_40 = arith.constant 0 : i32
        %dma_wait3A_41 = arith.constant 0 : i32
        %dma_wait3A_42 = tpu.memref_slice %arg10[%dma_wait3A_40, %dma_wait3A_41] : memref<10240x128xf32, #tpu.memory_space<vmem_shared>> -> memref<10240x128xf32, #tpu.memory_space<vmem_shared>>
        tpu.wait_indirect_dma semaphore(%run_scoped3A : memref<!tpu.dma_semaphore, #tpu.memory_space<semaphore_mem>>) src(%arg9 : memref<128x128xf32, #tpu.memory_space<vmem>>) dst(%dma_wait3A_42 : memref<10240x128xf32, #tpu.memory_space<vmem_shared>>)
        tpu.yield
      }) : () -> ()
    }
    %scan3A_16 = arith.constant 80 : i32
    %barrier3A_17 = arith.constant 0 : index
    tpu.barrier barrier_id(%barrier3A_17)
    %scan3A_18 = arith.constant 0 : i32
    %scan3A_19 = arith.constant 5 : i32
    %scan3A_20 = arith.addi %scan3A_18, %scan3A_19 : i32
    %scan3A_21 = arith.constant 1 : i32
    scf.for %scan3A_23 = %scan3A_18 to %scan3A_20 step %scan3A_21  : i32 {
      %mul3A_24 = arith.constant 1 : i32
      %mul3A_25 = arith.muli %scan3A_23, %mul3A_24 : i32
      %add3A_26 = arith.constant 0 : i32
      %add3A_27 = arith.addi %add3A_26, %mul3A_25 : i32
      %mul3A_28 = arith.constant 128 : i32
      %mul3A_29 = arith.muli %add3A_27, %mul3A_28 : i32
      %add3A_30 = arith.addi %mul3A_4, %mul3A_29 : i32
      "tpu.region"() ({
        %run_scoped3A = tpu.sem_alloc : memref<!tpu.dma_semaphore, #tpu.memory_space<semaphore_mem>>
        %dma_start3A = arith.constant 0 : i32
        %dma_start3A_34 = tpu.memref_slice %arg10[%add3A_30, %dma_start3A] : memref<10240x128xf32, #tpu.memory_space<vmem_shared>> -> memref<128x128xf32, #tpu.memory_space<vmem_shared>>
        %dma_start3A_35 = arith.constant 0 : i32
        %dma_start3A_36 = tpu.memref_slice %arg10[%add3A_30, %dma_start3A_35] : memref<10240x128xf32, #tpu.memory_space<vmem_shared>> -> memref<128x128xf32, #tpu.memory_space<vmem_shared>>
        tpu.enqueue_dma source(%dma_start3A_36 : memref<128x128xf32, #tpu.memory_space<vmem_shared>>) target(%arg9 : memref<128x128xf32, #tpu.memory_space<vmem>>) target_semaphore(%run_scoped3A : memref<!tpu.dma_semaphore, #tpu.memory_space<semaphore_mem>>)
        %dma_wait3A = arith.constant 0 : i32
        %dma_wait3A_37 = tpu.memref_slice %arg10[%add3A_30, %dma_wait3A] : memref<10240x128xf32, #tpu.memory_space<vmem_shared>> -> memref<128x128xf32, #tpu.memory_space<vmem_shared>>
        %dma_wait3A_38 = arith.constant 0 : i32
        %dma_wait3A_39 = tpu.memref_slice %arg10[%add3A_30, %dma_wait3A_38] : memref<10240x128xf32, #tpu.memory_space<vmem_shared>> -> memref<128x128xf32, #tpu.memory_space<vmem_shared>>
        tpu.wait_dma2 semaphore(%run_scoped3A : memref<!tpu.dma_semaphore, #tpu.memory_space<semaphore_mem>>) src(%dma_wait3A_39 : memref<128x128xf32, #tpu.memory_space<vmem_shared>>) dst(%arg9 : memref<128x128xf32, #tpu.memory_space<vmem>>)
        tpu.yield
      }) : () -> ()
      %mul3A_31 = arith.constant 128 : i32
      %mul3A_32 = arith.muli %add3A_27, %mul3A_31 : i32
      %add3A_33 = arith.addi %add3A_7, %mul3A_32 : i32
      "tpu.region"() ({
        %run_scoped3A = tpu.sem_alloc : memref<!tpu.dma_semaphore, #tpu.memory_space<semaphore_mem>>
        %dma_start3A = arith.constant 0 : i32
        %dma_start3A_34 = tpu.memref_slice %arg6[%add3A_33, %dma_start3A] : memref<20480x128xf32, #tpu.memory_space<hbm>> -> memref<128x128xf32, #tpu.memory_space<hbm>>
        %dma_start3A_35 = arith.constant 0 : i32
        %dma_start3A_36 = tpu.memref_slice %arg6[%add3A_33, %dma_start3A_35] : memref<20480x128xf32, #tpu.memory_space<hbm>> -> memref<128x128xf32, #tpu.memory_space<hbm>>
        tpu.enqueue_dma source(%arg9 : memref<128x128xf32, #tpu.memory_space<vmem>>) target(%dma_start3A_36 : memref<128x128xf32, #tpu.memory_space<hbm>>) target_semaphore(%run_scoped3A : memref<!tpu.dma_semaphore, #tpu.memory_space<semaphore_mem>>)
        %dma_wait3A = arith.constant 0 : i32
        %dma_wait3A_37 = tpu.memref_slice %arg6[%add3A_33, %dma_wait3A] : memref<20480x128xf32, #tpu.memory_space<hbm>> -> memref<128x128xf32, #tpu.memory_space<hbm>>
        %dma_wait3A_38 = arith.constant 0 : i32
        %dma_wait3A_39 = tpu.memref_slice %arg6[%add3A_33, %dma_wait3A_38] : memref<20480x128xf32, #tpu.memory_space<hbm>> -> memref<128x128xf32, #tpu.memory_space<hbm>>
        tpu.wait_dma2 semaphore(%run_scoped3A : memref<!tpu.dma_semaphore, #tpu.memory_space<semaphore_mem>>) src(%arg9 : memref<128x128xf32, #tpu.memory_space<vmem>>) dst(%dma_wait3A_39 : memref<128x128xf32, #tpu.memory_space<hbm>>)
        tpu.yield
      }) : () -> ()
    }
    %scan3A_22 = arith.constant 5 : i32
    return
  }
}

module attributes {stable_mosaic.version = 14 : i64} {
  func.func @_tc1_body(%arg0: i32, %arg1: memref<2x1024x128xf32, #tpu.memory_space<vmem>>, %arg2: memref<2x1024x24xf32, #tpu.memory_space<vmem>>, %arg3: memref<1024x128xf32, #tpu.memory_space<vmem>>, %arg4: memref<128x16xf32, #tpu.memory_space<vmem>>, %arg5: memref<128x16xf32, #tpu.memory_space<vmem>>, %arg6: memref<16x16xf32, #tpu.memory_space<vmem>>, %arg7: memref<1x16xf32, #tpu.memory_space<vmem>>, %arg8: memref<128x128xf32, #tpu.memory_space<vmem>>, %arg9: memref<16x128xf32, #tpu.memory_space<vmem>>, %arg10: memref<1x128xf32, #tpu.memory_space<vmem>>, %arg11: memref<128x128xf32, #tpu.memory_space<vmem>>, %arg12: memref<128x128xf32, #tpu.memory_space<vmem>>, %arg13: memref<1x128xf32, #tpu.memory_space<vmem>>, %arg14: memref<1024x128xf32, #tpu.memory_space<vmem>>, %arg15: memref<1024x24xf32, #tpu.memory_space<vmem>>, %arg16: memref<8x128xf32, #tpu.memory_space<vmem>>, %arg17: memref<8x128xf32, #tpu.memory_space<vmem>>) attributes {dimension_semantics = [#tpu.dimension_semantics<arbitrary>], iteration_bounds = array<i64: 10>, scalar_prefetch = 0 : i64, scratch_operands = 1 : i64, tpu.core_type = #tpu.core_type<tc>, window_params = [{transform_indices = @transform_0, window_bounds = array<i64: 2, 1024, 128>}, {transform_indices = @transform_1, window_bounds = array<i64: 2, 1024, 24>}, {transform_indices = @transform_2, window_bounds = array<i64: 1024, 128>}, {pipeline_mode = #tpu.pipeline_mode<synchronous>, transform_indices = @transform_3, window_bounds = array<i64: 128, 16>}, {pipeline_mode = #tpu.pipeline_mode<synchronous>, transform_indices = @transform_4, window_bounds = array<i64: 128, 16>}, {pipeline_mode = #tpu.pipeline_mode<synchronous>, transform_indices = @transform_5, window_bounds = array<i64: 16, 16>}, {pipeline_mode = #tpu.pipeline_mode<synchronous>, transform_indices = @transform_6, window_bounds = array<i64: 1, 16>}, {pipeline_mode = #tpu.pipeline_mode<synchronous>, transform_indices = @transform_7, window_bounds = array<i64: 128, 128>}, {pipeline_mode = #tpu.pipeline_mode<synchronous>, transform_indices = @transform_8, window_bounds = array<i64: 16, 128>}, {pipeline_mode = #tpu.pipeline_mode<synchronous>, transform_indices = @transform_9, window_bounds = array<i64: 1, 128>}, {pipeline_mode = #tpu.pipeline_mode<synchronous>, transform_indices = @transform_10, window_bounds = array<i64: 128, 128>}, {pipeline_mode = #tpu.pipeline_mode<synchronous>, transform_indices = @transform_11, window_bounds = array<i64: 128, 128>}, {pipeline_mode = #tpu.pipeline_mode<synchronous>, transform_indices = @transform_12, window_bounds = array<i64: 1, 128>}, {transform_indices = @transform_13, window_bounds = array<i64: 1024, 128>}, {transform_indices = @transform_14, window_bounds = array<i64: 1024, 24>}, {pipeline_mode = #tpu.pipeline_mode<synchronous>, transform_indices = @transform_15, window_bounds = array<i64: 8, 128>}]} {
    %get3A = arith.constant 0 : index
    %get3A_0 = arith.constant 0 : index
    %get3A_1 = arith.constant 0 : index
    %get3A_2 = vector.load %arg2[%get3A, %get3A_0, %get3A_1] : memref<2x1024x24xf32, #tpu.memory_space<vmem>>, vector<1x1024x24xf32>
    %get3A_3 = vector.shape_cast %get3A_2 : vector<1x1024x24xf32> to vector<1024x24xf32>
    %get3A_4 = arith.constant 1 : index
    %get3A_5 = arith.constant 0 : index
    %get3A_6 = arith.constant 0 : index
    %get3A_7 = vector.load %arg2[%get3A_4, %get3A_5, %get3A_6] : memref<2x1024x24xf32, #tpu.memory_space<vmem>>, vector<1x1024x24xf32>
    %get3A_8 = vector.shape_cast %get3A_7 : vector<1x1024x24xf32> to vector<1024x24xf32>
    %add3A = arith.addf %get3A_3, %get3A_8 : vector<1024x24xf32>
    %get3A_9 = arith.constant 0 : index
    %get3A_10 = arith.constant 0 : index
    %get3A_11 = arith.constant 0 : index
    %get3A_12 = vector.load %arg1[%get3A_9, %get3A_10, %get3A_11] : memref<2x1024x128xf32, #tpu.memory_space<vmem>>, vector<1x1024x128xf32>
    %get3A_13 = vector.shape_cast %get3A_12 : vector<1x1024x128xf32> to vector<1024x128xf32>
    %get3A_14 = arith.constant 1 : index
    %get3A_15 = arith.constant 0 : index
    %get3A_16 = arith.constant 0 : index
    %get3A_17 = vector.load %arg1[%get3A_14, %get3A_15, %get3A_16] : memref<2x1024x128xf32, #tpu.memory_space<vmem>>, vector<1x1024x128xf32>
    %get3A_18 = vector.shape_cast %get3A_17 : vector<1x1024x128xf32> to vector<1024x128xf32>
    %add3A_19 = arith.addf %get3A_13, %get3A_18 : vector<1024x128xf32>
    %slice3A = vector.extract_strided_slice %add3A {offsets = [0, 0], sizes = [1024, 16], strides = [1, 1]} : vector<1024x24xf32> to vector<1024x16xf32>
    %slice3A_20 = vector.extract_strided_slice %add3A {offsets = [0, 16], sizes = [1024, 1], strides = [1, 1]} : vector<1024x24xf32> to vector<1024x1xf32>
    %get3A_21 = arith.constant 0 : index
    %get3A_22 = arith.constant 0 : index
    %get3A_23 = vector.load %arg3[%get3A_21, %get3A_22] : memref<1024x128xf32, #tpu.memory_space<vmem>>, vector<1024x128xf32>
    %get3A_24 = arith.constant 0 : index
    %get3A_25 = arith.constant 0 : index
    %get3A_26 = vector.load %arg4[%get3A_24, %get3A_25] : memref<128x16xf32, #tpu.memory_space<vmem>>, vector<128x16xf32>
    %dot_general3A = arith.constant dense<0.000000e+00> : vector<1024x16xf32>
    %dot_general3A_27 = tpu.matmul %add3A_19, %get3A_26, %dot_general3A {dimension_numbers = #tpu.dot_dimension_numbers<[1], [0], [0], [1], [0, 0, 1, 1], [], []>, transpose_lhs_hint = false} : vector<1024x128xf32>, vector<128x16xf32>, vector<1024x16xf32> -> vector<1024x16xf32>
    %get3A_28 = arith.constant 0 : index
    %get3A_29 = arith.constant 0 : index
    %get3A_30 = vector.load %arg5[%get3A_28, %get3A_29] : memref<128x16xf32, #tpu.memory_space<vmem>>, vector<128x16xf32>
    %dot_general3A_31 = arith.constant dense<0.000000e+00> : vector<1024x16xf32>
    %dot_general3A_32 = tpu.matmul %get3A_23, %get3A_30, %dot_general3A_31 {dimension_numbers = #tpu.dot_dimension_numbers<[1], [0], [0], [1], [0, 0, 1, 1], [], []>, transpose_lhs_hint = false} : vector<1024x128xf32>, vector<128x16xf32>, vector<1024x16xf32> -> vector<1024x16xf32>
    %mul3A = vector.broadcast %slice3A_20 : vector<1024x1xf32> to vector<1024x16xf32>
    %mul3A_33 = arith.mulf %mul3A, %dot_general3A_32 : vector<1024x16xf32>
    %add3A_34 = arith.addf %dot_general3A_27, %mul3A_33 : vector<1024x16xf32>
    %get3A_35 = arith.constant 0 : index
    %get3A_36 = arith.constant 0 : index
    %get3A_37 = vector.load %arg6[%get3A_35, %get3A_36] : memref<16x16xf32, #tpu.memory_space<vmem>>, vector<16x16xf32>
    %dot_general3A_38 = arith.constant dense<0.000000e+00> : vector<1024x16xf32>
    %dot_general3A_39 = tpu.matmul %slice3A, %get3A_37, %dot_general3A_38 {dimension_numbers = #tpu.dot_dimension_numbers<[1], [0], [0], [1], [0, 0, 1, 1], [], []>, transpose_lhs_hint = false} : vector<1024x16xf32>, vector<16x16xf32>, vector<1024x16xf32> -> vector<1024x16xf32>
    %add3A_40 = arith.addf %add3A_34, %dot_general3A_39 : vector<1024x16xf32>
    %get3A_41 = arith.constant 0 : index
    %get3A_42 = arith.constant 0 : index
    %get3A_43 = vector.load %arg7[%get3A_41, %get3A_42] : memref<1x16xf32, #tpu.memory_space<vmem>>, vector<1x16xf32>
    %mul3A_44 = vector.broadcast %slice3A_20 : vector<1024x1xf32> to vector<1024x16xf32>
    %mul3A_45 = vector.broadcast %get3A_43 : vector<1x16xf32> to vector<1024x16xf32>
    %mul3A_46 = arith.mulf %mul3A_44, %mul3A_45 : vector<1024x16xf32>
    %add3A_47 = arith.addf %add3A_40, %mul3A_46 : vector<1024x16xf32>
    %get3A_48 = arith.constant 0 : index
    %get3A_49 = arith.constant 0 : index
    %get3A_50 = vector.load %arg8[%get3A_48, %get3A_49] : memref<128x128xf32, #tpu.memory_space<vmem>>, vector<128x128xf32>
    %dot_general3A_51 = arith.constant dense<0.000000e+00> : vector<1024x128xf32>
    %dot_general3A_52 = tpu.matmul %add3A_19, %get3A_50, %dot_general3A_51 {dimension_numbers = #tpu.dot_dimension_numbers<[1], [0], [0], [1], [0, 0, 1, 1], [], []>, transpose_lhs_hint = false} : vector<1024x128xf32>, vector<128x128xf32>, vector<1024x128xf32> -> vector<1024x128xf32>
    %get3A_53 = arith.constant 0 : index
    %get3A_54 = arith.constant 0 : index
    %get3A_55 = vector.load %arg9[%get3A_53, %get3A_54] : memref<16x128xf32, #tpu.memory_space<vmem>>, vector<16x128xf32>
    %dot_general3A_56 = arith.constant dense<0.000000e+00> : vector<1024x128xf32>
    %dot_general3A_57 = tpu.matmul %add3A_47, %get3A_55, %dot_general3A_56 {dimension_numbers = #tpu.dot_dimension_numbers<[1], [0], [0], [1], [0, 0, 1, 1], [], []>, transpose_lhs_hint = false} : vector<1024x16xf32>, vector<16x128xf32>, vector<1024x128xf32> -> vector<1024x128xf32>
    %add3A_58 = arith.addf %dot_general3A_52, %dot_general3A_57 : vector<1024x128xf32>
    %get3A_59 = arith.constant 0 : index
    %get3A_60 = arith.constant 0 : index
    %get3A_61 = vector.load %arg10[%get3A_59, %get3A_60] : memref<1x128xf32, #tpu.memory_space<vmem>>, vector<1x128xf32>
    %mul3A_62 = vector.broadcast %slice3A_20 : vector<1024x1xf32> to vector<1024x128xf32>
    %mul3A_63 = vector.broadcast %get3A_61 : vector<1x128xf32> to vector<1024x128xf32>
    %mul3A_64 = arith.mulf %mul3A_62, %mul3A_63 : vector<1024x128xf32>
    %add3A_65 = arith.addf %add3A_58, %mul3A_64 : vector<1024x128xf32>
    %get3A_66 = arith.constant 0 : index
    %get3A_67 = arith.constant 0 : index
    %get3A_68 = vector.load %arg11[%get3A_66, %get3A_67] : memref<128x128xf32, #tpu.memory_space<vmem>>, vector<128x128xf32>
    %dot_general3A_69 = arith.constant dense<0.000000e+00> : vector<1024x128xf32>
    %dot_general3A_70 = tpu.matmul %get3A_23, %get3A_68, %dot_general3A_69 {dimension_numbers = #tpu.dot_dimension_numbers<[1], [0], [0], [1], [0, 0, 1, 1], [], []>, transpose_lhs_hint = false} : vector<1024x128xf32>, vector<128x128xf32>, vector<1024x128xf32> -> vector<1024x128xf32>
    %get3A_71 = arith.constant 0 : index
    %get3A_72 = arith.constant 0 : index
    %get3A_73 = vector.load %arg12[%get3A_71, %get3A_72] : memref<128x128xf32, #tpu.memory_space<vmem>>, vector<128x128xf32>
    %dot_general3A_74 = arith.constant dense<0.000000e+00> : vector<1024x128xf32>
    %dot_general3A_75 = tpu.matmul %add3A_65, %get3A_73, %dot_general3A_74 {dimension_numbers = #tpu.dot_dimension_numbers<[1], [0], [0], [1], [0, 0, 1, 1], [], []>, transpose_lhs_hint = false} : vector<1024x128xf32>, vector<128x128xf32>, vector<1024x128xf32> -> vector<1024x128xf32>
    %add3A_76 = arith.addf %dot_general3A_70, %dot_general3A_75 : vector<1024x128xf32>
    %get3A_77 = arith.constant 0 : index
    %get3A_78 = arith.constant 0 : index
    %get3A_79 = vector.load %arg13[%get3A_77, %get3A_78] : memref<1x128xf32, #tpu.memory_space<vmem>>, vector<1x128xf32>
    %add3A_80 = vector.broadcast %get3A_79 : vector<1x128xf32> to vector<1024x128xf32>
    %add3A_81 = arith.addf %add3A_76, %add3A_80 : vector<1024x128xf32>
    %mul3A_82 = arith.constant 1024 : i32
    %mul3A_83 = arith.muli %arg0, %mul3A_82 : i32
    %iota3A = tpu.iota {dimensions = array<i32: 0>} : vector<1024x1xi32>
    %add3A_84 = vector.broadcast %mul3A_83 : i32 to vector<1024x1xi32>
    %add3A_85 = arith.addi %add3A_84, %iota3A : vector<1024x1xi32>
    %lt3A = arith.constant 10000 : i32
    %lt3A_86 = vector.broadcast %lt3A : i32 to vector<1024x1xi32>
    %lt3A_87 = arith.cmpi slt, %add3A_85, %lt3A_86 : vector<1024x1xi32>
    %convert_element_type3A = arith.extui %lt3A_87 : vector<1024x1xi1> to vector<1024x1xi32>
    %convert_element_type3A_88 = arith.sitofp %convert_element_type3A : vector<1024x1xi32> to vector<1024x1xf32>
    %mul3A_89 = vector.broadcast %convert_element_type3A_88 : vector<1024x1xf32> to vector<1024x128xf32>
    %mul3A_90 = arith.mulf %add3A_81, %mul3A_89 : vector<1024x128xf32>
    %swap3A = arith.constant 0 : index
    %swap3A_91 = arith.constant 0 : index
    %swap3A_92 = vector.load %arg14[%swap3A, %swap3A_91] : memref<1024x128xf32, #tpu.memory_space<vmem>>, vector<1024x128xf32>
    tpu.vector_store %arg14[%swap3A, %swap3A_91], %mul3A_90 {strides = array<i32>} : memref<1024x128xf32, #tpu.memory_space<vmem>>, vector<1024x128xf32>,
    %broadcast_in_dim3A = arith.constant 0.000000e+00 : f32
    %broadcast_in_dim3A_93 = vector.broadcast %broadcast_in_dim3A : f32 to vector<1024x7xf32>
    %concatenate3A = tpu.concatenate %add3A_47, %slice3A_20, %broadcast_in_dim3A_93 in 1 : vector<1024x16xf32>, vector<1024x1xf32>, vector<1024x7xf32> -> vector<1024x24xf32>
    %swap3A_94 = arith.constant 0 : index
    %swap3A_95 = arith.constant 0 : index
    %swap3A_96 = vector.load %arg15[%swap3A_94, %swap3A_95] : memref<1024x24xf32, #tpu.memory_space<vmem>>, vector<1024x24xf32>
    tpu.vector_store %arg15[%swap3A_94, %swap3A_95], %concatenate3A {strides = array<i32>} : memref<1024x24xf32, #tpu.memory_space<vmem>>, vector<1024x24xf32>,
    %eq3A = arith.constant 0 : i32
    %eq3A_97 = arith.cmpi eq, %arg0, %eq3A : i32
    %convert_element_type3A_98 = arith.extui %eq3A_97 : i1 to i32
    %cond3A = arith.constant 0 : i32
    %cond3A_99 = arith.cmpi ne, %convert_element_type3A_98, %cond3A : i32
    scf.if %cond3A_99 {
      %broadcast_in_dim3A_135 = arith.constant 0.000000e+00 : f32
      %broadcast_in_dim3A_136 = vector.broadcast %broadcast_in_dim3A_135 : f32 to vector<8x128xf32>
      %swap3A_137 = arith.constant 0 : index
      %swap3A_138 = arith.constant 0 : index
      %swap3A_139 = vector.load %arg17[%swap3A_137, %swap3A_138] : memref<8x128xf32, #tpu.memory_space<vmem>>, vector<8x128xf32>
      tpu.vector_store %arg17[%swap3A_137, %swap3A_138], %broadcast_in_dim3A_136 {strides = array<i32>} : memref<8x128xf32, #tpu.memory_space<vmem>>, vector<8x128xf32>,
    } else {
    }
    %reshape3A = vector.shape_cast %slice3A_20 : vector<1024x1xf32> to vector<1x1024xf32>
    %get3A_100 = arith.constant 0 : index
    %get3A_101 = arith.constant 0 : index
    %get3A_102 = vector.load %arg17[%get3A_100, %get3A_101] : memref<8x128xf32, #tpu.memory_space<vmem>>, vector<1x128xf32>
    %dot_general3A_103 = arith.constant dense<0.000000e+00> : vector<1x128xf32>
    %dot_general3A_104 = tpu.matmul %reshape3A, %get3A_23, %dot_general3A_103 {dimension_numbers = #tpu.dot_dimension_numbers<[1], [0], [0], [1], [0, 0, 1, 1], [], []>, transpose_lhs_hint = false} : vector<1x1024xf32>, vector<1024x128xf32>, vector<1x128xf32> -> vector<1x128xf32>
    %add3A_105 = arith.addf %get3A_102, %dot_general3A_104 : vector<1x128xf32>
    %swap3A_106 = arith.constant 0 : index
    %swap3A_107 = arith.constant 0 : index
    %swap3A_108 = vector.load %arg17[%swap3A_106, %swap3A_107] : memref<8x128xf32, #tpu.memory_space<vmem>>, vector<1x128xf32>
    tpu.vector_store %arg17[%swap3A_106, %swap3A_107], %add3A_105 {strides = array<i32>} : memref<8x128xf32, #tpu.memory_space<vmem>>, vector<1x128xf32>,
    %get3A_109 = arith.constant 1 : index
    %get3A_110 = arith.constant 0 : index
    %get3A_111 = vector.load %arg17[%get3A_109, %get3A_110] : memref<8x128xf32, #tpu.memory_space<vmem>>, vector<1x128xf32>
    %dot_general3A_112 = arith.constant dense<0.000000e+00> : vector<1x128xf32>
    %dot_general3A_113 = tpu.matmul %reshape3A, %mul3A_90, %dot_general3A_112 {dimension_numbers = #tpu.dot_dimension_numbers<[1], [0], [0], [1], [0, 0, 1, 1], [], []>, transpose_lhs_hint = false} : vector<1x1024xf32>, vector<1024x128xf32>, vector<1x128xf32> -> vector<1x128xf32>
    %add3A_114 = arith.addf %get3A_111, %dot_general3A_113 : vector<1x128xf32>
    %swap3A_115 = arith.constant 1 : index
    %swap3A_116 = arith.constant 0 : index
    %swap3A_117 = vector.load %arg17[%swap3A_115, %swap3A_116] : memref<8x128xf32, #tpu.memory_space<vmem>>, vector<1x128xf32>
    tpu.vector_store %arg17[%swap3A_115, %swap3A_116], %add3A_114 {strides = array<i32>} : memref<8x128xf32, #tpu.memory_space<vmem>>, vector<1x128xf32>,
    %reduce_sum3A = arith.constant dense<0.000000e+00> : vector<16xf32>
    %reduce_sum3A_118 = vector.multi_reduction <add>, %slice3A, %reduce_sum3A [0] : vector<1024x16xf32> to vector<16xf32>
    %broadcast_in_dim3A_119 = vector.shape_cast %reduce_sum3A_118 : vector<16xf32> to vector<1x16xf32>
    %get3A_120 = arith.constant 2 : index
    %get3A_121 = arith.constant 0 : index
    %get3A_122 = vector.load %arg17[%get3A_120, %get3A_121] : memref<8x128xf32, #tpu.memory_space<vmem>>, vector<1x128xf32>
    %broadcast_in_dim3A_123 = arith.constant 0.000000e+00 : f32
    %broadcast_in_dim3A_124 = vector.broadcast %broadcast_in_dim3A_123 : f32 to vector<1x112xf32>
    %concatenate3A_125 = tpu.concatenate %broadcast_in_dim3A_119, %broadcast_in_dim3A_124 in 1 : vector<1x16xf32>, vector<1x112xf32> -> vector<1x128xf32>
    %add3A_126 = arith.addf %get3A_122, %concatenate3A_125 : vector<1x128xf32>
    %swap3A_127 = arith.constant 2 : index
    %swap3A_128 = arith.constant 0 : index
    %swap3A_129 = vector.load %arg17[%swap3A_127, %swap3A_128] : memref<8x128xf32, #tpu.memory_space<vmem>>, vector<1x128xf32>
    tpu.vector_store %arg17[%swap3A_127, %swap3A_128], %add3A_126 {strides = array<i32>} : memref<8x128xf32, #tpu.memory_space<vmem>>, vector<1x128xf32>,
    %eq3A_130 = arith.constant 9 : i32
    %eq3A_131 = arith.cmpi eq, %arg0, %eq3A_130 : i32
    %convert_element_type3A_132 = arith.extui %eq3A_131 : i1 to i32
    %cond3A_133 = arith.constant 0 : i32
    %cond3A_134 = arith.cmpi ne, %convert_element_type3A_132, %cond3A_133 : i32
    scf.if %cond3A_134 {
      %get3A_135 = arith.constant 0 : index
      %get3A_136 = arith.constant 0 : index
      %get3A_137 = vector.load %arg17[%get3A_135, %get3A_136] : memref<8x128xf32, #tpu.memory_space<vmem>>, vector<8x128xf32>
      %swap3A_138 = arith.constant 0 : index
      %swap3A_139 = arith.constant 0 : index
      %swap3A_140 = vector.load %arg16[%swap3A_138, %swap3A_139] : memref<8x128xf32, #tpu.memory_space<vmem>>, vector<8x128xf32>
      tpu.vector_store %arg16[%swap3A_138, %swap3A_139], %get3A_137 {strides = array<i32>} : memref<8x128xf32, #tpu.memory_space<vmem>>, vector<8x128xf32>,
    } else {
    }
    return
  }
  func.func @transform_0(%arg0: i32) -> (i32, i32, i32) {
    %c0_i32 = arith.constant 0 : i32
    %c0_i32_0 = arith.constant 0 : i32
    %c0_i32_1 = arith.constant 0 : i32
    return %c0_i32, %arg0, %c0_i32_0 : i32, i32, i32
  }
  func.func @transform_1(%arg0: i32) -> (i32, i32, i32) {
    %c0_i32 = arith.constant 0 : i32
    %c0_i32_0 = arith.constant 0 : i32
    %c0_i32_1 = arith.constant 0 : i32
    return %c0_i32, %arg0, %c0_i32_0 : i32, i32, i32
  }
  func.func @transform_2(%arg0: i32) -> (i32, i32) {
    %c0_i32 = arith.constant 0 : i32
    %c0_i32_0 = arith.constant 0 : i32
    return %arg0, %c0_i32 : i32, i32
  }
  func.func @transform_3(%arg0: i32) -> (i32, i32) {
    %c0_i32 = arith.constant 0 : i32
    %c0_i32_0 = arith.constant 0 : i32
    %c0_i32_1 = arith.constant 0 : i32
    return %c0_i32, %c0_i32_0 : i32, i32
  }
  func.func @transform_4(%arg0: i32) -> (i32, i32) {
    %c0_i32 = arith.constant 0 : i32
    %c0_i32_0 = arith.constant 0 : i32
    %c0_i32_1 = arith.constant 0 : i32
    return %c0_i32, %c0_i32_0 : i32, i32
  }
  func.func @transform_5(%arg0: i32) -> (i32, i32) {
    %c0_i32 = arith.constant 0 : i32
    %c0_i32_0 = arith.constant 0 : i32
    %c0_i32_1 = arith.constant 0 : i32
    return %c0_i32, %c0_i32_0 : i32, i32
  }
  func.func @transform_6(%arg0: i32) -> (i32, i32) {
    %c0_i32 = arith.constant 0 : i32
    %c0_i32_0 = arith.constant 0 : i32
    %c0_i32_1 = arith.constant 0 : i32
    return %c0_i32, %c0_i32_0 : i32, i32
  }
  func.func @transform_7(%arg0: i32) -> (i32, i32) {
    %c0_i32 = arith.constant 0 : i32
    %c0_i32_0 = arith.constant 0 : i32
    %c0_i32_1 = arith.constant 0 : i32
    return %c0_i32, %c0_i32_0 : i32, i32
  }
  func.func @transform_8(%arg0: i32) -> (i32, i32) {
    %c0_i32 = arith.constant 0 : i32
    %c0_i32_0 = arith.constant 0 : i32
    %c0_i32_1 = arith.constant 0 : i32
    return %c0_i32, %c0_i32_0 : i32, i32
  }
  func.func @transform_9(%arg0: i32) -> (i32, i32) {
    %c0_i32 = arith.constant 0 : i32
    %c0_i32_0 = arith.constant 0 : i32
    %c0_i32_1 = arith.constant 0 : i32
    return %c0_i32, %c0_i32_0 : i32, i32
  }
  func.func @transform_10(%arg0: i32) -> (i32, i32) {
    %c0_i32 = arith.constant 0 : i32
    %c0_i32_0 = arith.constant 0 : i32
    %c0_i32_1 = arith.constant 0 : i32
    return %c0_i32, %c0_i32_0 : i32, i32
  }
  func.func @transform_11(%arg0: i32) -> (i32, i32) {
    %c0_i32 = arith.constant 0 : i32
    %c0_i32_0 = arith.constant 0 : i32
    %c0_i32_1 = arith.constant 0 : i32
    return %c0_i32, %c0_i32_0 : i32, i32
  }
  func.func @transform_12(%arg0: i32) -> (i32, i32) {
    %c0_i32 = arith.constant 0 : i32
    %c0_i32_0 = arith.constant 0 : i32
    %c0_i32_1 = arith.constant 0 : i32
    return %c0_i32, %c0_i32_0 : i32, i32
  }
  func.func @transform_13(%arg0: i32) -> (i32, i32) {
    %c0_i32 = arith.constant 0 : i32
    %c0_i32_0 = arith.constant 0 : i32
    return %arg0, %c0_i32 : i32, i32
  }
  func.func @transform_14(%arg0: i32) -> (i32, i32) {
    %c0_i32 = arith.constant 0 : i32
    %c0_i32_0 = arith.constant 0 : i32
    return %arg0, %c0_i32 : i32, i32
  }
  func.func @transform_15(%arg0: i32) -> (i32, i32) {
    %c0_i32 = arith.constant 0 : i32
    %c0_i32_0 = arith.constant 0 : i32
    %c0_i32_1 = arith.constant 0 : i32
    return %c0_i32, %c0_i32_0 : i32, i32
  }
}

module attributes {stable_mosaic.version = 14 : i64} {
  func.func @_tc2_body(%arg0: i32, %arg1: memref<2x1024x128xf32, #tpu.memory_space<vmem>>, %arg2: memref<1024x128xf32, #tpu.memory_space<vmem>>, %arg3: memref<1024x24xf32, #tpu.memory_space<vmem>>, %arg4: memref<2x1024x16xf32, #tpu.memory_space<vmem>>, %arg5: memref<1024x128xf32, #tpu.memory_space<vmem>>, %arg6: memref<8x128xf32, #tpu.memory_space<vmem>>, %arg7: memref<128x16xf32, #tpu.memory_space<vmem>>, %arg8: memref<128x16xf32, #tpu.memory_space<vmem>>, %arg9: memref<16x16xf32, #tpu.memory_space<vmem>>, %arg10: memref<1x16xf32, #tpu.memory_space<vmem>>, %arg11: memref<128x16xf32, #tpu.memory_space<vmem>>, %arg12: memref<128x16xf32, #tpu.memory_space<vmem>>, %arg13: memref<16x16xf32, #tpu.memory_space<vmem>>, %arg14: memref<1x16xf32, #tpu.memory_space<vmem>>, %arg15: memref<128x128xf32, #tpu.memory_space<vmem>>, %arg16: memref<16x128xf32, #tpu.memory_space<vmem>>, %arg17: memref<1x128xf32, #tpu.memory_space<vmem>>, %arg18: memref<128x128xf32, #tpu.memory_space<vmem>>, %arg19: memref<128x128xf32, #tpu.memory_space<vmem>>, %arg20: memref<1x128xf32, #tpu.memory_space<vmem>>, %arg21: memref<128x128xf32, #tpu.memory_space<vmem>>, %arg22: memref<16x128xf32, #tpu.memory_space<vmem>>, %arg23: memref<1x128xf32, #tpu.memory_space<vmem>>, %arg24: memref<128x128xf32, #tpu.memory_space<vmem>>, %arg25: memref<128x128xf32, #tpu.memory_space<vmem>>, %arg26: memref<1x128xf32, #tpu.memory_space<vmem>>, %arg27: memref<128x1xf32, #tpu.memory_space<vmem>>, %arg28: memref<1x1xf32, #tpu.memory_space<vmem>>, %arg29: memref<1x1xf32, #tpu.memory_space<vmem>>, %arg30: memref<8x128xf32, #tpu.memory_space<vmem>>) attributes {dimension_semantics = [#tpu.dimension_semantics<arbitrary>], iteration_bounds = array<i64: 10>, scalar_prefetch = 0 : i64, scratch_operands = 1 : i64, tpu.core_type = #tpu.core_type<tc>, window_params = [{transform_indices = @transform_0, window_bounds = array<i64: 2, 1024, 128>}, {transform_indices = @transform_1, window_bounds = array<i64: 1024, 128>}, {transform_indices = @transform_2, window_bounds = array<i64: 1024, 24>}, {transform_indices = @transform_3, window_bounds = array<i64: 2, 1024, 16>}, {transform_indices = @transform_4, window_bounds = array<i64: 1024, 128>}, {pipeline_mode = #tpu.pipeline_mode<synchronous>, transform_indices = @transform_5, window_bounds = array<i64: 8, 128>}, {pipeline_mode = #tpu.pipeline_mode<synchronous>, transform_indices = @transform_6, window_bounds = array<i64: 128, 16>}, {pipeline_mode = #tpu.pipeline_mode<synchronous>, transform_indices = @transform_7, window_bounds = array<i64: 128, 16>}, {pipeline_mode = #tpu.pipeline_mode<synchronous>, transform_indices = @transform_8, window_bounds = array<i64: 16, 16>}, {pipeline_mode = #tpu.pipeline_mode<synchronous>, transform_indices = @transform_9, window_bounds = array<i64: 1, 16>}, {pipeline_mode = #tpu.pipeline_mode<synchronous>, transform_indices = @transform_10, window_bounds = array<i64: 128, 16>}, {pipeline_mode = #tpu.pipeline_mode<synchronous>, transform_indices = @transform_11, window_bounds = array<i64: 128, 16>}, {pipeline_mode = #tpu.pipeline_mode<synchronous>, transform_indices = @transform_12, window_bounds = array<i64: 16, 16>}, {pipeline_mode = #tpu.pipeline_mode<synchronous>, transform_indices = @transform_13, window_bounds = array<i64: 1, 16>}, {pipeline_mode = #tpu.pipeline_mode<synchronous>, transform_indices = @transform_14, window_bounds = array<i64: 128, 128>}, {pipeline_mode = #tpu.pipeline_mode<synchronous>, transform_indices = @transform_15, window_bounds = array<i64: 16, 128>}, {pipeline_mode = #tpu.pipeline_mode<synchronous>, transform_indices = @transform_16, window_bounds = array<i64: 1, 128>}, {pipeline_mode = #tpu.pipeline_mode<synchronous>, transform_indices = @transform_17, window_bounds = array<i64: 128, 128>}, {pipeline_mode = #tpu.pipeline_mode<synchronous>, transform_indices = @transform_18, window_bounds = array<i64: 128, 128>}, {pipeline_mode = #tpu.pipeline_mode<synchronous>, transform_indices = @transform_19, window_bounds = array<i64: 1, 128>}, {pipeline_mode = #tpu.pipeline_mode<synchronous>, transform_indices = @transform_20, window_bounds = array<i64: 128, 128>}, {pipeline_mode = #tpu.pipeline_mode<synchronous>, transform_indices = @transform_21, window_bounds = array<i64: 16, 128>}, {pipeline_mode = #tpu.pipeline_mode<synchronous>, transform_indices = @transform_22, window_bounds = array<i64: 1, 128>}, {pipeline_mode = #tpu.pipeline_mode<synchronous>, transform_indices = @transform_23, window_bounds = array<i64: 128, 128>}, {pipeline_mode = #tpu.pipeline_mode<synchronous>, transform_indices = @transform_24, window_bounds = array<i64: 128, 128>}, {pipeline_mode = #tpu.pipeline_mode<synchronous>, transform_indices = @transform_25, window_bounds = array<i64: 1, 128>}, {pipeline_mode = #tpu.pipeline_mode<synchronous>, transform_indices = @transform_26, window_bounds = array<i64: 128, 1>}, {pipeline_mode = #tpu.pipeline_mode<synchronous>, transform_indices = @transform_27, window_bounds = array<i64: 1, 1>}, {pipeline_mode = #tpu.pipeline_mode<synchronous>, transform_indices = @transform_28, window_bounds = array<i64: 1, 1>}]} {
    %get3A = arith.constant 0 : index
    %get3A_0 = arith.constant 0 : index
    %get3A_1 = arith.constant 0 : index
    %get3A_2 = vector.load %arg1[%get3A, %get3A_0, %get3A_1] : memref<2x1024x128xf32, #tpu.memory_space<vmem>>, vector<1x1024x128xf32>
    %get3A_3 = vector.shape_cast %get3A_2 : vector<1x1024x128xf32> to vector<1024x128xf32>
    %get3A_4 = arith.constant 1 : index
    %get3A_5 = arith.constant 0 : index
    %get3A_6 = arith.constant 0 : index
    %get3A_7 = vector.load %arg1[%get3A_4, %get3A_5, %get3A_6] : memref<2x1024x128xf32, #tpu.memory_space<vmem>>, vector<1x1024x128xf32>
    %get3A_8 = vector.shape_cast %get3A_7 : vector<1x1024x128xf32> to vector<1024x128xf32>
    %add3A = arith.addf %get3A_3, %get3A_8 : vector<1024x128xf32>
    %get3A_9 = arith.constant 0 : index
    %get3A_10 = arith.constant 0 : index
    %get3A_11 = vector.load %arg3[%get3A_9, %get3A_10] : memref<1024x24xf32, #tpu.memory_space<vmem>>, vector<1024x24xf32>
    %slice3A = vector.extract_strided_slice %get3A_11 {offsets = [0, 16], sizes = [1024, 1], strides = [1, 1]} : vector<1024x24xf32> to vector<1024x1xf32>
    %get3A_12 = arith.constant 0 : index
    %get3A_13 = arith.constant 0 : index
    %get3A_14 = arith.constant 0 : index
    %get3A_15 = vector.load %arg4[%get3A_12, %get3A_13, %get3A_14] : memref<2x1024x16xf32, #tpu.memory_space<vmem>>, vector<1x1024x16xf32>
    %get3A_16 = vector.shape_cast %get3A_15 : vector<1x1024x16xf32> to vector<1024x16xf32>
    %get3A_17 = arith.constant 1 : index
    %get3A_18 = arith.constant 0 : index
    %get3A_19 = arith.constant 0 : index
    %get3A_20 = vector.load %arg4[%get3A_17, %get3A_18, %get3A_19] : memref<2x1024x16xf32, #tpu.memory_space<vmem>>, vector<1x1024x16xf32>
    %get3A_21 = vector.shape_cast %get3A_20 : vector<1x1024x16xf32> to vector<1024x16xf32>
    %add3A_22 = arith.addf %get3A_16, %get3A_21 : vector<1024x16xf32>
    %slice3A_23 = vector.extract_strided_slice %add3A_22 {offsets = [0, 0], sizes = [1024, 1], strides = [1, 1]} : vector<1024x16xf32> to vector<1024x1xf32>
    %get3A_24 = arith.constant 0 : index
    %get3A_25 = arith.constant 0 : index
    %get3A_26 = vector.load %arg2[%get3A_24, %get3A_25] : memref<1024x128xf32, #tpu.memory_space<vmem>>, vector<1024x128xf32>
    %get3A_27 = arith.constant 0 : index
    %get3A_28 = arith.constant 0 : index
    %get3A_29 = vector.load %arg5[%get3A_27, %get3A_28] : memref<1024x128xf32, #tpu.memory_space<vmem>>, vector<1024x128xf32>
    %slice3A_30 = vector.extract_strided_slice %get3A_11 {offsets = [0, 0], sizes = [1024, 16], strides = [1, 1]} : vector<1024x24xf32> to vector<1024x16xf32>
    %get3A_31 = arith.constant 0 : index
    %get3A_32 = arith.constant 0 : index
    %get3A_33 = vector.load %arg11[%get3A_31, %get3A_32] : memref<128x16xf32, #tpu.memory_space<vmem>>, vector<128x16xf32>
    %dot_general3A = arith.constant dense<0.000000e+00> : vector<1024x16xf32>
    %dot_general3A_34 = tpu.matmul %add3A, %get3A_33, %dot_general3A {dimension_numbers = #tpu.dot_dimension_numbers<[1], [0], [0], [1], [0, 0, 1, 1], [], []>, transpose_lhs_hint = false} : vector<1024x128xf32>, vector<128x16xf32>, vector<1024x16xf32> -> vector<1024x16xf32>
    %get3A_35 = arith.constant 0 : index
    %get3A_36 = arith.constant 0 : index
    %get3A_37 = vector.load %arg12[%get3A_35, %get3A_36] : memref<128x16xf32, #tpu.memory_space<vmem>>, vector<128x16xf32>
    %dot_general3A_38 = arith.constant dense<0.000000e+00> : vector<1024x16xf32>
    %dot_general3A_39 = tpu.matmul %get3A_26, %get3A_37, %dot_general3A_38 {dimension_numbers = #tpu.dot_dimension_numbers<[1], [0], [0], [1], [0, 0, 1, 1], [], []>, transpose_lhs_hint = false} : vector<1024x128xf32>, vector<128x16xf32>, vector<1024x16xf32> -> vector<1024x16xf32>
    %mul3A = vector.broadcast %slice3A : vector<1024x1xf32> to vector<1024x16xf32>
    %mul3A_40 = arith.mulf %mul3A, %dot_general3A_39 : vector<1024x16xf32>
    %add3A_41 = arith.addf %dot_general3A_34, %mul3A_40 : vector<1024x16xf32>
    %get3A_42 = arith.constant 0 : index
    %get3A_43 = arith.constant 0 : index
    %get3A_44 = vector.load %arg13[%get3A_42, %get3A_43] : memref<16x16xf32, #tpu.memory_space<vmem>>, vector<16x16xf32>
    %dot_general3A_45 = arith.constant dense<0.000000e+00> : vector<1024x16xf32>
    %dot_general3A_46 = tpu.matmul %slice3A_30, %get3A_44, %dot_general3A_45 {dimension_numbers = #tpu.dot_dimension_numbers<[1], [0], [0], [1], [0, 0, 1, 1], [], []>, transpose_lhs_hint = false} : vector<1024x16xf32>, vector<16x16xf32>, vector<1024x16xf32> -> vector<1024x16xf32>
    %add3A_47 = arith.addf %add3A_41, %dot_general3A_46 : vector<1024x16xf32>
    %get3A_48 = arith.constant 0 : index
    %get3A_49 = arith.constant 0 : index
    %get3A_50 = vector.load %arg14[%get3A_48, %get3A_49] : memref<1x16xf32, #tpu.memory_space<vmem>>, vector<1x16xf32>
    %mul3A_51 = vector.broadcast %slice3A : vector<1024x1xf32> to vector<1024x16xf32>
    %mul3A_52 = vector.broadcast %get3A_50 : vector<1x16xf32> to vector<1024x16xf32>
    %mul3A_53 = arith.mulf %mul3A_51, %mul3A_52 : vector<1024x16xf32>
    %add3A_54 = arith.addf %add3A_47, %mul3A_53 : vector<1024x16xf32>
    %get3A_55 = arith.constant 0 : index
    %get3A_56 = arith.constant 0 : index
    %get3A_57 = vector.load %arg15[%get3A_55, %get3A_56] : memref<128x128xf32, #tpu.memory_space<vmem>>, vector<128x128xf32>
    %dot_general3A_58 = arith.constant dense<0.000000e+00> : vector<1024x128xf32>
    %dot_general3A_59 = tpu.matmul %add3A, %get3A_57, %dot_general3A_58 {dimension_numbers = #tpu.dot_dimension_numbers<[1], [0], [0], [1], [0, 0, 1, 1], [], []>, transpose_lhs_hint = false} : vector<1024x128xf32>, vector<128x128xf32>, vector<1024x128xf32> -> vector<1024x128xf32>
    %get3A_60 = arith.constant 0 : index
    %get3A_61 = arith.constant 0 : index
    %get3A_62 = vector.load %arg16[%get3A_60, %get3A_61] : memref<16x128xf32, #tpu.memory_space<vmem>>, vector<16x128xf32>
    %dot_general3A_63 = arith.constant dense<0.000000e+00> : vector<1024x128xf32>
    %dot_general3A_64 = tpu.matmul %add3A_54, %get3A_62, %dot_general3A_63 {dimension_numbers = #tpu.dot_dimension_numbers<[1], [0], [0], [1], [0, 0, 1, 1], [], []>, transpose_lhs_hint = false} : vector<1024x16xf32>, vector<16x128xf32>, vector<1024x128xf32> -> vector<1024x128xf32>
    %add3A_65 = arith.addf %dot_general3A_59, %dot_general3A_64 : vector<1024x128xf32>
    %get3A_66 = arith.constant 0 : index
    %get3A_67 = arith.constant 0 : index
    %get3A_68 = vector.load %arg17[%get3A_66, %get3A_67] : memref<1x128xf32, #tpu.memory_space<vmem>>, vector<1x128xf32>
    %mul3A_69 = vector.broadcast %slice3A : vector<1024x1xf32> to vector<1024x128xf32>
    %mul3A_70 = vector.broadcast %get3A_68 : vector<1x128xf32> to vector<1024x128xf32>
    %mul3A_71 = arith.mulf %mul3A_69, %mul3A_70 : vector<1024x128xf32>
    %add3A_72 = arith.addf %add3A_65, %mul3A_71 : vector<1024x128xf32>
    %get3A_73 = arith.constant 0 : index
    %get3A_74 = arith.constant 0 : index
    %get3A_75 = vector.load %arg18[%get3A_73, %get3A_74] : memref<128x128xf32, #tpu.memory_space<vmem>>, vector<128x128xf32>
    %dot_general3A_76 = arith.constant dense<0.000000e+00> : vector<1024x128xf32>
    %dot_general3A_77 = tpu.matmul %get3A_26, %get3A_75, %dot_general3A_76 {dimension_numbers = #tpu.dot_dimension_numbers<[1], [0], [0], [1], [0, 0, 1, 1], [], []>, transpose_lhs_hint = false} : vector<1024x128xf32>, vector<128x128xf32>, vector<1024x128xf32> -> vector<1024x128xf32>
    %get3A_78 = arith.constant 0 : index
    %get3A_79 = arith.constant 0 : index
    %get3A_80 = vector.load %arg19[%get3A_78, %get3A_79] : memref<128x128xf32, #tpu.memory_space<vmem>>, vector<128x128xf32>
    %dot_general3A_81 = arith.constant dense<0.000000e+00> : vector<1024x128xf32>
    %dot_general3A_82 = tpu.matmul %add3A_72, %get3A_80, %dot_general3A_81 {dimension_numbers = #tpu.dot_dimension_numbers<[1], [0], [0], [1], [0, 0, 1, 1], [], []>, transpose_lhs_hint = false} : vector<1024x128xf32>, vector<128x128xf32>, vector<1024x128xf32> -> vector<1024x128xf32>
    %add3A_83 = arith.addf %dot_general3A_77, %dot_general3A_82 : vector<1024x128xf32>
    %get3A_84 = arith.constant 0 : index
    %get3A_85 = arith.constant 0 : index
    %get3A_86 = vector.load %arg20[%get3A_84, %get3A_85] : memref<1x128xf32, #tpu.memory_space<vmem>>, vector<1x128xf32>
    %add3A_87 = vector.broadcast %get3A_86 : vector<1x128xf32> to vector<1024x128xf32>
    %add3A_88 = arith.addf %add3A_83, %add3A_87 : vector<1024x128xf32>
    %mul3A_89 = arith.constant 1024 : i32
    %mul3A_90 = arith.muli %arg0, %mul3A_89 : i32
    %iota3A = tpu.iota {dimensions = array<i32: 0>} : vector<1024x1xi32>
    %add3A_91 = vector.broadcast %mul3A_90 : i32 to vector<1024x1xi32>
    %add3A_92 = arith.addi %add3A_91, %iota3A : vector<1024x1xi32>
    %lt3A = arith.constant 10000 : i32
    %lt3A_93 = vector.broadcast %lt3A : i32 to vector<1024x1xi32>
    %lt3A_94 = arith.cmpi slt, %add3A_92, %lt3A_93 : vector<1024x1xi32>
    %convert_element_type3A = arith.extui %lt3A_94 : vector<1024x1xi1> to vector<1024x1xi32>
    %convert_element_type3A_95 = arith.sitofp %convert_element_type3A : vector<1024x1xi32> to vector<1024x1xf32>
    %mul3A_96 = vector.broadcast %convert_element_type3A_95 : vector<1024x1xf32> to vector<1024x128xf32>
    %mul3A_97 = arith.mulf %add3A_88, %mul3A_96 : vector<1024x128xf32>
    %eq3A = arith.constant 0 : i32
    %eq3A_98 = arith.cmpi eq, %arg0, %eq3A : i32
    %convert_element_type3A_99 = arith.extui %eq3A_98 : i1 to i32
    %cond3A = arith.constant 0 : i32
    %cond3A_100 = arith.cmpi ne, %convert_element_type3A_99, %cond3A : i32
    scf.if %cond3A_100 {
      %broadcast_in_dim3A_142 = arith.constant 0.000000e+00 : f32
      %broadcast_in_dim3A_143 = vector.broadcast %broadcast_in_dim3A_142 : f32 to vector<8x128xf32>
      %swap3A_144 = arith.constant 0 : index
      %swap3A_145 = arith.constant 0 : index
      %swap3A_146 = vector.load %arg30[%swap3A_144, %swap3A_145] : memref<8x128xf32, #tpu.memory_space<vmem>>, vector<8x128xf32>
      tpu.vector_store %arg30[%swap3A_144, %swap3A_145], %broadcast_in_dim3A_143 {strides = array<i32>} : memref<8x128xf32, #tpu.memory_space<vmem>>, vector<8x128xf32>,
    } else {
    }
    %broadcast_in_dim3A = arith.constant 1.000000e+00 : f32
    %broadcast_in_dim3A_101 = vector.broadcast %broadcast_in_dim3A : f32 to vector<1x1024xf32>
    %reshape3A = vector.shape_cast %slice3A_23 : vector<1024x1xf32> to vector<1x1024xf32>
    %get3A_102 = arith.constant 0 : index
    %get3A_103 = arith.constant 0 : index
    %get3A_104 = vector.load %arg30[%get3A_102, %get3A_103] : memref<8x128xf32, #tpu.memory_space<vmem>>, vector<1x128xf32>
    %dot_general3A_105 = arith.constant dense<0.000000e+00> : vector<1x128xf32>
    %dot_general3A_106 = tpu.matmul %broadcast_in_dim3A_101, %mul3A_97, %dot_general3A_105 {dimension_numbers = #tpu.dot_dimension_numbers<[1], [0], [0], [1], [0, 0, 1, 1], [], []>, transpose_lhs_hint = false} : vector<1x1024xf32>, vector<1024x128xf32>, vector<1x128xf32> -> vector<1x128xf32>
    %add3A_107 = arith.addf %get3A_104, %dot_general3A_106 : vector<1x128xf32>
    %swap3A = arith.constant 0 : index
    %swap3A_108 = arith.constant 0 : index
    %swap3A_109 = vector.load %arg30[%swap3A, %swap3A_108] : memref<8x128xf32, #tpu.memory_space<vmem>>, vector<1x128xf32>
    tpu.vector_store %arg30[%swap3A, %swap3A_108], %add3A_107 {strides = array<i32>} : memref<8x128xf32, #tpu.memory_space<vmem>>, vector<1x128xf32>,
    %get3A_110 = arith.constant 1 : index
    %get3A_111 = arith.constant 0 : index
    %get3A_112 = vector.load %arg30[%get3A_110, %get3A_111] : memref<8x128xf32, #tpu.memory_space<vmem>>, vector<1x128xf32>
    %dot_general3A_113 = arith.constant dense<0.000000e+00> : vector<1x128xf32>
    %dot_general3A_114 = tpu.matmul %reshape3A, %mul3A_97, %dot_general3A_113 {dimension_numbers = #tpu.dot_dimension_numbers<[1], [0], [0], [1], [0, 0, 1, 1], [], []>, transpose_lhs_hint = false} : vector<1x1024xf32>, vector<1024x128xf32>, vector<1x128xf32> -> vector<1x128xf32>
    %add3A_115 = arith.addf %get3A_112, %dot_general3A_114 : vector<1x128xf32>
    %swap3A_116 = arith.constant 1 : index
    %swap3A_117 = arith.constant 0 : index
    %swap3A_118 = vector.load %arg30[%swap3A_116, %swap3A_117] : memref<8x128xf32, #tpu.memory_space<vmem>>, vector<1x128xf32>
    tpu.vector_store %arg30[%swap3A_116, %swap3A_117], %add3A_115 {strides = array<i32>} : memref<8x128xf32, #tpu.memory_space<vmem>>, vector<1x128xf32>,
    %get3A_119 = arith.constant 2 : index
    %get3A_120 = arith.constant 0 : index
    %get3A_121 = vector.load %arg30[%get3A_119, %get3A_120] : memref<8x128xf32, #tpu.memory_space<vmem>>, vector<1x128xf32>
    %dot_general3A_122 = arith.constant dense<0.000000e+00> : vector<1x128xf32>
    %dot_general3A_123 = tpu.matmul %reshape3A, %get3A_29, %dot_general3A_122 {dimension_numbers = #tpu.dot_dimension_numbers<[1], [0], [0], [1], [0, 0, 1, 1], [], []>, transpose_lhs_hint = false} : vector<1x1024xf32>, vector<1024x128xf32>, vector<1x128xf32> -> vector<1x128xf32>
    %add3A_124 = arith.addf %get3A_121, %dot_general3A_123 : vector<1x128xf32>
    %swap3A_125 = arith.constant 2 : index
    %swap3A_126 = arith.constant 0 : index
    %swap3A_127 = vector.load %arg30[%swap3A_125, %swap3A_126] : memref<8x128xf32, #tpu.memory_space<vmem>>, vector<1x128xf32>
    tpu.vector_store %arg30[%swap3A_125, %swap3A_126], %add3A_124 {strides = array<i32>} : memref<8x128xf32, #tpu.memory_space<vmem>>, vector<1x128xf32>,
    %get3A_128 = arith.constant 3 : index
    %get3A_129 = arith.constant 0 : index
    %get3A_130 = vector.load %arg30[%get3A_128, %get3A_129] : memref<8x128xf32, #tpu.memory_space<vmem>>, vector<1x128xf32>
    %dot_general3A_131 = arith.constant dense<0.000000e+00> : vector<1x128xf32>
    %dot_general3A_132 = tpu.matmul %reshape3A, %get3A_26, %dot_general3A_131 {dimension_numbers = #tpu.dot_dimension_numbers<[1], [0], [0], [1], [0, 0, 1, 1], [], []>, transpose_lhs_hint = false} : vector<1x1024xf32>, vector<1024x128xf32>, vector<1x128xf32> -> vector<1x128xf32>
    %add3A_133 = arith.addf %get3A_130, %dot_general3A_132 : vector<1x128xf32>
    %swap3A_134 = arith.constant 3 : index
    %swap3A_135 = arith.constant 0 : index
    %swap3A_136 = vector.load %arg30[%swap3A_134, %swap3A_135] : memref<8x128xf32, #tpu.memory_space<vmem>>, vector<1x128xf32>
    tpu.vector_store %arg30[%swap3A_134, %swap3A_135], %add3A_133 {strides = array<i32>} : memref<8x128xf32, #tpu.memory_space<vmem>>, vector<1x128xf32>,
    %eq3A_137 = arith.constant 9 : i32
    %eq3A_138 = arith.cmpi eq, %arg0, %eq3A_137 : i32
    %convert_element_type3A_139 = arith.extui %eq3A_138 : i1 to i32
    %cond3A_140 = arith.constant 0 : i32
    %cond3A_141 = arith.cmpi ne, %convert_element_type3A_139, %cond3A_140 : i32
    scf.if %cond3A_141 {
      %get3A_142 = arith.constant 0 : index
      %get3A_143 = arith.constant 0 : index
      %get3A_144 = vector.load %arg6[%get3A_142, %get3A_143] : memref<8x128xf32, #tpu.memory_space<vmem>>, vector<8x128xf32>
      %get3A_145 = arith.constant 2 : index
      %get3A_146 = arith.constant 0 : index
      %get3A_147 = vector.load %arg30[%get3A_145, %get3A_146] : memref<8x128xf32, #tpu.memory_space<vmem>>, vector<1x128xf32>
      %get3A_148 = arith.constant 0 : index
      %get3A_149 = arith.constant 0 : index
      %get3A_150 = vector.load %arg7[%get3A_148, %get3A_149] : memref<128x16xf32, #tpu.memory_space<vmem>>, vector<128x16xf32>
      %dot_general3A_151 = arith.constant dense<0.000000e+00> : vector<1x16xf32>
      %dot_general3A_152 = tpu.matmul %get3A_147, %get3A_150, %dot_general3A_151 {dimension_numbers = #tpu.dot_dimension_numbers<[1], [0], [0], [1], [0, 0, 1, 1], [], []>, transpose_lhs_hint = false} : vector<1x128xf32>, vector<128x16xf32>, vector<1x16xf32> -> vector<1x16xf32>
      %slice3A_153 = vector.extract_strided_slice %get3A_144 {offsets = [0, 0], sizes = [1, 128], strides = [1, 1]} : vector<8x128xf32> to vector<1x128xf32>
      %get3A_154 = arith.constant 0 : index
      %get3A_155 = arith.constant 0 : index
      %get3A_156 = vector.load %arg8[%get3A_154, %get3A_155] : memref<128x16xf32, #tpu.memory_space<vmem>>, vector<128x16xf32>
      %dot_general3A_157 = arith.constant dense<0.000000e+00> : vector<1x16xf32>
      %dot_general3A_158 = tpu.matmul %slice3A_153, %get3A_156, %dot_general3A_157 {dimension_numbers = #tpu.dot_dimension_numbers<[1], [0], [0], [1], [0, 0, 1, 1], [], []>, transpose_lhs_hint = false} : vector<1x128xf32>, vector<128x16xf32>, vector<1x16xf32> -> vector<1x16xf32>
      %add3A_159 = arith.addf %dot_general3A_152, %dot_general3A_158 : vector<1x16xf32>
      %slice3A_160 = vector.extract_strided_slice %get3A_144 {offsets = [2, 0], sizes = [1, 16], strides = [1, 1]} : vector<8x128xf32> to vector<1x16xf32>
      %get3A_161 = arith.constant 0 : index
      %get3A_162 = arith.constant 0 : index
      %get3A_163 = vector.load %arg9[%get3A_161, %get3A_162] : memref<16x16xf32, #tpu.memory_space<vmem>>, vector<16x16xf32>
      %dot_general3A_164 = arith.constant dense<0.000000e+00> : vector<1x16xf32>
      %dot_general3A_165 = tpu.matmul %slice3A_160, %get3A_163, %dot_general3A_164 {dimension_numbers = #tpu.dot_dimension_numbers<[1], [0], [0], [1], [0, 0, 1, 1], [], []>, transpose_lhs_hint = false} : vector<1x16xf32>, vector<16x16xf32>, vector<1x16xf32> -> vector<1x16xf32>
      %add3A_166 = arith.addf %add3A_159, %dot_general3A_165 : vector<1x16xf32>
      %get3A_167 = arith.constant 0 : index
      %get3A_168 = arith.constant 0 : index
      %get3A_169 = vector.load %arg10[%get3A_167, %get3A_168] : memref<1x16xf32, #tpu.memory_space<vmem>>, vector<1x16xf32>
      %mul3A_170 = arith.constant 3.200000e+05 : f32
      %mul3A_171 = vector.broadcast %mul3A_170 : f32 to vector<1x16xf32>
      %mul3A_172 = arith.mulf %mul3A_171, %get3A_169 : vector<1x16xf32>
      %add3A_173 = arith.addf %add3A_166, %mul3A_172 : vector<1x16xf32>
      %get3A_174 = arith.constant 3 : index
      %get3A_175 = arith.constant 0 : index
      %get3A_176 = vector.load %arg30[%get3A_174, %get3A_175] : memref<8x128xf32, #tpu.memory_space<vmem>>, vector<1x128xf32>
      %get3A_177 = arith.constant 0 : index
      %get3A_178 = arith.constant 0 : index
      %get3A_179 = vector.load %arg11[%get3A_177, %get3A_178] : memref<128x16xf32, #tpu.memory_space<vmem>>, vector<128x16xf32>
      %dot_general3A_180 = arith.constant dense<0.000000e+00> : vector<1x16xf32>
      %dot_general3A_181 = tpu.matmul %get3A_176, %get3A_179, %dot_general3A_180 {dimension_numbers = #tpu.dot_dimension_numbers<[1], [0], [0], [1], [0, 0, 1, 1], [], []>, transpose_lhs_hint = false} : vector<1x128xf32>, vector<128x16xf32>, vector<1x16xf32> -> vector<1x16xf32>
      %slice3A_182 = vector.extract_strided_slice %get3A_144 {offsets = [1, 0], sizes = [1, 128], strides = [1, 1]} : vector<8x128xf32> to vector<1x128xf32>
      %get3A_183 = arith.constant 0 : index
      %get3A_184 = arith.constant 0 : index
      %get3A_185 = vector.load %arg12[%get3A_183, %get3A_184] : memref<128x16xf32, #tpu.memory_space<vmem>>, vector<128x16xf32>
      %dot_general3A_186 = arith.constant dense<0.000000e+00> : vector<1x16xf32>
      %dot_general3A_187 = tpu.matmul %slice3A_182, %get3A_185, %dot_general3A_186 {dimension_numbers = #tpu.dot_dimension_numbers<[1], [0], [0], [1], [0, 0, 1, 1], [], []>, transpose_lhs_hint = false} : vector<1x128xf32>, vector<128x16xf32>, vector<1x16xf32> -> vector<1x16xf32>
      %add3A_188 = arith.addf %dot_general3A_181, %dot_general3A_187 : vector<1x16xf32>
      %get3A_189 = arith.constant 0 : index
      %get3A_190 = arith.constant 0 : index
      %get3A_191 = vector.load %arg13[%get3A_189, %get3A_190] : memref<16x16xf32, #tpu.memory_space<vmem>>, vector<16x16xf32>
      %dot_general3A_192 = arith.constant dense<0.000000e+00> : vector<1x16xf32>
      %dot_general3A_193 = tpu.matmul %add3A_173, %get3A_191, %dot_general3A_192 {dimension_numbers = #tpu.dot_dimension_numbers<[1], [0], [0], [1], [0, 0, 1, 1], [], []>, transpose_lhs_hint = false} : vector<1x16xf32>, vector<16x16xf32>, vector<1x16xf32> -> vector<1x16xf32>
      %add3A_194 = arith.addf %add3A_188, %dot_general3A_193 : vector<1x16xf32>
      %get3A_195 = arith.constant 0 : index
      %get3A_196 = arith.constant 0 : index
      %get3A_197 = vector.load %arg14[%get3A_195, %get3A_196] : memref<1x16xf32, #tpu.memory_space<vmem>>, vector<1x16xf32>
      %mul3A_198 = arith.constant 3.200000e+05 : f32
      %mul3A_199 = vector.broadcast %mul3A_198 : f32 to vector<1x16xf32>
      %mul3A_200 = arith.mulf %mul3A_199, %get3A_197 : vector<1x16xf32>
      %add3A_201 = arith.addf %add3A_194, %mul3A_200 : vector<1x16xf32>
      %get3A_202 = arith.constant 1 : index
      %get3A_203 = arith.constant 0 : index
      %get3A_204 = vector.load %arg30[%get3A_202, %get3A_203] : memref<8x128xf32, #tpu.memory_space<vmem>>, vector<1x128xf32>
      %get3A_205 = arith.constant 0 : index
      %get3A_206 = arith.constant 0 : index
      %get3A_207 = vector.load %arg21[%get3A_205, %get3A_206] : memref<128x128xf32, #tpu.memory_space<vmem>>, vector<128x128xf32>
      %dot_general3A_208 = arith.constant dense<0.000000e+00> : vector<1x128xf32>
      %dot_general3A_209 = tpu.matmul %get3A_204, %get3A_207, %dot_general3A_208 {dimension_numbers = #tpu.dot_dimension_numbers<[1], [0], [0], [1], [0, 0, 1, 1], [], []>, transpose_lhs_hint = false} : vector<1x128xf32>, vector<128x128xf32>, vector<1x128xf32> -> vector<1x128xf32>
      %get3A_210 = arith.constant 0 : index
      %get3A_211 = arith.constant 0 : index
      %get3A_212 = vector.load %arg22[%get3A_210, %get3A_211] : memref<16x128xf32, #tpu.memory_space<vmem>>, vector<16x128xf32>
      %dot_general3A_213 = arith.constant dense<0.000000e+00> : vector<1x128xf32>
      %dot_general3A_214 = tpu.matmul %add3A_201, %get3A_212, %dot_general3A_213 {dimension_numbers = #tpu.dot_dimension_numbers<[1], [0], [0], [1], [0, 0, 1, 1], [], []>, transpose_lhs_hint = false} : vector<1x16xf32>, vector<16x128xf32>, vector<1x128xf32> -> vector<1x128xf32>
      %add3A_215 = arith.addf %dot_general3A_209, %dot_general3A_214 : vector<1x128xf32>
      %get3A_216 = arith.constant 0 : index
      %get3A_217 = arith.constant 0 : index
      %get3A_218 = vector.load %arg23[%get3A_216, %get3A_217] : memref<1x128xf32, #tpu.memory_space<vmem>>, vector<1x128xf32>
      %mul3A_219 = arith.constant 3.200000e+05 : f32
      %mul3A_220 = vector.broadcast %mul3A_219 : f32 to vector<1x128xf32>
      %mul3A_221 = arith.mulf %mul3A_220, %get3A_218 : vector<1x128xf32>
      %add3A_222 = arith.addf %add3A_215, %mul3A_221 : vector<1x128xf32>
      %get3A_223 = arith.constant 0 : index
      %get3A_224 = arith.constant 0 : index
      %get3A_225 = vector.load %arg30[%get3A_223, %get3A_224] : memref<8x128xf32, #tpu.memory_space<vmem>>, vector<1x128xf32>
      %get3A_226 = arith.constant 0 : index
      %get3A_227 = arith.constant 0 : index
      %get3A_228 = vector.load %arg24[%get3A_226, %get3A_227] : memref<128x128xf32, #tpu.memory_space<vmem>>, vector<128x128xf32>
      %dot_general3A_229 = arith.constant dense<0.000000e+00> : vector<1x128xf32>
      %dot_general3A_230 = tpu.matmul %get3A_225, %get3A_228, %dot_general3A_229 {dimension_numbers = #tpu.dot_dimension_numbers<[1], [0], [0], [1], [0, 0, 1, 1], [], []>, transpose_lhs_hint = false} : vector<1x128xf32>, vector<128x128xf32>, vector<1x128xf32> -> vector<1x128xf32>
      %get3A_231 = arith.constant 0 : index
      %get3A_232 = arith.constant 0 : index
      %get3A_233 = vector.load %arg25[%get3A_231, %get3A_232] : memref<128x128xf32, #tpu.memory_space<vmem>>, vector<128x128xf32>
      %dot_general3A_234 = arith.constant dense<0.000000e+00> : vector<1x128xf32>
      %dot_general3A_235 = tpu.matmul %add3A_222, %get3A_233, %dot_general3A_234 {dimension_numbers = #tpu.dot_dimension_numbers<[1], [0], [0], [1], [0, 0, 1, 1], [], []>, transpose_lhs_hint = false} : vector<1x128xf32>, vector<128x128xf32>, vector<1x128xf32> -> vector<1x128xf32>
      %add3A_236 = arith.addf %dot_general3A_230, %dot_general3A_235 : vector<1x128xf32>
      %get3A_237 = arith.constant 0 : index
      %get3A_238 = arith.constant 0 : index
      %get3A_239 = vector.load %arg26[%get3A_237, %get3A_238] : memref<1x128xf32, #tpu.memory_space<vmem>>, vector<1x128xf32>
      %add3A_240 = arith.addf %add3A_236, %get3A_239 : vector<1x128xf32>
      %get3A_241 = arith.constant 0 : index
      %get3A_242 = arith.constant 0 : index
      %get3A_243 = vector.load %arg27[%get3A_241, %get3A_242] : memref<128x1xf32, #tpu.memory_space<vmem>>, vector<128x1xf32>
      %dot_general3A_244 = arith.constant dense<0.000000e+00> : vector<1x1xf32>
      %dot_general3A_245 = tpu.matmul %add3A_240, %get3A_243, %dot_general3A_244 {dimension_numbers = #tpu.dot_dimension_numbers<[1], [0], [0], [1], [0, 0, 1, 1], [], []>, transpose_lhs_hint = false} : vector<1x128xf32>, vector<128x1xf32>, vector<1x1xf32> -> vector<1x1xf32>
      %get3A_246 = arith.constant 0 : index
      %get3A_247 = arith.constant 0 : index
      %get3A_248 = vector.load %arg28[%get3A_246, %get3A_247] : memref<1x1xf32, #tpu.memory_space<vmem>>, vector<1x1xf32>
      %add3A_249 = arith.addf %dot_general3A_245, %get3A_248 : vector<1x1xf32>
      %swap3A_250 = arith.constant 0 : index
      %swap3A_251 = arith.constant 0 : index
      %swap3A_252 = vector.load %arg29[%swap3A_250, %swap3A_251] : memref<1x1xf32, #tpu.memory_space<vmem>>, vector<1x1xf32>
      tpu.vector_store %arg29[%swap3A_250, %swap3A_251], %add3A_249 {strides = array<i32>} : memref<1x1xf32, #tpu.memory_space<vmem>>, vector<1x1xf32>,
    } else {
    }
    return
  }
  func.func @transform_0(%arg0: i32) -> (i32, i32, i32) {
    %c0_i32 = arith.constant 0 : i32
    %c0_i32_0 = arith.constant 0 : i32
    %c0_i32_1 = arith.constant 0 : i32
    return %c0_i32, %arg0, %c0_i32_0 : i32, i32, i32
  }
  func.func @transform_1(%arg0: i32) -> (i32, i32) {
    %c0_i32 = arith.constant 0 : i32
    %c0_i32_0 = arith.constant 0 : i32
    return %arg0, %c0_i32 : i32, i32
  }
  func.func @transform_2(%arg0: i32) -> (i32, i32) {
    %c0_i32 = arith.constant 0 : i32
    %c0_i32_0 = arith.constant 0 : i32
    return %arg0, %c0_i32 : i32, i32
  }
  func.func @transform_3(%arg0: i32) -> (i32, i32, i32) {
    %c0_i32 = arith.constant 0 : i32
    %c0_i32_0 = arith.constant 0 : i32
    %c0_i32_1 = arith.constant 0 : i32
    return %c0_i32, %arg0, %c0_i32_0 : i32, i32, i32
  }
  func.func @transform_4(%arg0: i32) -> (i32, i32) {
    %c0_i32 = arith.constant 0 : i32
    %c0_i32_0 = arith.constant 0 : i32
    return %arg0, %c0_i32 : i32, i32
  }
  func.func @transform_5(%arg0: i32) -> (i32, i32) {
    %c0_i32 = arith.constant 0 : i32
    %c0_i32_0 = arith.constant 0 : i32
    %c0_i32_1 = arith.constant 0 : i32
    return %c0_i32, %c0_i32_0 : i32, i32
  }
  func.func @transform_6(%arg0: i32) -> (i32, i32) {
    %c0_i32 = arith.constant 0 : i32
    %c0_i32_0 = arith.constant 0 : i32
    %c0_i32_1 = arith.constant 0 : i32
    return %c0_i32, %c0_i32_0 : i32, i32
  }
  func.func @transform_7(%arg0: i32) -> (i32, i32) {
    %c0_i32 = arith.constant 0 : i32
    %c0_i32_0 = arith.constant 0 : i32
    %c0_i32_1 = arith.constant 0 : i32
    return %c0_i32, %c0_i32_0 : i32, i32
  }
  func.func @transform_8(%arg0: i32) -> (i32, i32) {
    %c0_i32 = arith.constant 0 : i32
    %c0_i32_0 = arith.constant 0 : i32
    %c0_i32_1 = arith.constant 0 : i32
    return %c0_i32, %c0_i32_0 : i32, i32
  }
  func.func @transform_9(%arg0: i32) -> (i32, i32) {
    %c0_i32 = arith.constant 0 : i32
    %c0_i32_0 = arith.constant 0 : i32
    %c0_i32_1 = arith.constant 0 : i32
    return %c0_i32, %c0_i32_0 : i32, i32
  }
  func.func @transform_10(%arg0: i32) -> (i32, i32) {
    %c0_i32 = arith.constant 0 : i32
    %c0_i32_0 = arith.constant 0 : i32
    %c0_i32_1 = arith.constant 0 : i32
    return %c0_i32, %c0_i32_0 : i32, i32
  }
  func.func @transform_11(%arg0: i32) -> (i32, i32) {
    %c0_i32 = arith.constant 0 : i32
    %c0_i32_0 = arith.constant 0 : i32
    %c0_i32_1 = arith.constant 0 : i32
    return %c0_i32, %c0_i32_0 : i32, i32
  }
  func.func @transform_12(%arg0: i32) -> (i32, i32) {
    %c0_i32 = arith.constant 0 : i32
    %c0_i32_0 = arith.constant 0 : i32
    %c0_i32_1 = arith.constant 0 : i32
    return %c0_i32, %c0_i32_0 : i32, i32
  }
  func.func @transform_13(%arg0: i32) -> (i32, i32) {
    %c0_i32 = arith.constant 0 : i32
    %c0_i32_0 = arith.constant 0 : i32
    %c0_i32_1 = arith.constant 0 : i32
    return %c0_i32, %c0_i32_0 : i32, i32
  }
  func.func @transform_14(%arg0: i32) -> (i32, i32) {
    %c0_i32 = arith.constant 0 : i32
    %c0_i32_0 = arith.constant 0 : i32
    %c0_i32_1 = arith.constant 0 : i32
    return %c0_i32, %c0_i32_0 : i32, i32
  }
  func.func @transform_15(%arg0: i32) -> (i32, i32) {
    %c0_i32 = arith.constant 0 : i32
    %c0_i32_0 = arith.constant 0 : i32
    %c0_i32_1 = arith.constant 0 : i32
    return %c0_i32, %c0_i32_0 : i32, i32
  }
  func.func @transform_16(%arg0: i32) -> (i32, i32) {
    %c0_i32 = arith.constant 0 : i32
    %c0_i32_0 = arith.constant 0 : i32
    %c0_i32_1 = arith.constant 0 : i32
    return %c0_i32, %c0_i32_0 : i32, i32
  }
  func.func @transform_17(%arg0: i32) -> (i32, i32) {
    %c0_i32 = arith.constant 0 : i32
    %c0_i32_0 = arith.constant 0 : i32
    %c0_i32_1 = arith.constant 0 : i32
    return %c0_i32, %c0_i32_0 : i32, i32
  }
  func.func @transform_18(%arg0: i32) -> (i32, i32) {
    %c0_i32 = arith.constant 0 : i32
    %c0_i32_0 = arith.constant 0 : i32
    %c0_i32_1 = arith.constant 0 : i32
    return %c0_i32, %c0_i32_0 : i32, i32
  }
  func.func @transform_19(%arg0: i32) -> (i32, i32) {
    %c0_i32 = arith.constant 0 : i32
    %c0_i32_0 = arith.constant 0 : i32
    %c0_i32_1 = arith.constant 0 : i32
    return %c0_i32, %c0_i32_0 : i32, i32
  }
  func.func @transform_20(%arg0: i32) -> (i32, i32) {
    %c0_i32 = arith.constant 0 : i32
    %c0_i32_0 = arith.constant 0 : i32
    %c0_i32_1 = arith.constant 0 : i32
    return %c0_i32, %c0_i32_0 : i32, i32
  }
  func.func @transform_21(%arg0: i32) -> (i32, i32) {
    %c0_i32 = arith.constant 0 : i32
    %c0_i32_0 = arith.constant 0 : i32
    %c0_i32_1 = arith.constant 0 : i32
    return %c0_i32, %c0_i32_0 : i32, i32
  }
  func.func @transform_22(%arg0: i32) -> (i32, i32) {
    %c0_i32 = arith.constant 0 : i32
    %c0_i32_0 = arith.constant 0 : i32
    %c0_i32_1 = arith.constant 0 : i32
    return %c0_i32, %c0_i32_0 : i32, i32
  }
  func.func @transform_23(%arg0: i32) -> (i32, i32) {
    %c0_i32 = arith.constant 0 : i32
    %c0_i32_0 = arith.constant 0 : i32
    %c0_i32_1 = arith.constant 0 : i32
    return %c0_i32, %c0_i32_0 : i32, i32
  }
  func.func @transform_24(%arg0: i32) -> (i32, i32) {
    %c0_i32 = arith.constant 0 : i32
    %c0_i32_0 = arith.constant 0 : i32
    %c0_i32_1 = arith.constant 0 : i32
    return %c0_i32, %c0_i32_0 : i32, i32
  }
  func.func @transform_25(%arg0: i32) -> (i32, i32) {
    %c0_i32 = arith.constant 0 : i32
    %c0_i32_0 = arith.constant 0 : i32
    %c0_i32_1 = arith.constant 0 : i32
    return %c0_i32, %c0_i32_0 : i32, i32
  }
  func.func @transform_26(%arg0: i32) -> (i32, i32) {
    %c0_i32 = arith.constant 0 : i32
    %c0_i32_0 = arith.constant 0 : i32
    %c0_i32_1 = arith.constant 0 : i32
    return %c0_i32, %c0_i32_0 : i32, i32
  }
  func.func @transform_27(%arg0: i32) -> (i32, i32) {
    %c0_i32 = arith.constant 0 : i32
    %c0_i32_0 = arith.constant 0 : i32
    %c0_i32_1 = arith.constant 0 : i32
    return %c0_i32, %c0_i32_0 : i32, i32
  }
  func.func @transform_28(%arg0: i32) -> (i32, i32) {
    %c0_i32 = arith.constant 0 : i32
    %c0_i32_0 = arith.constant 0 : i32
    %c0_i32_1 = arith.constant 0 : i32
    return %c0_i32, %c0_i32_0 : i32, i32
  }
}

</mosaic_0001>

<sc_bundles>
// kernel: kernel.6.cloned.1.call-start
scs
__scs_entry_jumppad:
0x0: {  	(pc) =	sbr.rel $0x88, $3  }
0x1: {  	(tag) =	ssettag $0x0;
	lr =	simm.s32 $0x1  }
0x2: {  	[smem:$0x3F68] =	sst lr;
	_ =	strace $0xD0000000  }
0x3: {  	_ = 	snop  }
0x4: {  	_ = 	snop  }
0x5: {  	_ = 	snop  }
0x6: {  	_ = 	snop  }
0x7: {  	_ = 	snop  }
__scs_overlays_trampoline_lowered:
0x8: {  	[smem:$0x3F77] =	sst s0  }
0x9: {  	[smem:$0x3F78] =	sst s1  }
0xa: {  	[smem:$0x3F79] =	sst s2  }
0xb: {  	[smem:$0x3F7A] =	sst s3  }
0xc: {  	[smem:$0x3F7B] =	sst s4  }
0xd: {  	[smem:$0x3F7C] =	sst s5  }
0xe: {  	[smem:$0x3F7D] =	sst s6  }
0xf: {  	[smem:$0x3F7E] =	sst s7  }
0x10: {  	[smem:$0x3F7F] =	sst s8  }
0x11: {  	[smem:$0x3F80] =	sst s9;
	s0 =	simm.s32 @!p0 $0x0  }
0x12: {  	s1 =	sld [smem:$0x3F66];
	s0 =	simm.s32 @p0 $0x1  }
0x13: {  	[smem:$0x3F81] =	sst s0;
	s0 =	simm.s32 @!p1 $0x0  }
0x14: {  	s2 =	sld [smem:$0x3F65];
	s0 =	simm.s32 @p1 $0x1  }
0x15: {  	[smem:$0x3F82] =	sst s0;
	s0 =	simm.s32 @!p2 $0x0  }
0x16: {  	s3 =	sld [smem:$0x3FDB];
	s0 =	simm.s32 @p2 $0x1  }
0x17: {  	s4 =	simm.s32 $0x1BF5;
	[smem:$0x3F84] =	sst s0  }
0x18: {  	s0 =	sld [smem:$0x3F67];
	_ =	swait.ge [sflag:s4], $0x0  }
0x19: {  	s7 =	sld [smem:$0x3F68]  }
0x1a: {  	s8 =	sadd.s32 $0xFFFFE003, lr  }
0x1b: {  	s9 =	sadd.s32 $0xFFFFFEF7, lr;
	s5 =	simm.s32 $0xFFFFFFFF;
	p2 =	slt.u32 s8, $0xFFFFF086  }
0x1c: {  	p1 =	slt.u32 s9, $0xF7A;
	s5 =	simm.s32 @!p2 $0x0  }
0x1d: {  	s5 =	simm.s32 @p1 $0x1;
	p0 =	seq.s32 s7, s2  }
0x1e: {  	s7 =	smul.u32 @!p0 $0xF7A, s2;
	p2 =	seq.s32 @!p0 s5, $0x0  }
0x1f: {  	s9 =	smul.u32 $0xF7A, s1;
	s8 =	simm.s32 @!p0 $0x1BF5;
	p2 =	por !p2, p0  }
0x20: {  	[sflag:s8] =	ssyncset.s32 @!p0 $0xFFFFF086;
	s6 =	sadd.s32 @!p0 s3, s7;
	s7 =	simm.s32 @!p0 $0x108  }
0x21: {  	s3 =	sadd.s32 s3, s9;
	s6 =	sadd.s32 @!p0 $0x88, s6;
	s7 =	simm.s32 @p2 $0x1082  }
0x22: {  	[simem:s7], [sflag:s8] =	dma.local @!p0 [hbm:s6], $0xF7A  }
0x23: {  	s9 =	sor.u32 $0xD0000000, s2;
	s6 =	simm.s32 $0x108;
	_ =	swait.ge @!p0 [sflag:s8], $0x0  }
0x24: {  	s3 =	sadd.s32 $0x88, s3;
	s6 =	simm.s32 @!p1 $0x1082;
	[sflag:s4] =	ssyncset.s32 $0xFFFFF086  }
0x25: {  	[simem:s6], [sflag:s4] =	dma.local [hbm:s3], $0xF7A  }
0x26: {  	[smem:$0x3F68] =	sst s1;
	(tag) =	ssettag s2;
	_ =	strace s9  }
0x27: {  	s1 =	sld [smem:$0x3F78]  }
0x28: {  	s2 =	sld [smem:$0x3F79]  }
0x29: {  	s4 =	sld [smem:$0x3F7B]  }
0x2a: {  	p0 =	seq.s32 s5, $0x0;
	s5 =	sld [smem:$0x3F7C]  }
0x2b: {  	s6 =	sld [smem:$0x3F7D]  }
0x2c: {  	s7 =	sld [smem:$0x3F7E]  }
0x2d: {  	s3 =	simm.s32 $0x108;
	s8 =	sld [smem:$0x3F7F]  }
0x2e: {  	s3 =	simm.s32 @!p0 $0x1082;
	s9 =	sld [smem:$0x3F80]  }
0x2f: {  	lr =	sadd.s32 s0, s3;
	s0 =	sld [smem:$0x3F77]  }
0x30: {  	s3 =	sld [smem:$0x3F7A]  }
0x31: {  	[smem:$0x3F83] =	sst s10  }
0x32: {  	s10 =	sld [smem:$0x3F81];
	_ =	sdelay $0x3  }
0x33: {  	p0 =	seq.s32 s10, $0x1;
	s10 =	sld [smem:$0x3F83];
	_ =	sdelay $0x3  }
0x34: {  	[smem:$0x3F83] =	sst s10  }
0x35: {  	s10 =	sld [smem:$0x3F82];
	_ =	sdelay $0x3  }
0x36: {  	p1 =	seq.s32 s10, $0x1;
	s10 =	sld [smem:$0x3F83];
	_ =	sdelay $0x3  }
0x37: {  	[smem:$0x3F83] =	sst s10  }
0x38: {  	s10 =	sld [smem:$0x3F84]  }
0x39: {  	_ = 	snop;
	(pc) =	sbr.ind lr, $3  }
0x3a: {  	_ = 	snop  }
0x3b: {  	_ = 	snop  }
0x3c: {  	p2 =	seq.s32 s10, $0x1;
	s10 =	sld [smem:$0x3F83]  }
0x3d: {  	_ =	shalt  }
0x3e: {  	_ =	shalt  }
0x3f: {  	_ =	shalt  }
0x40: {  	_ =	shalt  }
0x41: {  	_ =	shalt  }
0x42: {  	_ =	shalt  }
0x43: {  	_ =	shalt  }
0x44: {  	_ =	shalt  }
0x45: {  	_ =	shalt  }
0x46: {  	_ =	shalt  }
0x47: {  	_ =	shalt  }
0x48: {  	_ =	shalt  }
0x49: {  	_ =	shalt  }
0x4a: {  	_ =	shalt  }
0x4b: {  	_ =	shalt  }
0x4c: {  	_ =	shalt  }
0x4d: {  	_ =	shalt  }
0x4e: {  	_ =	shalt  }
0x4f: {  	_ =	shalt  }
0x50: {  	_ =	shalt  }
0x51: {  	_ =	shalt  }
0x52: {  	_ =	shalt  }
0x53: {  	_ =	shalt  }
0x54: {  	_ =	shalt  }
0x55: {  	_ =	shalt  }
0x56: {  	_ =	shalt  }
0x57: {  	_ =	shalt  }
0x58: {  	_ =	shalt  }
0x59: {  	_ =	shalt  }
0x5a: {  	_ =	shalt  }
0x5b: {  	_ =	shalt  }
0x5c: {  	_ =	shalt  }
0x5d: {  	_ =	shalt  }
0x5e: {  	_ =	shalt  }
0x5f: {  	_ =	shalt  }
0x60: {  	_ =	shalt  }
0x61: {  	_ =	shalt  }
0x62: {  	_ =	shalt  }
0x63: {  	_ =	shalt  }
0x64: {  	_ =	shalt  }
0x65: {  	_ =	shalt  }
0x66: {  	_ =	shalt  }
0x67: {  	_ =	shalt  }
0x68: {  	_ =	shalt  }
0x69: {  	_ =	shalt  }
0x6a: {  	_ =	shalt  }
0x6b: {  	_ =	shalt  }
0x6c: {  	_ =	shalt  }
0x6d: {  	_ =	shalt  }
0x6e: {  	_ =	shalt  }
0x6f: {  	_ =	shalt  }
0x70: {  	_ =	shalt  }
0x71: {  	_ =	shalt  }
0x72: {  	_ =	shalt  }
0x73: {  	_ =	shalt  }
0x74: {  	_ =	shalt  }
0x75: {  	_ =	shalt  }
0x76: {  	_ =	shalt  }
0x77: {  	_ =	shalt  }
0x78: {  	_ =	shalt  }
0x79: {  	_ =	shalt  }
0x7a: {  	_ =	shalt  }
0x7b: {  	_ =	shalt  }
0x7c: {  	_ =	shalt  }
0x7d: {  	_ =	shalt  }
0x7e: {  	_ =	shalt  }
0x7f: {  	_ =	shalt  }
0x80: {  	_ =	shalt  }
0x81: {  	_ =	shalt  }
0x82: {  	_ =	shalt  }
0x83: {  	_ =	shalt  }
0x84: {  	_ =	shalt  }
0x85: {  	_ =	shalt  }
0x86: {  	_ =	shalt  }
0x87: {  	_ =	shalt  }
.Lfunc_end0:
.L_simem_size_0:
called_computation.2_lowered:
.L_overlay_start_0:
0x88: {  	s2 =	sld [smem:$0x3FD9]  }
0x89: {  	s3 =	sld [smem:$0x3FFE];
	_ =	sdelay $0x1  }
0x8a: {  	s1 =	srdreg.scid  }
0x8b: {  	s0 =	sand.u32 $0x1, s1  }
0x8c: {  	s17 =	sshll.u32 s0, $0xA;
	s2 =	sadd.s32 s3, s2  }
0x8d: {  	s2 =	sadd.s32 s2, s17  }
0x8e: {  	[smem:$0x3F8F] =	sst s2  }
0x8f: {  	_ = 	snop  }
0x90: {  	(tm) =	ssettm $0x1  }
0x91: {  	s18 =	sld [smem:$0x3FFB];
	_ =	sdelay $0x3  }
0x92: {  	_ =	strace s18  }
0x93: {  	s2 =	sld [smem:$0x3FFC];
	_ =	sdelay $0x3  }
0x94: {  	_ =	strace s2  }
0x95: {  	s2 =	sld [smem:$0x3FFD];
	_ =	sdelay $0x3  }
0x96: {  	_ =	strace s2  }
0x97: {  	_ =	strace $0x8FFFFFFF  }
0x98: {  	s19 =	sld [smem:$0x3FDB];
	_ =	sdelay $0x1  }
0x99: {  	s20 =	simm.s32 $_scs_section_size  }
0x9a: {  	s4 =	simm.s32 $_size__tile_overlayer_lowered;
	s5 =	simm.s32 $_tile_overlayer_lowered  }
0x9b: {  	s6 =	simm.s32 $0x1BFF;
	s21 =	sshll.u32 s5, $0x1;
	s3 =	sadd.s32 s20, s19  }
0x9c: {  	s22 =	simm.s32 $0x0;
	s4 =	sshll.u32 s4, $0x1;
	s5 =	sadd.s32 s21, s3  }
0x9d: {  	[timem:s22], [sflag:s6] =	dma.local [hbm:s5], s4  }
0x9e: {  	_ =	swait.ge [sflag:s6], s4  }
0x9f: {  	s4 =	ssub.s32 $0x0, s4;
	[sflag:s6] =	ssyncset.done $0x0  }
0xa0: {  	[sflag:s6] =	ssyncadd.s32 s4;
	_ =	sdelay $0x1  }
0xa1: {  	s23 =	simm.s32 $0x1B8B  }
0xa2: {  	_ =	swait.ge [sflag:s23], $0x1  }
0xa3: {  	[sflag:s23] =	ssyncset.done $0x0  }
0xa4: {  	[sflag:s23] =	ssyncadd.s32 $0xFFFFFFFF  }
0xa5: {  	s4 =	sld [smem:$0x0]  }
0xa6: {  	s5 =	sand.u32 $0xFFFFFFFE, s1  }
0xa7: {  	p0 =	sne.s32 s1, s5  }
0xa8: {  	s5 =	sshll.u32 @p0 s5, $0xE  }
0xa9: {  	s5 =	sadd.s32 @p0 $0x11B8D, s5;
	s6 =	sshll.u32 @p0 s4, $0x11  }
0xaa: {  	s5 =	sor.u32 @p0 s6, s5  }
0xab: {  	[sflag:s5] =	ssyncadd.remote.s32 @p0 $0x1;
	_ =	sdelay $0x1  }
0xac: {  	s5 =	simm.s32 @p0 $0x1B8D  }
0xad: {  	_ =	swait.eq @p0 [sflag:s5], $0x1  }
0xae: {  	[sflag:s5] =	ssyncadd.s32 @p0 $0xFFFFFFFF  }
0xaf: {  	s6 =	sshll.u32 @!p0 s1, $0xE  }
0xb0: {  	s6 =	sor.u32 @!p0 $0x4000, s6;
	s5 =	simm.s32 @!p0 $0x1B8D  }
0xb1: {  	s4 =	sshll.u32 @!p0 s4, $0x11;
	s6 =	sadd.s32 @!p0 $0x11B8D, s6;
	_ =	swait.eq @!p0 [sflag:s5], $0x1  }
0xb2: {  	s4 =	sor.u32 @!p0 s4, s6;
	[sflag:s5] =	ssyncadd.s32 @!p0 $0xFFFFFFFF  }
0xb3: {  	s25 =	simm.s32 $0x1B8E;
	s24 =	sld [smem:$0x3FFE];
	[sflag:s4] =	ssyncadd.remote.s32 @!p0 $0x1  }
0xb4: {  	s26 =	simm.s32 $execute0_lowered;
	[smem:$0x3FD2] =	sst s25  }
0xb5: {  	s5 =	sshll.u32 s26, $0x1;
	_ =	strace $0x80000049;
	[dreg:$0x1] =	wrdreg $0xFFFFFFFF  }
0xb6: {  	s28 =	simm.s32 $_size_execute0_lowered;
	s3 =	sadd.s32 s3, s5;
	[dreg:$0x0] =	wrdreg $0x0  }
0xb7: {  	s5 =	sshll.u32 s28, $0x1;
	[dreg:$0x2] =	wrdreg s3  }
0xb8: {  	[dreg:$0x3] =	wrdreg s5  }
0xb9: {  	[dreg:$0x4] =	wrdreg $0xC0  }
0xba: {  	_ =	task [dreg:s22], $0x5FFFF  }
0xbb: {  	[dreg:$0x1] =	wrdreg $0xFFFFFFFF  }
0xbc: {  	[dreg:$0x0] =	wrdreg $0x60  }
0xbd: {  	[dreg:$0x2] =	wrdreg s24  }
0xbe: {  	[dreg:$0x3] =	wrdreg $0x41000  }
0xbf: {  	[dreg:$0x4] =	wrdreg $0xB  }
0xc0: {  	_ =	task.clear_ibuf [dreg:s22], $0x5FFFF;
	_ =	strace $0x90000049  }
0xc1: {  	s29 =	simm.s32 $0xB;
	_ =	strace $0x8000004B  }
0xc2: {  	_ =	swait.ge [sflag:s29], $0x1  }
0xc3: {  	[sflag:s29] =	ssyncadd.s32 $0xFFFFFFFF  }
0xc4: {  	_ =	strace $0x9000004B  }
0xc5: {  	_ =	sfence  }
0xc6: {  	s30 =	sld [smem:$0x0];
	_ =	sdelay $0x2  }
0xc7: {  	s31 =	sshll.u32 s1, $0xD;
	s1 =	sshrl.u32 s1, $0x2  }
0xc8: {  	s4 =	sand.u32 $0x4000, s31;
	s1 =	sadd.s32 s1, s30  }
0xc9: {  	s0 =	sor.u32 s4, s0;
	s1 =	sshll.u32 s1, $0x11  }
0xca: {  	s0 =	sor.u32 s1, s0  }
0xcb: {  	s0 =	sadd.s32 $0x8F2B, s0  }
0xcc: {  	[sflag:s0] =	ssyncadd.remote.s32 $0x1  }
0xcd: {  	_ =	sfence.sel $0xFFFF  }
0xce: {  	[dreg:$0x0] =	wrdreg $0xFFFFFFFF;
	(pc) =	sbr.abs _section_cstart, $3  }
0xcf: {  	[dreg:$0x1] =	wrdreg $0xFFFFFFFF  }
0xd0: {  	_ =	task.clear_ibuf [dreg:s22], $0x2FFFF;
	_ =	strace $0x9FFFFFFF  }
0xd1: {  	(tm) =	ssettm $0x7FFFFFFF  }
tec
execute0_lowered:
.L_overlay_start_1:
0x0: {  	(tag) =	ssettag $0x1  }
0x1: {  	s5 =	rddreg [dreg:$0x0];
	s22 =	stileid.u32  }
0x2: {  	s0 =	srdreg.scid;
	s14 =	smul.u32 $0x280, s22  }
0x3: {  	s2 =	rddreg [dreg:$0x1];
	s24 =	smul.u32 $0x50000, s22  }
0x4: {  	s3 =	simm.s32 $0x0;
	s28 =	simm.s32 $0x0;
	s10 =	smul.u32 $0x2800, s22  }
0x5: {  	s6 =	sand.u32 $0x1, s0;
	[smem:$0x7FF] =	sst s3;
	s21 =	smul.u32 $0x500, s22  }
0x6: {  	s4 =	sadd.s32 $0x56600, s5;
	s15 =	sadd.s32 $0x7E600, s5;
	s7 =	smul.u32 $0x5000, s6  }
0x7: {  	s8 =	smul.u32 $0x2800, s6;
	_ =	strace $0x8000004A;
	s6 =	ssub.s32 $0x2, s6  }
0x8: {  	s9 =	sshrl.u32 s6, $0x1;
	s25 =	sadd.s32 $0x80, s14;
	s11 =	sadd.s32 $0x100, s14  }
0x9: {  	s12 =	sadd.s32 $0x180, s14;
	s19 =	sadd.s32 s7, s5;
	s23 =	sadd.s32 s14, s8  }
0xa: {  	s8 =	sshrl.u32 s24, $0x2;
	s6 =	ssub.s32 s6, s9;
	s26 =	sshll.u32 s25, $0x4  }
0xb: {  	s29 =	sshll.u32 s25, $0x7;
	s30 =	sshll.u32 s11, $0x4;
	s11 =	sshll.u32 s11, $0x7  }
0xc: {  	s13 =	sshll.u32 s12, $0x4;
	s16 =	sshll.u32 s12, $0x7;
	s14 =	sadd.s32 $0x200, s14  }
0xd: {  	s24 =	simm.s32 $0x2;
	s25 =	simm.s32 $0x80;
	s7 =	sshll.u32 s23, $0x4  }
0xe: {  	s6 =	smax.u32 s6, $0x1;
	s9 =	sadd.s32 s29, s2;
	s11 =	sadd.s32 s11, s2  }
0xf: {  	s12 =	sadd.s32 s15, s13;
	s13 =	sadd.s32 s16, s2;
	s31 =	sshll.u32 s14, $0x4  }
0x10: {  	s17 =	sshll.u32 s14, $0x7;
	s22 =	sadd.s32 s21, s19;
	s23 =	simm.s32 $0x100  }
0x11: {  	s20 =	sadd.s32 s7, s5;
	s5 =	sadd.s32 s8, s2;
	s7 =	sadd.s32 s15, s10  }
0x12: {  	s8 =	sadd.s32 s15, s26;
	s10 =	sadd.s32 s15, s30;
	s14 =	sadd.s32 s15, s31  }
0x13: {  	s15 =	sadd.s32 s17, s2;
	s21 =	sadd.s32 $0x4C600, s22;
	s22 =	sadd.s32 $0x6600, s22  }
0x14: {  	s26 =	simm.s32 $0x1;
	s16 =	sadd.s32 $0xA6600, s20;
	s17 =	sadd.s32 $0xA6E00, s20  }
0x15: {  	s18 =	sadd.s32 $0xA7600, s20;
	s19 =	sadd.s32 $0xA7E00, s20;
	s20 =	sadd.s32 $0xA8600, s20  }
.LBB2_1:
0x16: {  	[tilespmem:s23], [sflag:$0x2] =	stream.linear.gather [hbm4b:s7+s3], $0x4000, $0x38;
	[tilespmem:$0x18100] =	vst v63  }
0x17: {  	_ =	swait.ge [sflag:s24], $0x4000  }
0x18: {  	[sflag:s24] =	ssyncset.done $0x0  }
0x19: {  	[sflag:s24] =	ssyncadd.s32 $0xFFFFC000  }
0x1a: {  	[spmem:s5] =	stream.linear.scatter [tilespmem:s23], [sflag:$0x2], $0x4000, $0x38;
	[tilespmem:$0x18100] =	vst v63  }
0x1b: {  	_ =	swait.ge [sflag:s24], $0x4000  }
0x1c: {  	[sflag:s24] =	ssyncset.done $0x0  }
0x1d: {  	[sflag:s24] =	ssyncadd.s32 $0xFFFFC000  }
0x1e: {  	[tilespmem:s23], [sflag:$0x2] =	stream.linear.gather [hbm4b:s8+s3], $0x4000, $0x38;
	[tilespmem:$0x18100] =	vst v63  }
0x1f: {  	_ =	swait.ge [sflag:s24], $0x4000  }
0x20: {  	[sflag:s24] =	ssyncset.done $0x0  }
0x21: {  	[sflag:s24] =	ssyncadd.s32 $0xFFFFC000  }
0x22: {  	[spmem:s9] =	stream.linear.scatter [tilespmem:s23], [sflag:$0x2], $0x4000, $0x38;
	[tilespmem:$0x18100] =	vst v63  }
0x23: {  	_ =	swait.ge [sflag:s24], $0x4000  }
0x24: {  	[sflag:s24] =	ssyncset.done $0x0  }
0x25: {  	[sflag:s24] =	ssyncadd.s32 $0xFFFFC000  }
0x26: {  	[tilespmem:s23], [sflag:$0x2] =	stream.linear.gather [hbm4b:s10+s3], $0x4000, $0x38;
	[tilespmem:$0x18100] =	vst v63  }
0x27: {  	_ =	swait.ge [sflag:s24], $0x4000  }
0x28: {  	[sflag:s24] =	ssyncset.done $0x0  }
0x29: {  	[sflag:s24] =	ssyncadd.s32 $0xFFFFC000  }
0x2a: {  	[spmem:s11] =	stream.linear.scatter [tilespmem:s23], [sflag:$0x2], $0x4000, $0x38;
	[tilespmem:$0x18100] =	vst v63  }
0x2b: {  	_ =	swait.ge [sflag:s24], $0x4000  }
0x2c: {  	[sflag:s24] =	ssyncset.done $0x0  }
0x2d: {  	[sflag:s24] =	ssyncadd.s32 $0xFFFFC000  }
0x2e: {  	[tilespmem:s23], [sflag:$0x2] =	stream.linear.gather [hbm4b:s12+s3], $0x4000, $0x38;
	[tilespmem:$0x18100] =	vst v63  }
0x2f: {  	_ =	swait.ge [sflag:s24], $0x4000  }
0x30: {  	[sflag:s24] =	ssyncset.done $0x0  }
0x31: {  	[sflag:s24] =	ssyncadd.s32 $0xFFFFC000  }
0x32: {  	[spmem:s13] =	stream.linear.scatter [tilespmem:s23], [sflag:$0x2], $0x4000, $0x38;
	[tilespmem:$0x18100] =	vst v63  }
0x33: {  	_ =	swait.ge [sflag:s24], $0x4000  }
0x34: {  	[sflag:s24] =	ssyncset.done $0x0  }
0x35: {  	[sflag:s24] =	ssyncadd.s32 $0xFFFFC000  }
0x36: {  	[tilespmem:s23], [sflag:$0x2] =	stream.linear.gather [hbm4b:s14+s3], $0x4000, $0x38;
	[tilespmem:$0x18100] =	vst v63  }
0x37: {  	_ =	swait.ge [sflag:s24], $0x4000  }
0x38: {  	[sflag:s24] =	ssyncset.done $0x0  }
0x39: {  	[sflag:s24] =	ssyncadd.s32 $0xFFFFC000  }
0x3a: {  	[spmem:s15] =	stream.linear.scatter [tilespmem:s23], [sflag:$0x2], $0x4000, $0x38;
	[tilespmem:$0x18100] =	vst v63  }
0x3b: {  	_ =	swait.ge [sflag:s24], $0x4000  }
0x3c: {  	[sflag:s24] =	ssyncset.done $0x0  }
0x3d: {  	[sflag:s24] =	ssyncadd.s32 $0xFFFFC000  }
0x3e: {  	s29 =	sadd.s32 $0x0, s22;
	[bflag:$0x0] =	sbarrier.arrive $0xFFFF  }
0x3f: {  	[tilespmem:s25], [sflag:$0x2] =	stream.linear.gather [hbm4b:s29+s3], $0x80, $0x38;
	[tilespmem:$0x18100] =	vst v63  }
0x40: {  	_ =	swait.ge [sflag:s24], $0x80  }
0x41: {  	[sflag:s24] =	ssyncset.done $0x0  }
0x42: {  	s29 =	sadd.s32 $0x0, s21;
	[sflag:s24] =	ssyncadd.s32 $0xFFFFFF80  }
0x43: {  	[tilespmem:s3], [sflag:$0x2] =	stream.linear.gather [hbm4b:s29+s3], $0x80, $0x38;
	[tilespmem:$0x18100] =	vst v63  }
0x44: {  	_ =	swait.ge [sflag:s24], $0x80  }
0x45: {  	[sflag:s24] =	ssyncset.done $0x0  }
0x46: {  	[sflag:s24] =	ssyncadd.s32 $0xFFFFFF80  }
0x47: {  	[tilespmem:s23], [sflag:$0x1] =	stream.indirect.gather [hbm4b:s4+s25], $0x80, s3, s25, $0xb8;
	[tilespmem:$0x18100] =	vst v63  }
0x48: {  	_ =	swait.ge [sflag:s26], $0x4000  }
0x49: {  	[sflag:s26] =	ssyncset.done $0x0  }
0x4a: {  	[sflag:s26] =	ssyncadd.s32 $0xFFFFC000  }
0x4b: {  	[spmem:s2] =	stream.indirect.scatter.add.f32 [tilespmem:s23], [sflag:$0x2], $0x80, s25, s25, $0xb8;
	[tilespmem:$0x18100] =	vst v63  }
0x4c: {  	_ =	swait.ge [sflag:s24], $0x4000  }
0x4d: {  	s30 =	simm.s32 $0x20;
	s29 =	simm.s32 $0x10;
	[sflag:s24] =	ssyncset.done $0x0  }
.LBB2_2:
0x4e: {  	s31 =	sadd.s32 s29, s22  }
0x4f: {  	[sflag:s24] =	ssyncadd.s32 $0xFFFFC000;
	s0 =	smov.u32 s30;
	s1 =	sadd.s32 $0x10, s30  }
0x50: {  	[tilespmem:s25], [sflag:$0x2] =	stream.linear.gather [hbm4b:s31+s3], $0x80, $0x38;
	[tilespmem:$0x18100] =	vst v63  }
0x51: {  	p0 =	sne.s32 s30, $0x4F0;
	_ =	swait.ge [sflag:s24], $0x80  }
0x52: {  	[sflag:s24] =	ssyncset.done $0x0  }
0x53: {  	s30 =	sadd.s32 s29, s21;
	s29 =	smov.u32 s0;
	[sflag:s24] =	ssyncadd.s32 $0xFFFFFF80  }
0x54: {  	[tilespmem:s3], [sflag:$0x2] =	stream.linear.gather [hbm4b:s30+s3], $0x80, $0x38;
	[tilespmem:$0x18100] =	vst v63  }
0x55: {  	_ =	swait.ge [sflag:s24], $0x80  }
0x56: {  	[sflag:s24] =	ssyncset.done $0x0  }
0x57: {  	[sflag:s24] =	ssyncadd.s32 $0xFFFFFF80  }
0x58: {  	[tilespmem:s23], [sflag:$0x1] =	stream.indirect.gather [hbm4b:s4+s25], $0x80, s3, s25, $0xb8;
	[tilespmem:$0x18100] =	vst v63  }
0x59: {  	_ =	swait.ge [sflag:s26], $0x4000  }
.Ltmp0:
0x5a: {  	[sflag:s26] =	ssyncset.done $0x0;
	(pc) =	sbr.rel @p0 .LBB2_2-.Ltmp0, $4  }
0x5b: {  	[sflag:s26] =	ssyncadd.s32 $0xFFFFC000  }
0x5c: {  	[spmem:s2] =	stream.indirect.scatter.add.f32 [tilespmem:s23], [sflag:$0x2], $0x80, s25, s25, $0xb8;
	[tilespmem:$0x18100] =	vst v63  }
0x5d: {  	_ =	swait.ge [sflag:s24], $0x4000  }
0x5e: {  	s30 =	smov.u32 s1;
	[sflag:s24] =	ssyncset.done $0x0  }
0x5f: {  	s0 =	sadd.s32 s29, s22;
	[sflag:s24] =	ssyncadd.s32 $0xFFFFC000  }
0x60: {  	[tilespmem:s25], [sflag:$0x2] =	stream.linear.gather [hbm4b:s0+s3], $0x80, $0x38;
	[tilespmem:$0x18100] =	vst v63  }
0x61: {  	_ =	swait.ge [sflag:s24], $0x80  }
0x62: {  	[sflag:s24] =	ssyncset.done $0x0  }
0x63: {  	s31 =	sadd.s32 s29, s21;
	[sflag:s24] =	ssyncadd.s32 $0xFFFFFF80  }
0x64: {  	[tilespmem:s3], [sflag:$0x2] =	stream.linear.gather [hbm4b:s31+s3], $0x80, $0x38;
	[tilespmem:$0x18100] =	vst v63  }
0x65: {  	_ =	swait.ge [sflag:s24], $0x80  }
0x66: {  	[sflag:s24] =	ssyncset.done $0x0  }
0x67: {  	[sflag:s24] =	ssyncadd.s32 $0xFFFFFF80  }
0x68: {  	[tilespmem:s23], [sflag:$0x1] =	stream.indirect.gather [hbm4b:s4+s25], $0x80, s3, s25, $0xb8;
	[tilespmem:$0x18100] =	vst v63  }
0x69: {  	_ =	swait.ge [sflag:s26], $0x4000  }
0x6a: {  	[sflag:s26] =	ssyncset.done $0x0  }
0x6b: {  	[sflag:s26] =	ssyncadd.s32 $0xFFFFC000  }
0x6c: {  	[spmem:s2] =	stream.indirect.scatter.add.f32 [tilespmem:s23], [sflag:$0x2], $0x80, s25, s25, $0xb8;
	[tilespmem:$0x18100] =	vst v63  }
0x6d: {  	_ =	swait.ge [sflag:s24], $0x4000  }
0x6e: {  	[sflag:s24] =	ssyncset.done $0x0  }
0x6f: {  	[sflag:s24] =	ssyncadd.s32 $0xFFFFC000  }
0x70: {  	[bflag:$0x0] =	sbarrier.arrive $0xFFFF  }
0x71: {  	[tilespmem:s23], [sflag:$0x2] =	stream.linear.gather [spmem:s5], $0x4000, $0x38;
	[tilespmem:$0x18100] =	vst v63  }
0x72: {  	_ =	swait.ge [sflag:s24], $0x4000  }
0x73: {  	[sflag:s24] =	ssyncset.done $0x0  }
0x74: {  	[sflag:s24] =	ssyncadd.s32 $0xFFFFC000  }
0x75: {  	[hbm4b:s16+s3] =	stream.linear.scatter [tilespmem:s23], [sflag:$0x2], $0x4000, $0x38;
	[tilespmem:$0x18100] =	vst v63  }
0x76: {  	_ =	swait.ge [sflag:s24], $0x4000  }
0x77: {  	[sflag:s24] =	ssyncset.done $0x0  }
0x78: {  	[sflag:s24] =	ssyncadd.s32 $0xFFFFC000  }
0x79: {  	[tilespmem:s23], [sflag:$0x2] =	stream.linear.gather [spmem:s9], $0x4000, $0x38;
	[tilespmem:$0x18100] =	vst v63  }
0x7a: {  	_ =	swait.ge [sflag:s24], $0x4000  }
0x7b: {  	[sflag:s24] =	ssyncset.done $0x0  }
0x7c: {  	[sflag:s24] =	ssyncadd.s32 $0xFFFFC000  }
0x7d: {  	[hbm4b:s17+s3] =	stream.linear.scatter [tilespmem:s23], [sflag:$0x2], $0x4000, $0x38;
	[tilespmem:$0x18100] =	vst v63  }
0x7e: {  	_ =	swait.ge [sflag:s24], $0x4000  }
0x7f: {  	[sflag:s24] =	ssyncset.done $0x0  }
0x80: {  	[sflag:s24] =	ssyncadd.s32 $0xFFFFC000  }
0x81: {  	[tilespmem:s23], [sflag:$0x2] =	stream.linear.gather [spmem:s11], $0x4000, $0x38;
	[tilespmem:$0x18100] =	vst v63  }
0x82: {  	_ =	swait.ge [sflag:s24], $0x4000  }
0x83: {  	[sflag:s24] =	ssyncset.done $0x0  }
0x84: {  	[sflag:s24] =	ssyncadd.s32 $0xFFFFC000  }
0x85: {  	[hbm4b:s18+s3] =	stream.linear.scatter [tilespmem:s23], [sflag:$0x2], $0x4000, $0x38;
	[tilespmem:$0x18100] =	vst v63  }
0x86: {  	_ =	swait.ge [sflag:s24], $0x4000  }
0x87: {  	[sflag:s24] =	ssyncset.done $0x0  }
0x88: {  	[sflag:s24] =	ssyncadd.s32 $0xFFFFC000  }
0x89: {  	[tilespmem:s23], [sflag:$0x2] =	stream.linear.gather [spmem:s13], $0x4000, $0x38;
	[tilespmem:$0x18100] =	vst v63  }
0x8a: {  	_ =	swait.ge [sflag:s24], $0x4000  }
0x8b: {  	[sflag:s24] =	ssyncset.done $0x0  }
0x8c: {  	[sflag:s24] =	ssyncadd.s32 $0xFFFFC000  }
0x8d: {  	[hbm4b:s19+s3] =	stream.linear.scatter [tilespmem:s23], [sflag:$0x2], $0x4000, $0x38;
	[tilespmem:$0x18100] =	vst v63  }
0x8e: {  	_ =	swait.ge [sflag:s24], $0x4000  }
0x8f: {  	[sflag:s24] =	ssyncset.done $0x0  }
0x90: {  	[sflag:s24] =	ssyncadd.s32 $0xFFFFC000  }
0x91: {  	[tilespmem:s23], [sflag:$0x2] =	stream.linear.gather [spmem:s15], $0x4000, $0x38;
	[tilespmem:$0x18100] =	vst v63  }
0x92: {  	s28 =	sadd.s32 $0x1, s28;
	_ =	swait.ge [sflag:s24], $0x4000  }
0x93: {  	p0 =	sne.s32 s28, s6;
	[sflag:s24] =	ssyncset.done $0x0  }
.Ltmp1:
0x94: {  	[sflag:s24] =	ssyncadd.s32 $0xFFFFC000;
	(pc) =	sbr.rel @p0 .LBB2_1-.Ltmp1, $4  }
0x95: {  	[hbm4b:s20+s3] =	stream.linear.scatter [tilespmem:s23], [sflag:$0x2], $0x4000, $0x38;
	[tilespmem:$0x18100] =	vst v63  }
0x96: {  	_ =	swait.ge [sflag:s24], $0x4000  }
0x97: {  	[sflag:s24] =	ssyncset.done $0x0  }
0x98: {  	[sflag:s24] =	ssyncadd.s32 $0xFFFFC000  }
0x99: {  	_ =	sfence.sel $0x180000  }
0x9a: {  	[bflag:$0x0] =	sbarrier.arrive $0xFFFF  }
0x9b: {  	_ =	strace $0x9000004A  }
0x9c: {  	s0 =	stileid.u32;
	[bflag:$0x2] =	sbarrier.arrive $0xFFFF  }
0x9d: {  	p0 =	sne.s32 s0, $0x0;
	s0 =	rddreg [dreg:$0x2]  }
0x9e: {  	s0 =	sadd.s32 @!p0 $0x100000, s0  }
0x9f: {  	[sflag:s0] =	ssyncadd.tile.s32 @!p0 $0x1;
	_ =	shalt  }
.Lfunc_end2:
_tile_overlayer_lowered:
.L_overlay_start_2:
0xa0: {  	(tag) =	ssettag $0x2  }
0xa1: {  	s0 =	rddreg [dreg:$0x0];
	s2 =	stileid.u32  }
0xa2: {  	s1 =	rddreg [dreg:$0x1];
	p0 =	sne.s32 s2, $0x0  }
0xa3: {  	s3 =	rddreg [dreg:$0x2];
	[bflag:$0x3] =	sbarrier.arrive $0xFFFF;
	s2 =	simm.s32 @!p0 $0x1C02  }
0xa4: {  	[timem:s3], [sflag:s2] =	dma.local @!p0 [hbm:s0], s1  }
0xa5: {  	s0 =	simm.s32 @!p0 $0x2  }
0xa6: {  	_ =	swait.ge @!p0 [sflag:s0], s1  }
0xa7: {  	s1 =	ssub.s32 @!p0 $0x0, s1;
	[sflag:s0] =	ssyncset.done @!p0 $0x0  }
0xa8: {  	[sflag:s0] =	ssyncadd.s32 @!p0 s1  }
0xa9: {  	[bflag:$0x3] =	sbarrier.arrive $0xFFFF  }
0xaa: {  	_ =	shalt  }

// kernel: kernel.9.cloned.1.call-start
scs
__scs_entry_jumppad:
0x0: {  	(pc) =	sbr.rel $0x88, $3  }
0x1: {  	(tag) =	ssettag $0x0;
	lr =	simm.s32 $0x1  }
0x2: {  	[smem:$0x3F68] =	sst lr;
	_ =	strace $0xD0000000  }
0x3: {  	_ = 	snop  }
0x4: {  	_ = 	snop  }
0x5: {  	_ = 	snop  }
0x6: {  	_ = 	snop  }
0x7: {  	_ = 	snop  }
__scs_overlays_trampoline_lowered:
0x8: {  	[smem:$0x3F77] =	sst s0  }
0x9: {  	[smem:$0x3F78] =	sst s1  }
0xa: {  	[smem:$0x3F79] =	sst s2  }
0xb: {  	[smem:$0x3F7A] =	sst s3  }
0xc: {  	[smem:$0x3F7B] =	sst s4  }
0xd: {  	[smem:$0x3F7C] =	sst s5  }
0xe: {  	[smem:$0x3F7D] =	sst s6  }
0xf: {  	[smem:$0x3F7E] =	sst s7  }
0x10: {  	[smem:$0x3F7F] =	sst s8  }
0x11: {  	[smem:$0x3F80] =	sst s9;
	s0 =	simm.s32 @!p0 $0x0  }
0x12: {  	s1 =	sld [smem:$0x3F66];
	s0 =	simm.s32 @p0 $0x1  }
0x13: {  	[smem:$0x3F81] =	sst s0;
	s0 =	simm.s32 @!p1 $0x0  }
0x14: {  	s2 =	sld [smem:$0x3F65];
	s0 =	simm.s32 @p1 $0x1  }
0x15: {  	[smem:$0x3F82] =	sst s0;
	s0 =	simm.s32 @!p2 $0x0  }
0x16: {  	s3 =	sld [smem:$0x3FDB];
	s0 =	simm.s32 @p2 $0x1  }
0x17: {  	s4 =	simm.s32 $0x1BF5;
	[smem:$0x3F84] =	sst s0  }
0x18: {  	s0 =	sld [smem:$0x3F67];
	_ =	swait.ge [sflag:s4], $0x0  }
0x19: {  	s7 =	sld [smem:$0x3F68]  }
0x1a: {  	s8 =	sadd.s32 $0xFFFFE003, lr  }
0x1b: {  	s9 =	sadd.s32 $0xFFFFFEF7, lr;
	s5 =	simm.s32 $0xFFFFFFFF;
	p2 =	slt.u32 s8, $0xFFFFF086  }
0x1c: {  	p1 =	slt.u32 s9, $0xF7A;
	s5 =	simm.s32 @!p2 $0x0  }
0x1d: {  	s5 =	simm.s32 @p1 $0x1;
	p0 =	seq.s32 s7, s2  }
0x1e: {  	s7 =	smul.u32 @!p0 $0xF7A, s2;
	p2 =	seq.s32 @!p0 s5, $0x0  }
0x1f: {  	s9 =	smul.u32 $0xF7A, s1;
	s8 =	simm.s32 @!p0 $0x1BF5;
	p2 =	por !p2, p0  }
0x20: {  	[sflag:s8] =	ssyncset.s32 @!p0 $0xFFFFF086;
	s6 =	sadd.s32 @!p0 s3, s7;
	s7 =	simm.s32 @!p0 $0x108  }
0x21: {  	s3 =	sadd.s32 s3, s9;
	s6 =	sadd.s32 @!p0 $0x88, s6;
	s7 =	simm.s32 @p2 $0x1082  }
0x22: {  	[simem:s7], [sflag:s8] =	dma.local @!p0 [hbm:s6], $0xF7A  }
0x23: {  	s9 =	sor.u32 $0xD0000000, s2;
	s6 =	simm.s32 $0x108;
	_ =	swait.ge @!p0 [sflag:s8], $0x0  }
0x24: {  	s3 =	sadd.s32 $0x88, s3;
	s6 =	simm.s32 @!p1 $0x1082;
	[sflag:s4] =	ssyncset.s32 $0xFFFFF086  }
0x25: {  	[simem:s6], [sflag:s4] =	dma.local [hbm:s3], $0xF7A  }
0x26: {  	[smem:$0x3F68] =	sst s1;
	(tag) =	ssettag s2;
	_ =	strace s9  }
0x27: {  	s1 =	sld [smem:$0x3F78]  }
0x28: {  	s2 =	sld [smem:$0x3F79]  }
0x29: {  	s4 =	sld [smem:$0x3F7B]  }
0x2a: {  	p0 =	seq.s32 s5, $0x0;
	s5 =	sld [smem:$0x3F7C]  }
0x2b: {  	s6 =	sld [smem:$0x3F7D]  }
0x2c: {  	s7 =	sld [smem:$0x3F7E]  }
0x2d: {  	s3 =	simm.s32 $0x108;
	s8 =	sld [smem:$0x3F7F]  }
0x2e: {  	s3 =	simm.s32 @!p0 $0x1082;
	s9 =	sld [smem:$0x3F80]  }
0x2f: {  	lr =	sadd.s32 s0, s3;
	s0 =	sld [smem:$0x3F77]  }
0x30: {  	s3 =	sld [smem:$0x3F7A]  }
0x31: {  	[smem:$0x3F83] =	sst s10  }
0x32: {  	s10 =	sld [smem:$0x3F81];
	_ =	sdelay $0x3  }
0x33: {  	p0 =	seq.s32 s10, $0x1;
	s10 =	sld [smem:$0x3F83];
	_ =	sdelay $0x3  }
0x34: {  	[smem:$0x3F83] =	sst s10  }
0x35: {  	s10 =	sld [smem:$0x3F82];
	_ =	sdelay $0x3  }
0x36: {  	p1 =	seq.s32 s10, $0x1;
	s10 =	sld [smem:$0x3F83];
	_ =	sdelay $0x3  }
0x37: {  	[smem:$0x3F83] =	sst s10  }
0x38: {  	s10 =	sld [smem:$0x3F84]  }
0x39: {  	_ = 	snop;
	(pc) =	sbr.ind lr, $3  }
0x3a: {  	_ = 	snop  }
0x3b: {  	_ = 	snop  }
0x3c: {  	p2 =	seq.s32 s10, $0x1;
	s10 =	sld [smem:$0x3F83]  }
0x3d: {  	_ =	shalt  }
0x3e: {  	_ =	shalt  }
0x3f: {  	_ =	shalt  }
0x40: {  	_ =	shalt  }
0x41: {  	_ =	shalt  }
0x42: {  	_ =	shalt  }
0x43: {  	_ =	shalt  }
0x44: {  	_ =	shalt  }
0x45: {  	_ =	shalt  }
0x46: {  	_ =	shalt  }
0x47: {  	_ =	shalt  }
0x48: {  	_ =	shalt  }
0x49: {  	_ =	shalt  }
0x4a: {  	_ =	shalt  }
0x4b: {  	_ =	shalt  }
0x4c: {  	_ =	shalt  }
0x4d: {  	_ =	shalt  }
0x4e: {  	_ =	shalt  }
0x4f: {  	_ =	shalt  }
0x50: {  	_ =	shalt  }
0x51: {  	_ =	shalt  }
0x52: {  	_ =	shalt  }
0x53: {  	_ =	shalt  }
0x54: {  	_ =	shalt  }
0x55: {  	_ =	shalt  }
0x56: {  	_ =	shalt  }
0x57: {  	_ =	shalt  }
0x58: {  	_ =	shalt  }
0x59: {  	_ =	shalt  }
0x5a: {  	_ =	shalt  }
0x5b: {  	_ =	shalt  }
0x5c: {  	_ =	shalt  }
0x5d: {  	_ =	shalt  }
0x5e: {  	_ =	shalt  }
0x5f: {  	_ =	shalt  }
0x60: {  	_ =	shalt  }
0x61: {  	_ =	shalt  }
0x62: {  	_ =	shalt  }
0x63: {  	_ =	shalt  }
0x64: {  	_ =	shalt  }
0x65: {  	_ =	shalt  }
0x66: {  	_ =	shalt  }
0x67: {  	_ =	shalt  }
0x68: {  	_ =	shalt  }
0x69: {  	_ =	shalt  }
0x6a: {  	_ =	shalt  }
0x6b: {  	_ =	shalt  }
0x6c: {  	_ =	shalt  }
0x6d: {  	_ =	shalt  }
0x6e: {  	_ =	shalt  }
0x6f: {  	_ =	shalt  }
0x70: {  	_ =	shalt  }
0x71: {  	_ =	shalt  }
0x72: {  	_ =	shalt  }
0x73: {  	_ =	shalt  }
0x74: {  	_ =	shalt  }
0x75: {  	_ =	shalt  }
0x76: {  	_ =	shalt  }
0x77: {  	_ =	shalt  }
0x78: {  	_ =	shalt  }
0x79: {  	_ =	shalt  }
0x7a: {  	_ =	shalt  }
0x7b: {  	_ =	shalt  }
0x7c: {  	_ =	shalt  }
0x7d: {  	_ =	shalt  }
0x7e: {  	_ =	shalt  }
0x7f: {  	_ =	shalt  }
0x80: {  	_ =	shalt  }
0x81: {  	_ =	shalt  }
0x82: {  	_ =	shalt  }
0x83: {  	_ =	shalt  }
0x84: {  	_ =	shalt  }
0x85: {  	_ =	shalt  }
0x86: {  	_ =	shalt  }
0x87: {  	_ =	shalt  }
.Lfunc_end0:
.L_simem_size_0:
called_computation.3_lowered:
.L_overlay_start_0:
0x88: {  	s2 =	sld [smem:$0x3FD9]  }
0x89: {  	s3 =	sld [smem:$0x3FFE];
	_ =	sdelay $0x1  }
0x8a: {  	s1 =	srdreg.scid  }
0x8b: {  	s0 =	sand.u32 $0x1, s1  }
0x8c: {  	s17 =	sshll.u32 s0, $0xA;
	s2 =	sadd.s32 s3, s2  }
0x8d: {  	s2 =	sadd.s32 s2, s17  }
0x8e: {  	[smem:$0x3F8F] =	sst s2  }
0x8f: {  	_ = 	snop  }
0x90: {  	(tm) =	ssettm $0x1  }
0x91: {  	s18 =	sld [smem:$0x3FFB];
	_ =	sdelay $0x3  }
0x92: {  	_ =	strace s18  }
0x93: {  	s2 =	sld [smem:$0x3FFC];
	_ =	sdelay $0x3  }
0x94: {  	_ =	strace s2  }
0x95: {  	s2 =	sld [smem:$0x3FFD];
	_ =	sdelay $0x3  }
0x96: {  	_ =	strace s2  }
0x97: {  	_ =	strace $0x8FFFFFFF  }
0x98: {  	s19 =	sld [smem:$0x3FDB];
	_ =	sdelay $0x1  }
0x99: {  	s20 =	simm.s32 $_scs_section_size  }
0x9a: {  	s4 =	simm.s32 $_size__tile_overlayer_lowered;
	s5 =	simm.s32 $_tile_overlayer_lowered  }
0x9b: {  	s6 =	simm.s32 $0x1BFF;
	s21 =	sshll.u32 s5, $0x1;
	s3 =	sadd.s32 s20, s19  }
0x9c: {  	s22 =	simm.s32 $0x0;
	s4 =	sshll.u32 s4, $0x1;
	s5 =	sadd.s32 s21, s3  }
0x9d: {  	[timem:s22], [sflag:s6] =	dma.local [hbm:s5], s4  }
0x9e: {  	_ =	swait.ge [sflag:s6], s4  }
0x9f: {  	s4 =	ssub.s32 $0x0, s4;
	[sflag:s6] =	ssyncset.done $0x0  }
0xa0: {  	[sflag:s6] =	ssyncadd.s32 s4;
	_ =	sdelay $0x1  }
0xa1: {  	s23 =	simm.s32 $0x1B8B  }
0xa2: {  	_ =	swait.ge [sflag:s23], $0x1  }
0xa3: {  	[sflag:s23] =	ssyncset.done $0x0  }
0xa4: {  	[sflag:s23] =	ssyncadd.s32 $0xFFFFFFFF  }
0xa5: {  	s4 =	sld [smem:$0x0]  }
0xa6: {  	s5 =	sand.u32 $0xFFFFFFFE, s1  }
0xa7: {  	p0 =	sne.s32 s1, s5  }
0xa8: {  	s5 =	sshll.u32 @p0 s5, $0xE  }
0xa9: {  	s5 =	sadd.s32 @p0 $0x11B8D, s5;
	s6 =	sshll.u32 @p0 s4, $0x11  }
0xaa: {  	s5 =	sor.u32 @p0 s6, s5  }
0xab: {  	[sflag:s5] =	ssyncadd.remote.s32 @p0 $0x1;
	_ =	sdelay $0x1  }
0xac: {  	s5 =	simm.s32 @p0 $0x1B8D  }
0xad: {  	_ =	swait.eq @p0 [sflag:s5], $0x1  }
0xae: {  	[sflag:s5] =	ssyncadd.s32 @p0 $0xFFFFFFFF  }
0xaf: {  	s6 =	sshll.u32 @!p0 s1, $0xE  }
0xb0: {  	s6 =	sor.u32 @!p0 $0x4000, s6;
	s5 =	simm.s32 @!p0 $0x1B8D  }
0xb1: {  	s4 =	sshll.u32 @!p0 s4, $0x11;
	s6 =	sadd.s32 @!p0 $0x11B8D, s6;
	_ =	swait.eq @!p0 [sflag:s5], $0x1  }
0xb2: {  	s4 =	sor.u32 @!p0 s4, s6;
	[sflag:s5] =	ssyncadd.s32 @!p0 $0xFFFFFFFF  }
0xb3: {  	s25 =	simm.s32 $0x1B8E;
	s24 =	sld [smem:$0x3FFE];
	[sflag:s4] =	ssyncadd.remote.s32 @!p0 $0x1  }
0xb4: {  	s26 =	simm.s32 $execute0_lowered;
	[smem:$0x3FD2] =	sst s25  }
0xb5: {  	s5 =	sshll.u32 s26, $0x1;
	_ =	strace $0x8000004F;
	[dreg:$0x1] =	wrdreg $0xFFFFFFFF  }
0xb6: {  	s28 =	simm.s32 $_size_execute0_lowered;
	s3 =	sadd.s32 s3, s5;
	[dreg:$0x0] =	wrdreg $0x0  }
0xb7: {  	s5 =	sshll.u32 s28, $0x1;
	[dreg:$0x2] =	wrdreg s3  }
0xb8: {  	[dreg:$0x3] =	wrdreg s5  }
0xb9: {  	[dreg:$0x4] =	wrdreg $0xC0  }
0xba: {  	_ =	task [dreg:s22], $0x5FFFF  }
0xbb: {  	[dreg:$0x1] =	wrdreg $0xFFFFFFFF  }
0xbc: {  	[dreg:$0x0] =	wrdreg $0x60  }
0xbd: {  	[dreg:$0x2] =	wrdreg s24  }
0xbe: {  	[dreg:$0x3] =	wrdreg $0x41000  }
0xbf: {  	[dreg:$0x4] =	wrdreg $0xA  }
0xc0: {  	_ =	task.clear_ibuf [dreg:s22], $0x5FFFF;
	_ =	strace $0x9000004F  }
0xc1: {  	s29 =	simm.s32 $0xA;
	_ =	strace $0x80000051  }
0xc2: {  	_ =	swait.ge [sflag:s29], $0x1  }
0xc3: {  	[sflag:s29] =	ssyncadd.s32 $0xFFFFFFFF  }
0xc4: {  	_ =	strace $0x90000051  }
0xc5: {  	_ =	sfence  }
0xc6: {  	s30 =	sld [smem:$0x0];
	_ =	sdelay $0x2  }
0xc7: {  	s31 =	sshll.u32 s1, $0xD;
	s1 =	sshrl.u32 s1, $0x2  }
0xc8: {  	s4 =	sand.u32 $0x4000, s31;
	s1 =	sadd.s32 s1, s30  }
0xc9: {  	s0 =	sor.u32 s4, s0;
	s1 =	sshll.u32 s1, $0x11  }
0xca: {  	s0 =	sor.u32 s1, s0  }
0xcb: {  	s0 =	sadd.s32 $0x8F2B, s0  }
0xcc: {  	[sflag:s0] =	ssyncadd.remote.s32 $0x1  }
0xcd: {  	_ =	sfence.sel $0xFFFF  }
0xce: {  	[dreg:$0x0] =	wrdreg $0xFFFFFFFF;
	(pc) =	sbr.abs _section_cstart, $3  }
0xcf: {  	[dreg:$0x1] =	wrdreg $0xFFFFFFFF  }
0xd0: {  	_ =	task.clear_ibuf [dreg:s22], $0x2FFFF;
	_ =	strace $0x9FFFFFFF  }
0xd1: {  	(tm) =	ssettm $0x7FFFFFFF  }
tec
execute0_lowered:
.L_overlay_start_1:
0x0: {  	(tag) =	ssettag $0x1  }
0x1: {  	s5 =	rddreg [dreg:$0x0];
	s22 =	stileid.u32  }
0x2: {  	s0 =	srdreg.scid;
	s14 =	smul.u32 $0x280, s22  }
0x3: {  	s2 =	rddreg [dreg:$0x1];
	s24 =	smul.u32 $0x50000, s22  }
0x4: {  	s3 =	simm.s32 $0x0;
	s28 =	simm.s32 $0x0;
	s10 =	smul.u32 $0x2800, s22  }
0x5: {  	s6 =	sand.u32 $0x1, s0;
	[smem:$0x7FF] =	sst s3;
	s21 =	smul.u32 $0x500, s22  }
0x6: {  	s4 =	sadd.s32 $0x56600, s5;
	s15 =	sadd.s32 $0x7E600, s5;
	s7 =	smul.u32 $0x5000, s6  }
0x7: {  	s8 =	smul.u32 $0x2800, s6;
	_ =	strace $0x80000050;
	s6 =	ssub.s32 $0x2, s6  }
0x8: {  	s9 =	sshrl.u32 s6, $0x1;
	s25 =	sadd.s32 $0x80, s14;
	s11 =	sadd.s32 $0x100, s14  }
0x9: {  	s12 =	sadd.s32 $0x180, s14;
	s19 =	sadd.s32 s7, s5;
	s23 =	sadd.s32 s14, s8  }
0xa: {  	s8 =	sshrl.u32 s24, $0x2;
	s6 =	ssub.s32 s6, s9;
	s26 =	sshll.u32 s25, $0x4  }
0xb: {  	s29 =	sshll.u32 s25, $0x7;
	s30 =	sshll.u32 s11, $0x4;
	s11 =	sshll.u32 s11, $0x7  }
0xc: {  	s13 =	sshll.u32 s12, $0x4;
	s16 =	sshll.u32 s12, $0x7;
	s14 =	sadd.s32 $0x200, s14  }
0xd: {  	s24 =	simm.s32 $0x2;
	s25 =	simm.s32 $0x80;
	s7 =	sshll.u32 s23, $0x4  }
0xe: {  	s6 =	smax.u32 s6, $0x1;
	s9 =	sadd.s32 s29, s2;
	s11 =	sadd.s32 s11, s2  }
0xf: {  	s12 =	sadd.s32 s15, s13;
	s13 =	sadd.s32 s16, s2;
	s31 =	sshll.u32 s14, $0x4  }
0x10: {  	s17 =	sshll.u32 s14, $0x7;
	s22 =	sadd.s32 s21, s19;
	s23 =	simm.s32 $0x100  }
0x11: {  	s20 =	sadd.s32 s7, s5;
	s5 =	sadd.s32 s8, s2;
	s7 =	sadd.s32 s15, s10  }
0x12: {  	s8 =	sadd.s32 s15, s26;
	s10 =	sadd.s32 s15, s30;
	s14 =	sadd.s32 s15, s31  }
0x13: {  	s15 =	sadd.s32 s17, s2;
	s21 =	sadd.s32 $0x4C600, s22;
	s22 =	sadd.s32 $0x6600, s22  }
0x14: {  	s26 =	simm.s32 $0x1;
	s16 =	sadd.s32 $0xA6600, s20;
	s17 =	sadd.s32 $0xA6E00, s20  }
0x15: {  	s18 =	sadd.s32 $0xA7600, s20;
	s19 =	sadd.s32 $0xA7E00, s20;
	s20 =	sadd.s32 $0xA8600, s20  }
.LBB2_1:
0x16: {  	[tilespmem:s23], [sflag:$0x2] =	stream.linear.gather [hbm4b:s7+s3], $0x4000, $0x38;
	[tilespmem:$0x18100] =	vst v63  }
0x17: {  	_ =	swait.ge [sflag:s24], $0x4000  }
0x18: {  	[sflag:s24] =	ssyncset.done $0x0  }
0x19: {  	[sflag:s24] =	ssyncadd.s32 $0xFFFFC000  }
0x1a: {  	[spmem:s5] =	stream.linear.scatter [tilespmem:s23], [sflag:$0x2], $0x4000, $0x38;
	[tilespmem:$0x18100] =	vst v63  }
0x1b: {  	_ =	swait.ge [sflag:s24], $0x4000  }
0x1c: {  	[sflag:s24] =	ssyncset.done $0x0  }
0x1d: {  	[sflag:s24] =	ssyncadd.s32 $0xFFFFC000  }
0x1e: {  	[tilespmem:s23], [sflag:$0x2] =	stream.linear.gather [hbm4b:s8+s3], $0x4000, $0x38;
	[tilespmem:$0x18100] =	vst v63  }
0x1f: {  	_ =	swait.ge [sflag:s24], $0x4000  }
0x20: {  	[sflag:s24] =	ssyncset.done $0x0  }
0x21: {  	[sflag:s24] =	ssyncadd.s32 $0xFFFFC000  }
0x22: {  	[spmem:s9] =	stream.linear.scatter [tilespmem:s23], [sflag:$0x2], $0x4000, $0x38;
	[tilespmem:$0x18100] =	vst v63  }
0x23: {  	_ =	swait.ge [sflag:s24], $0x4000  }
0x24: {  	[sflag:s24] =	ssyncset.done $0x0  }
0x25: {  	[sflag:s24] =	ssyncadd.s32 $0xFFFFC000  }
0x26: {  	[tilespmem:s23], [sflag:$0x2] =	stream.linear.gather [hbm4b:s10+s3], $0x4000, $0x38;
	[tilespmem:$0x18100] =	vst v63  }
0x27: {  	_ =	swait.ge [sflag:s24], $0x4000  }
0x28: {  	[sflag:s24] =	ssyncset.done $0x0  }
0x29: {  	[sflag:s24] =	ssyncadd.s32 $0xFFFFC000  }
0x2a: {  	[spmem:s11] =	stream.linear.scatter [tilespmem:s23], [sflag:$0x2], $0x4000, $0x38;
	[tilespmem:$0x18100] =	vst v63  }
0x2b: {  	_ =	swait.ge [sflag:s24], $0x4000  }
0x2c: {  	[sflag:s24] =	ssyncset.done $0x0  }
0x2d: {  	[sflag:s24] =	ssyncadd.s32 $0xFFFFC000  }
0x2e: {  	[tilespmem:s23], [sflag:$0x2] =	stream.linear.gather [hbm4b:s12+s3], $0x4000, $0x38;
	[tilespmem:$0x18100] =	vst v63  }
0x2f: {  	_ =	swait.ge [sflag:s24], $0x4000  }
0x30: {  	[sflag:s24] =	ssyncset.done $0x0  }
0x31: {  	[sflag:s24] =	ssyncadd.s32 $0xFFFFC000  }
0x32: {  	[spmem:s13] =	stream.linear.scatter [tilespmem:s23], [sflag:$0x2], $0x4000, $0x38;
	[tilespmem:$0x18100] =	vst v63  }
0x33: {  	_ =	swait.ge [sflag:s24], $0x4000  }
0x34: {  	[sflag:s24] =	ssyncset.done $0x0  }
0x35: {  	[sflag:s24] =	ssyncadd.s32 $0xFFFFC000  }
0x36: {  	[tilespmem:s23], [sflag:$0x2] =	stream.linear.gather [hbm4b:s14+s3], $0x4000, $0x38;
	[tilespmem:$0x18100] =	vst v63  }
0x37: {  	_ =	swait.ge [sflag:s24], $0x4000  }
0x38: {  	[sflag:s24] =	ssyncset.done $0x0  }
0x39: {  	[sflag:s24] =	ssyncadd.s32 $0xFFFFC000  }
0x3a: {  	[spmem:s15] =	stream.linear.scatter [tilespmem:s23], [sflag:$0x2], $0x4000, $0x38;
	[tilespmem:$0x18100] =	vst v63  }
0x3b: {  	_ =	swait.ge [sflag:s24], $0x4000  }
0x3c: {  	[sflag:s24] =	ssyncset.done $0x0  }
0x3d: {  	[sflag:s24] =	ssyncadd.s32 $0xFFFFC000  }
0x3e: {  	s29 =	sadd.s32 $0x0, s22;
	[bflag:$0x0] =	sbarrier.arrive $0xFFFF  }
0x3f: {  	[tilespmem:s25], [sflag:$0x2] =	stream.linear.gather [hbm4b:s29+s3], $0x80, $0x38;
	[tilespmem:$0x18100] =	vst v63  }
0x40: {  	_ =	swait.ge [sflag:s24], $0x80  }
0x41: {  	[sflag:s24] =	ssyncset.done $0x0  }
0x42: {  	s29 =	sadd.s32 $0x0, s21;
	[sflag:s24] =	ssyncadd.s32 $0xFFFFFF80  }
0x43: {  	[tilespmem:s3], [sflag:$0x2] =	stream.linear.gather [hbm4b:s29+s3], $0x80, $0x38;
	[tilespmem:$0x18100] =	vst v63  }
0x44: {  	_ =	swait.ge [sflag:s24], $0x80  }
0x45: {  	[sflag:s24] =	ssyncset.done $0x0  }
0x46: {  	[sflag:s24] =	ssyncadd.s32 $0xFFFFFF80  }
0x47: {  	[tilespmem:s23], [sflag:$0x1] =	stream.indirect.gather [hbm4b:s4+s25], $0x80, s3, s25, $0xb8;
	[tilespmem:$0x18100] =	vst v63  }
0x48: {  	_ =	swait.ge [sflag:s26], $0x4000  }
0x49: {  	[sflag:s26] =	ssyncset.done $0x0  }
0x4a: {  	[sflag:s26] =	ssyncadd.s32 $0xFFFFC000  }
0x4b: {  	[spmem:s2] =	stream.indirect.scatter.add.f32 [tilespmem:s23], [sflag:$0x2], $0x80, s25, s25, $0xb8;
	[tilespmem:$0x18100] =	vst v63  }
0x4c: {  	_ =	swait.ge [sflag:s24], $0x4000  }
0x4d: {  	s30 =	simm.s32 $0x20;
	s29 =	simm.s32 $0x10;
	[sflag:s24] =	ssyncset.done $0x0  }
.LBB2_2:
0x4e: {  	s31 =	sadd.s32 s29, s22  }
0x4f: {  	[sflag:s24] =	ssyncadd.s32 $0xFFFFC000;
	s0 =	smov.u32 s30;
	s1 =	sadd.s32 $0x10, s30  }
0x50: {  	[tilespmem:s25], [sflag:$0x2] =	stream.linear.gather [hbm4b:s31+s3], $0x80, $0x38;
	[tilespmem:$0x18100] =	vst v63  }
0x51: {  	p0 =	sne.s32 s30, $0x4F0;
	_ =	swait.ge [sflag:s24], $0x80  }
0x52: {  	[sflag:s24] =	ssyncset.done $0x0  }
0x53: {  	s30 =	sadd.s32 s29, s21;
	s29 =	smov.u32 s0;
	[sflag:s24] =	ssyncadd.s32 $0xFFFFFF80  }
0x54: {  	[tilespmem:s3], [sflag:$0x2] =	stream.linear.gather [hbm4b:s30+s3], $0x80, $0x38;
	[tilespmem:$0x18100] =	vst v63  }
0x55: {  	_ =	swait.ge [sflag:s24], $0x80  }
0x56: {  	[sflag:s24] =	ssyncset.done $0x0  }
0x57: {  	[sflag:s24] =	ssyncadd.s32 $0xFFFFFF80  }
0x58: {  	[tilespmem:s23], [sflag:$0x1] =	stream.indirect.gather [hbm4b:s4+s25], $0x80, s3, s25, $0xb8;
	[tilespmem:$0x18100] =	vst v63  }
0x59: {  	_ =	swait.ge [sflag:s26], $0x4000  }
.Ltmp0:
0x5a: {  	[sflag:s26] =	ssyncset.done $0x0;
	(pc) =	sbr.rel @p0 .LBB2_2-.Ltmp0, $4  }
0x5b: {  	[sflag:s26] =	ssyncadd.s32 $0xFFFFC000  }
0x5c: {  	[spmem:s2] =	stream.indirect.scatter.add.f32 [tilespmem:s23], [sflag:$0x2], $0x80, s25, s25, $0xb8;
	[tilespmem:$0x18100] =	vst v63  }
0x5d: {  	_ =	swait.ge [sflag:s24], $0x4000  }
0x5e: {  	s30 =	smov.u32 s1;
	[sflag:s24] =	ssyncset.done $0x0  }
0x5f: {  	s0 =	sadd.s32 s29, s22;
	[sflag:s24] =	ssyncadd.s32 $0xFFFFC000  }
0x60: {  	[tilespmem:s25], [sflag:$0x2] =	stream.linear.gather [hbm4b:s0+s3], $0x80, $0x38;
	[tilespmem:$0x18100] =	vst v63  }
0x61: {  	_ =	swait.ge [sflag:s24], $0x80  }
0x62: {  	[sflag:s24] =	ssyncset.done $0x0  }
0x63: {  	s31 =	sadd.s32 s29, s21;
	[sflag:s24] =	ssyncadd.s32 $0xFFFFFF80  }
0x64: {  	[tilespmem:s3], [sflag:$0x2] =	stream.linear.gather [hbm4b:s31+s3], $0x80, $0x38;
	[tilespmem:$0x18100] =	vst v63  }
0x65: {  	_ =	swait.ge [sflag:s24], $0x80  }
0x66: {  	[sflag:s24] =	ssyncset.done $0x0  }
0x67: {  	[sflag:s24] =	ssyncadd.s32 $0xFFFFFF80  }
0x68: {  	[tilespmem:s23], [sflag:$0x1] =	stream.indirect.gather [hbm4b:s4+s25], $0x80, s3, s25, $0xb8;
	[tilespmem:$0x18100] =	vst v63  }
0x69: {  	_ =	swait.ge [sflag:s26], $0x4000  }
0x6a: {  	[sflag:s26] =	ssyncset.done $0x0  }
0x6b: {  	[sflag:s26] =	ssyncadd.s32 $0xFFFFC000  }
0x6c: {  	[spmem:s2] =	stream.indirect.scatter.add.f32 [tilespmem:s23], [sflag:$0x2], $0x80, s25, s25, $0xb8;
	[tilespmem:$0x18100] =	vst v63  }
0x6d: {  	_ =	swait.ge [sflag:s24], $0x4000  }
0x6e: {  	[sflag:s24] =	ssyncset.done $0x0  }
0x6f: {  	[sflag:s24] =	ssyncadd.s32 $0xFFFFC000  }
0x70: {  	[bflag:$0x0] =	sbarrier.arrive $0xFFFF  }
0x71: {  	[tilespmem:s23], [sflag:$0x2] =	stream.linear.gather [spmem:s5], $0x4000, $0x38;
	[tilespmem:$0x18100] =	vst v63  }
0x72: {  	_ =	swait.ge [sflag:s24], $0x4000  }
0x73: {  	[sflag:s24] =	ssyncset.done $0x0  }
0x74: {  	[sflag:s24] =	ssyncadd.s32 $0xFFFFC000  }
0x75: {  	[hbm4b:s16+s3] =	stream.linear.scatter [tilespmem:s23], [sflag:$0x2], $0x4000, $0x38;
	[tilespmem:$0x18100] =	vst v63  }
0x76: {  	_ =	swait.ge [sflag:s24], $0x4000  }
0x77: {  	[sflag:s24] =	ssyncset.done $0x0  }
0x78: {  	[sflag:s24] =	ssyncadd.s32 $0xFFFFC000  }
0x79: {  	[tilespmem:s23], [sflag:$0x2] =	stream.linear.gather [spmem:s9], $0x4000, $0x38;
	[tilespmem:$0x18100] =	vst v63  }
0x7a: {  	_ =	swait.ge [sflag:s24], $0x4000  }
0x7b: {  	[sflag:s24] =	ssyncset.done $0x0  }
0x7c: {  	[sflag:s24] =	ssyncadd.s32 $0xFFFFC000  }
0x7d: {  	[hbm4b:s17+s3] =	stream.linear.scatter [tilespmem:s23], [sflag:$0x2], $0x4000, $0x38;
	[tilespmem:$0x18100] =	vst v63  }
0x7e: {  	_ =	swait.ge [sflag:s24], $0x4000  }
0x7f: {  	[sflag:s24] =	ssyncset.done $0x0  }
0x80: {  	[sflag:s24] =	ssyncadd.s32 $0xFFFFC000  }
0x81: {  	[tilespmem:s23], [sflag:$0x2] =	stream.linear.gather [spmem:s11], $0x4000, $0x38;
	[tilespmem:$0x18100] =	vst v63  }
0x82: {  	_ =	swait.ge [sflag:s24], $0x4000  }
0x83: {  	[sflag:s24] =	ssyncset.done $0x0  }
0x84: {  	[sflag:s24] =	ssyncadd.s32 $0xFFFFC000  }
0x85: {  	[hbm4b:s18+s3] =	stream.linear.scatter [tilespmem:s23], [sflag:$0x2], $0x4000, $0x38;
	[tilespmem:$0x18100] =	vst v63  }
0x86: {  	_ =	swait.ge [sflag:s24], $0x4000  }
0x87: {  	[sflag:s24] =	ssyncset.done $0x0  }
0x88: {  	[sflag:s24] =	ssyncadd.s32 $0xFFFFC000  }
0x89: {  	[tilespmem:s23], [sflag:$0x2] =	stream.linear.gather [spmem:s13], $0x4000, $0x38;
	[tilespmem:$0x18100] =	vst v63  }
0x8a: {  	_ =	swait.ge [sflag:s24], $0x4000  }
0x8b: {  	[sflag:s24] =	ssyncset.done $0x0  }
0x8c: {  	[sflag:s24] =	ssyncadd.s32 $0xFFFFC000  }
0x8d: {  	[hbm4b:s19+s3] =	stream.linear.scatter [tilespmem:s23], [sflag:$0x2], $0x4000, $0x38;
	[tilespmem:$0x18100] =	vst v63  }
0x8e: {  	_ =	swait.ge [sflag:s24], $0x4000  }
0x8f: {  	[sflag:s24] =	ssyncset.done $0x0  }
0x90: {  	[sflag:s24] =	ssyncadd.s32 $0xFFFFC000  }
0x91: {  	[tilespmem:s23], [sflag:$0x2] =	stream.linear.gather [spmem:s15], $0x4000, $0x38;
	[tilespmem:$0x18100] =	vst v63  }
0x92: {  	s28 =	sadd.s32 $0x1, s28;
	_ =	swait.ge [sflag:s24], $0x4000  }
0x93: {  	p0 =	sne.s32 s28, s6;
	[sflag:s24] =	ssyncset.done $0x0  }
.Ltmp1:
0x94: {  	[sflag:s24] =	ssyncadd.s32 $0xFFFFC000;
	(pc) =	sbr.rel @p0 .LBB2_1-.Ltmp1, $4  }
0x95: {  	[hbm4b:s20+s3] =	stream.linear.scatter [tilespmem:s23], [sflag:$0x2], $0x4000, $0x38;
	[tilespmem:$0x18100] =	vst v63  }
0x96: {  	_ =	swait.ge [sflag:s24], $0x4000  }
0x97: {  	[sflag:s24] =	ssyncset.done $0x0  }
0x98: {  	[sflag:s24] =	ssyncadd.s32 $0xFFFFC000  }
0x99: {  	_ =	sfence.sel $0x180000  }
0x9a: {  	[bflag:$0x0] =	sbarrier.arrive $0xFFFF  }
0x9b: {  	_ =	strace $0x90000050  }
0x9c: {  	s0 =	stileid.u32;
	[bflag:$0x2] =	sbarrier.arrive $0xFFFF  }
0x9d: {  	p0 =	sne.s32 s0, $0x0;
	s0 =	rddreg [dreg:$0x2]  }
0x9e: {  	s0 =	sadd.s32 @!p0 $0x100000, s0  }
0x9f: {  	[sflag:s0] =	ssyncadd.tile.s32 @!p0 $0x1;
	_ =	shalt  }
.Lfunc_end2:
_tile_overlayer_lowered:
.L_overlay_start_2:
0xa0: {  	(tag) =	ssettag $0x2  }
0xa1: {  	s0 =	rddreg [dreg:$0x0];
	s2 =	stileid.u32  }
0xa2: {  	s1 =	rddreg [dreg:$0x1];
	p0 =	sne.s32 s2, $0x0  }
0xa3: {  	s3 =	rddreg [dreg:$0x2];
	[bflag:$0x3] =	sbarrier.arrive $0xFFFF;
	s2 =	simm.s32 @!p0 $0x1C02  }
0xa4: {  	[timem:s3], [sflag:s2] =	dma.local @!p0 [hbm:s0], s1  }
0xa5: {  	s0 =	simm.s32 @!p0 $0x2  }
0xa6: {  	_ =	swait.ge @!p0 [sflag:s0], s1  }
0xa7: {  	s1 =	ssub.s32 @!p0 $0x0, s1;
	[sflag:s0] =	ssyncset.done @!p0 $0x0  }
0xa8: {  	[sflag:s0] =	ssyncadd.s32 @!p0 s1  }
0xa9: {  	[bflag:$0x3] =	sbarrier.arrive $0xFFFF  }
0xaa: {  	_ =	shalt  }

// kernel: scatter_offload_async_start.1
scs
__scs_entry_jumppad:
0x0: {  	(pc) =	sbr.rel $0x88, $3  }
0x1: {  	(tag) =	ssettag $0x0;
	lr =	simm.s32 $0x1  }
0x2: {  	[smem:$0x3F68] =	sst lr;
	_ =	strace $0xD0000000  }
0x3: {  	_ = 	snop  }
0x4: {  	_ = 	snop  }
0x5: {  	_ = 	snop  }
0x6: {  	_ = 	snop  }
0x7: {  	_ = 	snop  }
__scs_overlays_trampoline_lowered:
0x8: {  	[smem:$0x3F77] =	sst s0  }
0x9: {  	[smem:$0x3F78] =	sst s1  }
0xa: {  	[smem:$0x3F79] =	sst s2  }
0xb: {  	[smem:$0x3F7A] =	sst s3  }
0xc: {  	[smem:$0x3F7B] =	sst s4  }
0xd: {  	[smem:$0x3F7C] =	sst s5  }
0xe: {  	[smem:$0x3F7D] =	sst s6  }
0xf: {  	[smem:$0x3F7E] =	sst s7  }
0x10: {  	[smem:$0x3F7F] =	sst s8  }
0x11: {  	[smem:$0x3F80] =	sst s9;
	s0 =	simm.s32 @!p0 $0x0  }
0x12: {  	s1 =	sld [smem:$0x3F66];
	s0 =	simm.s32 @p0 $0x1  }
0x13: {  	[smem:$0x3F81] =	sst s0;
	s0 =	simm.s32 @!p1 $0x0  }
0x14: {  	s2 =	sld [smem:$0x3F65];
	s0 =	simm.s32 @p1 $0x1  }
0x15: {  	[smem:$0x3F82] =	sst s0;
	s0 =	simm.s32 @!p2 $0x0  }
0x16: {  	s3 =	sld [smem:$0x3FDB];
	s0 =	simm.s32 @p2 $0x1  }
0x17: {  	s4 =	simm.s32 $0x1BF5;
	[smem:$0x3F84] =	sst s0  }
0x18: {  	s0 =	sld [smem:$0x3F67];
	_ =	swait.ge [sflag:s4], $0x0  }
0x19: {  	s7 =	sld [smem:$0x3F68]  }
0x1a: {  	s8 =	sadd.s32 $0xFFFFE003, lr  }
0x1b: {  	s9 =	sadd.s32 $0xFFFFFEF7, lr;
	s5 =	simm.s32 $0xFFFFFFFF;
	p2 =	slt.u32 s8, $0xFFFFF086  }
0x1c: {  	p1 =	slt.u32 s9, $0xF7A;
	s5 =	simm.s32 @!p2 $0x0  }
0x1d: {  	s5 =	simm.s32 @p1 $0x1;
	p0 =	seq.s32 s7, s2  }
0x1e: {  	s7 =	smul.u32 @!p0 $0xF7A, s2;
	p2 =	seq.s32 @!p0 s5, $0x0  }
0x1f: {  	s9 =	smul.u32 $0xF7A, s1;
	s8 =	simm.s32 @!p0 $0x1BF5;
	p2 =	por !p2, p0  }
0x20: {  	[sflag:s8] =	ssyncset.s32 @!p0 $0xFFFFF086;
	s6 =	sadd.s32 @!p0 s3, s7;
	s7 =	simm.s32 @!p0 $0x108  }
0x21: {  	s3 =	sadd.s32 s3, s9;
	s6 =	sadd.s32 @!p0 $0x88, s6;
	s7 =	simm.s32 @p2 $0x1082  }
0x22: {  	[simem:s7], [sflag:s8] =	dma.local @!p0 [hbm:s6], $0xF7A  }
0x23: {  	s9 =	sor.u32 $0xD0000000, s2;
	s6 =	simm.s32 $0x108;
	_ =	swait.ge @!p0 [sflag:s8], $0x0  }
0x24: {  	s3 =	sadd.s32 $0x88, s3;
	s6 =	simm.s32 @!p1 $0x1082;
	[sflag:s4] =	ssyncset.s32 $0xFFFFF086  }
0x25: {  	[simem:s6], [sflag:s4] =	dma.local [hbm:s3], $0xF7A  }
0x26: {  	[smem:$0x3F68] =	sst s1;
	(tag) =	ssettag s2;
	_ =	strace s9  }
0x27: {  	s1 =	sld [smem:$0x3F78]  }
0x28: {  	s2 =	sld [smem:$0x3F79]  }
0x29: {  	s4 =	sld [smem:$0x3F7B]  }
0x2a: {  	p0 =	seq.s32 s5, $0x0;
	s5 =	sld [smem:$0x3F7C]  }
0x2b: {  	s6 =	sld [smem:$0x3F7D]  }
0x2c: {  	s7 =	sld [smem:$0x3F7E]  }
0x2d: {  	s3 =	simm.s32 $0x108;
	s8 =	sld [smem:$0x3F7F]  }
0x2e: {  	s3 =	simm.s32 @!p0 $0x1082;
	s9 =	sld [smem:$0x3F80]  }
0x2f: {  	lr =	sadd.s32 s0, s3;
	s0 =	sld [smem:$0x3F77]  }
0x30: {  	s3 =	sld [smem:$0x3F7A]  }
0x31: {  	[smem:$0x3F83] =	sst s10  }
0x32: {  	s10 =	sld [smem:$0x3F81];
	_ =	sdelay $0x3  }
0x33: {  	p0 =	seq.s32 s10, $0x1;
	s10 =	sld [smem:$0x3F83];
	_ =	sdelay $0x3  }
0x34: {  	[smem:$0x3F83] =	sst s10  }
0x35: {  	s10 =	sld [smem:$0x3F82];
	_ =	sdelay $0x3  }
0x36: {  	p1 =	seq.s32 s10, $0x1;
	s10 =	sld [smem:$0x3F83];
	_ =	sdelay $0x3  }
0x37: {  	[smem:$0x3F83] =	sst s10  }
0x38: {  	s10 =	sld [smem:$0x3F84]  }
0x39: {  	_ = 	snop;
	(pc) =	sbr.ind lr, $3  }
0x3a: {  	_ = 	snop  }
0x3b: {  	_ = 	snop  }
0x3c: {  	p2 =	seq.s32 s10, $0x1;
	s10 =	sld [smem:$0x3F83]  }
0x3d: {  	_ =	shalt  }
0x3e: {  	_ =	shalt  }
0x3f: {  	_ =	shalt  }
0x40: {  	_ =	shalt  }
0x41: {  	_ =	shalt  }
0x42: {  	_ =	shalt  }
0x43: {  	_ =	shalt  }
0x44: {  	_ =	shalt  }
0x45: {  	_ =	shalt  }
0x46: {  	_ =	shalt  }
0x47: {  	_ =	shalt  }
0x48: {  	_ =	shalt  }
0x49: {  	_ =	shalt  }
0x4a: {  	_ =	shalt  }
0x4b: {  	_ =	shalt  }
0x4c: {  	_ =	shalt  }
0x4d: {  	_ =	shalt  }
0x4e: {  	_ =	shalt  }
0x4f: {  	_ =	shalt  }
0x50: {  	_ =	shalt  }
0x51: {  	_ =	shalt  }
0x52: {  	_ =	shalt  }
0x53: {  	_ =	shalt  }
0x54: {  	_ =	shalt  }
0x55: {  	_ =	shalt  }
0x56: {  	_ =	shalt  }
0x57: {  	_ =	shalt  }
0x58: {  	_ =	shalt  }
0x59: {  	_ =	shalt  }
0x5a: {  	_ =	shalt  }
0x5b: {  	_ =	shalt  }
0x5c: {  	_ =	shalt  }
0x5d: {  	_ =	shalt  }
0x5e: {  	_ =	shalt  }
0x5f: {  	_ =	shalt  }
0x60: {  	_ =	shalt  }
0x61: {  	_ =	shalt  }
0x62: {  	_ =	shalt  }
0x63: {  	_ =	shalt  }
0x64: {  	_ =	shalt  }
0x65: {  	_ =	shalt  }
0x66: {  	_ =	shalt  }
0x67: {  	_ =	shalt  }
0x68: {  	_ =	shalt  }
0x69: {  	_ =	shalt  }
0x6a: {  	_ =	shalt  }
0x6b: {  	_ =	shalt  }
0x6c: {  	_ =	shalt  }
0x6d: {  	_ =	shalt  }
0x6e: {  	_ =	shalt  }
0x6f: {  	_ =	shalt  }
0x70: {  	_ =	shalt  }
0x71: {  	_ =	shalt  }
0x72: {  	_ =	shalt  }
0x73: {  	_ =	shalt  }
0x74: {  	_ =	shalt  }
0x75: {  	_ =	shalt  }
0x76: {  	_ =	shalt  }
0x77: {  	_ =	shalt  }
0x78: {  	_ =	shalt  }
0x79: {  	_ =	shalt  }
0x7a: {  	_ =	shalt  }
0x7b: {  	_ =	shalt  }
0x7c: {  	_ =	shalt  }
0x7d: {  	_ =	shalt  }
0x7e: {  	_ =	shalt  }
0x7f: {  	_ =	shalt  }
0x80: {  	_ =	shalt  }
0x81: {  	_ =	shalt  }
0x82: {  	_ =	shalt  }
0x83: {  	_ =	shalt  }
0x84: {  	_ =	shalt  }
0x85: {  	_ =	shalt  }
0x86: {  	_ =	shalt  }
0x87: {  	_ =	shalt  }
.Lfunc_end0:
.L_simem_size_0:
called_computation.1_lowered:
.L_overlay_start_0:
0x88: {  	s2 =	sld [smem:$0x3FD9]  }
0x89: {  	s3 =	sld [smem:$0x3FFE];
	_ =	sdelay $0x1  }
0x8a: {  	s1 =	srdreg.scid  }
0x8b: {  	s0 =	sand.u32 $0x1, s1  }
0x8c: {  	s17 =	sshll.u32 s0, $0xA;
	s2 =	sadd.s32 s3, s2  }
0x8d: {  	s2 =	sadd.s32 s2, s17  }
0x8e: {  	[smem:$0x3F8F] =	sst s2  }
0x8f: {  	_ = 	snop  }
0x90: {  	(tm) =	ssettm $0x1  }
0x91: {  	s18 =	sld [smem:$0x3FFB];
	_ =	sdelay $0x3  }
0x92: {  	_ =	strace s18  }
0x93: {  	s2 =	sld [smem:$0x3FFC];
	_ =	sdelay $0x3  }
0x94: {  	_ =	strace s2  }
0x95: {  	s2 =	sld [smem:$0x3FFD];
	_ =	sdelay $0x3  }
0x96: {  	_ =	strace s2  }
0x97: {  	_ =	strace $0x8FFFFFFF  }
0x98: {  	s19 =	sld [smem:$0x3FDB];
	_ =	sdelay $0x1  }
0x99: {  	s20 =	simm.s32 $_scs_section_size  }
0x9a: {  	s4 =	simm.s32 $_size__tile_overlayer_lowered;
	s5 =	simm.s32 $_tile_overlayer_lowered  }
0x9b: {  	s6 =	simm.s32 $0x1BFF;
	s21 =	sshll.u32 s5, $0x1;
	s3 =	sadd.s32 s20, s19  }
0x9c: {  	s22 =	simm.s32 $0x0;
	s4 =	sshll.u32 s4, $0x1;
	s5 =	sadd.s32 s21, s3  }
0x9d: {  	[timem:s22], [sflag:s6] =	dma.local [hbm:s5], s4  }
0x9e: {  	_ =	swait.ge [sflag:s6], s4  }
0x9f: {  	s4 =	ssub.s32 $0x0, s4;
	[sflag:s6] =	ssyncset.done $0x0  }
0xa0: {  	[sflag:s6] =	ssyncadd.s32 s4;
	_ =	sdelay $0x1  }
0xa1: {  	s23 =	simm.s32 $0x1B8B  }
0xa2: {  	_ =	swait.ge [sflag:s23], $0x1  }
0xa3: {  	[sflag:s23] =	ssyncset.done $0x0  }
0xa4: {  	[sflag:s23] =	ssyncadd.s32 $0xFFFFFFFF  }
0xa5: {  	s4 =	sld [smem:$0x0]  }
0xa6: {  	s5 =	sand.u32 $0xFFFFFFFE, s1  }
0xa7: {  	p0 =	sne.s32 s1, s5  }
0xa8: {  	s5 =	sshll.u32 @p0 s5, $0xE  }
0xa9: {  	s5 =	sadd.s32 @p0 $0x11B8D, s5;
	s6 =	sshll.u32 @p0 s4, $0x11  }
0xaa: {  	s5 =	sor.u32 @p0 s6, s5  }
0xab: {  	[sflag:s5] =	ssyncadd.remote.s32 @p0 $0x1;
	_ =	sdelay $0x1  }
0xac: {  	s5 =	simm.s32 @p0 $0x1B8D  }
0xad: {  	_ =	swait.eq @p0 [sflag:s5], $0x1  }
0xae: {  	[sflag:s5] =	ssyncadd.s32 @p0 $0xFFFFFFFF  }
0xaf: {  	s6 =	sshll.u32 @!p0 s1, $0xE  }
0xb0: {  	s6 =	sor.u32 @!p0 $0x4000, s6;
	s5 =	simm.s32 @!p0 $0x1B8D  }
0xb1: {  	s7 =	sshll.u32 @!p0 s4, $0x11;
	s6 =	sadd.s32 @!p0 $0x11B8D, s6;
	_ =	swait.eq @!p0 [sflag:s5], $0x1  }
0xb2: {  	[sflag:s5] =	ssyncadd.s32 @!p0 $0xFFFFFFFF;
	s5 =	sor.u32 @!p0 s7, s6  }
0xb3: {  	s25 =	simm.s32 $0x1B8E;
	s24 =	sld [smem:$0x3FFE];
	[sflag:s5] =	ssyncadd.remote.s32 @!p0 $0x1  }
0xb4: {  	s26 =	simm.s32 $execute0_lowered;
	[smem:$0x3FD2] =	sst s25  }
0xb5: {  	s6 =	sshll.u32 s26, $0x1;
	_ =	strace $0x8000004C;
	[dreg:$0x1] =	wrdreg $0xFFFFFFFF  }
0xb6: {  	s28 =	simm.s32 $_size_execute0_lowered;
	s3 =	sadd.s32 s3, s6;
	[dreg:$0x0] =	wrdreg $0x0  }
0xb7: {  	s6 =	sshll.u32 s28, $0x1;
	[dreg:$0x2] =	wrdreg s3  }
0xb8: {  	[dreg:$0x3] =	wrdreg s6  }
0xb9: {  	[dreg:$0x4] =	wrdreg $0xC0  }
0xba: {  	_ =	task [dreg:s22], $0x5FFFF  }
0xbb: {  	[dreg:$0x1] =	wrdreg $0xFFFFFFFF  }
0xbc: {  	[dreg:$0x0] =	wrdreg $0x60  }
0xbd: {  	[dreg:$0x2] =	wrdreg s24  }
0xbe: {  	[dreg:$0x3] =	wrdreg s1  }
0xbf: {  	[dreg:$0x4] =	wrdreg s4  }
0xc0: {  	[dreg:$0x5] =	wrdreg $0x9  }
0xc1: {  	_ =	task.clear_ibuf [dreg:s22], $0x6FFFF;
	_ =	strace $0x9000004C  }
0xc2: {  	s29 =	simm.s32 $0x9;
	_ =	strace $0x8000004E  }
0xc3: {  	_ =	swait.ge [sflag:s29], $0x1  }
0xc4: {  	[sflag:s29] =	ssyncadd.s32 $0xFFFFFFFF  }
0xc5: {  	_ =	strace $0x9000004E  }
0xc6: {  	_ =	sfence  }
0xc7: {  	s30 =	sld [smem:$0x0];
	_ =	sdelay $0x2  }
0xc8: {  	s31 =	sshll.u32 s1, $0xD;
	s1 =	sshrl.u32 s1, $0x2  }
0xc9: {  	s4 =	sand.u32 $0x4000, s31;
	s1 =	sadd.s32 s1, s30  }
0xca: {  	s0 =	sor.u32 s4, s0;
	s1 =	sshll.u32 s1, $0x11  }
0xcb: {  	s0 =	sor.u32 s1, s0  }
0xcc: {  	s0 =	sadd.s32 $0x8F2B, s0  }
0xcd: {  	[sflag:s0] =	ssyncadd.remote.s32 $0x1  }
0xce: {  	_ =	sfence.sel $0xFFFF  }
0xcf: {  	[dreg:$0x0] =	wrdreg $0xFFFFFFFF;
	(pc) =	sbr.abs _section_cstart, $3  }
0xd0: {  	[dreg:$0x1] =	wrdreg $0xFFFFFFFF  }
0xd1: {  	_ =	task.clear_ibuf [dreg:s22], $0x2FFFF;
	_ =	strace $0x9FFFFFFF  }
0xd2: {  	(tm) =	ssettm $0x7FFFFFFF  }
0xd3: {  	_ =	shalt  }
tec
execute0_lowered:
.L_overlay_start_1:
0x0: {  	(tag) =	ssettag $0x1  }
0x1: {  	s11 =	rddreg [dreg:$0x0]  }
0x2: {  	s2 =	rddreg [dreg:$0x1];
	_ =	strace $0x8000004D;
	s12 =	simm.s32 $0x1  }
0x3: {  	v0 =	vimm.s32 $0x0;
	[sflag:s12] =	ssyncpa.u1 $0x0  }
0x4: {  	[tilespmem:$0x28] =	vst v0  }
0x5: {  	[tilespmem:$0x38] =	vst v0  }
0x6: {  	[tilespmem:$0x48] =	vst v0  }
0x7: {  	[tilespmem:$0x58] =	vst v0  }
0x8: {  	[tilespmem:$0x68] =	vst v0  }
0x9: {  	[tilespmem:$0x78] =	vst v0  }
0xa: {  	[tilespmem:$0x88] =	vst v0  }
0xb: {  	[tilespmem:$0x98] =	vst v0  }
0xc: {  	[tilespmem:$0xA8] =	vst v0  }
0xd: {  	[tilespmem:$0xB8] =	vst v0  }
0xe: {  	[tilespmem:$0xC8] =	vst v0  }
0xf: {  	[tilespmem:$0xD8] =	vst v0  }
0x10: {  	[tilespmem:$0xE8] =	vst v0  }
0x11: {  	[tilespmem:$0xF8] =	vst v0  }
0x12: {  	[tilespmem:$0x108] =	vst v0  }
0x13: {  	[tilespmem:$0x118] =	vst v0  }
0x14: {  	[tilespmem:$0x128] =	vst v0  }
0x15: {  	[tilespmem:$0x138] =	vst v0  }
0x16: {  	[tilespmem:$0x148] =	vst v0  }
0x17: {  	[tilespmem:$0x158] =	vst v0  }
0x18: {  	[tilespmem:$0x168] =	vst v0  }
0x19: {  	[tilespmem:$0x178] =	vst v0  }
0x1a: {  	[tilespmem:$0x188] =	vst v0  }
0x1b: {  	[tilespmem:$0x198] =	vst v0  }
0x1c: {  	[tilespmem:$0x1A8] =	vst v0  }
0x1d: {  	[tilespmem:$0x1B8] =	vst v0  }
0x1e: {  	[tilespmem:$0x1C8] =	vst v0  }
0x1f: {  	[tilespmem:$0x1D8] =	vst v0  }
0x20: {  	[tilespmem:$0x1E8] =	vst v0  }
0x21: {  	[tilespmem:$0x1F8] =	vst v0  }
0x22: {  	[tilespmem:$0x208] =	vst v0  }
0x23: {  	[tilespmem:$0x218] =	vst v0  }
0x24: {  	[tilespmem:$0x228] =	vst v0  }
0x25: {  	[tilespmem:$0x238] =	vst v0  }
0x26: {  	[tilespmem:$0x248] =	vst v0  }
0x27: {  	[tilespmem:$0x258] =	vst v0  }
0x28: {  	[tilespmem:$0x268] =	vst v0  }
0x29: {  	[tilespmem:$0x278] =	vst v0  }
0x2a: {  	[tilespmem:$0x288] =	vst v0  }
0x2b: {  	[tilespmem:$0x298] =	vst v0  }
0x2c: {  	[tilespmem:$0x2A8] =	vst v0  }
0x2d: {  	[tilespmem:$0x2B8] =	vst v0  }
0x2e: {  	[tilespmem:$0x2C8] =	vst v0  }
0x2f: {  	[tilespmem:$0x2D8] =	vst v0  }
0x30: {  	[tilespmem:$0x2E8] =	vst v0  }
0x31: {  	[tilespmem:$0x2F8] =	vst v0  }
0x32: {  	[tilespmem:$0x308] =	vst v0  }
0x33: {  	[tilespmem:$0x318] =	vst v0  }
0x34: {  	[tilespmem:$0x328] =	vst v0  }
0x35: {  	[tilespmem:$0x338] =	vst v0  }
0x36: {  	[tilespmem:$0x348] =	vst v0  }
0x37: {  	[tilespmem:$0x358] =	vst v0  }
0x38: {  	[tilespmem:$0x368] =	vst v0  }
0x39: {  	[tilespmem:$0x378] =	vst v0  }
0x3a: {  	[tilespmem:$0x388] =	vst v0  }
0x3b: {  	[tilespmem:$0x398] =	vst v0  }
0x3c: {  	[tilespmem:$0x3A8] =	vst v0  }
0x3d: {  	[tilespmem:$0x3B8] =	vst v0  }
0x3e: {  	[tilespmem:$0x3C8] =	vst v0  }
0x3f: {  	[tilespmem:$0x3D8] =	vst v0  }
0x40: {  	[tilespmem:$0x3E8] =	vst v0  }
0x41: {  	[tilespmem:$0x3F8] =	vst v0  }
0x42: {  	[tilespmem:$0x408] =	vst v0  }
0x43: {  	[tilespmem:$0x418] =	vst v0  }
0x44: {  	[tilespmem:$0x428] =	vst v0  }
0x45: {  	[tilespmem:$0x438] =	vst v0  }
0x46: {  	[tilespmem:$0x448] =	vst v0  }
0x47: {  	[tilespmem:$0x458] =	vst v0  }
0x48: {  	[tilespmem:$0x468] =	vst v0  }
0x49: {  	[tilespmem:$0x478] =	vst v0  }
0x4a: {  	[tilespmem:$0x488] =	vst v0  }
0x4b: {  	[tilespmem:$0x498] =	vst v0  }
0x4c: {  	[tilespmem:$0x4A8] =	vst v0  }
0x4d: {  	[tilespmem:$0x4B8] =	vst v0  }
0x4e: {  	[tilespmem:$0x4C8] =	vst v0  }
0x4f: {  	[tilespmem:$0x4D8] =	vst v0  }
0x50: {  	[tilespmem:$0x4E8] =	vst v0  }
0x51: {  	[tilespmem:$0x4F8] =	vst v0  }
0x52: {  	[tilespmem:$0x508] =	vst v0  }
0x53: {  	[tilespmem:$0x518] =	vst v0  }
0x54: {  	[tilespmem:$0x528] =	vst v0  }
0x55: {  	[tilespmem:$0x538] =	vst v0  }
0x56: {  	[tilespmem:$0x548] =	vst v0  }
0x57: {  	[tilespmem:$0x558] =	vst v0  }
0x58: {  	[tilespmem:$0x568] =	vst v0  }
0x59: {  	[tilespmem:$0x578] =	vst v0  }
0x5a: {  	[tilespmem:$0x588] =	vst v0  }
0x5b: {  	[tilespmem:$0x598] =	vst v0  }
0x5c: {  	[tilespmem:$0x5A8] =	vst v0  }
0x5d: {  	[tilespmem:$0x5B8] =	vst v0  }
0x5e: {  	[tilespmem:$0x5C8] =	vst v0  }
0x5f: {  	[tilespmem:$0x5D8] =	vst v0  }
0x60: {  	[tilespmem:$0x5E8] =	vst v0  }
0x61: {  	[tilespmem:$0x5F8] =	vst v0  }
0x62: {  	[tilespmem:$0x608] =	vst v0  }
0x63: {  	[tilespmem:$0x618] =	vst v0  }
0x64: {  	[tilespmem:$0x628] =	vst v0  }
0x65: {  	[tilespmem:$0x638] =	vst v0  }
0x66: {  	[tilespmem:$0x648] =	vst v0  }
0x67: {  	[tilespmem:$0x658] =	vst v0  }
0x68: {  	[tilespmem:$0x668] =	vst v0  }
0x69: {  	[tilespmem:$0x678] =	vst v0  }
0x6a: {  	[tilespmem:$0x688] =	vst v0  }
0x6b: {  	[tilespmem:$0x698] =	vst v0  }
0x6c: {  	[tilespmem:$0x6A8] =	vst v0  }
0x6d: {  	[tilespmem:$0x6B8] =	vst v0  }
0x6e: {  	[tilespmem:$0x6C8] =	vst v0  }
0x6f: {  	[tilespmem:$0x6D8] =	vst v0  }
0x70: {  	[tilespmem:$0x6E8] =	vst v0  }
0x71: {  	[tilespmem:$0x6F8] =	vst v0  }
0x72: {  	[tilespmem:$0x708] =	vst v0  }
0x73: {  	[tilespmem:$0x718] =	vst v0  }
0x74: {  	[tilespmem:$0x728] =	vst v0  }
0x75: {  	[tilespmem:$0x738] =	vst v0  }
0x76: {  	[tilespmem:$0x748] =	vst v0  }
0x77: {  	[tilespmem:$0x758] =	vst v0  }
0x78: {  	[tilespmem:$0x768] =	vst v0  }
0x79: {  	[tilespmem:$0x778] =	vst v0  }
0x7a: {  	[tilespmem:$0x788] =	vst v0  }
0x7b: {  	[tilespmem:$0x798] =	vst v0  }
0x7c: {  	[tilespmem:$0x7A8] =	vst v0  }
0x7d: {  	[tilespmem:$0x7B8] =	vst v0  }
0x7e: {  	[tilespmem:$0x7C8] =	vst v0  }
0x7f: {  	[tilespmem:$0x7D8] =	vst v0  }
0x80: {  	[tilespmem:$0x7E8] =	vst v0  }
0x81: {  	[tilespmem:$0x7F8] =	vst v0  }
0x82: {  	[tilespmem:$0x808] =	vst v0  }
0x83: {  	[tilespmem:$0x818] =	vst v0  }
0x84: {  	[tilespmem:$0x828] =	vst v0  }
0x85: {  	[tilespmem:$0x838] =	vst v0  }
0x86: {  	[tilespmem:$0x848] =	vst v0  }
0x87: {  	[tilespmem:$0x858] =	vst v0  }
0x88: {  	[tilespmem:$0x868] =	vst v0  }
0x89: {  	[tilespmem:$0x878] =	vst v0  }
0x8a: {  	[tilespmem:$0x888] =	vst v0  }
0x8b: {  	[tilespmem:$0x898] =	vst v0  }
0x8c: {  	[tilespmem:$0x8A8] =	vst v0  }
0x8d: {  	[tilespmem:$0x8B8] =	vst v0  }
0x8e: {  	[tilespmem:$0x8C8] =	vst v0  }
0x8f: {  	[tilespmem:$0x8D8] =	vst v0  }
0x90: {  	[tilespmem:$0x8E8] =	vst v0  }
0x91: {  	[tilespmem:$0x8F8] =	vst v0  }
0x92: {  	[tilespmem:$0x908] =	vst v0  }
0x93: {  	[tilespmem:$0x918] =	vst v0  }
0x94: {  	[tilespmem:$0x928] =	vst v0  }
0x95: {  	[tilespmem:$0x938] =	vst v0  }
0x96: {  	[tilespmem:$0x948] =	vst v0  }
0x97: {  	[tilespmem:$0x958] =	vst v0  }
0x98: {  	[tilespmem:$0x968] =	vst v0  }
0x99: {  	[tilespmem:$0x978] =	vst v0  }
0x9a: {  	[tilespmem:$0x988] =	vst v0  }
0x9b: {  	[tilespmem:$0x998] =	vst v0  }
0x9c: {  	[tilespmem:$0x9A8] =	vst v0  }
0x9d: {  	[tilespmem:$0x9B8] =	vst v0  }
0x9e: {  	[tilespmem:$0x9C8] =	vst v0  }
0x9f: {  	[tilespmem:$0x9D8] =	vst v0  }
0xa0: {  	[tilespmem:$0x9E8] =	vst v0  }
0xa1: {  	[tilespmem:$0x9F8] =	vst v0  }
0xa2: {  	[tilespmem:$0xA08] =	vst v0  }
0xa3: {  	[tilespmem:$0xA18] =	vst v0  }
0xa4: {  	[tilespmem:$0xA28] =	vst v0  }
0xa5: {  	[tilespmem:$0xA38] =	vst v0  }
0xa6: {  	[tilespmem:$0xA48] =	vst v0  }
0xa7: {  	[tilespmem:$0xA58] =	vst v0  }
0xa8: {  	[tilespmem:$0xA68] =	vst v0  }
0xa9: {  	[tilespmem:$0xA78] =	vst v0  }
0xaa: {  	[tilespmem:$0xA88] =	vst v0  }
0xab: {  	[tilespmem:$0xA98] =	vst v0  }
0xac: {  	[tilespmem:$0xAA8] =	vst v0  }
0xad: {  	[tilespmem:$0xAB8] =	vst v0  }
0xae: {  	[tilespmem:$0xAC8] =	vst v0  }
0xaf: {  	[tilespmem:$0xAD8] =	vst v0  }
0xb0: {  	[tilespmem:$0xAE8] =	vst v0  }
0xb1: {  	[tilespmem:$0xAF8] =	vst v0  }
0xb2: {  	[tilespmem:$0xB08] =	vst v0  }
0xb3: {  	[tilespmem:$0xB18] =	vst v0  }
0xb4: {  	[tilespmem:$0xB28] =	vst v0  }
0xb5: {  	[tilespmem:$0xB38] =	vst v0  }
0xb6: {  	[tilespmem:$0xB48] =	vst v0  }
0xb7: {  	[tilespmem:$0xB58] =	vst v0  }
0xb8: {  	[tilespmem:$0xB68] =	vst v0  }
0xb9: {  	[tilespmem:$0xB78] =	vst v0  }
0xba: {  	[tilespmem:$0xB88] =	vst v0  }
0xbb: {  	[tilespmem:$0xB98] =	vst v0  }
0xbc: {  	[tilespmem:$0xBA8] =	vst v0  }
0xbd: {  	[tilespmem:$0xBB8] =	vst v0  }
0xbe: {  	[tilespmem:$0xBC8] =	vst v0  }
0xbf: {  	[tilespmem:$0xBD8] =	vst v0  }
0xc0: {  	[tilespmem:$0xBE8] =	vst v0  }
0xc1: {  	[tilespmem:$0xBF8] =	vst v0  }
0xc2: {  	[tilespmem:$0xC08] =	vst v0  }
0xc3: {  	[tilespmem:$0xC18] =	vst v0  }
0xc4: {  	[tilespmem:$0xC28] =	vst v0  }
0xc5: {  	[tilespmem:$0xC38] =	vst v0  }
0xc6: {  	[tilespmem:$0xC48] =	vst v0  }
0xc7: {  	[tilespmem:$0xC58] =	vst v0  }
0xc8: {  	[tilespmem:$0xC68] =	vst v0  }
0xc9: {  	[tilespmem:$0xC78] =	vst v0  }
0xca: {  	[tilespmem:$0xC88] =	vst v0  }
0xcb: {  	[tilespmem:$0xC98] =	vst v0  }
0xcc: {  	[tilespmem:$0xCA8] =	vst v0  }
0xcd: {  	[tilespmem:$0xCB8] =	vst v0  }
0xce: {  	[tilespmem:$0xCC8] =	vst v0  }
0xcf: {  	[tilespmem:$0xCD8] =	vst v0  }
0xd0: {  	[tilespmem:$0xCE8] =	vst v0  }
0xd1: {  	[tilespmem:$0xCF8] =	vst v0  }
0xd2: {  	[tilespmem:$0xD08] =	vst v0  }
0xd3: {  	[tilespmem:$0xD18] =	vst v0  }
0xd4: {  	[tilespmem:$0xD28] =	vst v0  }
0xd5: {  	[tilespmem:$0xD38] =	vst v0  }
0xd6: {  	[tilespmem:$0xD48] =	vst v0  }
0xd7: {  	[tilespmem:$0xD58] =	vst v0  }
0xd8: {  	[tilespmem:$0xD68] =	vst v0  }
0xd9: {  	[tilespmem:$0xD78] =	vst v0  }
0xda: {  	[tilespmem:$0xD88] =	vst v0  }
0xdb: {  	[tilespmem:$0xD98] =	vst v0  }
0xdc: {  	[tilespmem:$0xDA8] =	vst v0  }
0xdd: {  	[tilespmem:$0xDB8] =	vst v0  }
0xde: {  	[tilespmem:$0xDC8] =	vst v0  }
0xdf: {  	[tilespmem:$0xDD8] =	vst v0  }
0xe0: {  	[tilespmem:$0xDE8] =	vst v0  }
0xe1: {  	[tilespmem:$0xDF8] =	vst v0  }
0xe2: {  	[tilespmem:$0xE08] =	vst v0  }
0xe3: {  	[tilespmem:$0xE18] =	vst v0  }
0xe4: {  	[tilespmem:$0xE28] =	vst v0  }
0xe5: {  	[tilespmem:$0xE38] =	vst v0  }
0xe6: {  	[tilespmem:$0xE48] =	vst v0  }
0xe7: {  	[tilespmem:$0xE58] =	vst v0  }
0xe8: {  	[tilespmem:$0xE68] =	vst v0  }
0xe9: {  	[tilespmem:$0xE78] =	vst v0  }
0xea: {  	[tilespmem:$0xE88] =	vst v0  }
0xeb: {  	[tilespmem:$0xE98] =	vst v0  }
0xec: {  	[tilespmem:$0xEA8] =	vst v0  }
0xed: {  	[tilespmem:$0xEB8] =	vst v0  }
0xee: {  	[tilespmem:$0xEC8] =	vst v0  }
0xef: {  	[tilespmem:$0xED8] =	vst v0  }
0xf0: {  	[tilespmem:$0xEE8] =	vst v0  }
0xf1: {  	[tilespmem:$0xEF8] =	vst v0  }
0xf2: {  	[tilespmem:$0xF08] =	vst v0  }
0xf3: {  	[tilespmem:$0xF18] =	vst v0  }
0xf4: {  	[tilespmem:$0xF28] =	vst v0  }
0xf5: {  	[tilespmem:$0xF38] =	vst v0  }
0xf6: {  	[tilespmem:$0xF48] =	vst v0  }
0xf7: {  	[tilespmem:$0xF58] =	vst v0  }
0xf8: {  	[tilespmem:$0xF68] =	vst v0  }
0xf9: {  	[tilespmem:$0xF78] =	vst v0  }
0xfa: {  	[tilespmem:$0xF88] =	vst v0  }
0xfb: {  	[tilespmem:$0xF98] =	vst v0  }
0xfc: {  	[tilespmem:$0xFA8] =	vst v0  }
0xfd: {  	[tilespmem:$0xFB8] =	vst v0  }
0xfe: {  	[tilespmem:$0xFC8] =	vst v0  }
0xff: {  	[tilespmem:$0xFD8] =	vst v0  }
0x100: {  	[tilespmem:$0xFE8] =	vst v0  }
0x101: {  	[tilespmem:$0xFF8] =	vst v0  }
0x102: {  	[tilespmem:$0x1028] =	vst v0  }
0x103: {  	[tilespmem:$0x10E8] =	vst v0  }
0x104: {  	[tilespmem:$0x1068] =	vst v0  }
0x105: {  	[tilespmem:$0x1B28] =	vst v0  }
0x106: {  	[tilespmem:$0x1B18] =	vst v0  }
0x107: {  	[tilespmem:$0x1B08] =	vst v0  }
0x108: {  	[tilespmem:$0x1AF8] =	vst v0  }
0x109: {  	[tilespmem:$0x1AE8] =	vst v0  }
0x10a: {  	[tilespmem:$0x1AD8] =	vst v0  }
0x10b: {  	[tilespmem:$0x1AC8] =	vst v0  }
0x10c: {  	[tilespmem:$0x1AB8] =	vst v0  }
0x10d: {  	[tilespmem:$0x1AA8] =	vst v0  }
0x10e: {  	[tilespmem:$0x1A98] =	vst v0  }
0x10f: {  	[tilespmem:$0x1A88] =	vst v0  }
0x110: {  	[tilespmem:$0x1A78] =	vst v0  }
0x111: {  	[tilespmem:$0x1A68] =	vst v0  }
0x112: {  	[tilespmem:$0x1A58] =	vst v0  }
0x113: {  	[tilespmem:$0x1A48] =	vst v0  }
0x114: {  	[tilespmem:$0x1A38] =	vst v0  }
0x115: {  	[tilespmem:$0x1A28] =	vst v0  }
0x116: {  	[tilespmem:$0x1A18] =	vst v0  }
0x117: {  	[tilespmem:$0x1A08] =	vst v0  }
0x118: {  	[tilespmem:$0x19F8] =	vst v0  }
0x119: {  	[tilespmem:$0x19E8] =	vst v0  }
0x11a: {  	[tilespmem:$0x19D8] =	vst v0  }
0x11b: {  	[tilespmem:$0x19C8] =	vst v0  }
0x11c: {  	[tilespmem:$0x19B8] =	vst v0  }
0x11d: {  	[tilespmem:$0x19A8] =	vst v0  }
0x11e: {  	[tilespmem:$0x1998] =	vst v0  }
0x11f: {  	[tilespmem:$0x1988] =	vst v0  }
0x120: {  	[tilespmem:$0x1978] =	vst v0  }
0x121: {  	[tilespmem:$0x1968] =	vst v0  }
0x122: {  	[tilespmem:$0x1958] =	vst v0  }
0x123: {  	[tilespmem:$0x1948] =	vst v0  }
0x124: {  	[tilespmem:$0x1938] =	vst v0  }
0x125: {  	[tilespmem:$0x1928] =	vst v0  }
0x126: {  	[tilespmem:$0x1918] =	vst v0  }
0x127: {  	[tilespmem:$0x1908] =	vst v0  }
0x128: {  	[tilespmem:$0x18F8] =	vst v0  }
0x129: {  	[tilespmem:$0x18E8] =	vst v0  }
0x12a: {  	[tilespmem:$0x18D8] =	vst v0  }
0x12b: {  	[tilespmem:$0x18C8] =	vst v0  }
0x12c: {  	[tilespmem:$0x18B8] =	vst v0  }
0x12d: {  	[tilespmem:$0x18A8] =	vst v0  }
0x12e: {  	[tilespmem:$0x1898] =	vst v0  }
0x12f: {  	[tilespmem:$0x1888] =	vst v0  }
0x130: {  	[tilespmem:$0x1878] =	vst v0  }
0x131: {  	[tilespmem:$0x1868] =	vst v0  }
0x132: {  	[tilespmem:$0x1858] =	vst v0  }
0x133: {  	[tilespmem:$0x1848] =	vst v0  }
0x134: {  	[tilespmem:$0x1838] =	vst v0  }
0x135: {  	[tilespmem:$0x1828] =	vst v0  }
0x136: {  	[tilespmem:$0x1818] =	vst v0  }
0x137: {  	[tilespmem:$0x1808] =	vst v0  }
0x138: {  	[tilespmem:$0x17F8] =	vst v0  }
0x139: {  	[tilespmem:$0x17E8] =	vst v0  }
0x13a: {  	[tilespmem:$0x17D8] =	vst v0  }
0x13b: {  	[tilespmem:$0x17C8] =	vst v0  }
0x13c: {  	[tilespmem:$0x17B8] =	vst v0  }
0x13d: {  	[tilespmem:$0x17A8] =	vst v0  }
0x13e: {  	[tilespmem:$0x1798] =	vst v0  }
0x13f: {  	[tilespmem:$0x1788] =	vst v0  }
0x140: {  	[tilespmem:$0x1778] =	vst v0  }
0x141: {  	[tilespmem:$0x1768] =	vst v0  }
0x142: {  	[tilespmem:$0x1758] =	vst v0  }
0x143: {  	[tilespmem:$0x1748] =	vst v0  }
0x144: {  	[tilespmem:$0x1738] =	vst v0  }
0x145: {  	[tilespmem:$0x1728] =	vst v0  }
0x146: {  	[tilespmem:$0x1718] =	vst v0  }
0x147: {  	[tilespmem:$0x1708] =	vst v0  }
0x148: {  	[tilespmem:$0x16F8] =	vst v0  }
0x149: {  	[tilespmem:$0x16E8] =	vst v0  }
0x14a: {  	[tilespmem:$0x16D8] =	vst v0  }
0x14b: {  	[tilespmem:$0x16C8] =	vst v0  }
0x14c: {  	[tilespmem:$0x16B8] =	vst v0  }
0x14d: {  	[tilespmem:$0x16A8] =	vst v0  }
0x14e: {  	[tilespmem:$0x1698] =	vst v0  }
0x14f: {  	[tilespmem:$0x1688] =	vst v0  }
0x150: {  	[tilespmem:$0x1678] =	vst v0  }
0x151: {  	[tilespmem:$0x1668] =	vst v0  }
0x152: {  	[tilespmem:$0x1658] =	vst v0  }
0x153: {  	[tilespmem:$0x1648] =	vst v0  }
0x154: {  	[tilespmem:$0x1638] =	vst v0  }
0x155: {  	[tilespmem:$0x1628] =	vst v0  }
0x156: {  	[tilespmem:$0x1618] =	vst v0  }
0x157: {  	[tilespmem:$0x1608] =	vst v0  }
0x158: {  	[tilespmem:$0x15F8] =	vst v0  }
0x159: {  	[tilespmem:$0x15E8] =	vst v0  }
0x15a: {  	[tilespmem:$0x15D8] =	vst v0  }
0x15b: {  	[tilespmem:$0x15C8] =	vst v0  }
0x15c: {  	[tilespmem:$0x15B8] =	vst v0  }
0x15d: {  	[tilespmem:$0x15A8] =	vst v0  }
0x15e: {  	[tilespmem:$0x1598] =	vst v0  }
0x15f: {  	[tilespmem:$0x1588] =	vst v0  }
0x160: {  	[tilespmem:$0x1578] =	vst v0  }
0x161: {  	[tilespmem:$0x1568] =	vst v0  }
0x162: {  	[tilespmem:$0x1558] =	vst v0  }
0x163: {  	[tilespmem:$0x1548] =	vst v0  }
0x164: {  	[tilespmem:$0x1538] =	vst v0  }
0x165: {  	[tilespmem:$0x1528] =	vst v0  }
0x166: {  	[tilespmem:$0x1518] =	vst v0  }
0x167: {  	[tilespmem:$0x1508] =	vst v0  }
0x168: {  	[tilespmem:$0x14F8] =	vst v0  }
0x169: {  	[tilespmem:$0x14E8] =	vst v0  }
0x16a: {  	[tilespmem:$0x14D8] =	vst v0  }
0x16b: {  	[tilespmem:$0x14C8] =	vst v0  }
0x16c: {  	[tilespmem:$0x14B8] =	vst v0  }
0x16d: {  	[tilespmem:$0x14A8] =	vst v0  }
0x16e: {  	[tilespmem:$0x1498] =	vst v0  }
0x16f: {  	[tilespmem:$0x1488] =	vst v0  }
0x170: {  	[tilespmem:$0x1478] =	vst v0  }
0x171: {  	[tilespmem:$0x1468] =	vst v0  }
0x172: {  	[tilespmem:$0x1458] =	vst v0  }
0x173: {  	[tilespmem:$0x1448] =	vst v0  }
0x174: {  	[tilespmem:$0x1438] =	vst v0  }
0x175: {  	[tilespmem:$0x1428] =	vst v0  }
0x176: {  	[tilespmem:$0x1418] =	vst v0  }
0x177: {  	[tilespmem:$0x1408] =	vst v0  }
0x178: {  	[tilespmem:$0x13F8] =	vst v0  }
0x179: {  	[tilespmem:$0x13E8] =	vst v0  }
0x17a: {  	[tilespmem:$0x13D8] =	vst v0  }
0x17b: {  	[tilespmem:$0x13C8] =	vst v0  }
0x17c: {  	[tilespmem:$0x13B8] =	vst v0  }
0x17d: {  	[tilespmem:$0x13A8] =	vst v0  }
0x17e: {  	[tilespmem:$0x1398] =	vst v0  }
0x17f: {  	[tilespmem:$0x1388] =	vst v0  }
0x180: {  	[tilespmem:$0x1378] =	vst v0  }
0x181: {  	[tilespmem:$0x1368] =	vst v0  }
0x182: {  	[tilespmem:$0x1358] =	vst v0  }
0x183: {  	[tilespmem:$0x1348] =	vst v0  }
0x184: {  	[tilespmem:$0x1338] =	vst v0  }
0x185: {  	[tilespmem:$0x1328] =	vst v0  }
0x186: {  	[tilespmem:$0x1318] =	vst v0  }
0x187: {  	[tilespmem:$0x1308] =	vst v0  }
0x188: {  	[tilespmem:$0x12F8] =	vst v0  }
0x189: {  	[tilespmem:$0x12E8] =	vst v0  }
0x18a: {  	[tilespmem:$0x12D8] =	vst v0  }
0x18b: {  	[tilespmem:$0x12C8] =	vst v0  }
0x18c: {  	[tilespmem:$0x12B8] =	vst v0  }
0x18d: {  	[tilespmem:$0x12A8] =	vst v0  }
0x18e: {  	[tilespmem:$0x1298] =	vst v0  }
0x18f: {  	[tilespmem:$0x1288] =	vst v0  }
0x190: {  	[tilespmem:$0x1278] =	vst v0  }
0x191: {  	[tilespmem:$0x1268] =	vst v0  }
0x192: {  	[tilespmem:$0x1258] =	vst v0  }
0x193: {  	[tilespmem:$0x1248] =	vst v0  }
0x194: {  	[tilespmem:$0x1238] =	vst v0  }
0x195: {  	[tilespmem:$0x1228] =	vst v0  }
0x196: {  	[tilespmem:$0x1218] =	vst v0  }
0x197: {  	[tilespmem:$0x1208] =	vst v0  }
0x198: {  	[tilespmem:$0x11F8] =	vst v0  }
0x199: {  	[tilespmem:$0x11E8] =	vst v0  }
0x19a: {  	[tilespmem:$0x11D8] =	vst v0  }
0x19b: {  	[tilespmem:$0x11C8] =	vst v0  }
0x19c: {  	[tilespmem:$0x11B8] =	vst v0  }
0x19d: {  	[tilespmem:$0x11A8] =	vst v0  }
0x19e: {  	[tilespmem:$0x1198] =	vst v0  }
0x19f: {  	[tilespmem:$0x1188] =	vst v0  }
0x1a0: {  	[tilespmem:$0x1178] =	vst v0  }
0x1a1: {  	[tilespmem:$0x1168] =	vst v0  }
0x1a2: {  	[tilespmem:$0x1158] =	vst v0  }
0x1a3: {  	[tilespmem:$0x1148] =	vst v0  }
0x1a4: {  	[tilespmem:$0x1138] =	vst v0  }
0x1a5: {  	[tilespmem:$0x1128] =	vst v0  }
0x1a6: {  	[tilespmem:$0x1118] =	vst v0  }
0x1a7: {  	s4 =	stileid.u32;
	[tilespmem:$0x1108] =	vst v0  }
0x1a8: {  	s0 =	smul.u32 $0x17, s4;
	[tilespmem:$0x10F8] =	vst v0  }
0x1a9: {  	s1 =	smin.u32 s4, $0xC;
	[tilespmem:$0x10C8] =	vst v0  }
0x1aa: {  	[tilespmem:$0x10D8] =	vst v0;
	s0 =	sadd.s32 s1, s0  }
0x1ab: {  	p0 =	slt.u32 s4, $0xC;
	[tilespmem:$0x10B8] =	vst v0;
	s1 =	simm.s32 $0x2880;
	s6 =	smul.u32 $0x1B0, s0  }
0x1ac: {  	s1 =	simm.s32 @!p0 $0x26D0;
	[tilespmem:$0x1038] =	vst v0  }
0x1ad: {  	[tilespmem:$0x10A8] =	vst v0;
	s0 =	sadd.s32 s1, s6  }
0x1ae: {  	s3 =	simm.s32 $0x2;
	s8 =	simm.s32 $0x9;
	[tilespmem:$0x1098] =	vst v0;
	s7 =	smin.u32 s0, $0x28000  }
0x1af: {  	s10 =	simm.s32 $0xA;
	s30 =	simm.s32 $0xB;
	[tilespmem:$0x1088] =	vst v0;
	s0 =	ssub.s32 s7, s6  }
0x1b0: {  	s16 =	simm.s32 $0x0;
	p4 =	por $0x0, $0x0;
	[tilespmem:$0x1078] =	vst v0;
	p0 =	sgt.s32 s0, $0x0  }
0x1b1: {  	s17 =	simm.s32 $0xC;
	s21 =	simm.s32 $0x0;
	[tilespmem:$0x1058] =	vst v0;
	s0 =	simm.s32 @!p0 $0x0  }
0x1b2: {  	s18 =	simm.s32 $0x0;
	s2 =	sand.u32 $0x1, s2;
	[tilespmem:$0x1048] =	vst v0;
	s29 =	smulhi.u32 $0x4BDA12F7, s0  }
0x1b3: {  	s20 =	simm.s32 $0x0;
	s31 =	sshll.u32 s4, $0x5;
	[tilespmem:$0x1018] =	vst v0;
	[dreg:$0x5] =	wrdreg s2  }
0x1b4: {  	s2 =	smul.u32 $0x5000, s2;
	[tilespmem:$0x1008] =	vst v0;
	[sflag:s3] =	ssyncpa.u1 $0x0;
	s1 =	sshrl.u32 s29, $0x7  }
0x1b5: {  	v0 =	vimm.s32 $0xFFFFFFFF;
	s3 =	sadd.s32 $0x10A600, s11;
	[dreg:$0x4] =	wrdreg s31;
	s5 =	smul.u32 $0x1B0, s1  }
.Ltmp0:
0x1b6: {  	[tilespmem:$0x3648] =	vst v0;
	[sflag:s8] =	ssyncpa.u1 $0x0;
	s2 =	sadd.s32 s2, s11;
	(pc) =	sbr.rel .LBB2_1-.Ltmp0, $4  }
0x1b7: {  	[sflag:s10] =	ssyncpa.u1 $0x0;
	s11 =	sadd.s32 $0x9FC600, s11;
	p0 =	sne.s32 s0, s5  }
0x1b8: {  	[sflag:s30] =	ssyncpa.u1 $0x0;
	s14 =	sadd.s32 $0x100600, s2;
	s12 =	simm.s32 @!p0 $0x0  }
0x1b9: {  	s15 =	sadd.s32 $0xF6600, s2;
	s19 =	smov.u32 s6;
	s12 =	sadd.s32 s12, s1  }
0x1ba: {  	v0 =	vlaneseq.u32;
	[dreg:$0x6] =	wrdreg s6;
	p0 =	por $0x1, $0x1;
	s4 =	sadd.s32 $0x1, s12  }
.LBB2_18:
0x1bb: {  	s0 =	simm.s32 $0x2  }
0x1bc: {  	_ =	swait.ge [sflag:s0], $0x0  }
0x1bd: {  	[sflag:s0] =	ssyncset.done $0x0;
	s0 =	simm.s32 $0x0  }
.LBB2_19:
0x1be: {  	_ =	swait.ge [sflag:s17], s0  }
0x1bf: {  	s31 =	ssub.s32 $0x0, s0;
	v1 =	vmov s23;
	vm0 =	veq.s32 v0, $0x0;
	[sflag:s17] =	ssyncset.done $0x0  }
0x1c0: {  	vm15 =	veq.s32 v0, $0x2;
	v1 =	vsel vm0, s28, v1;
	[sflag:s17] =	ssyncadd.s32 s31  }
0x1c1: {  	v1 =	vsel vm15, s21, v1;
	[sflag:s17] =	ssyncpa.u1 $0x1  }
0x1c2: {  	[tilespmem:$0x3648] =	vst v1  }
.LBB2_20:
0x1c3: {  	s0 =	sadd.s32 $0x1B0, s19  }
0x1c4: {  	s1 =	smov.u32 s6;
	p1 =	slt.s32 s0, s7  }
0x1c5: {  	s1 =	smov.u32 @p1 s0;
	p1 =	sne.s32 s20, s4  }
.Ltmp1:
0x1c6: {  	_ = 	snop;
	(pc) =	sbr.rel @!p1 .LBB2_21-.Ltmp1, $4  }
0x1c7: {  	_ = 	snop  }
0x1c8: {  	s21 =	smov.u32 s18  }
0x1c9: {  	s31 =	sadd.s32 $0x1, s20;
	s18 =	smov.u32 s19;
	p0 =	por !p0, !p0  }
0x1ca: {  	p4 =	por !p4, !p4;
	s20 =	smov.u32 s31;
	s19 =	smov.u32 s1  }
.LBB2_1:
0x1cb: {  	p2 =	sge.u32 s20, s12  }
0x1cc: {  	s0 =	smulhi.u32 @!p2 $0xAAAAAAAB, s20  }
0x1cd: {  	s1 =	smov.u32 s19;
	p3 =	sgt.s32 @!p2 s19, $0x27E50  }
0x1ce: {  	s2 =	sshra.s32 @!p2 s19, $0x1F;
	p3 =	por !p3, p2;
	s0 =	sshrl.u32 @!p2 s0, $0x1  }
0x1cf: {  	s2 =	sand.u32 @!p2 s2, s19;
	s1 =	simm.s32 @p3 $0x27E50;
	s0 =	smul.u32 @!p2 $0x3, s0  }
0x1d0: {  	s1 =	ssub.s32 @!p2 s1, s2  }
0x1d1: {  	s23 =	sadd.s32 $0xFFFFFFFF, s20;
	s1 =	sadd.s32 @!p2 $0xFFFD81B0, s1;
	s0 =	ssub.s32 @!p2 s20, s0  }
0x1d2: {  	s2 =	sshll.u32 @!p2 s1, $0x2;
	p3 =	sgt.s32 @!p2 s1, $0x1AF;
	s0 =	smul.u32 @!p2 $0x6C0, s0  }
0x1d3: {  	s5 =	sand.u32 @!p2 $0x7, s19;
	s1 =	ssub.s32 @!p2 $0x6C0, s2;
	p3 =	por !p3, p2  }
0x1d4: {  	s2 =	sshrl.u32 @!p2 s19, $0x3;
	s1 =	sshrl.u32 @!p2 s1, $0x2;
	s0 =	sshrl.u32 @!p2 s0, $0x2  }
0x1d5: {  	s2 =	sadd.s32 @!p2 s2, s14;
	s1 =	simm.s32 @!p3 $0x0;
	s0 =	sadd.s32 @!p2 $0x3888, s0  }
0x1d6: {  	[tilespmem:s0], [sflag:$0xA] =	stream.linear.gather @!p2 [hbm4b:s2+s5], s1, $0x38;
	[tilespmem:$0x1F0F8] =	vst v63  }
0x1d7: {  	p2 =	sge.u32 s23, s12  }
0x1d8: {  	p3 =	sgt.s32 @!p2 s18, $0x27E50  }
0x1d9: {  	s0 =	smov.u32 s18;
	s1 =	sshra.s32 @!p2 s18, $0x1F;
	p3 =	por !p3, p2  }
0x1da: {  	s1 =	sand.u32 @!p2 s1, s18;
	s0 =	simm.s32 @p3 $0x27E50  }
0x1db: {  	s0 =	ssub.s32 @!p2 s0, s1  }
0x1dc: {  	s0 =	sadd.s32 @!p2 $0xFFFD81B0, s0  }
0x1dd: {  	s1 =	sshll.u32 @!p2 s0, $0x2  }
0x1de: {  	p3 =	sgt.s32 @!p2 s0, $0x1AF;
	s0 =	ssub.s32 @!p2 $0x6C0, s1  }
0x1df: {  	s22 =	ssub.s32 @!p2 $0x28000, s18;
	p3 =	por !p3, p2;
	s0 =	sshrl.u32 @!p2 s0, $0x2  }
0x1e0: {  	s1 =	sand.u32 @!p2 $0x1, s23;
	s0 =	simm.s32 @!p3 $0x0;
	p3 =	slt.s32 @!p2 s22, $0x1  }
0x1e1: {  	s2 =	simm.s32 @!p2 $0xA;
	s1 =	smul.u32 @!p2 $0x6C0, s1;
	p3 =	por p2, p3  }
.Ltmp2:
0x1e2: {  	_ =	swait.ge @!p2 [sflag:s2], s0;
	(pc) =	sbr.rel @p3 .LBB2_7-.Ltmp2, $4  }
0x1e3: {  	s5 =	ssub.s32 @!p2 $0x0, s0;
	[sflag:s2] =	ssyncset.done @!p2 $0x0  }
0x1e4: {  	s1 =	sshrl.u32 @!p2 s1, $0x2;
	[sflag:s2] =	ssyncadd.s32 @!p2 s5;
	s2 =	sshrl.u32 @!p2 s18, $0x3  }
0x1e5: {  	s1 =	sadd.s32 @!p2 $0x3D98, s1;
	s5 =	sand.u32 @!p2 $0x7, s18;
	s2 =	sadd.s32 @!p2 s2, s15  }
0x1e6: {  	[tilespmem:s1], [sflag:$0xB] =	stream.linear.gather @!p2 [hbm4b:s2+s5], s0, $0x38;
	[tilespmem:$0x1F0F8] =	vst v63  }
0x1e7: {  	s0 =	smulhi.u32 $0xAAAAAAAB, s23;
	_ =	sdelay $0x1  }
0x1e8: {  	s0 =	sshrl.u32 s0, $0x1  }
0x1e9: {  	s0 =	smul.u32 $0x3, s0;
	_ =	sdelay $0x1  }
0x1ea: {  	s0 =	ssub.s32 s23, s0  }
0x1eb: {  	s1 =	simm.s32 $0x1;
	s0 =	smul.u32 $0x6C0, s0  }
.Ltmp3:
0x1ec: {  	s1 =	simm.s32 @!p0 $0x0;
	(pc) =	sbr.rel .LBB2_4-.Ltmp3, $4  }
0x1ed: {  	s1 =	smul.u32 $0x36000, s1  }
0x1ee: {  	p3 =	slt.s32 @!p2 s22, $0x1B0;
	s0 =	sshrl.u32 s0, $0x2  }
0x1ef: {  	p2 =	por !p3, p2;
	s1 =	sshrl.u32 s1, $0x2;
	s0 =	sadd.s32 $0x3888, s0  }
0x1f0: {  	s24 =	simm.s32 $0x0;
	s22 =	simm.s32 @p2 $0x1B0;
	s23 =	sadd.s32 $0x40F8, s1;
	v1 =	vmov s0  }
.LBB2_3:
0x1f1: {  	p2 =	sge.s32 s24, s22  }
.Ltmp4:
0x1f2: {  	_ = 	snop;
	(pc) =	sbr.rel @p2 .LBB2_7-.Ltmp4, $2  }
0x1f3: {  	_ =	sdelay $0x2  }
0x1f4: {  	s23 =	sadd.s32 $0x800, s23  }
.LBB2_4:
0x1f5: {  	p2 =	sle.s32 s22, s24  }
.Ltmp5:
0x1f6: {  	_ = 	snop;
	(pc) =	sbr.rel @p2 .LBB2_3-.Ltmp5, $2  }
0x1f7: {  	_ =	sdelay $0x2  }
0x1f8: {  	s0 =	smov.u32 s24;
	s24 =	sadd.s32 $0x10, s24  }
0x1f9: {  	s1 =	ssub.s32 s22, s0  }
0x1fa: {  	p2 =	slt.s32 s1, $0x10  }
0x1fb: {  	s1 =	simm.s32 @!p2 $0x10  }
0x1fc: {  	v2 =	vmov s1  }
0x1fd: {  	vm0 =	vgt.s32 v2, v0;
	_ =	sdelay $0x5  }
0x1fe: {  	v2 =	vld.idx.msk [tilespmem:v1+s0+$0x0 ss:$0x1], vm0;
	_ =	sdelay $0x2  }
0x1ff: {  	p2 =	slt.s32 s24, s22;
	s1 =	smov.u32 s22  }
0x200: {  	s2 =	smov.u32 s23;
	s25 =	simm.s32 $0x0;
	s1 =	smov.u32 @p2 s24  }
.LBB2_6:
0x201: {  	(v2sf) =	vpush v2, s25;
	_ =	sdelay $0xc  }
0x202: {  	s25 =	sadd.s32 $0x1, s25  }
0x203: {  	s31 =	sadd.s32 s25, s0  }
0x204: {  	p2 =	slt.s32 s31, s1;
	s5 =	spop (v2sf)  }
.Ltmp6:
0x205: {  	s5 =	sshll.u32 s5, $0x4;
	(pc) =	sbr.rel @p2 .LBB2_6-.Ltmp6, $4  }
0x206: {  	s5 =	sand.u32 $0x1FFFFFF0, s5  }
0x207: {  	s5 =	sadd.s32 s11, s5  }
0x208: {  	[tilespmem:s2], [sflag:$0x9] =	stream.linear.gather [hbm4b:s5+s16], $0x10, $0x38;
	[tilespmem:$0x1F0F8] =	vst v63  }
0x209: {  	s2 =	sadd.s32 $0x80, s2  }
.Ltmp7:
0x20a: {  	_ = 	snop;
	(pc) =	sbr.rel .LBB2_3-.Ltmp7, $1  }
0x20b: {  	_ =	sdelay $0x3  }
.LBB2_7:
0x20c: {  	p2 =	slt.u32 s20, $0x2  }
.Ltmp8:
0x20d: {  	_ = 	snop;
	(pc) =	sbr.rel @p2 .LBB2_20-.Ltmp8, $1  }
0x20e: {  	_ =	sdelay $0x3  }
0x20f: {  	p2 =	sgt.s32 s21, $0x27E50  }
0x210: {  	s0 =	smov.u32 s21;
	s1 =	sshra.s32 s21, $0x1F;
	s2 =	ssub.s32 $0x28000, s21  }
0x211: {  	s0 =	simm.s32 @!p2 $0x27E50;
	s1 =	sand.u32 s1, s21;
	p2 =	slt.s32 s2, $0x1B0  }
0x212: {  	s0 =	ssub.s32 s0, s1;
	s2 =	simm.s32 @!p2 $0x1B0  }
0x213: {  	s0 =	sadd.s32 $0xFFFD81B0, s0;
	s24 =	sshll.u32 s2, $0x4  }
0x214: {  	s28 =	simm.s32 $0x9;
	s25 =	sshll.u32 s0, $0x2;
	s1 =	sand.u32 $0x3FFFFFF0, s24  }
0x215: {  	p2 =	sgt.s32 s0, $0x1AF;
	s26 =	ssub.s32 $0x6C0, s25;
	_ =	swait.ge [sflag:s28], s1  }
0x216: {  	s1 =	ssub.s32 $0x0, s1;
	[sflag:s28] =	ssyncset.done $0x0;
	s0 =	sshrl.u32 s26, $0x2  }
0x217: {  	s30 =	simm.s32 $0xB;
	[sflag:s28] =	ssyncadd.s32 s1;
	s0 =	simm.s32 @p2 $0x0  }
0x218: {  	_ =	swait.ge [sflag:s30], s0  }
0x219: {  	s0 =	ssub.s32 $0x0, s0;
	[sflag:s30] =	ssyncset.done $0x0  }
0x21a: {  	[sflag:s30] =	ssyncadd.s32 s0  }
0x21b: {  	v1 =	vld [tilespmem:$0x3648];
	_ =	sdelay $0x4  }
0x21c: {  	(v2sf) =	vpush v1, $0x0  }
0x21d: {  	(v2sf) =	vpush v1, $0x1  }
0x21e: {  	(v2sf) =	vpush v1, $0x2;
	_ =	sdelay $0x3  }
0x21f: {  	s0 =	sadd.s32 $0x1B0, s21  }
0x220: {  	s1 =	ssub.s32 $0x50000, s21;
	p2 =	slt.s32 s7, s0  }
0x221: {  	s0 =	smov.u32 @p2 s7;
	p2 =	sgt.s32 s1, $0x0  }
0x222: {  	s25 =	ssub.s32 s0, s21;
	s1 =	simm.s32 @!p2 $0x0  }
0x223: {  	p2 =	slt.s32 s1, s25  }
0x224: {  	s25 =	smov.u32 @p2 s1  }
0x225: {  	s24 =	simm.s32 $0x1;
	p2 =	slt.s32 s25, $0x1  }
.Ltmp9:
0x226: {  	s24 =	simm.s32 @!p4 $0x0;
	(pc) =	sbr.rel @p2 .LBB2_12-.Ltmp9, $4  }
0x227: {  	s31 =	smul.u32 $0x6C0, s24  }
0x228: {  	s26 =	spop (v2sf)  }
0x229: {  	s0 =	sshrl.u32 s31, $0x2;
	s29 =	spop (v2sf)  }
0x22a: {  	s22 =	sadd.s32 $0x3D98, s0;
	s21 =	spop (v2sf)  }
0x22b: {  	s0 =	smin.u32 s25, $0x10  }
0x22c: {  	v1 =	vmov s0  }
0x22d: {  	p3 =	sgt.s32 s25, $0x10;
	vm1 =	vgt.u32 v1, v0  }
.Ltmp10:
0x22e: {  	_ = 	snop;
	(pc) =	sbr.rel @!p3 .LBB2_11-.Ltmp10, $2  }
0x22f: {  	_ =	sdelay $0x2  }
0x230: {  	s23 =	simm.s32 $0x10;
	s28 =	sadd.s32 $0xFFFFFFF0, s25;
	s0 =	smov.u32 s22;
	vm0 =	vmmov vm1  }
.LBB2_10:
0x231: {  	s1 =	smin.u32 s28, $0x10;
	s23 =	sadd.s32 $0x10, s23;
	v1 =	vld.msk [tilespmem:s0+$0x0 ss:$0x1], vm1  }
0x232: {  	v2 =	vmov s1;
	p3 =	slt.s32 s23, s25  }
0x233: {  	vm1 =	vgt.u32 v2, v0  }
.Ltmp11:
0x234: {  	(pc) =	sbr.rel @p3 .LBB2_10-.Ltmp11, $3  }
0x235: {  	_ =	sdelay $0x1  }
0x236: {  	v1 =	vshll.u32 v1, $0x4  }
0x237: {  	s28 =	sadd.s32 $0xFFFFFFF0, s28;
	[tilespmem:s0+$0x0] =	vst.msk vm0, v1;
	s0 =	sadd.s32 $0x10, s0;
	vm0 =	vmmov vm1  }
.LBB2_11:
0x238: {  	_ =	sdelay $0x4  }
0x239: {  	v1 =	vld.msk [tilespmem:s0+$0x0 ss:$0x1], vm1;
	_ =	sdelay $0x4  }
0x23a: {  	v1 =	vshll.u32 v1, $0x4  }
0x23b: {  	[tilespmem:s0+$0x0] =	vst.msk vm0, v1  }
.LBB2_12:
0x23c: {  	s0 =	sand.u32 $0x1, s20  }
0x23d: {  	s0 =	smul.u32 $0x1B0, s0  }
0x23e: {  	p3 =	sne.s32 s29, $0xFFFFFFFF  }
0x23f: {  	v1 =	vld.msk @!p3 [tilespmem:s0+$0x3D98], $0x1;
	_ =	sdelay $0x4  }
0x240: {  	(v2sf) =	vpush @!p3 v1, $0x0;
	_ =	sdelay $0xc  }
.Ltmp12:
0x241: {  	_ = 	snop;
	(pc) =	sbr.rel @p2 .LBB2_18-.Ltmp12, $4  }
0x242: {  	_ = 	snop  }
0x243: {  	s28 =	spop @!p3 (v2sf)  }
0x244: {  	s21 =	simm.s32 @!p3 $0x0;
	s23 =	smov.u32 s28  }
0x245: {  	[sflag:s17] =	ssyncpa.u1 $0x0;
	s28 =	smov.u32 @p3 s26;
	s23 =	smov.u32 @p3 s29  }
0x246: {  	v1 =	vld.msk [tilespmem:s22+$0x0], $0x1;
	_ =	sdelay $0x4  }
0x247: {  	(v2sf) =	vpush v1, $0x0;
	_ =	sdelay $0xe  }
0x248: {  	s0 =	simm.s32 @!p4 $0x0;
	s26 =	smul.u32 $0x36000, s24;
	s31 =	spop (v2sf)  }
0x249: {  	s29 =	ssub.s32 $0x0, s25;
	s0 =	simm.s32 @p4 $0x1;
	p2 =	seq.s32 s28, s31  }
0x24a: {  	s1 =	smov.u32 s28;
	[smem:$0x7FD] =	sst s0;
	p3 =	sgt.s32 @!p2 s28, $0x0  }
0x24b: {  	s0 =	sshrl.u32 s26, $0x2;
	s26 =	sadd.s32 $0x1, s29;
	p3 =	por !p3, p2  }
0x24c: {  	s1 =	simm.s32 @p3 $0x0;
	p3 =	seq.s32 s26, $0x0  }
.Ltmp13:
0x24d: {  	_ = 	snop;
	(pc) =	sbr.rel @p3 .LBB2_15-.Ltmp13, $4  }
0x24e: {  	s6 =	smov.u32 s4;
	s25 =	simm.s32 $0x0  }
0x24f: {  	s24 =	sadd.s32 $0x40F8, s0;
	s0 =	simm.s32 @!p2 $0x1;
	s2 =	smin.u32 @!p2 s1, $0x27FFE  }
0x250: {  	s30 =	sadd.s32 $0x1, s22;
	s0 =	smov.u32 @p2 s25;
	s5 =	sand.u32 @!p2 $0x3FFF8, s2  }
0x251: {  	s1 =	simm.s32 @!p2 $0x1B38;
	s2 =	sand.u32 @!p2 $0x7, s2;
	s5 =	sadd.s32 @!p2 s3, s5  }
.LBB2_14:
0x252: {  	s4 =	smov.u32 s0  }
0x253: {  	[tilespmem:s1], [sflag:$0x2] =	stream.linear.gather @!p2 [hbm4b:s5+s2], $0x10, $0x38;
	[tilespmem:$0x1F0F8] =	vst v63  }
0x254: {  	s26 =	sadd.s32 $0x1, s26;
	s2 =	smov.u32 s31;
	v1 =	vld.msk [tilespmem:s30+$0x0], $0x1  }
0x255: {  	p3 =	seq.s32 s26, $0x0;
	_ =	sdelay $0x3  }
0x256: {  	(v2sf) =	vpush v1, $0x0;
	_ =	sdelay $0xe  }
0x257: {  	s31 =	spop (v2sf)  }
0x258: {  	p2 =	seq.s32 s2, s31  }
0x259: {  	p4 =	sgt.s32 @!p2 s2, $0x0;
	s1 =	sshll.u32 @!p2 s0, $0x6;
	s0 =	sadd.s32 @!p2 $0x1, s0  }
.Ltmp14:
0x25a: {  	p4 =	por !p4, p2;
	s1 =	sshra.s32 @!p2 s1, $0x2;
	(pc) =	sbr.rel @!p3 .LBB2_14-.Ltmp14, $4  }
0x25b: {  	s0 =	smov.u32 @p2 s4;
	s2 =	simm.s32 @p4 $0x0;
	s1 =	sadd.s32 @!p2 $0x1B38, s1  }
0x25c: {  	s2 =	smin.u32 @!p2 s2, $0x27FFE  }
0x25d: {  	s4 =	sand.u32 @!p2 $0x3FFF8, s2;
	s2 =	sand.u32 @!p2 $0x7, s2  }
0x25e: {  	s30 =	sadd.s32 $0x1, s30;
	s5 =	sadd.s32 @!p2 s3, s4  }
.LBB2_15:
0x25f: {  	[tilespmem:s1], [sflag:$0x2] =	stream.linear.gather @!p2 [hbm4b:s5+s2], $0x10, $0x38;
	[tilespmem:$0x1F0F8] =	vst v63  }
0x260: {  	s0 =	sshll.u32 s0, $0x4  }
0x261: {  	s31 =	simm.s32 $0x2;
	s0 =	sand.u32 $0x3FFFFFF0, s0  }
0x262: {  	_ =	swait.ge [sflag:s31], s0  }
0x263: {  	s0 =	ssub.s32 $0x0, s0;
	[sflag:s31] =	ssyncset.done $0x0  }
0x264: {  	[sflag:s31] =	ssyncadd.s32 s0  }
0x265: {  	v1 =	vld.msk [tilespmem:s22+$0x0], $0x1;
	_ =	sdelay $0x4  }
0x266: {  	(v2sf) =	vpush v1, $0x0;
	_ =	sdelay $0xe  }
0x267: {  	s26 =	spop (v2sf)  }
0x268: {  	p2 =	sne.s32 s28, s26  }
0x269: {  	p4 =	sne.s32 @p2 s28, s23  }
0x26a: {  	p3 =	por !p4, !p2  }
0x26b: {  	s0 =	simm.s32 @!p3 $0x0  }
0x26c: {  	v1 =	vld @!p3 [tilespmem:s0+$0x1B38]  }
0x26d: {  	p5 =	sgt.u32 @!p3 s28, $0x27FFE  }
0x26e: {  	s1 =	sshll.u32 @!p3 s21, $0x6;
	p6 =	por @p2 p5, !p4  }
0x26f: {  	s1 =	sshra.s32 @!p3 s1, $0x2;
	p1 =	por p6, !p2;
	p6 =	por p4, !p2  }
0x270: {  	s2 =	sadd.s32 @!p3 $0x28, s1;
	s4 =	sand.u32 @!p1 $0x3FFF8, s28;
	s5 =	sshll.u32 @!p6 s21, $0x6  }
0x271: {  	s28 =	sand.u32 @!p1 $0x7, s28;
	[tilespmem:s1+$0x28] =	vst.add.f32.msk @!p3 $0xffff, v1;
	s1 =	sadd.s32 @!p1 s3, s4;
	s4 =	sshra.s32 @!p6 s5, $0x2  }
0x272: {  	[hbm4b:s1+s28] =	stream.linear.scatter @!p1 [tilespmem:s2], [sflag:$0xC], $0x10, $0x38;
	[tilespmem:$0x1F0F8] =	vst v63  }
0x273: {  	s0 =	rddreg [dreg:$0x4];
	s1 =	sadd.s32 @!p6 $0x28, s4;
	s2 =	simm.s32 @!p6 $0x1  }
0x274: {  	[spmem:s0] =	stream.linear.scatter @!p6 [tilespmem:s1], [sflag:$0x1], $0x10, $0x38;
	[tilespmem:$0x1F0F8] =	vst v63  }
0x275: {  	s0 =	sadd.s32 @p2 $0x1, s21;
	_ =	swait.ge @!p6 [sflag:s2], $0x10  }
0x276: {  	s1 =	sshrl.u32 @p2 s0, $0x4;
	[sflag:s2] =	ssyncset.done @!p6 $0x0  }
0x277: {  	s1 =	smulhi.u32 @p2 $0x97B425F, s1;
	[sflag:s2] =	ssyncadd.s32 @!p6 $0xFFFFFFF0  }
0x278: {  	s28 =	sadd.s32 $0x1, s29;
	v1 =	vld @p2 [tilespmem:s24+$0x0]  }
0x279: {  	p1 =	por @p2 !p5, !p4;
	p4 =	seq.s32 s28, $0x0;
	s1 =	smul.u32 @p2 $0x1B0, s1  }
.Ltmp15:
0x27a: {  	p1 =	por !p1, !p2;
	s2 =	simm.s32 @!p3 $0x0;
	(pc) =	sbr.rel @p4 .LBB2_17-.Ltmp15, $4  }
0x27b: {  	s4 =	sshll.u32 @!p2 s21, $0x6;
	s2 =	simm.s32 @!p1 $0x40;
	s0 =	ssub.s32 @p2 s0, s1  }
0x27c: {  	s29 =	simm.s32 $0x0;
	s2 =	sadd.s32 @!p3 $0x0, s2;
	s5 =	sshll.u32 @p2 s0, $0x4  }
0x27d: {  	s30 =	sshra.s32 @!p2 s4, $0x2;
	s1 =	simm.s32 @p2 $0x1;
	s2 =	smov.u32 @p3 s25;
	[tilespmem:s5+$0x28] =	vst @p2 v1  }
0x27e: {  	s21 =	smov.u32 @p2 s0;
	s29 =	smov.u32 @p2 s2;
	s25 =	smov.u32 @p2 s1;
	v1 =	vld @!p2 [tilespmem:s24+$0x0]  }
.LBB2_16:
0x27f: {  	_ =	sdelay $0x3  }
0x280: {  	s22 =	sadd.s32 $0x1, s22;
	[tilespmem:s30+$0x28] =	vst.add.f32.msk @!p2 $0xffff, v1  }
0x281: {  	v1 =	vld.msk [tilespmem:s22+$0x0], $0x1;
	_ =	sdelay $0x4  }
0x282: {  	(v2sf) =	vpush v1, $0x0;
	_ =	sdelay $0xe  }
0x283: {  	s0 =	smov.u32 s26;
	s26 =	spop (v2sf)  }
0x284: {  	p2 =	sne.s32 s0, s26  }
0x285: {  	p5 =	sne.s32 @p2 s0, s23  }
0x286: {  	s4 =	sshll.u32 @!p2 s21, $0x6;
	p4 =	por !p5, !p2  }
0x287: {  	s30 =	sshra.s32 @!p2 s4, $0x2;
	s4 =	sshll.u32 @!p4 s25, $0x6  }
0x288: {  	s4 =	sshra.s32 @!p4 s4, $0x2  }
0x289: {  	p1 =	sgt.u32 @!p4 s0, $0x27FFE;
	v1 =	vld @!p4 [tilespmem:s4+$0x1B38]  }
0x28a: {  	s31 =	sshll.u32 @!p4 s21, $0x6;
	p6 =	por @p2 p1, !p5;
	p1 =	por @p2 !p1, !p5  }
0x28b: {  	s8 =	simm.s32 @!p4 $0x0;
	s31 =	sshra.s32 @!p4 s31, $0x2;
	p1 =	por !p1, !p2  }
0x28c: {  	p5 =	por p5, !p2;
	s8 =	simm.s32 @!p1 $0x40;
	p1 =	por p6, !p2  }
0x28d: {  	s4 =	sadd.s32 @!p4 $0x28, s31;
	s13 =	sshll.u32 @!p5 s21, $0x6;
	s10 =	sand.u32 @!p1 $0x3FFF8, s0  }
0x28e: {  	s13 =	sshra.s32 @!p5 s13, $0x2;
	s0 =	sand.u32 @!p1 $0x7, s0;
	s10 =	sadd.s32 @!p1 s3, s10;
	[tilespmem:s31+$0x28] =	vst.add.f32.msk @!p4 $0xffff, v1  }
0x28f: {  	[hbm4b:s10+s0] =	stream.linear.scatter @!p1 [tilespmem:s4], [sflag:$0xC], $0x10, $0x38;
	[tilespmem:$0x1F0F8] =	vst v63  }
0x290: {  	s1 =	rddreg [dreg:$0x4];
	s0 =	sadd.s32 @!p5 $0x28, s13;
	s4 =	simm.s32 @!p5 $0x1  }
0x291: {  	[spmem:s1] =	stream.linear.scatter @!p5 [tilespmem:s0], [sflag:$0x1], $0x10, $0x38;
	[tilespmem:$0x1F0F8] =	vst v63  }
0x292: {  	s2 =	sadd.s32 @p2 $0x1, s21;
	_ =	swait.ge @!p5 [sflag:s4], $0x10  }
0x293: {  	s5 =	sshrl.u32 @p2 s2, $0x4;
	[sflag:s4] =	ssyncset.done @!p5 $0x0  }
0x294: {  	s24 =	sadd.s32 $0x80, s24;
	s5 =	smulhi.u32 @p2 $0x97B425F, s5;
	[sflag:s4] =	ssyncadd.s32 @!p5 $0xFFFFFFF0  }
0x295: {  	s28 =	sadd.s32 $0x1, s28;
	v1 =	vld @p2 [tilespmem:s24+$0x0]  }
0x296: {  	p3 =	seq.s32 s28, $0x0;
	s5 =	smul.u32 @p2 $0x1B0, s5  }
.Ltmp16:
0x297: {  	_ = 	snop;
	(pc) =	sbr.rel @!p3 .LBB2_16-.Ltmp16, $4  }
0x298: {  	s2 =	ssub.s32 @p2 s2, s5  }
0x299: {  	s8 =	sadd.s32 @!p4 s8, s29;
	s5 =	sshll.u32 @p2 s2, $0x4  }
0x29a: {  	s9 =	sadd.s32 @p2 $0x1, s25;
	s8 =	smov.u32 @p4 s29;
	[tilespmem:s5+$0x28] =	vst @p2 v1  }
0x29b: {  	s25 =	smov.u32 @p2 s9;
	s21 =	smov.u32 @p2 s2;
	s29 =	smov.u32 @p2 s8;
	v1 =	vld @!p2 [tilespmem:s24+$0x0]  }
.LBB2_17:
.Ltmp17:
0x29c: {  	_ = 	snop;
	(pc) =	sbr.rel .LBB2_19-.Ltmp17, $3  }
0x29d: {  	s1 =	sld [smem:$0x7FD];
	_ =	sdelay $0x1  }
0x29e: {  	s0 =	sshrl.u32 s29, $0x2;
	s28 =	smov.u32 s26  }
0x29f: {  	s4 =	smov.u32 s6;
	s6 =	rddreg [dreg:$0x6];
	p4 =	seq.s32 s1, $0x1;
	[tilespmem:s30+$0x28] =	vst.add.f32.msk @!p2 $0xffff, v1  }
.LBB2_21:
0x2a0: {  	_ =	sfence.sel $0x180000  }
0x2a1: {  	s0 =	simm.s32 $0x9;
	[bflag:$0x0] =	sbarrier.arrive $0xFFFF  }
0x2a2: {  	s24 =	simm.s32 $0xA;
	[sflag:s0] =	ssyncpa.u1 $0x1  }
0x2a3: {  	s25 =	simm.s32 $0xB;
	[sflag:s24] =	ssyncpa.u1 $0x1  }
0x2a4: {  	s26 =	simm.s32 $0x2;
	[sflag:s25] =	ssyncpa.u1 $0x1  }
0x2a5: {  	[sflag:s26] =	ssyncpa.u1 $0x1  }
0x2a6: {  	v0 =	vld [tilespmem:$0x3648];
	_ =	sdelay $0x4  }
0x2a7: {  	(v2sf) =	vpush v0, $0x0  }
0x2a8: {  	(v2sf) =	vpush v0, $0x1;
	_ =	sdelay $0x1  }
0x2a9: {  	(v2sf) =	vpush v0, $0x2;
	_ =	sdelay $0xb  }
0x2aa: {  	s0 =	spop (v2sf)  }
0x2ab: {  	s1 =	spop (v2sf)  }
0x2ac: {  	s2 =	smov.u32 s0;
	p0 =	sne.s32 s0, s1  }
0x2ad: {  	s4 =	spop (v2sf);
	s2 =	simm.s32 @!p0 $0xFFFFFFFF  }
0x2ae: {  	v2 =	vimm.s32 $0x1;
	v3 =	vlaneseq.u32;
	p0 =	seq.s32 s4, $0xFFFFFFFF;
	v1 =	vmov s2  }
0x2af: {  	s16 =	stileid.u32;
	v0 =	vperm.xlane v0, v2;
	p1 =	sne.s32 @!p0 s0, s1;
	v1 =	vperm.xlane v1, v3  }
0x2b0: {  	vm0 =	vcmask $0x3F04;
	s6 =	simm.s32 $0x3648;
	s0 =	simm.s32 @!p0 $0x1;
	p1 =	por !p1, p0  }
0x2b1: {  	s2 =	sshll.u32 s16, $0x1;
	s1 =	sshll.u32 @!p0 s4, $0x6;
	s0 =	simm.s32 @p1 $0x0;
	v0 =	vsel vm0, v1, v0  }
0x2b2: {  	s5 =	sor.u32 $0x200, s2;
	s1 =	sshra.s32 @!p0 s1, $0x2;
	s0 =	sor.u32 @!p0 s0, s2;
	[tilespmem:$0x3648] =	vst v0  }
0x2b3: {  	[spmem:s5] =	stream.linear.scatter [tilespmem:s6], [sflag:$0x1], $0x2, $0x38;
	[tilespmem:$0x1F0F8] =	vst v63  }
0x2b4: {  	s1 =	sadd.s32 @!p0 $0x28, s1;
	s0 =	sshll.u32 @!p0 s0, $0x4  }
0x2b5: {  	[spmem:s0] =	stream.linear.scatter @!p0 [tilespmem:s1], [sflag:$0x1], $0x10, $0x38;
	[tilespmem:$0x1F0F8] =	vst v63  }
0x2b6: {  	s0 =	simm.s32 @!p0 $0x12  }
0x2b7: {  	s28 =	simm.s32 $0x1;
	s0 =	simm.s32 @p0 $0x2  }
0x2b8: {  	_ =	swait.ge [sflag:s28], s0  }
0x2b9: {  	s0 =	ssub.s32 $0x0, s0;
	[sflag:s28] =	ssyncset.done $0x0  }
0x2ba: {  	p0 =	sne.s32 s16, $0x0;
	[sflag:s28] =	ssyncadd.s32 s0  }
.Ltmp18:
0x2bb: {  	_ =	sfence.stream.spmem;
	(pc) =	sbr.rel @p0 .LBB2_38-.Ltmp18, $4  }
0x2bc: {  	s29 =	simm.s32 $0x3;
	[bflag:$0x0] =	sbarrier.arrive $0xFFFF  }
0x2bd: {  	s30 =	simm.s32 $0x4;
	[sflag:s29] =	ssyncpa.u1 $0x1  }
0x2be: {  	s31 =	simm.s32 $0x3C;
	[sflag:s30] =	ssyncpa.u1 $0x1  }
0x2bf: {  	s17 =	rddreg [dreg:$0x5];
	[sflag:s31] =	ssyncpa.u1 $0x1  }
0x2c0: {  	_ =	sfence.stream.spmem;
	s0 =	simm.s32 $0x5  }
0x2c1: {  	s1 =	simm.s32 $0x200;
	s2 =	simm.s32 $0x3658;
	[sflag:s0] =	ssyncpa.u1 $0x0  }
0x2c2: {  	[tilespmem:s2], [sflag:$0x5] =	stream.linear.gather [spmem:s1], $0x20, $0x38;
	[tilespmem:$0x1F0F8] =	vst v63  }
0x2c3: {  	s26 =	simm.s32 $0x0;
	s28 =	simm.s32 $0x3678  }
0x2c4: {  	[tilespmem:s28], [sflag:$0x5] =	stream.linear.gather [spmem:s26], $0x200, $0x38;
	[tilespmem:$0x1F0F8] =	vst v63  }
0x2c5: {  	_ =	swait.ge [sflag:s0], $0x220  }
0x2c6: {  	[sflag:s0] =	ssyncset.done $0x0  }
0x2c7: {  	s29 =	simm.s32 $0x0;
	[sflag:s0] =	ssyncadd.s32 $0xFFFFFDE0  }
0x2c8: {  	v0 =	vld.msk [tilespmem:s29+$0x3658], $0x1;
	_ =	sdelay $0x1  }
0x2c9: {  	s30 =	simm.s32 $0x1  }
0x2ca: {  	v1 =	vld.msk [tilespmem:s30+$0x3658], $0x1;
	_ =	sdelay $0x1  }
0x2cb: {  	(v2sf) =	vpush v0, $0x0;
	_ =	sdelay $0x2  }
0x2cc: {  	(v2sf) =	vpush v1, $0x0;
	_ =	sdelay $0x2  }
0x2cd: {  	s31 =	simm.s32 $0x2  }
0x2ce: {  	v0 =	vld.msk [tilespmem:s31+$0x3658], $0x1;
	_ =	sdelay $0x2  }
0x2cf: {  	s6 =	simm.s32 $0xFFFFFFFF;
	s1 =	simm.s32 $0xFFFFFFFF;
	s0 =	simm.s32 $0xC  }
.LBB2_23:
0x2d0: {  	s2 =	smov.u32 s6;
	s4 =	smov.u32 s1  }
0x2d1: {  	s1 =	sshra.s32 s0, $0x2;
	p1 =	sne.s32 s0, $0x7C;
	s0 =	sadd.s32 $0x4, s0;
	(v2sf) =	vpush v0, $0x0  }
0x2d2: {  	v0 =	vld.msk [tilespmem:s1+$0x3658], $0x1  }
.Ltmp19:
0x2d3: {  	(pc) =	sbr.rel @p1 .LBB2_23-.Ltmp19, $4  }
0x2d4: {  	s6 =	spop (v2sf)  }
0x2d5: {  	p2 =	sne.s32 s4, $0xFFFFFFFF;
	s1 =	smov.u32 s6  }
0x2d6: {  	p3 =	seq.s32 s6, $0xFFFFFFFF;
	s1 =	smov.u32 @p2 s4  }
0x2d7: {  	s6 =	smov.u32 @p3 s2;
	s1 =	smov.u32 @p3 s4  }
0x2d8: {  	(v2sf) =	vpush v0, $0x0;
	_ =	sdelay $0x8  }
0x2d9: {  	s0 =	spop (v2sf)  }
0x2da: {  	p1 =	sne.s32 s1, $0xFFFFFFFF;
	s2 =	smov.u32 s0  }
0x2db: {  	s9 =	simm.s32 $0x6;
	p2 =	seq.s32 s0, $0xFFFFFFFF;
	s2 =	smov.u32 @p1 s1  }
0x2dc: {  	s10 =	simm.s32 $0x3638;
	s2 =	smov.u32 @p2 s1;
	s1 =	spop (v2sf)  }
0x2dd: {  	s0 =	smov.u32 @p2 s6;
	p1 =	sne.s32 s2, $0xFFFFFFFF;
	s4 =	smov.u32 s1  }
.Ltmp20:
0x2de: {  	p2 =	seq.s32 s1, $0xFFFFFFFF;
	s4 =	smov.u32 @p1 s2;
	(pc) =	sbr.rel .LBB2_25-.Ltmp20, $4  }
0x2df: {  	s11 =	simm.s32 $0x0;
	s4 =	smov.u32 @p2 s2;
	s7 =	spop (v2sf)  }
0x2e0: {  	[sflag:s9] =	ssyncpa.u1 $0x0;
	p1 =	sne.s32 s4, $0xFFFFFFFF;
	s8 =	smov.u32 s7  }
0x2e1: {  	s1 =	smov.u32 @p2 s0;
	p2 =	seq.s32 s7, $0xFFFFFFFF;
	s8 =	smov.u32 @p1 s4  }
0x2e2: {  	s6 =	simm.s32 $0x0;
	s7 =	smov.u32 @p2 s1;
	s8 =	smov.u32 @p2 s4  }
.LBB2_30:
0x2e3: {  	p1 =	sgt.u32 s12, $0x27FFE  }
0x2e4: {  	p2 =	seq.s32 @!p1 s12, s8  }
0x2e5: {  	p1 =	por p1, p2  }
0x2e6: {  	p2 =	sne.s32 @!p1 s12, s7  }
0x2e7: {  	p1 =	por p1, !p2  }
0x2e8: {  	s0 =	sshll.u32 @p1 s11, $0x6  }
0x2e9: {  	s0 =	sand.u32 @!p1 $0x3FFF8, s12  }
0x2ea: {  	s1 =	sand.u32 @!p1 $0x7, s12;
	s0 =	sadd.s32 @!p1 s3, s0  }
0x2eb: {  	[tilespmem:s10], [sflag:$0x6] =	stream.linear.gather @!p1 [hbm4b:s0+s1], $0x10, $0x38;
	[tilespmem:$0x1F0F8] =	vst v63  }
0x2ec: {  	_ =	swait.ge @!p1 [sflag:s9], $0x10  }
0x2ed: {  	[sflag:s9] =	ssyncset.done @!p1 $0x0  }
0x2ee: {  	[sflag:s9] =	ssyncadd.s32 @!p1 $0xFFFFFFF0  }
0x2ef: {  	v1 =	vld @!p1 [tilespmem:$0x3638];
	_ =	sdelay $0x2  }
0x2f0: {  	s0 =	sshll.u32 @!p1 s11, $0x6  }
0x2f1: {  	s1 =	sshrl.u32 @!p1 s0, $0x2  }
0x2f2: {  	[tilespmem:s1+$0x3678] =	vst.add.f32.msk @!p1 $0xffff, v1  }
0x2f3: {  	s0 =	sshrl.u32 s0, $0x2;
	[tilespmem:s6+$0x3658] =	vst.msk $0x1, v0  }
0x2f4: {  	v0 =	vld [tilespmem:s0+$0x3678];
	_ =	sdelay $0x2  }
0x2f5: {  	s31 =	sshll.u32 s6, $0x6  }
0x2f6: {  	s0 =	sshra.s32 s31, $0x2  }
0x2f7: {  	s6 =	sadd.s32 $0x1, s6;
	[tilespmem:s0+$0x3678] =	vst v0  }
.LBB2_32:
0x2f8: {  	s11 =	sadd.s32 $0x1, s11  }
0x2f9: {  	p1 =	sne.s32 s11, $0x20  }
.Ltmp21:
0x2fa: {  	_ = 	snop;
	(pc) =	sbr.rel @!p1 .LBB2_33-.Ltmp21, $1  }
0x2fb: {  	_ =	sdelay $0x3  }
.LBB2_25:
0x2fc: {  	v0 =	vld.msk [tilespmem:s11+$0x3658], $0x1;
	_ =	sdelay $0x4  }
0x2fd: {  	(v2sf) =	vpush v0, $0x0;
	_ =	sdelay $0xe  }
0x2fe: {  	s12 =	spop (v2sf)  }
0x2ff: {  	p1 =	seq.s32 s12, $0xFFFFFFFF  }
.Ltmp22:
0x300: {  	_ = 	snop;
	(pc) =	sbr.rel @p1 .LBB2_32-.Ltmp22, $1  }
0x301: {  	_ =	sdelay $0x3  }
0x302: {  	p1 =	slt.s32 s6, $0x1  }
.Ltmp23:
0x303: {  	_ = 	snop;
	(pc) =	sbr.rel @p1 .LBB2_30-.Ltmp23, $1  }
0x304: {  	_ =	sdelay $0x3  }
0x305: {  	s13 =	simm.s32 $0x3658;
	p1 =	por $0x0, $0x0  }
0x306: {  	v1 =	vld.msk @!p1 [tilespmem:s13+$0x0], $0x1;
	_ =	sdelay $0x4  }
0x307: {  	(v2sf) =	vpush @!p1 v1, $0x0;
	_ =	sdelay $0xd  }
0x308: {  	p3 =	sne.s32 s6, $0x1  }
.Ltmp24:
0x309: {  	s0 =	spop @!p1 (v2sf);
	(pc) =	sbr.rel @!p3 .LBB2_29-.Ltmp24, $4  }
0x30a: {  	p2 =	seq.s32 @!p1 s12, s0  }
0x30b: {  	s14 =	simm.s32 $0x0;
	p2 =	por !p2, p1  }
0x30c: {  	s0 =	simm.s32 $0xFFFFFFFF;
	s14 =	simm.s32 @p2 $0xFFFFFFFF  }
0x30d: {  	s15 =	simm.s32 $0x1;
	s14 =	smov.u32 @p1 s0  }
.LBB2_28:
0x30e: {  	s0 =	smov.u32 s14;
	p1 =	sne.s32 s14, $0xFFFFFFFF  }
0x30f: {  	s13 =	sadd.s32 $0x1, s13;
	s14 =	smov.u32 s15;
	s15 =	sadd.s32 $0x1, s15  }
0x310: {  	p2 =	sne.s32 s6, s15;
	v1 =	vld.msk @!p1 [tilespmem:s13+$0x0], $0x1;
	_ =	sdelay $0x4  }
0x311: {  	(v2sf) =	vpush @!p1 v1, $0x0;
	_ =	sdelay $0xe  }
.Ltmp25:
0x312: {  	s1 =	spop @!p1 (v2sf);
	(pc) =	sbr.rel @p2 .LBB2_28-.Ltmp25, $4  }
0x313: {  	p3 =	seq.s32 @!p1 s12, s1  }
0x314: {  	p3 =	por !p3, p1  }
0x315: {  	s14 =	simm.s32 @p3 $0xFFFFFFFF  }
0x316: {  	s14 =	smov.u32 @p1 s0  }
.LBB2_29:
0x317: {  	p1 =	sne.s32 s14, $0xFFFFFFFF  }
.Ltmp26:
0x318: {  	_ = 	snop;
	(pc) =	sbr.rel @!p1 .LBB2_30-.Ltmp26, $1  }
0x319: {  	_ =	sdelay $0x3  }
0x31a: {  	s0 =	sshll.u32 s11, $0x4  }
0x31b: {  	s0 =	sand.u32 $0x3FFFFFF0, s0  }
0x31c: {  	v0 =	vld [tilespmem:s0+$0x3678]  }
.Ltmp27:
0x31d: {  	_ = 	snop;
	(pc) =	sbr.rel .LBB2_32-.Ltmp27, $4  }
0x31e: {  	_ = 	snop  }
0x31f: {  	s31 =	sshll.u32 s14, $0x6  }
0x320: {  	s0 =	sshra.s32 s31, $0x2  }
0x321: {  	[tilespmem:s0+$0x3678] =	vst.add.f32.msk $0xffff, v0  }
.LBB2_33:
0x322: {  	s0 =	simm.s32 $0x6;
	p1 =	seq.s32 s6, $0x0  }
0x323: {  	[sflag:s0] =	ssyncpa.u1 $0x1;
	v0 =	vimm.s32 @p1 $0xFFFFFFFF  }
0x324: {  	s9 =	sadd.s32 $0xFFFFFFFF, s6;
	[tilespmem:$0x3878] =	vst @p1 v0  }
0x325: {  	v0 =	vld.msk @!p1 [tilespmem:s9+$0x3658], $0x1;
	_ =	sdelay $0x1  }
0x326: {  	v1 =	vld.msk @!p1 [tilespmem:$0x3658], $0x1;
	_ =	sdelay $0x2  }
0x327: {  	p2 =	seq.s32 @!p1 s9, $0x0;
	v0 =	vbroadcast @!p1 v0, $0x0  }
0x328: {  	vm0 =	vmmov @!p1 $0x1;
	p2 =	por !p2, p1  }
0x329: {  	v1 =	vnsel @!p1 vm0, $0xFFFFFFFF, v1;
	vm0 =	vcmask @!p1 $0x308;
	v0 =	vpsel !p2, $0xFFFFFFFF, v0  }
0x32a: {  	p2 =	sne.s32 @!p1 s8, s7;
	v0 =	vsel @!p1 vm0, v1, v0  }
0x32b: {  	s0 =	simm.s32 @!p1 $0x3678;
	s1 =	simm.s32 @!p1 $0x0;
	p3 =	por !p2, p1;
	[tilespmem:$0x3878] =	vst @!p1 v0  }
0x32c: {  	[spmem:s1] =	stream.linear.scatter @!p1 [tilespmem:s0], [sflag:$0x1], $0x10, $0x38;
	[tilespmem:$0x1F0F8] =	vst v63  }
0x32d: {  	s0 =	sshll.u32 @!p3 s9, $0x6  }
0x32e: {  	s0 =	sshra.s32 @!p3 s0, $0x2  }
0x32f: {  	s1 =	simm.s32 @!p3 $0x10;
	s0 =	sadd.s32 @!p3 $0x3678, s0  }
0x330: {  	[spmem:s1] =	stream.linear.scatter @!p3 [tilespmem:s0], [sflag:$0x1], $0x10, $0x38;
	[tilespmem:$0x1F0F8] =	vst v63  }
0x331: {  	s0 =	simm.s32 @!p3 $0x1  }
0x332: {  	_ =	swait.ge @!p3 [sflag:s0], $0x20  }
0x333: {  	p1 =	por p2, p1;
	[sflag:s0] =	ssyncset.done @!p3 $0x0  }
0x334: {  	[sflag:s0] =	ssyncadd.s32 @!p3 $0xFFFFFFE0;
	s0 =	simm.s32 @!p1 $0x1  }
0x335: {  	_ =	swait.ge @!p1 [sflag:s0], $0x10  }
0x336: {  	s29 =	simm.s32 $0x3878;
	[sflag:s0] =	ssyncset.done @!p1 $0x0  }
0x337: {  	s30 =	simm.s32 $0x200;
	s31 =	simm.s32 $0x1;
	[sflag:s0] =	ssyncadd.s32 @!p1 $0xFFFFFFF0  }
0x338: {  	[spmem:s30] =	stream.linear.scatter [tilespmem:s29], [sflag:$0x1], $0x10, $0x38;
	[tilespmem:$0x1F0F8] =	vst v63  }
0x339: {  	_ =	swait.ge [sflag:s31], $0x10  }
0x33a: {  	[sflag:s31] =	ssyncset.done $0x0  }
0x33b: {  	p1 =	seq.s32 s17, $0x0;
	s8 =	rddreg [dreg:$0x1];
	[sflag:s31] =	ssyncadd.s32 $0xFFFFFFF0  }
0x33c: {  	s1 =	sshll.u32 @p1 s8, $0xE;
	s7 =	rddreg [dreg:$0x2]  }
0x33d: {  	s0 =	sadd.s32 @p1 $0x15C3C, s1;
	s1 =	sshll.u32 @p1 s7, $0x11  }
0x33e: {  	_ =	sfence.stream.spmem;
	s0 =	sor.u32 @p1 s1, s0  }
0x33f: {  	[sflag:s0] =	ssyncadd.remote.s32 @p1 $0x1;
	s0 =	simm.s32 @p1 $0x4  }
0x340: {  	s2 =	simm.s32 @!p1 $0x3C;
	s1 =	sand.u32 $0xFFFFFFFE, s8;
	_ =	swait.ge @p1 [sflag:s0], $0x6  }
0x341: {  	s4 =	simm.s32 @!p1 $0x0;
	s1 =	sadd.s32 @!p1 $0x4, s1;
	[sflag:s0] =	ssyncset.done @p1 $0x0  }
0x342: {  	s5 =	simm.s32 @!p1 $0x20;
	[sflag:s0] =	ssyncadd.s32 @p1 $0xFFFFFFFA;
	s0 =	sshll.u32 @!p1 s1, $0x1A  }
0x343: {  	s1 =	sshll.u32 @!p1 s1, $0xD;
	s0 =	sor.u32 @!p1 s0, s7;
	_ =	swait.eq @!p1 [sflag:s2], $0x1  }
0x344: {  	s1 =	sor.u32 @!p1 $0x1C04, s1;
	s2 =	simm.s32 @!p1 $0x1C03;
	s0 =	sor.u32 @!p1 $0x80004000, s0  }
0x345: {  	[spmem:s5], [sflag:s1] =	dma.general @!p1 [spmem:s4], [sflag:s2], length:$0x4, [dreg:$0x0], stride_count:$0x0, ici_dest:s0, dma_misc:DstOpCode:WRITE  }
0x346: {  	p2 =	slt.s32 s9, $0x2;
	s4 =	simm.s32 @!p1 $0x40;
	s5 =	simm.s32 @!p1 $0x42  }
0x347: {  	[spmem:s5], [sflag:s1] =	dma.general @!p1 [spmem:s4], [sflag:s2], length:$0x2, [dreg:$0x0], stride_count:$0x0, ici_dest:s0, dma_misc:DstOpCode:WRITE  }
.Ltmp28:
0x348: {  	s0 =	simm.s32 @!p1 $0x3;
	(pc) =	sbr.rel @p2 .LBB2_37-.Ltmp28, $4  }
0x349: {  	s1 =	sshll.u32 @!p1 s8, $0xE;
	_ =	swait.ge @!p1 [sflag:s0], $0x6  }
0x34a: {  	s2 =	sshll.u32 @!p1 s7, $0x11;
	s1 =	sadd.s32 @!p1 $0x11C3C, s1;
	[sflag:s0] =	ssyncset.done @!p1 $0x0  }
0x34b: {  	[sflag:s0] =	ssyncadd.s32 @!p1 $0xFFFFFFFA;
	s0 =	sor.u32 @!p1 s2, s1  }
0x34c: {  	[sflag:s0] =	ssyncadd.remote.s32 @!p1 $0xFFFFFFFF;
	s0 =	simm.s32 $0x0  }
0x34d: {  	s0 =	simm.s32 $0x3659  }
0x34e: {  	v0 =	vld.msk [tilespmem:s0+$0x0], $0x1;
	_ =	sdelay $0x4  }
0x34f: {  	(v2sf) =	vpush v0, $0x0;
	_ =	sdelay $0xd  }
0x350: {  	s2 =	sadd.s32 $0xFFFFFFFE, s6  }
0x351: {  	s2 =	sadd.s32 $0xFFFFFFFF, s2;
	s0 =	spop (v2sf)  }
0x352: {  	p2 =	sne.s32 s2, $0x0;
	p1 =	sgt.u32 s0, $0x27FFE  }
.Ltmp29:
0x353: {  	s4 =	sand.u32 @!p1 $0x3FFF8, s0;
	(pc) =	sbr.rel @!p2 .LBB2_36-.Ltmp29, $4  }
0x354: {  	s1 =	simm.s32 $0x3688;
	s0 =	sand.u32 @!p1 $0x7, s0;
	s4 =	sadd.s32 @!p1 s3, s4  }
0x355: {  	[hbm4b:s4+s0] =	stream.linear.scatter @!p1 [tilespmem:s1], [sflag:$0x5], $0x10, $0x38;
	[tilespmem:$0x1F0F8] =	vst v63  }
0x356: {  	s0 =	simm.s32 $0x0  }
0x357: {  	s6 =	simm.s32 $0x0;
	s7 =	simm.s32 $0x365A;
	s0 =	simm.s32 @!p1 $0x40  }
.LBB2_35:
0x358: {  	v0 =	vld.msk [tilespmem:s7+$0x0], $0x1;
	s2 =	sadd.s32 $0xFFFFFFFF, s2;
	s6 =	sadd.s32 s6, s0  }
0x359: {  	p1 =	sne.s32 s2, $0x0;
	_ =	sdelay $0x3  }
0x35a: {  	(v2sf) =	vpush v0, $0x0;
	_ =	sdelay $0xe  }
.Ltmp30:
0x35b: {  	s4 =	spop (v2sf);
	(pc) =	sbr.rel @p1 .LBB2_35-.Ltmp30, $4  }
0x35c: {  	s0 =	simm.s32 $0x0;
	p2 =	sgt.u32 s4, $0x27FFE  }
0x35d: {  	s1 =	sadd.s32 $0x10, s1;
	s0 =	simm.s32 @!p2 $0x40;
	s5 =	sand.u32 @!p2 $0x3FFF8, s4  }
0x35e: {  	s7 =	sadd.s32 $0x1, s7;
	s4 =	sand.u32 @!p2 $0x7, s4;
	s5 =	sadd.s32 @!p2 s3, s5  }
0x35f: {  	[hbm4b:s5+s4] =	stream.linear.scatter @!p2 [tilespmem:s1], [sflag:$0x5], $0x10, $0x38;
	[tilespmem:$0x1F0F8] =	vst v63  }
.LBB2_36:
0x360: {  	s0 =	sadd.s32 s6, s0  }
0x361: {  	s0 =	sshrl.u32 s0, $0x2  }
.LBB2_37:
0x362: {  	s1 =	simm.s32 $0x5  }
0x363: {  	_ =	swait.ge [sflag:s1], s0  }
0x364: {  	s31 =	ssub.s32 $0x0, s0;
	[sflag:s1] =	ssyncset.done $0x0  }
0x365: {  	[sflag:s1] =	ssyncadd.s32 s31  }
0x366: {  	[sflag:s1] =	ssyncpa.u1 $0x1  }
.LBB2_38:
0x367: {  	s0 =	sor.u32 s17, s16  }
0x368: {  	p1 =	sne.s32 s0, $0x0  }
.Ltmp31:
0x369: {  	_ = 	snop;
	(pc) =	sbr.rel @p1 .LBB2_53-.Ltmp31, $3  }
0x36a: {  	_ =	sdelay $0x1  }
0x36b: {  	[bflag:$0x0] =	sbarrier.arrive $0xFFFF  }
0x36c: {  	_ =	sfence  }
0x36d: {  	s0 =	simm.s32 $0x7  }
0x36e: {  	s1 =	simm.s32 $0x200;
	s2 =	simm.s32 $0x3658;
	[sflag:s0] =	ssyncpa.u1 $0x0  }
0x36f: {  	[tilespmem:s2], [sflag:$0x7] =	stream.linear.gather [spmem:s1], $0x20, $0x38;
	[tilespmem:$0x1F0F8] =	vst v63  }
0x370: {  	s30 =	simm.s32 $0x3678;
	s1 =	simm.s32 $0x0  }
0x371: {  	[tilespmem:s30], [sflag:$0x7] =	stream.linear.gather [spmem:s1], $0x200, $0x38;
	[tilespmem:$0x1F0F8] =	vst v63  }
.Ltmp32:
0x372: {  	_ = 	snop;
	(pc) =	sbr.rel .LBB2_40-.Ltmp32, $4  }
0x373: {  	_ =	swait.ge [sflag:s0], $0x220  }
0x374: {  	[sflag:s0] =	ssyncset.done $0x0  }
0x375: {  	s31 =	simm.s32 $0x8;
	[sflag:s0] =	ssyncadd.s32 $0xFFFFFDE0  }
0x376: {  	s2 =	simm.s32 $0x0;
	[sflag:s31] =	ssyncpa.u1 $0x0  }
.LBB2_45:
0x377: {  	p1 =	slt.u32 s4, $0x27FFF  }
0x378: {  	s0 =	sand.u32 @p1 $0x3FFF8, s4  }
0x379: {  	s4 =	sand.u32 @p1 $0x7, s4;
	s5 =	simm.s32 @p1 $0x3638;
	s0 =	sadd.s32 @p1 s3, s0  }
0x37a: {  	[tilespmem:s5], [sflag:$0x8] =	stream.linear.gather @p1 [hbm4b:s0+s4], $0x10, $0x38;
	[tilespmem:$0x1F0F8] =	vst v63  }
0x37b: {  	s0 =	simm.s32 @p1 $0x8  }
0x37c: {  	_ =	swait.ge @p1 [sflag:s0], $0x10  }
0x37d: {  	[sflag:s0] =	ssyncset.done @p1 $0x0  }
0x37e: {  	[sflag:s0] =	ssyncadd.s32 @p1 $0xFFFFFFF0  }
0x37f: {  	v1 =	vld @p1 [tilespmem:$0x3638];
	_ =	sdelay $0x2  }
0x380: {  	s0 =	sshll.u32 @p1 s2, $0x6  }
0x381: {  	s5 =	sshll.u32 @!p1 s2, $0x6;
	s4 =	sshrl.u32 @p1 s0, $0x2  }
0x382: {  	s5 =	smov.u32 @p1 s0;
	[tilespmem:s4+$0x3678] =	vst.add.f32.msk @p1 $0xffff, v1  }
0x383: {  	s0 =	sshrl.u32 s5, $0x2;
	[tilespmem:s1+$0x3658] =	vst.msk $0x1, v0  }
0x384: {  	v0 =	vld [tilespmem:s0+$0x3678];
	_ =	sdelay $0x2  }
0x385: {  	s31 =	sshll.u32 s1, $0x6  }
0x386: {  	s0 =	sshra.s32 s31, $0x2  }
0x387: {  	s1 =	sadd.s32 $0x1, s1;
	[tilespmem:s0+$0x3678] =	vst v0  }
.LBB2_47:
0x388: {  	s2 =	sadd.s32 $0x1, s2  }
0x389: {  	p1 =	sne.s32 s2, $0x20  }
.Ltmp33:
0x38a: {  	_ = 	snop;
	(pc) =	sbr.rel @!p1 .LBB2_48-.Ltmp33, $1  }
0x38b: {  	_ =	sdelay $0x3  }
.LBB2_40:
0x38c: {  	v0 =	vld.msk [tilespmem:s2+$0x3658], $0x1;
	_ =	sdelay $0x4  }
0x38d: {  	(v2sf) =	vpush v0, $0x0;
	_ =	sdelay $0xe  }
0x38e: {  	s4 =	spop (v2sf)  }
0x38f: {  	p1 =	seq.s32 s4, $0xFFFFFFFF  }
.Ltmp34:
0x390: {  	_ = 	snop;
	(pc) =	sbr.rel @p1 .LBB2_47-.Ltmp34, $1  }
0x391: {  	_ =	sdelay $0x3  }
0x392: {  	p1 =	slt.s32 s1, $0x1  }
.Ltmp35:
0x393: {  	_ = 	snop;
	(pc) =	sbr.rel @p1 .LBB2_45-.Ltmp35, $1  }
0x394: {  	_ =	sdelay $0x3  }
0x395: {  	s5 =	simm.s32 $0x3658;
	p1 =	por $0x0, $0x0  }
0x396: {  	v1 =	vld.msk @!p1 [tilespmem:s5+$0x0], $0x1;
	_ =	sdelay $0x4  }
0x397: {  	(v2sf) =	vpush @!p1 v1, $0x0;
	_ =	sdelay $0xd  }
0x398: {  	p3 =	sne.s32 s1, $0x1  }
.Ltmp36:
0x399: {  	s0 =	spop @!p1 (v2sf);
	(pc) =	sbr.rel @!p3 .LBB2_44-.Ltmp36, $4  }
0x39a: {  	p2 =	seq.s32 @!p1 s4, s0  }
0x39b: {  	s6 =	simm.s32 $0x0;
	p2 =	por !p2, p1  }
0x39c: {  	s0 =	simm.s32 $0xFFFFFFFF;
	s6 =	simm.s32 @p2 $0xFFFFFFFF  }
0x39d: {  	s7 =	simm.s32 $0x1;
	s6 =	smov.u32 @p1 s0  }
.LBB2_43:
0x39e: {  	s0 =	smov.u32 s6;
	p1 =	sne.s32 s6, $0xFFFFFFFF  }
0x39f: {  	s5 =	sadd.s32 $0x1, s5;
	s6 =	smov.u32 s7;
	s7 =	sadd.s32 $0x1, s7  }
0x3a0: {  	p2 =	sne.s32 s1, s7;
	v1 =	vld.msk @!p1 [tilespmem:s5+$0x0], $0x1;
	_ =	sdelay $0x4  }
0x3a1: {  	(v2sf) =	vpush @!p1 v1, $0x0;
	_ =	sdelay $0xe  }
.Ltmp37:
0x3a2: {  	s8 =	spop @!p1 (v2sf);
	(pc) =	sbr.rel @p2 .LBB2_43-.Ltmp37, $4  }
0x3a3: {  	p3 =	seq.s32 @!p1 s4, s8  }
0x3a4: {  	p3 =	por !p3, p1  }
0x3a5: {  	s6 =	simm.s32 @p3 $0xFFFFFFFF  }
0x3a6: {  	s6 =	smov.u32 @p1 s0  }
.LBB2_44:
0x3a7: {  	p1 =	sne.s32 s6, $0xFFFFFFFF  }
.Ltmp38:
0x3a8: {  	_ = 	snop;
	(pc) =	sbr.rel @!p1 .LBB2_45-.Ltmp38, $1  }
0x3a9: {  	_ =	sdelay $0x3  }
0x3aa: {  	s0 =	sshll.u32 s2, $0x4  }
0x3ab: {  	s0 =	sand.u32 $0x3FFFFFF0, s0  }
0x3ac: {  	v0 =	vld [tilespmem:s0+$0x3678]  }
.Ltmp39:
0x3ad: {  	_ = 	snop;
	(pc) =	sbr.rel .LBB2_47-.Ltmp39, $4  }
0x3ae: {  	_ = 	snop  }
0x3af: {  	s31 =	sshll.u32 s6, $0x6  }
0x3b0: {  	s0 =	sshra.s32 s31, $0x2  }
0x3b1: {  	[tilespmem:s0+$0x3678] =	vst.add.f32.msk $0xffff, v0  }
.LBB2_48:
0x3b2: {  	p1 =	slt.s32 s1, $0x1  }
.Ltmp40:
0x3b3: {  	_ = 	snop;
	(pc) =	sbr.rel @p1 .LBB2_52-.Ltmp40, $3  }
0x3b4: {  	_ =	sdelay $0x1  }
0x3b5: {  	s0 =	simm.s32 $0x8  }
0x3b6: {  	s2 =	simm.s32 $0x0;
	[sflag:s0] =	ssyncpa.u1 $0x1  }
0x3b7: {  	s0 =	simm.s32 $0x3658  }
0x3b8: {  	v0 =	vld.msk [tilespmem:s0+$0x0], $0x1;
	_ =	sdelay $0x4  }
0x3b9: {  	(v2sf) =	vpush v0, $0x0;
	_ =	sdelay $0xe  }
0x3ba: {  	s1 =	sadd.s32 $0xFFFFFFFF, s1;
	s0 =	spop (v2sf)  }
0x3bb: {  	p2 =	sne.s32 s1, $0x0;
	p1 =	sgt.u32 s0, $0x27FFE  }
.Ltmp41:
0x3bc: {  	s5 =	sand.u32 @!p1 $0x3FFF8, s0;
	(pc) =	sbr.rel @!p2 .LBB2_51-.Ltmp41, $4  }
0x3bd: {  	s4 =	simm.s32 $0x3678;
	s0 =	sand.u32 @!p1 $0x7, s0;
	s5 =	sadd.s32 @!p1 s3, s5  }
0x3be: {  	[hbm4b:s5+s0] =	stream.linear.scatter @!p1 [tilespmem:s4], [sflag:$0x7], $0x10, $0x38;
	[tilespmem:$0x1F0F8] =	vst v63  }
0x3bf: {  	s0 =	simm.s32 $0x0  }
0x3c0: {  	s5 =	simm.s32 $0x3659;
	s0 =	simm.s32 @!p1 $0x40  }
.LBB2_50:
0x3c1: {  	v0 =	vld.msk [tilespmem:s5+$0x0], $0x1;
	s1 =	sadd.s32 $0xFFFFFFFF, s1;
	s2 =	sadd.s32 s2, s0  }
0x3c2: {  	p1 =	sne.s32 s1, $0x0;
	_ =	sdelay $0x3  }
0x3c3: {  	(v2sf) =	vpush v0, $0x0;
	_ =	sdelay $0xe  }
.Ltmp42:
0x3c4: {  	s6 =	spop (v2sf);
	(pc) =	sbr.rel @p1 .LBB2_50-.Ltmp42, $4  }
0x3c5: {  	s0 =	simm.s32 $0x0;
	p2 =	sgt.u32 s6, $0x27FFE  }
0x3c6: {  	s4 =	sadd.s32 $0x10, s4;
	s0 =	simm.s32 @!p2 $0x40;
	s7 =	sand.u32 @!p2 $0x3FFF8, s6  }
0x3c7: {  	s5 =	sadd.s32 $0x1, s5;
	s6 =	sand.u32 @!p2 $0x7, s6;
	s7 =	sadd.s32 @!p2 s3, s7  }
0x3c8: {  	[hbm4b:s7+s6] =	stream.linear.scatter @!p2 [tilespmem:s4], [sflag:$0x7], $0x10, $0x38;
	[tilespmem:$0x1F0F8] =	vst v63  }
.LBB2_51:
0x3c9: {  	s0 =	sadd.s32 s2, s0  }
0x3ca: {  	s2 =	sshrl.u32 s0, $0x2  }
.LBB2_52:
0x3cb: {  	s0 =	simm.s32 $0x7  }
0x3cc: {  	_ =	swait.ge [sflag:s0], s2  }
0x3cd: {  	s1 =	ssub.s32 $0x0, s2;
	[sflag:s0] =	ssyncset.done $0x0  }
0x3ce: {  	[sflag:s0] =	ssyncadd.s32 s1  }
0x3cf: {  	[sflag:s0] =	ssyncpa.u1 $0x1  }
.LBB2_53:
0x3d0: {  	_ =	sfence;
	s0 =	simm.s32 $0x1  }
0x3d1: {  	[sflag:s0] =	ssyncpa.u1 $0x1  }
0x3d2: {  	_ =	strace $0x9000004D  }
0x3d3: {  	[bflag:$0x2] =	sbarrier.arrive $0xFFFF  }
0x3d4: {  	s0 =	rddreg [dreg:$0x3]  }
0x3d5: {  	s0 =	sadd.s32 @!p0 $0x100000, s0  }
0x3d6: {  	[sflag:s0] =	ssyncadd.tile.s32 @!p0 $0x1;
	_ =	shalt  }
.Lfunc_end2:
_tile_overlayer_lowered:
.L_overlay_start_2:
0x3d7: {  	(tag) =	ssettag $0x2  }
0x3d8: {  	s0 =	rddreg [dreg:$0x0];
	s2 =	stileid.u32  }
0x3d9: {  	s1 =	rddreg [dreg:$0x1];
	p0 =	sne.s32 s2, $0x0  }
0x3da: {  	s3 =	rddreg [dreg:$0x2];
	[bflag:$0x3] =	sbarrier.arrive $0xFFFF;
	s2 =	simm.s32 @!p0 $0x1C01  }
0x3db: {  	[timem:s3], [sflag:s2] =	dma.local @!p0 [hbm:s0], s1  }
0x3dc: {  	s0 =	simm.s32 @!p0 $0x1  }
0x3dd: {  	_ =	swait.ge @!p0 [sflag:s0], s1  }
0x3de: {  	s1 =	ssub.s32 @!p0 $0x0, s1;
	[sflag:s0] =	ssyncset.done @!p0 $0x0  }
0x3df: {  	[sflag:s0] =	ssyncadd.s32 @!p0 s1  }
0x3e0: {  	[bflag:$0x3] =	sbarrier.arrive $0xFFFF  }
0x3e1: {  	_ =	shalt  }

// kernel: scatter_offload_async_start
scs
__scs_entry_jumppad:
0x0: {  	(pc) =	sbr.rel $0x88, $3  }
0x1: {  	(tag) =	ssettag $0x0;
	lr =	simm.s32 $0x1  }
0x2: {  	[smem:$0x3F68] =	sst lr;
	_ =	strace $0xD0000000  }
0x3: {  	_ = 	snop  }
0x4: {  	_ = 	snop  }
0x5: {  	_ = 	snop  }
0x6: {  	_ = 	snop  }
0x7: {  	_ = 	snop  }
__scs_overlays_trampoline_lowered:
0x8: {  	[smem:$0x3F77] =	sst s0  }
0x9: {  	[smem:$0x3F78] =	sst s1  }
0xa: {  	[smem:$0x3F79] =	sst s2  }
0xb: {  	[smem:$0x3F7A] =	sst s3  }
0xc: {  	[smem:$0x3F7B] =	sst s4  }
0xd: {  	[smem:$0x3F7C] =	sst s5  }
0xe: {  	[smem:$0x3F7D] =	sst s6  }
0xf: {  	[smem:$0x3F7E] =	sst s7  }
0x10: {  	[smem:$0x3F7F] =	sst s8  }
0x11: {  	[smem:$0x3F80] =	sst s9;
	s0 =	simm.s32 @!p0 $0x0  }
0x12: {  	s1 =	sld [smem:$0x3F66];
	s0 =	simm.s32 @p0 $0x1  }
0x13: {  	[smem:$0x3F81] =	sst s0;
	s0 =	simm.s32 @!p1 $0x0  }
0x14: {  	s2 =	sld [smem:$0x3F65];
	s0 =	simm.s32 @p1 $0x1  }
0x15: {  	[smem:$0x3F82] =	sst s0;
	s0 =	simm.s32 @!p2 $0x0  }
0x16: {  	s3 =	sld [smem:$0x3FDB];
	s0 =	simm.s32 @p2 $0x1  }
0x17: {  	s4 =	simm.s32 $0x1BF5;
	[smem:$0x3F84] =	sst s0  }
0x18: {  	s0 =	sld [smem:$0x3F67];
	_ =	swait.ge [sflag:s4], $0x0  }
0x19: {  	s7 =	sld [smem:$0x3F68]  }
0x1a: {  	s8 =	sadd.s32 $0xFFFFE003, lr  }
0x1b: {  	s9 =	sadd.s32 $0xFFFFFEF7, lr;
	s5 =	simm.s32 $0xFFFFFFFF;
	p2 =	slt.u32 s8, $0xFFFFF086  }
0x1c: {  	p1 =	slt.u32 s9, $0xF7A;
	s5 =	simm.s32 @!p2 $0x0  }
0x1d: {  	s5 =	simm.s32 @p1 $0x1;
	p0 =	seq.s32 s7, s2  }
0x1e: {  	s7 =	smul.u32 @!p0 $0xF7A, s2;
	p2 =	seq.s32 @!p0 s5, $0x0  }
0x1f: {  	s9 =	smul.u32 $0xF7A, s1;
	s8 =	simm.s32 @!p0 $0x1BF5;
	p2 =	por !p2, p0  }
0x20: {  	[sflag:s8] =	ssyncset.s32 @!p0 $0xFFFFF086;
	s6 =	sadd.s32 @!p0 s3, s7;
	s7 =	simm.s32 @!p0 $0x108  }
0x21: {  	s3 =	sadd.s32 s3, s9;
	s6 =	sadd.s32 @!p0 $0x88, s6;
	s7 =	simm.s32 @p2 $0x1082  }
0x22: {  	[simem:s7], [sflag:s8] =	dma.local @!p0 [hbm:s6], $0xF7A  }
0x23: {  	s9 =	sor.u32 $0xD0000000, s2;
	s6 =	simm.s32 $0x108;
	_ =	swait.ge @!p0 [sflag:s8], $0x0  }
0x24: {  	s3 =	sadd.s32 $0x88, s3;
	s6 =	simm.s32 @!p1 $0x1082;
	[sflag:s4] =	ssyncset.s32 $0xFFFFF086  }
0x25: {  	[simem:s6], [sflag:s4] =	dma.local [hbm:s3], $0xF7A  }
0x26: {  	[smem:$0x3F68] =	sst s1;
	(tag) =	ssettag s2;
	_ =	strace s9  }
0x27: {  	s1 =	sld [smem:$0x3F78]  }
0x28: {  	s2 =	sld [smem:$0x3F79]  }
0x29: {  	s4 =	sld [smem:$0x3F7B]  }
0x2a: {  	p0 =	seq.s32 s5, $0x0;
	s5 =	sld [smem:$0x3F7C]  }
0x2b: {  	s6 =	sld [smem:$0x3F7D]  }
0x2c: {  	s7 =	sld [smem:$0x3F7E]  }
0x2d: {  	s3 =	simm.s32 $0x108;
	s8 =	sld [smem:$0x3F7F]  }
0x2e: {  	s3 =	simm.s32 @!p0 $0x1082;
	s9 =	sld [smem:$0x3F80]  }
0x2f: {  	lr =	sadd.s32 s0, s3;
	s0 =	sld [smem:$0x3F77]  }
0x30: {  	s3 =	sld [smem:$0x3F7A]  }
0x31: {  	[smem:$0x3F83] =	sst s10  }
0x32: {  	s10 =	sld [smem:$0x3F81];
	_ =	sdelay $0x3  }
0x33: {  	p0 =	seq.s32 s10, $0x1;
	s10 =	sld [smem:$0x3F83];
	_ =	sdelay $0x3  }
0x34: {  	[smem:$0x3F83] =	sst s10  }
0x35: {  	s10 =	sld [smem:$0x3F82];
	_ =	sdelay $0x3  }
0x36: {  	p1 =	seq.s32 s10, $0x1;
	s10 =	sld [smem:$0x3F83];
	_ =	sdelay $0x3  }
0x37: {  	[smem:$0x3F83] =	sst s10  }
0x38: {  	s10 =	sld [smem:$0x3F84]  }
0x39: {  	_ = 	snop;
	(pc) =	sbr.ind lr, $3  }
0x3a: {  	_ = 	snop  }
0x3b: {  	_ = 	snop  }
0x3c: {  	p2 =	seq.s32 s10, $0x1;
	s10 =	sld [smem:$0x3F83]  }
0x3d: {  	_ =	shalt  }
0x3e: {  	_ =	shalt  }
0x3f: {  	_ =	shalt  }
0x40: {  	_ =	shalt  }
0x41: {  	_ =	shalt  }
0x42: {  	_ =	shalt  }
0x43: {  	_ =	shalt  }
0x44: {  	_ =	shalt  }
0x45: {  	_ =	shalt  }
0x46: {  	_ =	shalt  }
0x47: {  	_ =	shalt  }
0x48: {  	_ =	shalt  }
0x49: {  	_ =	shalt  }
0x4a: {  	_ =	shalt  }
0x4b: {  	_ =	shalt  }
0x4c: {  	_ =	shalt  }
0x4d: {  	_ =	shalt  }
0x4e: {  	_ =	shalt  }
0x4f: {  	_ =	shalt  }
0x50: {  	_ =	shalt  }
0x51: {  	_ =	shalt  }
0x52: {  	_ =	shalt  }
0x53: {  	_ =	shalt  }
0x54: {  	_ =	shalt  }
0x55: {  	_ =	shalt  }
0x56: {  	_ =	shalt  }
0x57: {  	_ =	shalt  }
0x58: {  	_ =	shalt  }
0x59: {  	_ =	shalt  }
0x5a: {  	_ =	shalt  }
0x5b: {  	_ =	shalt  }
0x5c: {  	_ =	shalt  }
0x5d: {  	_ =	shalt  }
0x5e: {  	_ =	shalt  }
0x5f: {  	_ =	shalt  }
0x60: {  	_ =	shalt  }
0x61: {  	_ =	shalt  }
0x62: {  	_ =	shalt  }
0x63: {  	_ =	shalt  }
0x64: {  	_ =	shalt  }
0x65: {  	_ =	shalt  }
0x66: {  	_ =	shalt  }
0x67: {  	_ =	shalt  }
0x68: {  	_ =	shalt  }
0x69: {  	_ =	shalt  }
0x6a: {  	_ =	shalt  }
0x6b: {  	_ =	shalt  }
0x6c: {  	_ =	shalt  }
0x6d: {  	_ =	shalt  }
0x6e: {  	_ =	shalt  }
0x6f: {  	_ =	shalt  }
0x70: {  	_ =	shalt  }
0x71: {  	_ =	shalt  }
0x72: {  	_ =	shalt  }
0x73: {  	_ =	shalt  }
0x74: {  	_ =	shalt  }
0x75: {  	_ =	shalt  }
0x76: {  	_ =	shalt  }
0x77: {  	_ =	shalt  }
0x78: {  	_ =	shalt  }
0x79: {  	_ =	shalt  }
0x7a: {  	_ =	shalt  }
0x7b: {  	_ =	shalt  }
0x7c: {  	_ =	shalt  }
0x7d: {  	_ =	shalt  }
0x7e: {  	_ =	shalt  }
0x7f: {  	_ =	shalt  }
0x80: {  	_ =	shalt  }
0x81: {  	_ =	shalt  }
0x82: {  	_ =	shalt  }
0x83: {  	_ =	shalt  }
0x84: {  	_ =	shalt  }
0x85: {  	_ =	shalt  }
0x86: {  	_ =	shalt  }
0x87: {  	_ =	shalt  }
.Lfunc_end0:
.L_simem_size_0:
called_computation_lowered:
.L_overlay_start_0:
0x88: {  	s2 =	sld [smem:$0x3FD9]  }
0x89: {  	s3 =	sld [smem:$0x3FFE];
	_ =	sdelay $0x1  }
0x8a: {  	s1 =	srdreg.scid  }
0x8b: {  	s0 =	sand.u32 $0x1, s1  }
0x8c: {  	s15 =	sshll.u32 s0, $0xA;
	s2 =	sadd.s32 s3, s2  }
0x8d: {  	s2 =	sadd.s32 s2, s15  }
0x8e: {  	[smem:$0x3F8F] =	sst s2  }
0x8f: {  	_ = 	snop  }
0x90: {  	(tm) =	ssettm $0x1  }
0x91: {  	s16 =	sld [smem:$0x3FFB];
	_ =	sdelay $0x3  }
0x92: {  	_ =	strace s16  }
0x93: {  	s2 =	sld [smem:$0x3FFC];
	_ =	sdelay $0x3  }
0x94: {  	_ =	strace s2  }
0x95: {  	s2 =	sld [smem:$0x3FFD];
	_ =	sdelay $0x3  }
0x96: {  	_ =	strace s2  }
0x97: {  	_ =	strace $0x8FFFFFFF  }
0x98: {  	s17 =	sld [smem:$0x3FDB];
	_ =	sdelay $0x1  }
0x99: {  	s18 =	simm.s32 $_scs_section_size  }
0x9a: {  	s4 =	simm.s32 $_size__tile_overlayer_lowered;
	s5 =	simm.s32 $_tile_overlayer_lowered  }
0x9b: {  	s21 =	simm.s32 $0x1BFF;
	s20 =	sshll.u32 s5, $0x1;
	s2 =	sadd.s32 s18, s17  }
0x9c: {  	s6 =	simm.s32 $0x0;
	s19 =	sshll.u32 s4, $0x1;
	s4 =	sadd.s32 s20, s2  }
0x9d: {  	[timem:s6], [sflag:s21] =	dma.local [hbm:s4], s19  }
0x9e: {  	_ =	swait.ge [sflag:s21], s19  }
0x9f: {  	s3 =	ssub.s32 $0x0, s19;
	[sflag:s21] =	ssyncset.done $0x0  }
0xa0: {  	[sflag:s21] =	ssyncadd.s32 s3;
	_ =	sdelay $0x1  }
0xa1: {  	s22 =	simm.s32 $0x1B8B  }
0xa2: {  	_ =	swait.ge [sflag:s22], $0x1  }
0xa3: {  	[sflag:s22] =	ssyncset.done $0x0  }
0xa4: {  	s23 =	sld [smem:$0x3FFE];
	[sflag:s22] =	ssyncadd.s32 $0xFFFFFFFF  }
0xa5: {  	s25 =	simm.s32 $0x1B8E;
	s24 =	sld [smem:$0x0]  }
0xa6: {  	s26 =	simm.s32 $execute0_lowered;
	[smem:$0x3FD2] =	sst s25  }
0xa7: {  	s5 =	sshll.u32 s26, $0x1;
	_ =	strace $0x80000046;
	[dreg:$0x1] =	wrdreg $0xFFFFFFFF  }
0xa8: {  	s28 =	simm.s32 $_size_execute0_lowered;
	s2 =	sadd.s32 s2, s5;
	[dreg:$0x0] =	wrdreg $0x0  }
0xa9: {  	s5 =	sshll.u32 s28, $0x1;
	[dreg:$0x2] =	wrdreg s2  }
0xaa: {  	[dreg:$0x3] =	wrdreg s5  }
0xab: {  	[dreg:$0x4] =	wrdreg $0xC0  }
0xac: {  	_ =	task [dreg:s6], $0x5FFFF  }
0xad: {  	[dreg:$0x1] =	wrdreg $0xFFFFFFFF  }
0xae: {  	[dreg:$0x0] =	wrdreg $0x60  }
0xaf: {  	[dreg:$0x2] =	wrdreg s23  }
0xb0: {  	[dreg:$0x3] =	wrdreg s1  }
0xb1: {  	[dreg:$0x4] =	wrdreg s24  }
0xb2: {  	[dreg:$0x5] =	wrdreg $0xA  }
0xb3: {  	_ =	task.clear_ibuf [dreg:s6], $0x6FFFF;
	_ =	strace $0x90000046  }
0xb4: {  	s29 =	simm.s32 $0xA;
	_ =	strace $0x80000048  }
0xb5: {  	_ =	swait.ge [sflag:s29], $0x1  }
0xb6: {  	[sflag:s29] =	ssyncadd.s32 $0xFFFFFFFF  }
0xb7: {  	_ =	strace $0x90000048  }
0xb8: {  	_ =	sfence  }
0xb9: {  	s30 =	sld [smem:$0x0];
	_ =	sdelay $0x2  }
0xba: {  	s31 =	sshll.u32 s1, $0xD;
	s1 =	sshrl.u32 s1, $0x2  }
0xbb: {  	s3 =	sand.u32 $0x4000, s31;
	s1 =	sadd.s32 s1, s30  }
0xbc: {  	s0 =	sor.u32 s3, s0;
	s1 =	sshll.u32 s1, $0x11  }
0xbd: {  	s0 =	sor.u32 s1, s0  }
0xbe: {  	s0 =	sadd.s32 $0x8F2B, s0  }
0xbf: {  	[sflag:s0] =	ssyncadd.remote.s32 $0x1  }
0xc0: {  	_ =	sfence.sel $0xFFFF  }
0xc1: {  	[dreg:$0x0] =	wrdreg $0xFFFFFFFF;
	(pc) =	sbr.abs _section_cstart, $3  }
0xc2: {  	[dreg:$0x1] =	wrdreg $0xFFFFFFFF  }
0xc3: {  	_ =	task.clear_ibuf [dreg:s6], $0x2FFFF;
	_ =	strace $0x9FFFFFFF  }
0xc4: {  	(tm) =	ssettm $0x7FFFFFFF  }
0xc5: {  	_ =	shalt  }
tec
execute0_lowered:
.L_overlay_start_1:
0x0: {  	(tag) =	ssettag $0x1  }
0x1: {  	s6 =	rddreg [dreg:$0x0]  }
0x2: {  	s2 =	rddreg [dreg:$0x1];
	_ =	strace $0x80000047;
	s7 =	simm.s32 $0x1  }
0x3: {  	v0 =	vimm.s32 $0x0;
	[sflag:s7] =	ssyncpa.u1 $0x0  }
0x4: {  	[tilespmem:$0x48] =	vst v0  }
0x5: {  	[tilespmem:$0x58] =	vst v0  }
0x6: {  	[tilespmem:$0x68] =	vst v0  }
0x7: {  	[tilespmem:$0x78] =	vst v0  }
0x8: {  	[tilespmem:$0x88] =	vst v0  }
0x9: {  	[tilespmem:$0x98] =	vst v0  }
0xa: {  	[tilespmem:$0xA8] =	vst v0  }
0xb: {  	[tilespmem:$0xB8] =	vst v0  }
0xc: {  	[tilespmem:$0xC8] =	vst v0  }
0xd: {  	[tilespmem:$0xD8] =	vst v0  }
0xe: {  	[tilespmem:$0xE8] =	vst v0  }
0xf: {  	[tilespmem:$0xF8] =	vst v0  }
0x10: {  	[tilespmem:$0x108] =	vst v0  }
0x11: {  	[tilespmem:$0x118] =	vst v0  }
0x12: {  	[tilespmem:$0x128] =	vst v0  }
0x13: {  	[tilespmem:$0x138] =	vst v0  }
0x14: {  	[tilespmem:$0x148] =	vst v0  }
0x15: {  	[tilespmem:$0x158] =	vst v0  }
0x16: {  	[tilespmem:$0x168] =	vst v0  }
0x17: {  	[tilespmem:$0x178] =	vst v0  }
0x18: {  	[tilespmem:$0x188] =	vst v0  }
0x19: {  	[tilespmem:$0x198] =	vst v0  }
0x1a: {  	[tilespmem:$0x1A8] =	vst v0  }
0x1b: {  	[tilespmem:$0x1B8] =	vst v0  }
0x1c: {  	[tilespmem:$0x1C8] =	vst v0  }
0x1d: {  	[tilespmem:$0x1D8] =	vst v0  }
0x1e: {  	[tilespmem:$0x1E8] =	vst v0  }
0x1f: {  	[tilespmem:$0x1F8] =	vst v0  }
0x20: {  	[tilespmem:$0x208] =	vst v0  }
0x21: {  	[tilespmem:$0x218] =	vst v0  }
0x22: {  	[tilespmem:$0x228] =	vst v0  }
0x23: {  	[tilespmem:$0x238] =	vst v0  }
0x24: {  	[tilespmem:$0x248] =	vst v0  }
0x25: {  	[tilespmem:$0x258] =	vst v0  }
0x26: {  	[tilespmem:$0x268] =	vst v0  }
0x27: {  	[tilespmem:$0x278] =	vst v0  }
0x28: {  	[tilespmem:$0x288] =	vst v0  }
0x29: {  	[tilespmem:$0x298] =	vst v0  }
0x2a: {  	[tilespmem:$0x2A8] =	vst v0  }
0x2b: {  	[tilespmem:$0x2B8] =	vst v0  }
0x2c: {  	[tilespmem:$0x2C8] =	vst v0  }
0x2d: {  	[tilespmem:$0x2D8] =	vst v0  }
0x2e: {  	[tilespmem:$0x2E8] =	vst v0  }
0x2f: {  	[tilespmem:$0x2F8] =	vst v0  }
0x30: {  	[tilespmem:$0x308] =	vst v0  }
0x31: {  	[tilespmem:$0x318] =	vst v0  }
0x32: {  	[tilespmem:$0x328] =	vst v0  }
0x33: {  	[tilespmem:$0x338] =	vst v0  }
0x34: {  	[tilespmem:$0x348] =	vst v0  }
0x35: {  	[tilespmem:$0x358] =	vst v0  }
0x36: {  	[tilespmem:$0x368] =	vst v0  }
0x37: {  	[tilespmem:$0x378] =	vst v0  }
0x38: {  	[tilespmem:$0x388] =	vst v0  }
0x39: {  	[tilespmem:$0x398] =	vst v0  }
0x3a: {  	[tilespmem:$0x3A8] =	vst v0  }
0x3b: {  	[tilespmem:$0x3B8] =	vst v0  }
0x3c: {  	[tilespmem:$0x3C8] =	vst v0  }
0x3d: {  	[tilespmem:$0x3D8] =	vst v0  }
0x3e: {  	[tilespmem:$0x3E8] =	vst v0  }
0x3f: {  	[tilespmem:$0x3F8] =	vst v0  }
0x40: {  	[tilespmem:$0x408] =	vst v0  }
0x41: {  	[tilespmem:$0x418] =	vst v0  }
0x42: {  	[tilespmem:$0x428] =	vst v0  }
0x43: {  	[tilespmem:$0x438] =	vst v0  }
0x44: {  	[tilespmem:$0x448] =	vst v0  }
0x45: {  	[tilespmem:$0x458] =	vst v0  }
0x46: {  	[tilespmem:$0x468] =	vst v0  }
0x47: {  	[tilespmem:$0x478] =	vst v0  }
0x48: {  	[tilespmem:$0x488] =	vst v0  }
0x49: {  	[tilespmem:$0x498] =	vst v0  }
0x4a: {  	[tilespmem:$0x4A8] =	vst v0  }
0x4b: {  	[tilespmem:$0x4B8] =	vst v0  }
0x4c: {  	[tilespmem:$0x4C8] =	vst v0  }
0x4d: {  	[tilespmem:$0x4D8] =	vst v0  }
0x4e: {  	[tilespmem:$0x4E8] =	vst v0  }
0x4f: {  	[tilespmem:$0x4F8] =	vst v0  }
0x50: {  	[tilespmem:$0x508] =	vst v0  }
0x51: {  	[tilespmem:$0x518] =	vst v0  }
0x52: {  	[tilespmem:$0x528] =	vst v0  }
0x53: {  	[tilespmem:$0x538] =	vst v0  }
0x54: {  	[tilespmem:$0x548] =	vst v0  }
0x55: {  	[tilespmem:$0x558] =	vst v0  }
0x56: {  	[tilespmem:$0x568] =	vst v0  }
0x57: {  	[tilespmem:$0x578] =	vst v0  }
0x58: {  	[tilespmem:$0x588] =	vst v0  }
0x59: {  	[tilespmem:$0x598] =	vst v0  }
0x5a: {  	[tilespmem:$0x5A8] =	vst v0  }
0x5b: {  	[tilespmem:$0x5B8] =	vst v0  }
0x5c: {  	[tilespmem:$0x5C8] =	vst v0  }
0x5d: {  	[tilespmem:$0x5D8] =	vst v0  }
0x5e: {  	[tilespmem:$0x5E8] =	vst v0  }
0x5f: {  	[tilespmem:$0x5F8] =	vst v0  }
0x60: {  	[tilespmem:$0x608] =	vst v0  }
0x61: {  	[tilespmem:$0x618] =	vst v0  }
0x62: {  	[tilespmem:$0x628] =	vst v0  }
0x63: {  	[tilespmem:$0x638] =	vst v0  }
0x64: {  	[tilespmem:$0x648] =	vst v0  }
0x65: {  	[tilespmem:$0x658] =	vst v0  }
0x66: {  	[tilespmem:$0x668] =	vst v0  }
0x67: {  	[tilespmem:$0x678] =	vst v0  }
0x68: {  	[tilespmem:$0x688] =	vst v0  }
0x69: {  	[tilespmem:$0x698] =	vst v0  }
0x6a: {  	[tilespmem:$0x6A8] =	vst v0  }
0x6b: {  	[tilespmem:$0x6B8] =	vst v0  }
0x6c: {  	[tilespmem:$0x6C8] =	vst v0  }
0x6d: {  	[tilespmem:$0x6D8] =	vst v0  }
0x6e: {  	[tilespmem:$0x6E8] =	vst v0  }
0x6f: {  	[tilespmem:$0x6F8] =	vst v0  }
0x70: {  	[tilespmem:$0x708] =	vst v0  }
0x71: {  	[tilespmem:$0x718] =	vst v0  }
0x72: {  	[tilespmem:$0x728] =	vst v0  }
0x73: {  	[tilespmem:$0x738] =	vst v0  }
0x74: {  	[tilespmem:$0x748] =	vst v0  }
0x75: {  	[tilespmem:$0x758] =	vst v0  }
0x76: {  	[tilespmem:$0x768] =	vst v0  }
0x77: {  	[tilespmem:$0x778] =	vst v0  }
0x78: {  	[tilespmem:$0x788] =	vst v0  }
0x79: {  	[tilespmem:$0x798] =	vst v0  }
0x7a: {  	[tilespmem:$0x7A8] =	vst v0  }
0x7b: {  	[tilespmem:$0x7B8] =	vst v0  }
0x7c: {  	[tilespmem:$0x7C8] =	vst v0  }
0x7d: {  	[tilespmem:$0x7D8] =	vst v0  }
0x7e: {  	[tilespmem:$0x7E8] =	vst v0  }
0x7f: {  	[tilespmem:$0x7F8] =	vst v0  }
0x80: {  	[tilespmem:$0x808] =	vst v0  }
0x81: {  	[tilespmem:$0x818] =	vst v0  }
0x82: {  	[tilespmem:$0x828] =	vst v0  }
0x83: {  	[tilespmem:$0x838] =	vst v0  }
0x84: {  	[tilespmem:$0x848] =	vst v0  }
0x85: {  	[tilespmem:$0x858] =	vst v0  }
0x86: {  	[tilespmem:$0x868] =	vst v0  }
0x87: {  	[tilespmem:$0x878] =	vst v0  }
0x88: {  	[tilespmem:$0x888] =	vst v0  }
0x89: {  	[tilespmem:$0x898] =	vst v0  }
0x8a: {  	[tilespmem:$0x8A8] =	vst v0  }
0x8b: {  	[tilespmem:$0x8B8] =	vst v0  }
0x8c: {  	[tilespmem:$0x8C8] =	vst v0  }
0x8d: {  	[tilespmem:$0x8D8] =	vst v0  }
0x8e: {  	[tilespmem:$0x8E8] =	vst v0  }
0x8f: {  	[tilespmem:$0x8F8] =	vst v0  }
0x90: {  	[tilespmem:$0x908] =	vst v0  }
0x91: {  	[tilespmem:$0x918] =	vst v0  }
0x92: {  	[tilespmem:$0x928] =	vst v0  }
0x93: {  	[tilespmem:$0x938] =	vst v0  }
0x94: {  	[tilespmem:$0x948] =	vst v0  }
0x95: {  	[tilespmem:$0x958] =	vst v0  }
0x96: {  	[tilespmem:$0x968] =	vst v0  }
0x97: {  	[tilespmem:$0x978] =	vst v0  }
0x98: {  	[tilespmem:$0x988] =	vst v0  }
0x99: {  	[tilespmem:$0x998] =	vst v0  }
0x9a: {  	[tilespmem:$0x9A8] =	vst v0  }
0x9b: {  	[tilespmem:$0x9B8] =	vst v0  }
0x9c: {  	[tilespmem:$0x9C8] =	vst v0  }
0x9d: {  	[tilespmem:$0x9D8] =	vst v0  }
0x9e: {  	[tilespmem:$0x9E8] =	vst v0  }
0x9f: {  	[tilespmem:$0x9F8] =	vst v0  }
0xa0: {  	[tilespmem:$0xA08] =	vst v0  }
0xa1: {  	[tilespmem:$0xA18] =	vst v0  }
0xa2: {  	[tilespmem:$0xA28] =	vst v0  }
0xa3: {  	[tilespmem:$0xA38] =	vst v0  }
0xa4: {  	[tilespmem:$0xA48] =	vst v0  }
0xa5: {  	[tilespmem:$0xA58] =	vst v0  }
0xa6: {  	[tilespmem:$0xA68] =	vst v0  }
0xa7: {  	[tilespmem:$0xA78] =	vst v0  }
0xa8: {  	[tilespmem:$0xA88] =	vst v0  }
0xa9: {  	[tilespmem:$0xA98] =	vst v0  }
0xaa: {  	[tilespmem:$0xAA8] =	vst v0  }
0xab: {  	[tilespmem:$0xAB8] =	vst v0  }
0xac: {  	[tilespmem:$0xAC8] =	vst v0  }
0xad: {  	[tilespmem:$0xAD8] =	vst v0  }
0xae: {  	[tilespmem:$0xAE8] =	vst v0  }
0xaf: {  	[tilespmem:$0xAF8] =	vst v0  }
0xb0: {  	[tilespmem:$0xB08] =	vst v0  }
0xb1: {  	[tilespmem:$0xB18] =	vst v0  }
0xb2: {  	[tilespmem:$0xB28] =	vst v0  }
0xb3: {  	[tilespmem:$0xB38] =	vst v0  }
0xb4: {  	[tilespmem:$0xB48] =	vst v0  }
0xb5: {  	[tilespmem:$0xB58] =	vst v0  }
0xb6: {  	[tilespmem:$0xB68] =	vst v0  }
0xb7: {  	[tilespmem:$0xB78] =	vst v0  }
0xb8: {  	[tilespmem:$0xB88] =	vst v0  }
0xb9: {  	[tilespmem:$0xB98] =	vst v0  }
0xba: {  	[tilespmem:$0xBA8] =	vst v0  }
0xbb: {  	[tilespmem:$0xBB8] =	vst v0  }
0xbc: {  	[tilespmem:$0xBC8] =	vst v0  }
0xbd: {  	[tilespmem:$0xBD8] =	vst v0  }
0xbe: {  	[tilespmem:$0xBE8] =	vst v0  }
0xbf: {  	[tilespmem:$0xBF8] =	vst v0  }
0xc0: {  	[tilespmem:$0xC08] =	vst v0  }
0xc1: {  	[tilespmem:$0xC18] =	vst v0  }
0xc2: {  	[tilespmem:$0xC28] =	vst v0  }
0xc3: {  	[tilespmem:$0xC38] =	vst v0  }
0xc4: {  	[tilespmem:$0xC48] =	vst v0  }
0xc5: {  	[tilespmem:$0xC58] =	vst v0  }
0xc6: {  	[tilespmem:$0xC68] =	vst v0  }
0xc7: {  	[tilespmem:$0xC78] =	vst v0  }
0xc8: {  	[tilespmem:$0xC88] =	vst v0  }
0xc9: {  	[tilespmem:$0xC98] =	vst v0  }
0xca: {  	[tilespmem:$0xCA8] =	vst v0  }
0xcb: {  	[tilespmem:$0xCB8] =	vst v0  }
0xcc: {  	[tilespmem:$0xCC8] =	vst v0  }
0xcd: {  	[tilespmem:$0xCD8] =	vst v0  }
0xce: {  	[tilespmem:$0xCE8] =	vst v0  }
0xcf: {  	[tilespmem:$0xCF8] =	vst v0  }
0xd0: {  	[tilespmem:$0xD08] =	vst v0  }
0xd1: {  	[tilespmem:$0xD18] =	vst v0  }
0xd2: {  	[tilespmem:$0xD28] =	vst v0  }
0xd3: {  	[tilespmem:$0xD38] =	vst v0  }
0xd4: {  	[tilespmem:$0xD48] =	vst v0  }
0xd5: {  	[tilespmem:$0xD58] =	vst v0  }
0xd6: {  	[tilespmem:$0xD68] =	vst v0  }
0xd7: {  	[tilespmem:$0xD78] =	vst v0  }
0xd8: {  	[tilespmem:$0xD88] =	vst v0  }
0xd9: {  	[tilespmem:$0xD98] =	vst v0  }
0xda: {  	[tilespmem:$0xDA8] =	vst v0  }
0xdb: {  	[tilespmem:$0xDB8] =	vst v0  }
0xdc: {  	[tilespmem:$0xDC8] =	vst v0  }
0xdd: {  	[tilespmem:$0xDD8] =	vst v0  }
0xde: {  	[tilespmem:$0xDE8] =	vst v0  }
0xdf: {  	[tilespmem:$0xDF8] =	vst v0  }
0xe0: {  	[tilespmem:$0xE08] =	vst v0  }
0xe1: {  	[tilespmem:$0xE18] =	vst v0  }
0xe2: {  	[tilespmem:$0xE28] =	vst v0  }
0xe3: {  	[tilespmem:$0xE38] =	vst v0  }
0xe4: {  	[tilespmem:$0xE48] =	vst v0  }
0xe5: {  	[tilespmem:$0xE58] =	vst v0  }
0xe6: {  	[tilespmem:$0xE68] =	vst v0  }
0xe7: {  	[tilespmem:$0xE78] =	vst v0  }
0xe8: {  	[tilespmem:$0xE88] =	vst v0  }
0xe9: {  	[tilespmem:$0xE98] =	vst v0  }
0xea: {  	[tilespmem:$0xEA8] =	vst v0  }
0xeb: {  	[tilespmem:$0xEB8] =	vst v0  }
0xec: {  	[tilespmem:$0xEC8] =	vst v0  }
0xed: {  	[tilespmem:$0xED8] =	vst v0  }
0xee: {  	[tilespmem:$0xEE8] =	vst v0  }
0xef: {  	[tilespmem:$0xEF8] =	vst v0  }
0xf0: {  	[tilespmem:$0xF08] =	vst v0  }
0xf1: {  	[tilespmem:$0xF18] =	vst v0  }
0xf2: {  	[tilespmem:$0xF28] =	vst v0  }
0xf3: {  	[tilespmem:$0xF38] =	vst v0  }
0xf4: {  	[tilespmem:$0xF48] =	vst v0  }
0xf5: {  	[tilespmem:$0xF58] =	vst v0  }
0xf6: {  	[tilespmem:$0xF68] =	vst v0  }
0xf7: {  	[tilespmem:$0xF78] =	vst v0  }
0xf8: {  	[tilespmem:$0xF88] =	vst v0  }
0xf9: {  	[tilespmem:$0xF98] =	vst v0  }
0xfa: {  	[tilespmem:$0xFA8] =	vst v0  }
0xfb: {  	[tilespmem:$0xFB8] =	vst v0  }
0xfc: {  	[tilespmem:$0xFC8] =	vst v0  }
0xfd: {  	[tilespmem:$0xFD8] =	vst v0  }
0xfe: {  	[tilespmem:$0xFE8] =	vst v0  }
0xff: {  	[tilespmem:$0xFF8] =	vst v0  }
0x100: {  	[tilespmem:$0x1008] =	vst v0  }
0x101: {  	[tilespmem:$0x1018] =	vst v0  }
0x102: {  	[tilespmem:$0x1028] =	vst v0  }
0x103: {  	[tilespmem:$0x1178] =	vst v0  }
0x104: {  	[tilespmem:$0x1038] =	vst v0  }
0x105: {  	[tilespmem:$0x1048] =	vst v0  }
0x106: {  	[tilespmem:$0x1058] =	vst v0  }
0x107: {  	[tilespmem:$0x1068] =	vst v0  }
0x108: {  	[tilespmem:$0x1078] =	vst v0  }
0x109: {  	[tilespmem:$0x1088] =	vst v0  }
0x10a: {  	[tilespmem:$0x1098] =	vst v0  }
0x10b: {  	[tilespmem:$0x10A8] =	vst v0  }
0x10c: {  	[tilespmem:$0x10B8] =	vst v0  }
0x10d: {  	[tilespmem:$0x10C8] =	vst v0  }
0x10e: {  	[tilespmem:$0x10D8] =	vst v0  }
0x10f: {  	[tilespmem:$0x10E8] =	vst v0  }
0x110: {  	[tilespmem:$0x10F8] =	vst v0  }
0x111: {  	[tilespmem:$0x1108] =	vst v0  }
0x112: {  	[tilespmem:$0x1118] =	vst v0  }
0x113: {  	[tilespmem:$0x1128] =	vst v0  }
0x114: {  	[tilespmem:$0x1138] =	vst v0  }
0x115: {  	[tilespmem:$0x1148] =	vst v0  }
0x116: {  	[tilespmem:$0x1158] =	vst v0  }
0x117: {  	[tilespmem:$0x1168] =	vst v0  }
0x118: {  	[tilespmem:$0x1188] =	vst v0  }
0x119: {  	[tilespmem:$0x1198] =	vst v0  }
0x11a: {  	[tilespmem:$0x11A8] =	vst v0  }
0x11b: {  	[tilespmem:$0x11B8] =	vst v0  }
0x11c: {  	[tilespmem:$0x11C8] =	vst v0  }
0x11d: {  	[tilespmem:$0x11D8] =	vst v0  }
0x11e: {  	[tilespmem:$0x11E8] =	vst v0  }
0x11f: {  	[tilespmem:$0x11F8] =	vst v0  }
0x120: {  	[tilespmem:$0x1208] =	vst v0  }
0x121: {  	[tilespmem:$0x1218] =	vst v0  }
0x122: {  	[tilespmem:$0x1228] =	vst v0  }
0x123: {  	[tilespmem:$0x1238] =	vst v0  }
0x124: {  	[tilespmem:$0x1248] =	vst v0  }
0x125: {  	[tilespmem:$0x1258] =	vst v0  }
0x126: {  	[tilespmem:$0x1268] =	vst v0  }
0x127: {  	[tilespmem:$0x1278] =	vst v0  }
0x128: {  	[tilespmem:$0x1288] =	vst v0  }
0x129: {  	[tilespmem:$0x1298] =	vst v0  }
0x12a: {  	[tilespmem:$0x12A8] =	vst v0  }
0x12b: {  	[tilespmem:$0x12B8] =	vst v0  }
0x12c: {  	[tilespmem:$0x12C8] =	vst v0  }
0x12d: {  	[tilespmem:$0x12D8] =	vst v0  }
0x12e: {  	[tilespmem:$0x12E8] =	vst v0  }
0x12f: {  	[tilespmem:$0x12F8] =	vst v0  }
0x130: {  	[tilespmem:$0x1308] =	vst v0  }
0x131: {  	[tilespmem:$0x1318] =	vst v0  }
0x132: {  	[tilespmem:$0x1328] =	vst v0  }
0x133: {  	[tilespmem:$0x1338] =	vst v0  }
0x134: {  	[tilespmem:$0x1348] =	vst v0  }
0x135: {  	[tilespmem:$0x1358] =	vst v0  }
0x136: {  	[tilespmem:$0x1368] =	vst v0  }
0x137: {  	[tilespmem:$0x1378] =	vst v0  }
0x138: {  	[tilespmem:$0x1388] =	vst v0  }
0x139: {  	[tilespmem:$0x1398] =	vst v0  }
0x13a: {  	[tilespmem:$0x13A8] =	vst v0  }
0x13b: {  	[tilespmem:$0x13B8] =	vst v0  }
0x13c: {  	[tilespmem:$0x13C8] =	vst v0  }
0x13d: {  	[tilespmem:$0x13D8] =	vst v0  }
0x13e: {  	[tilespmem:$0x13E8] =	vst v0  }
0x13f: {  	[tilespmem:$0x13F8] =	vst v0  }
0x140: {  	[tilespmem:$0x1408] =	vst v0  }
0x141: {  	[tilespmem:$0x1418] =	vst v0  }
0x142: {  	[tilespmem:$0x1428] =	vst v0  }
0x143: {  	[tilespmem:$0x1438] =	vst v0  }
0x144: {  	[tilespmem:$0x1448] =	vst v0  }
0x145: {  	[tilespmem:$0x1458] =	vst v0  }
0x146: {  	[tilespmem:$0x1468] =	vst v0  }
0x147: {  	[tilespmem:$0x1478] =	vst v0  }
0x148: {  	[tilespmem:$0x1488] =	vst v0  }
0x149: {  	[tilespmem:$0x1498] =	vst v0  }
0x14a: {  	[tilespmem:$0x14A8] =	vst v0  }
0x14b: {  	[tilespmem:$0x14B8] =	vst v0  }
0x14c: {  	[tilespmem:$0x14C8] =	vst v0  }
0x14d: {  	[tilespmem:$0x14D8] =	vst v0  }
0x14e: {  	[tilespmem:$0x14E8] =	vst v0  }
0x14f: {  	[tilespmem:$0x14F8] =	vst v0  }
0x150: {  	[tilespmem:$0x1508] =	vst v0  }
0x151: {  	[tilespmem:$0x1518] =	vst v0  }
0x152: {  	[tilespmem:$0x1528] =	vst v0  }
0x153: {  	[tilespmem:$0x1538] =	vst v0  }
0x154: {  	[tilespmem:$0x1548] =	vst v0  }
0x155: {  	[tilespmem:$0x1558] =	vst v0  }
0x156: {  	[tilespmem:$0x1568] =	vst v0  }
0x157: {  	[tilespmem:$0x1578] =	vst v0  }
0x158: {  	[tilespmem:$0x1588] =	vst v0  }
0x159: {  	[tilespmem:$0x1598] =	vst v0  }
0x15a: {  	[tilespmem:$0x15A8] =	vst v0  }
0x15b: {  	[tilespmem:$0x15B8] =	vst v0  }
0x15c: {  	[tilespmem:$0x15C8] =	vst v0  }
0x15d: {  	[tilespmem:$0x15D8] =	vst v0  }
0x15e: {  	[tilespmem:$0x15E8] =	vst v0  }
0x15f: {  	[tilespmem:$0x15F8] =	vst v0  }
0x160: {  	[tilespmem:$0x1608] =	vst v0  }
0x161: {  	[tilespmem:$0x1618] =	vst v0  }
0x162: {  	[tilespmem:$0x1628] =	vst v0  }
0x163: {  	[tilespmem:$0x1638] =	vst v0  }
0x164: {  	[tilespmem:$0x1648] =	vst v0  }
0x165: {  	[tilespmem:$0x1658] =	vst v0  }
0x166: {  	[tilespmem:$0x1668] =	vst v0  }
0x167: {  	[tilespmem:$0x1678] =	vst v0  }
0x168: {  	[tilespmem:$0x1688] =	vst v0  }
0x169: {  	[tilespmem:$0x1698] =	vst v0  }
0x16a: {  	[tilespmem:$0x16A8] =	vst v0  }
0x16b: {  	[tilespmem:$0x16B8] =	vst v0  }
0x16c: {  	[tilespmem:$0x16C8] =	vst v0  }
0x16d: {  	[tilespmem:$0x16D8] =	vst v0  }
0x16e: {  	[tilespmem:$0x16E8] =	vst v0  }
0x16f: {  	[tilespmem:$0x16F8] =	vst v0  }
0x170: {  	[tilespmem:$0x1708] =	vst v0  }
0x171: {  	[tilespmem:$0x1718] =	vst v0  }
0x172: {  	[tilespmem:$0x1728] =	vst v0  }
0x173: {  	[tilespmem:$0x1738] =	vst v0  }
0x174: {  	[tilespmem:$0x1748] =	vst v0  }
0x175: {  	[tilespmem:$0x1758] =	vst v0  }
0x176: {  	[tilespmem:$0x1768] =	vst v0  }
0x177: {  	[tilespmem:$0x1778] =	vst v0  }
0x178: {  	[tilespmem:$0x1788] =	vst v0  }
0x179: {  	[tilespmem:$0x1798] =	vst v0  }
0x17a: {  	[tilespmem:$0x17A8] =	vst v0  }
0x17b: {  	[tilespmem:$0x17B8] =	vst v0  }
0x17c: {  	[tilespmem:$0x17C8] =	vst v0  }
0x17d: {  	[tilespmem:$0x17D8] =	vst v0  }
0x17e: {  	[tilespmem:$0x17E8] =	vst v0  }
0x17f: {  	[tilespmem:$0x17F8] =	vst v0  }
0x180: {  	[tilespmem:$0x1808] =	vst v0  }
0x181: {  	[tilespmem:$0x1818] =	vst v0  }
0x182: {  	[tilespmem:$0x1828] =	vst v0  }
0x183: {  	[tilespmem:$0x1838] =	vst v0  }
0x184: {  	[tilespmem:$0x1848] =	vst v0  }
0x185: {  	[tilespmem:$0x1858] =	vst v0  }
0x186: {  	[tilespmem:$0x1868] =	vst v0  }
0x187: {  	[tilespmem:$0x1878] =	vst v0  }
0x188: {  	[tilespmem:$0x1888] =	vst v0  }
0x189: {  	[tilespmem:$0x1898] =	vst v0  }
0x18a: {  	[tilespmem:$0x18A8] =	vst v0  }
0x18b: {  	[tilespmem:$0x18B8] =	vst v0  }
0x18c: {  	[tilespmem:$0x18C8] =	vst v0  }
0x18d: {  	[tilespmem:$0x18D8] =	vst v0  }
0x18e: {  	[tilespmem:$0x18E8] =	vst v0  }
0x18f: {  	[tilespmem:$0x18F8] =	vst v0  }
0x190: {  	[tilespmem:$0x1908] =	vst v0  }
0x191: {  	[tilespmem:$0x1918] =	vst v0  }
0x192: {  	[tilespmem:$0x1928] =	vst v0  }
0x193: {  	[tilespmem:$0x1938] =	vst v0  }
0x194: {  	[tilespmem:$0x1948] =	vst v0  }
0x195: {  	[tilespmem:$0x1958] =	vst v0  }
0x196: {  	[tilespmem:$0x1968] =	vst v0  }
0x197: {  	[tilespmem:$0x1978] =	vst v0  }
0x198: {  	[tilespmem:$0x1988] =	vst v0  }
0x199: {  	[tilespmem:$0x1998] =	vst v0  }
0x19a: {  	[tilespmem:$0x19A8] =	vst v0  }
0x19b: {  	[tilespmem:$0x19B8] =	vst v0  }
0x19c: {  	[tilespmem:$0x19C8] =	vst v0  }
0x19d: {  	[tilespmem:$0x19D8] =	vst v0  }
0x19e: {  	[tilespmem:$0x19E8] =	vst v0  }
0x19f: {  	[tilespmem:$0x19F8] =	vst v0  }
0x1a0: {  	[tilespmem:$0x1A08] =	vst v0  }
0x1a1: {  	[tilespmem:$0x1A18] =	vst v0  }
0x1a2: {  	[tilespmem:$0x1A28] =	vst v0  }
0x1a3: {  	[tilespmem:$0x1A38] =	vst v0  }
0x1a4: {  	[tilespmem:$0x1A48] =	vst v0  }
0x1a5: {  	[tilespmem:$0x1A58] =	vst v0  }
0x1a6: {  	[tilespmem:$0x1A68] =	vst v0  }
0x1a7: {  	[tilespmem:$0x1A78] =	vst v0  }
0x1a8: {  	[tilespmem:$0x1A88] =	vst v0  }
0x1a9: {  	[tilespmem:$0x1A98] =	vst v0  }
0x1aa: {  	[tilespmem:$0x1AA8] =	vst v0  }
0x1ab: {  	[tilespmem:$0x1AB8] =	vst v0  }
0x1ac: {  	[tilespmem:$0x1AC8] =	vst v0  }
0x1ad: {  	[tilespmem:$0x1AD8] =	vst v0  }
0x1ae: {  	[tilespmem:$0x1AE8] =	vst v0  }
0x1af: {  	[tilespmem:$0x1AF8] =	vst v0  }
0x1b0: {  	[tilespmem:$0x1B08] =	vst v0  }
0x1b1: {  	[tilespmem:$0x1B18] =	vst v0  }
0x1b2: {  	[tilespmem:$0x1B28] =	vst v0  }
0x1b3: {  	[tilespmem:$0x1B38] =	vst v0  }
0x1b4: {  	[tilespmem:$0x1B48] =	vst v0  }
0x1b5: {  	[tilespmem:$0x1B58] =	vst v0  }
0x1b6: {  	[tilespmem:$0x1B68] =	vst v0  }
0x1b7: {  	[tilespmem:$0x1B78] =	vst v0  }
0x1b8: {  	[tilespmem:$0x1B88] =	vst v0  }
0x1b9: {  	[tilespmem:$0x1B98] =	vst v0  }
0x1ba: {  	[tilespmem:$0x1BA8] =	vst v0  }
0x1bb: {  	[tilespmem:$0x1BB8] =	vst v0  }
0x1bc: {  	[tilespmem:$0x1BC8] =	vst v0  }
0x1bd: {  	[tilespmem:$0x1BD8] =	vst v0  }
0x1be: {  	[tilespmem:$0x1BE8] =	vst v0  }
0x1bf: {  	[tilespmem:$0x1BF8] =	vst v0  }
0x1c0: {  	[tilespmem:$0x1C08] =	vst v0  }
0x1c1: {  	[tilespmem:$0x1C18] =	vst v0  }
0x1c2: {  	[tilespmem:$0x1C28] =	vst v0  }
0x1c3: {  	[tilespmem:$0x1C38] =	vst v0  }
0x1c4: {  	[tilespmem:$0x1C48] =	vst v0  }
0x1c5: {  	[tilespmem:$0x1C58] =	vst v0  }
0x1c6: {  	[tilespmem:$0x1C68] =	vst v0  }
0x1c7: {  	[tilespmem:$0x1C78] =	vst v0  }
0x1c8: {  	[tilespmem:$0x1C88] =	vst v0  }
0x1c9: {  	[tilespmem:$0x1C98] =	vst v0  }
0x1ca: {  	[tilespmem:$0x1CA8] =	vst v0  }
0x1cb: {  	[tilespmem:$0x1CB8] =	vst v0  }
0x1cc: {  	[tilespmem:$0x1CC8] =	vst v0  }
0x1cd: {  	[tilespmem:$0x1CD8] =	vst v0  }
0x1ce: {  	[tilespmem:$0x1CE8] =	vst v0  }
0x1cf: {  	[tilespmem:$0x1CF8] =	vst v0  }
0x1d0: {  	[tilespmem:$0x1D08] =	vst v0  }
0x1d1: {  	[tilespmem:$0x1D18] =	vst v0  }
0x1d2: {  	[tilespmem:$0x1D28] =	vst v0  }
0x1d3: {  	[tilespmem:$0x1D38] =	vst v0  }
0x1d4: {  	[tilespmem:$0x1D48] =	vst v0  }
0x1d5: {  	[tilespmem:$0x1D58] =	vst v0  }
0x1d6: {  	[tilespmem:$0x1D68] =	vst v0  }
0x1d7: {  	[tilespmem:$0x1D78] =	vst v0  }
0x1d8: {  	[tilespmem:$0x1D88] =	vst v0  }
0x1d9: {  	[tilespmem:$0x1D98] =	vst v0  }
0x1da: {  	[tilespmem:$0x1DA8] =	vst v0  }
0x1db: {  	[tilespmem:$0x1DB8] =	vst v0  }
0x1dc: {  	[tilespmem:$0x1DC8] =	vst v0  }
0x1dd: {  	[tilespmem:$0x1DD8] =	vst v0  }
0x1de: {  	[tilespmem:$0x1DE8] =	vst v0  }
0x1df: {  	[tilespmem:$0x1DF8] =	vst v0  }
0x1e0: {  	[tilespmem:$0x1E08] =	vst v0  }
0x1e1: {  	[tilespmem:$0x1E18] =	vst v0  }
0x1e2: {  	[tilespmem:$0x1E28] =	vst v0  }
0x1e3: {  	[tilespmem:$0x1E38] =	vst v0  }
0x1e4: {  	[tilespmem:$0x1E48] =	vst v0  }
0x1e5: {  	[tilespmem:$0x1E58] =	vst v0  }
0x1e6: {  	[tilespmem:$0x1E68] =	vst v0  }
0x1e7: {  	[tilespmem:$0x1E78] =	vst v0  }
0x1e8: {  	[tilespmem:$0x1E88] =	vst v0  }
0x1e9: {  	[tilespmem:$0x1E98] =	vst v0  }
0x1ea: {  	[tilespmem:$0x1EA8] =	vst v0  }
0x1eb: {  	[tilespmem:$0x1EB8] =	vst v0  }
0x1ec: {  	[tilespmem:$0x1EC8] =	vst v0  }
0x1ed: {  	[tilespmem:$0x1ED8] =	vst v0  }
0x1ee: {  	[tilespmem:$0x1EE8] =	vst v0  }
0x1ef: {  	[tilespmem:$0x1EF8] =	vst v0  }
0x1f0: {  	[tilespmem:$0x1F08] =	vst v0  }
0x1f1: {  	[tilespmem:$0x1F18] =	vst v0  }
0x1f2: {  	[tilespmem:$0x1F28] =	vst v0  }
0x1f3: {  	[tilespmem:$0x1F38] =	vst v0  }
0x1f4: {  	[tilespmem:$0x1F48] =	vst v0  }
0x1f5: {  	[tilespmem:$0x1F58] =	vst v0  }
0x1f6: {  	[tilespmem:$0x1F68] =	vst v0  }
0x1f7: {  	[tilespmem:$0x1F78] =	vst v0  }
0x1f8: {  	[tilespmem:$0x1F88] =	vst v0  }
0x1f9: {  	[tilespmem:$0x1F98] =	vst v0  }
0x1fa: {  	[tilespmem:$0x1FA8] =	vst v0  }
0x1fb: {  	[tilespmem:$0x1FB8] =	vst v0  }
0x1fc: {  	[tilespmem:$0x1FC8] =	vst v0  }
0x1fd: {  	[tilespmem:$0x1FD8] =	vst v0  }
0x1fe: {  	[tilespmem:$0x1FE8] =	vst v0  }
0x1ff: {  	[tilespmem:$0x1FF8] =	vst v0  }
0x200: {  	[tilespmem:$0x2008] =	vst v0  }
0x201: {  	[tilespmem:$0x2018] =	vst v0  }
0x202: {  	[tilespmem:$0x2028] =	vst v0  }
0x203: {  	[tilespmem:$0x2038] =	vst v0  }
0x204: {  	[tilespmem:$0x2048] =	vst v0  }
0x205: {  	[tilespmem:$0x2058] =	vst v0  }
0x206: {  	[tilespmem:$0x2068] =	vst v0  }
0x207: {  	[tilespmem:$0x2078] =	vst v0  }
0x208: {  	[tilespmem:$0x2088] =	vst v0  }
0x209: {  	[tilespmem:$0x2098] =	vst v0  }
0x20a: {  	[tilespmem:$0x20A8] =	vst v0  }
0x20b: {  	[tilespmem:$0x20B8] =	vst v0  }
0x20c: {  	[tilespmem:$0x20C8] =	vst v0  }
0x20d: {  	[tilespmem:$0x20D8] =	vst v0  }
0x20e: {  	[tilespmem:$0x20E8] =	vst v0  }
0x20f: {  	[tilespmem:$0x20F8] =	vst v0  }
0x210: {  	[tilespmem:$0x2108] =	vst v0  }
0x211: {  	[tilespmem:$0x2118] =	vst v0  }
0x212: {  	[tilespmem:$0x2128] =	vst v0  }
0x213: {  	[tilespmem:$0x2138] =	vst v0  }
0x214: {  	[tilespmem:$0x2148] =	vst v0  }
0x215: {  	[tilespmem:$0x2158] =	vst v0  }
0x216: {  	[tilespmem:$0x2168] =	vst v0  }
0x217: {  	[tilespmem:$0x2198] =	vst v0  }
0x218: {  	[tilespmem:$0x2258] =	vst v0  }
0x219: {  	[tilespmem:$0x21D8] =	vst v0  }
0x21a: {  	[tilespmem:$0x3058] =	vst v0  }
0x21b: {  	[tilespmem:$0x3048] =	vst v0  }
0x21c: {  	[tilespmem:$0x3038] =	vst v0  }
0x21d: {  	[tilespmem:$0x3028] =	vst v0  }
0x21e: {  	[tilespmem:$0x3018] =	vst v0  }
0x21f: {  	[tilespmem:$0x3008] =	vst v0  }
0x220: {  	[tilespmem:$0x2FF8] =	vst v0  }
0x221: {  	[tilespmem:$0x2FE8] =	vst v0  }
0x222: {  	[tilespmem:$0x2FD8] =	vst v0  }
0x223: {  	[tilespmem:$0x2FC8] =	vst v0  }
0x224: {  	[tilespmem:$0x2FB8] =	vst v0  }
0x225: {  	[tilespmem:$0x2FA8] =	vst v0  }
0x226: {  	[tilespmem:$0x2F98] =	vst v0  }
0x227: {  	[tilespmem:$0x2F88] =	vst v0  }
0x228: {  	[tilespmem:$0x2F78] =	vst v0  }
0x229: {  	[tilespmem:$0x2F68] =	vst v0  }
0x22a: {  	[tilespmem:$0x2F58] =	vst v0  }
0x22b: {  	[tilespmem:$0x2F48] =	vst v0  }
0x22c: {  	[tilespmem:$0x2F38] =	vst v0  }
0x22d: {  	[tilespmem:$0x2F28] =	vst v0  }
0x22e: {  	[tilespmem:$0x2F18] =	vst v0  }
0x22f: {  	[tilespmem:$0x2F08] =	vst v0  }
0x230: {  	[tilespmem:$0x2EF8] =	vst v0  }
0x231: {  	[tilespmem:$0x2EE8] =	vst v0  }
0x232: {  	[tilespmem:$0x2ED8] =	vst v0  }
0x233: {  	[tilespmem:$0x2EC8] =	vst v0  }
0x234: {  	[tilespmem:$0x2EB8] =	vst v0  }
0x235: {  	[tilespmem:$0x2EA8] =	vst v0  }
0x236: {  	[tilespmem:$0x2E98] =	vst v0  }
0x237: {  	[tilespmem:$0x2E88] =	vst v0  }
0x238: {  	[tilespmem:$0x2E78] =	vst v0  }
0x239: {  	[tilespmem:$0x2E68] =	vst v0  }
0x23a: {  	[tilespmem:$0x2E58] =	vst v0  }
0x23b: {  	[tilespmem:$0x2E48] =	vst v0  }
0x23c: {  	[tilespmem:$0x2E38] =	vst v0  }
0x23d: {  	[tilespmem:$0x2E28] =	vst v0  }
0x23e: {  	[tilespmem:$0x2E18] =	vst v0  }
0x23f: {  	[tilespmem:$0x2E08] =	vst v0  }
0x240: {  	[tilespmem:$0x2DF8] =	vst v0  }
0x241: {  	[tilespmem:$0x2DE8] =	vst v0  }
0x242: {  	[tilespmem:$0x2DD8] =	vst v0  }
0x243: {  	[tilespmem:$0x2DC8] =	vst v0  }
0x244: {  	[tilespmem:$0x2DB8] =	vst v0  }
0x245: {  	[tilespmem:$0x2DA8] =	vst v0  }
0x246: {  	[tilespmem:$0x2D98] =	vst v0  }
0x247: {  	[tilespmem:$0x2D88] =	vst v0  }
0x248: {  	[tilespmem:$0x2D78] =	vst v0  }
0x249: {  	[tilespmem:$0x2D68] =	vst v0  }
0x24a: {  	[tilespmem:$0x2D58] =	vst v0  }
0x24b: {  	[tilespmem:$0x2D48] =	vst v0  }
0x24c: {  	[tilespmem:$0x2D38] =	vst v0  }
0x24d: {  	[tilespmem:$0x2D28] =	vst v0  }
0x24e: {  	[tilespmem:$0x2D18] =	vst v0  }
0x24f: {  	[tilespmem:$0x2D08] =	vst v0  }
0x250: {  	[tilespmem:$0x2CF8] =	vst v0  }
0x251: {  	[tilespmem:$0x2CE8] =	vst v0  }
0x252: {  	[tilespmem:$0x2CD8] =	vst v0  }
0x253: {  	[tilespmem:$0x2CC8] =	vst v0  }
0x254: {  	[tilespmem:$0x2CB8] =	vst v0  }
0x255: {  	[tilespmem:$0x2CA8] =	vst v0  }
0x256: {  	[tilespmem:$0x2C98] =	vst v0  }
0x257: {  	[tilespmem:$0x2C88] =	vst v0  }
0x258: {  	[tilespmem:$0x2C78] =	vst v0  }
0x259: {  	[tilespmem:$0x2C68] =	vst v0  }
0x25a: {  	[tilespmem:$0x2C58] =	vst v0  }
0x25b: {  	[tilespmem:$0x2C48] =	vst v0  }
0x25c: {  	[tilespmem:$0x2C38] =	vst v0  }
0x25d: {  	[tilespmem:$0x2C28] =	vst v0  }
0x25e: {  	[tilespmem:$0x2C18] =	vst v0  }
0x25f: {  	[tilespmem:$0x2C08] =	vst v0  }
0x260: {  	[tilespmem:$0x2BF8] =	vst v0  }
0x261: {  	[tilespmem:$0x2BE8] =	vst v0  }
0x262: {  	[tilespmem:$0x2BD8] =	vst v0  }
0x263: {  	[tilespmem:$0x2BC8] =	vst v0  }
0x264: {  	[tilespmem:$0x2BB8] =	vst v0  }
0x265: {  	[tilespmem:$0x2BA8] =	vst v0  }
0x266: {  	[tilespmem:$0x2B98] =	vst v0  }
0x267: {  	[tilespmem:$0x2B88] =	vst v0  }
0x268: {  	[tilespmem:$0x2B78] =	vst v0  }
0x269: {  	[tilespmem:$0x2B68] =	vst v0  }
0x26a: {  	[tilespmem:$0x2B58] =	vst v0  }
0x26b: {  	[tilespmem:$0x2B48] =	vst v0  }
0x26c: {  	[tilespmem:$0x2B38] =	vst v0  }
0x26d: {  	[tilespmem:$0x2B28] =	vst v0  }
0x26e: {  	[tilespmem:$0x2B18] =	vst v0  }
0x26f: {  	[tilespmem:$0x2B08] =	vst v0  }
0x270: {  	[tilespmem:$0x2AF8] =	vst v0  }
0x271: {  	[tilespmem:$0x2AE8] =	vst v0  }
0x272: {  	[tilespmem:$0x2AD8] =	vst v0  }
0x273: {  	[tilespmem:$0x2AC8] =	vst v0  }
0x274: {  	[tilespmem:$0x2AB8] =	vst v0  }
0x275: {  	[tilespmem:$0x2AA8] =	vst v0  }
0x276: {  	[tilespmem:$0x2A98] =	vst v0  }
0x277: {  	[tilespmem:$0x2A88] =	vst v0  }
0x278: {  	[tilespmem:$0x2A78] =	vst v0  }
0x279: {  	[tilespmem:$0x2A68] =	vst v0  }
0x27a: {  	[tilespmem:$0x2A58] =	vst v0  }
0x27b: {  	[tilespmem:$0x2A48] =	vst v0  }
0x27c: {  	[tilespmem:$0x2A38] =	vst v0  }
0x27d: {  	[tilespmem:$0x2A28] =	vst v0  }
0x27e: {  	[tilespmem:$0x2A18] =	vst v0  }
0x27f: {  	[tilespmem:$0x2A08] =	vst v0  }
0x280: {  	[tilespmem:$0x29F8] =	vst v0  }
0x281: {  	[tilespmem:$0x29E8] =	vst v0  }
0x282: {  	[tilespmem:$0x29D8] =	vst v0  }
0x283: {  	[tilespmem:$0x29C8] =	vst v0  }
0x284: {  	[tilespmem:$0x29B8] =	vst v0  }
0x285: {  	[tilespmem:$0x29A8] =	vst v0  }
0x286: {  	[tilespmem:$0x2998] =	vst v0  }
0x287: {  	[tilespmem:$0x2988] =	vst v0  }
0x288: {  	[tilespmem:$0x2978] =	vst v0  }
0x289: {  	[tilespmem:$0x2968] =	vst v0  }
0x28a: {  	[tilespmem:$0x2958] =	vst v0  }
0x28b: {  	[tilespmem:$0x2948] =	vst v0  }
0x28c: {  	[tilespmem:$0x2938] =	vst v0  }
0x28d: {  	[tilespmem:$0x2928] =	vst v0  }
0x28e: {  	[tilespmem:$0x2918] =	vst v0  }
0x28f: {  	[tilespmem:$0x2908] =	vst v0  }
0x290: {  	[tilespmem:$0x28F8] =	vst v0  }
0x291: {  	[tilespmem:$0x28E8] =	vst v0  }
0x292: {  	[tilespmem:$0x28D8] =	vst v0  }
0x293: {  	[tilespmem:$0x28C8] =	vst v0  }
0x294: {  	[tilespmem:$0x28B8] =	vst v0  }
0x295: {  	[tilespmem:$0x28A8] =	vst v0  }
0x296: {  	[tilespmem:$0x2898] =	vst v0  }
0x297: {  	[tilespmem:$0x2888] =	vst v0  }
0x298: {  	[tilespmem:$0x2878] =	vst v0  }
0x299: {  	[tilespmem:$0x2868] =	vst v0  }
0x29a: {  	[tilespmem:$0x2858] =	vst v0  }
0x29b: {  	[tilespmem:$0x2848] =	vst v0  }
0x29c: {  	[tilespmem:$0x2838] =	vst v0  }
0x29d: {  	[tilespmem:$0x2828] =	vst v0  }
0x29e: {  	[tilespmem:$0x2818] =	vst v0  }
0x29f: {  	[tilespmem:$0x2808] =	vst v0  }
0x2a0: {  	[tilespmem:$0x27F8] =	vst v0  }
0x2a1: {  	[tilespmem:$0x27E8] =	vst v0  }
0x2a2: {  	[tilespmem:$0x27D8] =	vst v0  }
0x2a3: {  	[tilespmem:$0x27C8] =	vst v0  }
0x2a4: {  	[tilespmem:$0x27B8] =	vst v0  }
0x2a5: {  	[tilespmem:$0x27A8] =	vst v0  }
0x2a6: {  	[tilespmem:$0x2798] =	vst v0  }
0x2a7: {  	[tilespmem:$0x2788] =	vst v0  }
0x2a8: {  	[tilespmem:$0x2778] =	vst v0  }
0x2a9: {  	[tilespmem:$0x2768] =	vst v0  }
0x2aa: {  	[tilespmem:$0x2758] =	vst v0  }
0x2ab: {  	[tilespmem:$0x2748] =	vst v0  }
0x2ac: {  	[tilespmem:$0x2738] =	vst v0  }
0x2ad: {  	[tilespmem:$0x2728] =	vst v0  }
0x2ae: {  	[tilespmem:$0x2718] =	vst v0  }
0x2af: {  	[tilespmem:$0x2708] =	vst v0  }
0x2b0: {  	[tilespmem:$0x26F8] =	vst v0  }
0x2b1: {  	[tilespmem:$0x26E8] =	vst v0  }
0x2b2: {  	[tilespmem:$0x26D8] =	vst v0  }
0x2b3: {  	[tilespmem:$0x26C8] =	vst v0  }
0x2b4: {  	[tilespmem:$0x26B8] =	vst v0  }
0x2b5: {  	[tilespmem:$0x26A8] =	vst v0  }
0x2b6: {  	[tilespmem:$0x2698] =	vst v0  }
0x2b7: {  	[tilespmem:$0x2688] =	vst v0  }
0x2b8: {  	[tilespmem:$0x2678] =	vst v0  }
0x2b9: {  	[tilespmem:$0x2668] =	vst v0  }
0x2ba: {  	[tilespmem:$0x2658] =	vst v0  }
0x2bb: {  	[tilespmem:$0x2648] =	vst v0  }
0x2bc: {  	[tilespmem:$0x2638] =	vst v0  }
0x2bd: {  	[tilespmem:$0x2628] =	vst v0  }
0x2be: {  	[tilespmem:$0x2618] =	vst v0  }
0x2bf: {  	[tilespmem:$0x2608] =	vst v0  }
0x2c0: {  	[tilespmem:$0x25F8] =	vst v0  }
0x2c1: {  	[tilespmem:$0x25E8] =	vst v0  }
0x2c2: {  	[tilespmem:$0x25D8] =	vst v0  }
0x2c3: {  	[tilespmem:$0x25C8] =	vst v0  }
0x2c4: {  	[tilespmem:$0x25B8] =	vst v0  }
0x2c5: {  	[tilespmem:$0x25A8] =	vst v0  }
0x2c6: {  	[tilespmem:$0x2598] =	vst v0  }
0x2c7: {  	[tilespmem:$0x2588] =	vst v0  }
0x2c8: {  	[tilespmem:$0x2578] =	vst v0  }
0x2c9: {  	[tilespmem:$0x2568] =	vst v0  }
0x2ca: {  	[tilespmem:$0x2558] =	vst v0  }
0x2cb: {  	[tilespmem:$0x2548] =	vst v0  }
0x2cc: {  	[tilespmem:$0x2538] =	vst v0  }
0x2cd: {  	[tilespmem:$0x2528] =	vst v0  }
0x2ce: {  	[tilespmem:$0x2518] =	vst v0  }
0x2cf: {  	[tilespmem:$0x2508] =	vst v0  }
0x2d0: {  	[tilespmem:$0x24F8] =	vst v0  }
0x2d1: {  	[tilespmem:$0x24E8] =	vst v0  }
0x2d2: {  	[tilespmem:$0x24D8] =	vst v0  }
0x2d3: {  	[tilespmem:$0x24C8] =	vst v0  }
0x2d4: {  	[tilespmem:$0x24B8] =	vst v0  }
0x2d5: {  	[tilespmem:$0x24A8] =	vst v0  }
0x2d6: {  	[tilespmem:$0x2498] =	vst v0  }
0x2d7: {  	[tilespmem:$0x2488] =	vst v0  }
0x2d8: {  	[tilespmem:$0x2478] =	vst v0  }
0x2d9: {  	[tilespmem:$0x2468] =	vst v0  }
0x2da: {  	[tilespmem:$0x2458] =	vst v0  }
0x2db: {  	[tilespmem:$0x2448] =	vst v0  }
0x2dc: {  	[tilespmem:$0x2438] =	vst v0  }
0x2dd: {  	[tilespmem:$0x2428] =	vst v0  }
0x2de: {  	[tilespmem:$0x2418] =	vst v0  }
0x2df: {  	[tilespmem:$0x2408] =	vst v0  }
0x2e0: {  	[tilespmem:$0x23F8] =	vst v0  }
0x2e1: {  	[tilespmem:$0x23E8] =	vst v0  }
0x2e2: {  	[tilespmem:$0x23D8] =	vst v0  }
0x2e3: {  	[tilespmem:$0x23C8] =	vst v0  }
0x2e4: {  	[tilespmem:$0x23B8] =	vst v0  }
0x2e5: {  	[tilespmem:$0x23A8] =	vst v0  }
0x2e6: {  	[tilespmem:$0x2398] =	vst v0  }
0x2e7: {  	[tilespmem:$0x2388] =	vst v0  }
0x2e8: {  	[tilespmem:$0x2378] =	vst v0  }
0x2e9: {  	[tilespmem:$0x2368] =	vst v0  }
0x2ea: {  	[tilespmem:$0x2358] =	vst v0  }
0x2eb: {  	[tilespmem:$0x2348] =	vst v0  }
0x2ec: {  	[tilespmem:$0x2338] =	vst v0  }
0x2ed: {  	[tilespmem:$0x2328] =	vst v0  }
0x2ee: {  	[tilespmem:$0x2318] =	vst v0  }
0x2ef: {  	[tilespmem:$0x2308] =	vst v0  }
0x2f0: {  	[tilespmem:$0x22F8] =	vst v0  }
0x2f1: {  	[tilespmem:$0x22E8] =	vst v0  }
0x2f2: {  	[tilespmem:$0x22D8] =	vst v0  }
0x2f3: {  	[tilespmem:$0x22C8] =	vst v0  }
0x2f4: {  	[tilespmem:$0x22B8] =	vst v0  }
0x2f5: {  	[tilespmem:$0x22A8] =	vst v0  }
0x2f6: {  	[tilespmem:$0x2298] =	vst v0  }
0x2f7: {  	[tilespmem:$0x2288] =	vst v0  }
0x2f8: {  	s4 =	stileid.u32;
	[tilespmem:$0x2278] =	vst v0  }
0x2f9: {  	s0 =	smul.u32 $0x1A, s4;
	[tilespmem:$0x2268] =	vst v0  }
0x2fa: {  	s1 =	smin.u32 s4, $0xB;
	[tilespmem:$0x2238] =	vst v0  }
0x2fb: {  	[tilespmem:$0x2248] =	vst v0;
	s0 =	sadd.s32 s1, s0  }
0x2fc: {  	p0 =	slt.u32 s4, $0xB;
	[tilespmem:$0x2228] =	vst v0;
	s1 =	simm.s32 $0x2880;
	s8 =	smul.u32 $0x180, s0  }
0x2fd: {  	s1 =	simm.s32 @!p0 $0x2700;
	[tilespmem:$0x21A8] =	vst v0  }
0x2fe: {  	[tilespmem:$0x2218] =	vst v0;
	s0 =	sadd.s32 s1, s8  }
0x2ff: {  	s3 =	simm.s32 $0x2;
	[tilespmem:$0x2208] =	vst v0;
	s9 =	smin.u32 s0, $0x28000  }
0x300: {  	s11 =	simm.s32 $0x9;
	s12 =	simm.s32 $0xA;
	[tilespmem:$0x21F8] =	vst v0;
	s0 =	ssub.s32 s9, s8  }
0x301: {  	s16 =	simm.s32 $0x0;
	p4 =	por $0x0, $0x0;
	[tilespmem:$0x21E8] =	vst v0;
	p0 =	sgt.s32 s0, $0x0  }
0x302: {  	s17 =	simm.s32 $0xC;
	s21 =	simm.s32 $0x0;
	[tilespmem:$0x21C8] =	vst v0;
	s0 =	simm.s32 @!p0 $0x0  }
0x303: {  	s18 =	simm.s32 $0x0;
	s2 =	sand.u32 $0x1, s2;
	[tilespmem:$0x21B8] =	vst v0;
	s30 =	smulhi.u32 $0x2AAAAAAB, s0  }
0x304: {  	s20 =	simm.s32 $0x0;
	s31 =	sshll.u32 s4, $0x6;
	[tilespmem:$0x2188] =	vst v0;
	[dreg:$0x5] =	wrdreg s2  }
0x305: {  	s2 =	smul.u32 $0x5000, s2;
	[tilespmem:$0x2178] =	vst v0;
	[sflag:s3] =	ssyncpa.u1 $0x0;
	s1 =	sshrl.u32 s30, $0x6  }
0x306: {  	v0 =	vimm.s32 $0xFFFFFFFF;
	s3 =	sadd.s32 $0x24600, s6;
	[dreg:$0x4] =	wrdreg s31;
	s5 =	smul.u32 $0x180, s1  }
.Ltmp0:
0x307: {  	[tilespmem:$0x6088] =	vst v0;
	[sflag:s11] =	ssyncpa.u1 $0x0;
	s2 =	sadd.s32 s2, s6;
	(pc) =	sbr.rel .LBB2_1-.Ltmp0, $4  }
0x308: {  	[sflag:s12] =	ssyncpa.u1 $0x0;
	s12 =	simm.s32 $0xB;
	p0 =	sne.s32 s0, s5  }
0x309: {  	s6 =	sadd.s32 $0x4FC600, s6;
	[sflag:s12] =	ssyncpa.u1 $0x0;
	s7 =	simm.s32 @!p0 $0x0  }
0x30a: {  	s13 =	sadd.s32 $0x1A600, s2;
	s14 =	sadd.s32 $0x10600, s2;
	s7 =	sadd.s32 s7, s1  }
0x30b: {  	v0 =	vlaneseq.u32;
	s19 =	smov.u32 s8;
	p0 =	por $0x1, $0x1;
	s15 =	sadd.s32 $0x1, s7  }
.LBB2_18:
0x30c: {  	s0 =	simm.s32 $0x2  }
0x30d: {  	_ =	swait.ge [sflag:s0], $0x0  }
0x30e: {  	[sflag:s0] =	ssyncset.done $0x0;
	s0 =	simm.s32 $0x0  }
.LBB2_19:
0x30f: {  	_ =	swait.ge [sflag:s17], s0  }
0x310: {  	s31 =	ssub.s32 $0x0, s0;
	v1 =	vmov s23;
	vm0 =	veq.s32 v0, $0x0;
	[sflag:s17] =	ssyncset.done $0x0  }
0x311: {  	vm15 =	veq.s32 v0, $0x2;
	v1 =	vsel vm0, s28, v1;
	[sflag:s17] =	ssyncadd.s32 s31  }
0x312: {  	v1 =	vsel vm15, s21, v1;
	[sflag:s17] =	ssyncpa.u1 $0x1  }
0x313: {  	[tilespmem:$0x6088] =	vst v1  }
.LBB2_20:
0x314: {  	s0 =	sadd.s32 $0x180, s19  }
0x315: {  	s1 =	smov.u32 s8;
	p1 =	slt.s32 s0, s9  }
0x316: {  	s1 =	smov.u32 @p1 s0;
	p1 =	sne.s32 s20, s15  }
.Ltmp1:
0x317: {  	_ = 	snop;
	(pc) =	sbr.rel @!p1 .LBB2_21-.Ltmp1, $4  }
0x318: {  	_ = 	snop  }
0x319: {  	s21 =	smov.u32 s18  }
0x31a: {  	s31 =	sadd.s32 $0x1, s20;
	s18 =	smov.u32 s19;
	p0 =	por !p0, !p0  }
0x31b: {  	p4 =	por !p4, !p4;
	s20 =	smov.u32 s31;
	s19 =	smov.u32 s1  }
.LBB2_1:
0x31c: {  	p2 =	sge.u32 s20, s7  }
0x31d: {  	s0 =	smulhi.u32 @!p2 $0xAAAAAAAB, s20  }
0x31e: {  	s1 =	smov.u32 s19;
	p3 =	sgt.s32 @!p2 s19, $0x27E80  }
0x31f: {  	s2 =	sshra.s32 @!p2 s19, $0x1F;
	p3 =	por !p3, p2;
	s0 =	sshrl.u32 @!p2 s0, $0x1  }
0x320: {  	s2 =	sand.u32 @!p2 s2, s19;
	s1 =	simm.s32 @p3 $0x27E80;
	s0 =	smul.u32 @!p2 $0x3, s0  }
0x321: {  	s1 =	ssub.s32 @!p2 s1, s2  }
0x322: {  	s22 =	sadd.s32 $0xFFFFFFFF, s20;
	s1 =	sadd.s32 @!p2 $0xFFFD8180, s1;
	s0 =	ssub.s32 @!p2 s20, s0  }
0x323: {  	s2 =	sshll.u32 @!p2 s1, $0x2;
	p3 =	sgt.s32 @!p2 s1, $0x17F;
	s0 =	smul.u32 @!p2 $0x600, s0  }
0x324: {  	s5 =	sand.u32 @!p2 $0x7, s19;
	s1 =	ssub.s32 @!p2 $0x600, s2;
	p3 =	por !p3, p2  }
0x325: {  	s2 =	sshrl.u32 @!p2 s19, $0x3;
	s1 =	sshrl.u32 @!p2 s1, $0x2;
	s0 =	sshrl.u32 @!p2 s0, $0x2  }
0x326: {  	s2 =	sadd.s32 @!p2 s2, s13;
	s1 =	simm.s32 @!p3 $0x0;
	s0 =	sadd.s32 @!p2 $0x64C8, s0  }
0x327: {  	[tilespmem:s0], [sflag:$0xA] =	stream.linear.gather @!p2 [hbm4b:s2+s5], s1, $0x38;
	[tilespmem:$0x1EC48] =	vst v63  }
0x328: {  	p2 =	sge.u32 s22, s7  }
0x329: {  	p3 =	sgt.s32 @!p2 s18, $0x27E80  }
0x32a: {  	s0 =	smov.u32 s18;
	s1 =	sshra.s32 @!p2 s18, $0x1F;
	p3 =	por !p3, p2  }
0x32b: {  	s1 =	sand.u32 @!p2 s1, s18;
	s0 =	simm.s32 @p3 $0x27E80  }
0x32c: {  	s0 =	ssub.s32 @!p2 s0, s1  }
0x32d: {  	s0 =	sadd.s32 @!p2 $0xFFFD8180, s0  }
0x32e: {  	s1 =	sshll.u32 @!p2 s0, $0x2  }
0x32f: {  	p3 =	sgt.s32 @!p2 s0, $0x17F;
	s0 =	ssub.s32 @!p2 $0x600, s1  }
0x330: {  	p3 =	por !p3, p2;
	s0 =	sshrl.u32 @!p2 s0, $0x2  }
0x331: {  	s2 =	simm.s32 @!p2 $0xA;
	s1 =	sand.u32 @!p2 $0x1, s22;
	s0 =	simm.s32 @!p3 $0x0  }
0x332: {  	s1 =	smul.u32 @!p2 $0x600, s1;
	_ =	swait.ge @!p2 [sflag:s2], s0  }
0x333: {  	s5 =	ssub.s32 @!p2 $0x0, s0;
	[sflag:s2] =	ssyncset.done @!p2 $0x0  }
0x334: {  	s1 =	sshrl.u32 @!p2 s1, $0x2;
	[sflag:s2] =	ssyncadd.s32 @!p2 s5;
	s2 =	sshrl.u32 @!p2 s18, $0x3  }
0x335: {  	s1 =	sadd.s32 @!p2 $0x6948, s1;
	s5 =	sand.u32 @!p2 $0x7, s18;
	s2 =	sadd.s32 @!p2 s2, s14  }
0x336: {  	[tilespmem:s1], [sflag:$0xB] =	stream.linear.gather @!p2 [hbm4b:s2+s5], s0, $0x38;
	[tilespmem:$0x1EC48] =	vst v63  }
0x337: {  	s0 =	ssub.s32 @!p2 $0x28000, s18  }
0x338: {  	p3 =	slt.s32 @!p2 s0, $0x1  }
0x339: {  	p3 =	por p2, p3  }
.Ltmp2:
0x33a: {  	_ = 	snop;
	(pc) =	sbr.rel @p3 .LBB2_7-.Ltmp2, $1  }
0x33b: {  	_ =	sdelay $0x3  }
0x33c: {  	s1 =	smulhi.u32 $0xAAAAAAAB, s22;
	_ =	sdelay $0x1  }
0x33d: {  	s1 =	sshrl.u32 s1, $0x1  }
0x33e: {  	s1 =	smul.u32 $0x3, s1;
	_ =	sdelay $0x1  }
0x33f: {  	s1 =	ssub.s32 s22, s1  }
0x340: {  	s2 =	simm.s32 $0x1;
	s1 =	smul.u32 $0x600, s1  }
.Ltmp3:
0x341: {  	s2 =	simm.s32 @!p0 $0x0;
	(pc) =	sbr.rel .LBB2_4-.Ltmp3, $4  }
0x342: {  	s2 =	smul.u32 $0x30000, s2  }
0x343: {  	p3 =	slt.s32 @!p2 s0, $0x180;
	s1 =	sshrl.u32 s1, $0x2  }
0x344: {  	p2 =	por !p3, p2;
	s2 =	sshrl.u32 s2, $0x2;
	s1 =	sadd.s32 $0x64C8, s1  }
0x345: {  	s23 =	simm.s32 $0x0;
	s0 =	simm.s32 @p2 $0x180;
	s22 =	sadd.s32 $0x6C48, s2;
	v1 =	vmov s1  }
.LBB2_3:
0x346: {  	p2 =	sge.s32 s23, s0  }
.Ltmp4:
0x347: {  	_ = 	snop;
	(pc) =	sbr.rel @p2 .LBB2_7-.Ltmp4, $2  }
0x348: {  	_ =	sdelay $0x2  }
0x349: {  	s22 =	sadd.s32 $0x800, s22  }
.LBB2_4:
0x34a: {  	p2 =	sle.s32 s0, s23  }
.Ltmp5:
0x34b: {  	_ = 	snop;
	(pc) =	sbr.rel @p2 .LBB2_3-.Ltmp5, $2  }
0x34c: {  	_ =	sdelay $0x2  }
0x34d: {  	s24 =	smov.u32 s23;
	s23 =	sadd.s32 $0x10, s23  }
0x34e: {  	s1 =	ssub.s32 s0, s24  }
0x34f: {  	p2 =	slt.s32 s1, $0x10  }
0x350: {  	s1 =	simm.s32 @!p2 $0x10  }
0x351: {  	v2 =	vmov s1  }
0x352: {  	vm0 =	vgt.s32 v2, v0;
	_ =	sdelay $0x5  }
0x353: {  	v2 =	vld.idx.msk [tilespmem:v1+s24+$0x0 ss:$0x1], vm0;
	_ =	sdelay $0x2  }
0x354: {  	p2 =	slt.s32 s23, s0;
	s1 =	smov.u32 s0  }
0x355: {  	s2 =	smov.u32 s22;
	s25 =	simm.s32 $0x0;
	s1 =	smov.u32 @p2 s23  }
.LBB2_6:
0x356: {  	(v2sf) =	vpush v2, s25;
	_ =	sdelay $0xc  }
0x357: {  	s25 =	sadd.s32 $0x1, s25  }
0x358: {  	s31 =	sadd.s32 s25, s24  }
0x359: {  	p2 =	slt.s32 s31, s1;
	s5 =	spop (v2sf)  }
.Ltmp6:
0x35a: {  	s5 =	sshll.u32 s5, $0x4;
	(pc) =	sbr.rel @p2 .LBB2_6-.Ltmp6, $4  }
0x35b: {  	s5 =	sand.u32 $0x1FFFFFF0, s5  }
0x35c: {  	s5 =	sadd.s32 s6, s5  }
0x35d: {  	[tilespmem:s2], [sflag:$0x9] =	stream.linear.gather [hbm4b:s5+s16], $0x18, $0x38;
	[tilespmem:$0x1EC48] =	vst v63  }
0x35e: {  	s2 =	sadd.s32 $0x80, s2  }
.Ltmp7:
0x35f: {  	_ = 	snop;
	(pc) =	sbr.rel .LBB2_3-.Ltmp7, $1  }
0x360: {  	_ =	sdelay $0x3  }
.LBB2_7:
0x361: {  	p2 =	slt.u32 s20, $0x2  }
.Ltmp8:
0x362: {  	_ = 	snop;
	(pc) =	sbr.rel @p2 .LBB2_20-.Ltmp8, $1  }
0x363: {  	_ =	sdelay $0x3  }
0x364: {  	s0 =	ssub.s32 $0x28000, s21;
	p2 =	sgt.s32 s21, $0x27E80  }
0x365: {  	s1 =	smov.u32 s21;
	s2 =	sshra.s32 s21, $0x1F;
	p3 =	slt.s32 s0, $0x180  }
0x366: {  	s1 =	simm.s32 @!p2 $0x27E80;
	s2 =	sand.u32 s2, s21;
	s0 =	simm.s32 @!p3 $0x180  }
0x367: {  	s1 =	ssub.s32 s1, s2;
	s0 =	smul.u32 $0x60, s0  }
0x368: {  	s1 =	sadd.s32 $0xFFFD8180, s1  }
0x369: {  	s26 =	sshll.u32 s1, $0x2;
	s0 =	sshrl.u32 s0, $0x2  }
0x36a: {  	p2 =	sgt.s32 s1, $0x17F;
	s28 =	ssub.s32 $0x600, s26;
	_ =	swait.ge [sflag:s11], s0  }
0x36b: {  	s0 =	ssub.s32 $0x0, s0;
	s1 =	sshrl.u32 s28, $0x2;
	[sflag:s11] =	ssyncset.done $0x0  }
0x36c: {  	s1 =	simm.s32 @p2 $0x0;
	[sflag:s11] =	ssyncadd.s32 s0  }
0x36d: {  	_ =	swait.ge [sflag:s12], s1  }
0x36e: {  	s29 =	ssub.s32 $0x0, s1;
	[sflag:s12] =	ssyncset.done $0x0  }
0x36f: {  	[sflag:s12] =	ssyncadd.s32 s29  }
0x370: {  	v1 =	vld [tilespmem:$0x6088];
	_ =	sdelay $0x4  }
0x371: {  	(v2sf) =	vpush v1, $0x0  }
0x372: {  	(v2sf) =	vpush v1, $0x1  }
0x373: {  	(v2sf) =	vpush v1, $0x2;
	_ =	sdelay $0x3  }
0x374: {  	s0 =	sadd.s32 $0x180, s21  }
0x375: {  	p2 =	slt.s32 s9, s0;
	s1 =	ssub.s32 $0x50000, s21  }
0x376: {  	s0 =	smov.u32 @p2 s9;
	p2 =	sgt.s32 s1, $0x0  }
0x377: {  	s0 =	ssub.s32 s0, s21;
	s1 =	simm.s32 @!p2 $0x0  }
0x378: {  	p2 =	slt.s32 s1, s0  }
0x379: {  	s0 =	smov.u32 @p2 s1  }
0x37a: {  	s24 =	simm.s32 $0x1;
	p2 =	slt.s32 s0, $0x1  }
.Ltmp9:
0x37b: {  	s24 =	simm.s32 @!p4 $0x0;
	(pc) =	sbr.rel @p2 .LBB2_12-.Ltmp9, $4  }
0x37c: {  	s30 =	smul.u32 $0x600, s24  }
0x37d: {  	s25 =	spop (v2sf)  }
0x37e: {  	s31 =	sshrl.u32 s30, $0x2;
	s26 =	spop (v2sf)  }
0x37f: {  	s22 =	sadd.s32 $0x6948, s31;
	s21 =	spop (v2sf)  }
0x380: {  	s1 =	smin.u32 s0, $0x10  }
0x381: {  	v1 =	vmov s1  }
0x382: {  	p3 =	sgt.s32 s0, $0x10;
	vm1 =	vgt.u32 v1, v0  }
.Ltmp10:
0x383: {  	_ = 	snop;
	(pc) =	sbr.rel @!p3 .LBB2_11-.Ltmp10, $2  }
0x384: {  	_ =	sdelay $0x2  }
0x385: {  	s28 =	simm.s32 $0x10;
	s29 =	sadd.s32 $0xFFFFFFF0, s0;
	s23 =	smov.u32 s22;
	vm0 =	vmmov vm1  }
.LBB2_10:
0x386: {  	s1 =	smin.u32 s29, $0x10;
	s28 =	sadd.s32 $0x10, s28;
	v1 =	vld.msk [tilespmem:s23+$0x0 ss:$0x1], vm1  }
0x387: {  	v2 =	vmov s1;
	p3 =	slt.s32 s28, s0  }
0x388: {  	vm1 =	vgt.u32 v2, v0  }
.Ltmp11:
0x389: {  	(pc) =	sbr.rel @p3 .LBB2_10-.Ltmp11, $3  }
0x38a: {  	_ =	sdelay $0x1  }
0x38b: {  	v1 =	vshll.u32 v1, $0x4  }
0x38c: {  	s29 =	sadd.s32 $0xFFFFFFF0, s29;
	[tilespmem:s23+$0x0] =	vst.msk vm0, v1;
	s23 =	sadd.s32 $0x10, s23;
	vm0 =	vmmov vm1  }
.LBB2_11:
0x38d: {  	_ =	sdelay $0x4  }
0x38e: {  	v1 =	vld.msk [tilespmem:s23+$0x0 ss:$0x1], vm1;
	_ =	sdelay $0x4  }
0x38f: {  	v1 =	vshll.u32 v1, $0x4  }
0x390: {  	[tilespmem:s23+$0x0] =	vst.msk vm0, v1  }
.LBB2_12:
0x391: {  	s1 =	sand.u32 $0x1, s20  }
0x392: {  	s1 =	smul.u32 $0x180, s1  }
0x393: {  	p3 =	sne.s32 s26, $0xFFFFFFFF  }
0x394: {  	v1 =	vld.msk @!p3 [tilespmem:s1+$0x6948], $0x1;
	_ =	sdelay $0x4  }
0x395: {  	(v2sf) =	vpush @!p3 v1, $0x0;
	_ =	sdelay $0xc  }
.Ltmp12:
0x396: {  	_ = 	snop;
	(pc) =	sbr.rel @p2 .LBB2_18-.Ltmp12, $4  }
0x397: {  	_ = 	snop  }
0x398: {  	s28 =	spop @!p3 (v2sf)  }
0x399: {  	s21 =	simm.s32 @!p3 $0x0;
	s23 =	smov.u32 s28  }
0x39a: {  	[sflag:s17] =	ssyncpa.u1 $0x0;
	s28 =	smov.u32 @p3 s25;
	s23 =	smov.u32 @p3 s26  }
0x39b: {  	v1 =	vld.msk [tilespmem:s22+$0x0], $0x1;
	_ =	sdelay $0x4  }
0x39c: {  	(v2sf) =	vpush v1, $0x0;
	_ =	sdelay $0xd  }
0x39d: {  	s1 =	simm.s32 @!p4 $0x0  }
0x39e: {  	s26 =	smul.u32 $0x30000, s24;
	s29 =	ssub.s32 $0x0, s0;
	s30 =	spop (v2sf)  }
0x39f: {  	s1 =	simm.s32 @p4 $0x1;
	s0 =	sadd.s32 $0x1, s29;
	p2 =	seq.s32 s28, s30  }
0x3a0: {  	[smem:$0x7FD] =	sst s1;
	s1 =	sshrl.u32 s26, $0x2;
	p3 =	sgt.s32 @!p2 s28, $0x0  }
0x3a1: {  	s24 =	sadd.s32 $0x6C58, s1;
	s1 =	smov.u32 s28;
	p3 =	por !p3, p2  }
0x3a2: {  	s1 =	simm.s32 @p3 $0x0;
	p3 =	seq.s32 s0, $0x0  }
.Ltmp13:
0x3a3: {  	_ = 	snop;
	(pc) =	sbr.rel @p3 .LBB2_15-.Ltmp13, $4  }
0x3a4: {  	_ = 	snop  }
0x3a5: {  	s25 =	simm.s32 $0x0;
	s31 =	simm.s32 @!p2 $0x1;
	s2 =	smin.u32 @!p2 s1, $0x27FFD  }
0x3a6: {  	s26 =	sadd.s32 $0x1, s22;
	s31 =	smov.u32 @p2 s25;
	s5 =	sand.u32 @!p2 $0x3FFF8, s2  }
0x3a7: {  	s1 =	simm.s32 @!p2 $0x3068;
	s2 =	sand.u32 @!p2 $0x7, s2;
	s5 =	sadd.s32 @!p2 s3, s5  }
.LBB2_14:
0x3a8: {  	s4 =	smov.u32 s31  }
0x3a9: {  	[tilespmem:s1], [sflag:$0x2] =	stream.linear.gather @!p2 [hbm4b:s5+s2], $0x18, $0x38;
	[tilespmem:$0x1EC48] =	vst v63  }
0x3aa: {  	s0 =	sadd.s32 $0x1, s0;
	s2 =	smov.u32 s30;
	v1 =	vld.msk [tilespmem:s26+$0x0], $0x1  }
0x3ab: {  	p3 =	seq.s32 s0, $0x0;
	_ =	sdelay $0x3  }
0x3ac: {  	(v2sf) =	vpush v1, $0x0;
	_ =	sdelay $0xe  }
0x3ad: {  	s30 =	spop (v2sf)  }
0x3ae: {  	p2 =	seq.s32 s2, s30  }
0x3af: {  	p4 =	sgt.s32 @!p2 s2, $0x0;
	s1 =	sshll.u32 @!p2 s31, $0x7;
	s31 =	sadd.s32 @!p2 $0x1, s31  }
.Ltmp14:
0x3b0: {  	p4 =	por !p4, p2;
	s1 =	sshra.s32 @!p2 s1, $0x2;
	(pc) =	sbr.rel @!p3 .LBB2_14-.Ltmp14, $4  }
0x3b1: {  	s31 =	smov.u32 @p2 s4;
	s2 =	simm.s32 @p4 $0x0;
	s1 =	sadd.s32 @!p2 $0x3068, s1  }
0x3b2: {  	s2 =	smin.u32 @!p2 s2, $0x27FFD  }
0x3b3: {  	s4 =	sand.u32 @!p2 $0x3FFF8, s2;
	s2 =	sand.u32 @!p2 $0x7, s2  }
0x3b4: {  	s26 =	sadd.s32 $0x1, s26;
	s5 =	sadd.s32 @!p2 s3, s4  }
.LBB2_15:
0x3b5: {  	s0 =	smul.u32 $0x60, s31  }
0x3b6: {  	[tilespmem:s1], [sflag:$0x2] =	stream.linear.gather @!p2 [hbm4b:s5+s2], $0x18, $0x38;
	[tilespmem:$0x1EC48] =	vst v63  }
0x3b7: {  	s31 =	simm.s32 $0x2;
	s0 =	sshrl.u32 s0, $0x2  }
0x3b8: {  	_ =	swait.ge [sflag:s31], s0  }
0x3b9: {  	s0 =	ssub.s32 $0x0, s0;
	[sflag:s31] =	ssyncset.done $0x0  }
0x3ba: {  	[sflag:s31] =	ssyncadd.s32 s0  }
0x3bb: {  	v1 =	vld.msk [tilespmem:s22+$0x0], $0x1;
	_ =	sdelay $0x4  }
0x3bc: {  	(v2sf) =	vpush v1, $0x0;
	_ =	sdelay $0xe  }
0x3bd: {  	s26 =	spop (v2sf)  }
0x3be: {  	p2 =	sne.s32 s28, s26  }
0x3bf: {  	p4 =	sne.s32 @p2 s28, s23  }
0x3c0: {  	p3 =	por !p4, !p2  }
0x3c1: {  	s0 =	simm.s32 @!p3 $0x0  }
0x3c2: {  	v1 =	vld @!p3 [tilespmem:s0+$0x3068];
	_ =	sdelay $0x2  }
0x3c3: {  	s1 =	sshll.u32 @!p3 s21, $0x7  }
0x3c4: {  	s1 =	sshra.s32 @!p3 s1, $0x2  }
0x3c5: {  	[tilespmem:s1+$0x48] =	vst.add.f32.msk @!p3 $0xffff, v1  }
0x3c6: {  	v1 =	vld.msk @!p3 [tilespmem:s0+$0x3078], $0xff  }
0x3c7: {  	p5 =	sgt.u32 @!p3 s28, $0x27FFD  }
0x3c8: {  	p6 =	por @p2 p5, !p4  }
0x3c9: {  	p1 =	por p6, !p2;
	p6 =	por p4, !p2  }
0x3ca: {  	s4 =	sand.u32 @!p1 $0x3FFF8, s28;
	s5 =	sshll.u32 @!p6 s21, $0x7;
	s28 =	sand.u32 @!p1 $0x7, s28  }
0x3cb: {  	s0 =	sadd.s32 @!p3 $0x48, s1;
	[tilespmem:s1+$0x58] =	vst.add.f32.msk @!p3 $0xff, v1;
	s1 =	sadd.s32 @!p1 s3, s4;
	s4 =	sshra.s32 @!p6 s5, $0x2  }
0x3cc: {  	[hbm4b:s1+s28] =	stream.linear.scatter @!p1 [tilespmem:s0], [sflag:$0xC], $0x18, $0x38;
	[tilespmem:$0x1EC48] =	vst v63  }
0x3cd: {  	s2 =	rddreg [dreg:$0x4];
	s0 =	sadd.s32 @!p6 $0x48, s4;
	s1 =	simm.s32 @!p6 $0x1  }
0x3ce: {  	[spmem:s2] =	stream.linear.scatter @!p6 [tilespmem:s0], [sflag:$0x1], $0x18, $0x38;
	[tilespmem:$0x1EC48] =	vst v63  }
0x3cf: {  	s0 =	sadd.s32 @p2 $0x1, s21;
	_ =	swait.ge @!p6 [sflag:s1], $0x18  }
0x3d0: {  	s2 =	smulhi.u32 @p2 $0xAAAAAAAB, s0;
	[sflag:s1] =	ssyncset.done @!p6 $0x0  }
0x3d1: {  	[sflag:s1] =	ssyncadd.s32 @!p6 $0xFFFFFFE8  }
0x3d2: {  	s1 =	sshrl.u32 @p2 s2, $0x8;
	v1 =	vld @p2 [tilespmem:s24+$0xFFFFFFF0]  }
0x3d3: {  	s1 =	smul.u32 @p2 $0x180, s1;
	_ =	sdelay $0x1  }
0x3d4: {  	s1 =	ssub.s32 @p2 s0, s1  }
0x3d5: {  	s0 =	sshll.u32 @p2 s1, $0x5  }
0x3d6: {  	[tilespmem:s0+$0x48] =	vst @p2 v1  }
0x3d7: {  	v1 =	vld.msk @p2 [tilespmem:s24+$0x0], $0xff;
	_ =	sdelay $0x4  }
0x3d8: {  	p1 =	por @p2 !p5, !p4;
	[tilespmem:s0+$0x58] =	vst.msk @p2 $0xff, v1  }
0x3d9: {  	s28 =	sadd.s32 $0x1, s29;
	p1 =	por !p1, !p2;
	s0 =	simm.s32 @!p3 $0x0;
	v1 =	vld @!p2 [tilespmem:s24+$0xFFFFFFF0]  }
0x3da: {  	s0 =	simm.s32 @!p1 $0x60;
	p1 =	seq.s32 s28, $0x0  }
.Ltmp15:
0x3db: {  	_ = 	snop;
	(pc) =	sbr.rel @p1 .LBB2_17-.Ltmp15, $4  }
0x3dc: {  	s2 =	sshll.u32 @!p2 s21, $0x7  }
0x3dd: {  	s5 =	sadd.s32 @!p3 $0x0, s0;
	s0 =	sshra.s32 @!p2 s2, $0x2  }
0x3de: {  	s4 =	simm.s32 @p2 $0x1;
	s29 =	simm.s32 $0x0;
	s5 =	smov.u32 @p3 s25;
	[tilespmem:s0+$0x48] =	vst.add.f32.msk @!p2 $0xffff, v1  }
0x3df: {  	s29 =	smov.u32 @p2 s4;
	s21 =	smov.u32 @p2 s1;
	s25 =	smov.u32 @p2 s5;
	v1 =	vld.msk @!p2 [tilespmem:s24+$0x0], $0xff  }
.LBB2_16:
0x3e0: {  	_ =	sdelay $0x3  }
0x3e1: {  	s22 =	sadd.s32 $0x1, s22;
	[tilespmem:s0+$0x58] =	vst.add.f32.msk @!p2 $0xff, v1  }
0x3e2: {  	v1 =	vld.msk [tilespmem:s22+$0x0], $0x1;
	_ =	sdelay $0x4  }
0x3e3: {  	(v2sf) =	vpush v1, $0x0;
	_ =	sdelay $0xe  }
0x3e4: {  	s31 =	smov.u32 s26;
	s26 =	spop (v2sf)  }
0x3e5: {  	p2 =	sne.s32 s31, s26  }
0x3e6: {  	p5 =	sne.s32 @p2 s31, s23  }
0x3e7: {  	p4 =	por !p5, !p2  }
0x3e8: {  	s1 =	sadd.s32 @p2 $0x1, s21;
	s4 =	sadd.s32 @p2 $0x1, s29;
	s5 =	sshll.u32 @!p4 s29, $0x7  }
0x3e9: {  	s2 =	smulhi.u32 @p2 $0xAAAAAAAB, s1;
	s29 =	smov.u32 @p2 s4;
	s4 =	sshra.s32 @!p4 s5, $0x2  }
0x3ea: {  	v1 =	vld @!p4 [tilespmem:s4+$0x3068]  }
0x3eb: {  	s2 =	sshrl.u32 @p2 s2, $0x8  }
0x3ec: {  	s2 =	smul.u32 @p2 $0x180, s2  }
0x3ed: {  	s10 =	sshll.u32 @!p4 s21, $0x7  }
0x3ee: {  	p1 =	sgt.u32 @!p4 s31, $0x27FFD;
	s1 =	ssub.s32 @p2 s1, s2;
	s2 =	sshra.s32 @!p4 s10, $0x2  }
0x3ef: {  	p6 =	por @p2 p1, !p5;
	p1 =	por @p2 !p1, !p5;
	[tilespmem:s2+$0x48] =	vst.add.f32.msk @!p4 $0xffff, v1  }
0x3f0: {  	s5 =	simm.s32 @!p4 $0x0;
	p1 =	por !p1, !p2;
	v1 =	vld.msk @!p4 [tilespmem:s4+$0x3078], $0xff  }
0x3f1: {  	s5 =	simm.s32 @!p1 $0x60  }
0x3f2: {  	s0 =	smov.u32 s21;
	p5 =	por p5, !p2;
	s5 =	sadd.s32 @!p4 s5, s25  }
0x3f3: {  	s0 =	sshll.u32 @!p5 s0, $0x7;
	p1 =	por p6, !p2;
	s5 =	smov.u32 @p4 s25  }
0x3f4: {  	s0 =	sshra.s32 @!p5 s0, $0x2;
	s25 =	smov.u32 @p2 s5;
	s5 =	sand.u32 @!p1 $0x3FFF8, s31  }
0x3f5: {  	s10 =	sadd.s32 @!p4 $0x48, s2;
	s31 =	sand.u32 @!p1 $0x7, s31;
	[tilespmem:s2+$0x58] =	vst.add.f32.msk @!p4 $0xff, v1;
	s2 =	sadd.s32 @!p1 s3, s5  }
0x3f6: {  	[hbm4b:s2+s31] =	stream.linear.scatter @!p1 [tilespmem:s10], [sflag:$0xC], $0x18, $0x38;
	[tilespmem:$0x1EC48] =	vst v63  }
0x3f7: {  	s0 =	sadd.s32 @!p5 $0x48, s0;
	s4 =	rddreg [dreg:$0x4];
	s2 =	simm.s32 @!p5 $0x1  }
0x3f8: {  	[spmem:s4] =	stream.linear.scatter @!p5 [tilespmem:s0], [sflag:$0x1], $0x18, $0x38;
	[tilespmem:$0x1EC48] =	vst v63  }
0x3f9: {  	_ =	swait.ge @!p5 [sflag:s2], $0x18  }
0x3fa: {  	[sflag:s2] =	ssyncset.done @!p5 $0x0  }
0x3fb: {  	s24 =	sadd.s32 $0x80, s24;
	[sflag:s2] =	ssyncadd.s32 @!p5 $0xFFFFFFE8  }
0x3fc: {  	v1 =	vld @p2 [tilespmem:s24+$0xFFFFFFF0];
	_ =	sdelay $0x3  }
0x3fd: {  	s0 =	sshll.u32 @p2 s1, $0x5  }
0x3fe: {  	[tilespmem:s0+$0x48] =	vst @p2 v1  }
0x3ff: {  	v1 =	vld.msk @p2 [tilespmem:s24+$0x0], $0xff;
	_ =	sdelay $0x4  }
0x400: {  	[tilespmem:s0+$0x58] =	vst.msk @p2 $0xff, v1  }
0x401: {  	s28 =	sadd.s32 $0x1, s28;
	v1 =	vld @!p2 [tilespmem:s24+$0xFFFFFFF0]  }
0x402: {  	p3 =	seq.s32 s28, $0x0  }
.Ltmp16:
0x403: {  	_ = 	snop;
	(pc) =	sbr.rel @!p3 .LBB2_16-.Ltmp16, $4  }
0x404: {  	s30 =	sshll.u32 @!p2 s21, $0x7  }
0x405: {  	s0 =	sshra.s32 @!p2 s30, $0x2  }
0x406: {  	[tilespmem:s0+$0x48] =	vst.add.f32.msk @!p2 $0xffff, v1  }
0x407: {  	s21 =	smov.u32 @p2 s1;
	v1 =	vld.msk @!p2 [tilespmem:s24+$0x0], $0xff  }
.LBB2_17:
.Ltmp17:
0x408: {  	_ = 	snop;
	(pc) =	sbr.rel .LBB2_19-.Ltmp17, $2  }
0x409: {  	s1 =	sld [smem:$0x7FD];
	_ =	sdelay $0x2  }
0x40a: {  	s28 =	smov.u32 s26;
	p4 =	seq.s32 s1, $0x1;
	[tilespmem:s0+$0x58] =	vst.add.f32.msk @!p2 $0xff, v1;
	s0 =	sshrl.u32 s25, $0x2  }
.LBB2_21:
0x40b: {  	_ =	sfence.sel $0x180000  }
0x40c: {  	s0 =	simm.s32 $0x9;
	[bflag:$0x0] =	sbarrier.arrive $0xFFFF  }
0x40d: {  	s24 =	simm.s32 $0xA;
	[sflag:s0] =	ssyncpa.u1 $0x1  }
0x40e: {  	s25 =	simm.s32 $0xB;
	[sflag:s24] =	ssyncpa.u1 $0x1  }
0x40f: {  	s26 =	simm.s32 $0x2;
	[sflag:s25] =	ssyncpa.u1 $0x1  }
0x410: {  	[sflag:s26] =	ssyncpa.u1 $0x1  }
0x411: {  	v0 =	vld [tilespmem:$0x6088];
	_ =	sdelay $0x4  }
0x412: {  	(v2sf) =	vpush v0, $0x0  }
0x413: {  	(v2sf) =	vpush v0, $0x1;
	_ =	sdelay $0x1  }
0x414: {  	(v2sf) =	vpush v0, $0x2;
	_ =	sdelay $0xb  }
0x415: {  	s0 =	spop (v2sf)  }
0x416: {  	s1 =	spop (v2sf)  }
0x417: {  	s2 =	smov.u32 s0;
	p0 =	sne.s32 s0, s1  }
0x418: {  	s4 =	spop (v2sf);
	s2 =	simm.s32 @!p0 $0xFFFFFFFF  }
0x419: {  	v2 =	vimm.s32 $0x1;
	v3 =	vlaneseq.u32;
	p0 =	seq.s32 s4, $0xFFFFFFFF;
	v1 =	vmov s2  }
0x41a: {  	s15 =	stileid.u32;
	v0 =	vperm.xlane v0, v2;
	p1 =	sne.s32 @!p0 s0, s1;
	v1 =	vperm.xlane v1, v3  }
0x41b: {  	vm0 =	vcmask $0x3F04;
	s6 =	simm.s32 $0x6088;
	s0 =	simm.s32 @!p0 $0x1;
	p1 =	por !p1, p0  }
0x41c: {  	s2 =	sshll.u32 s15, $0x1;
	s1 =	sshll.u32 @!p0 s4, $0x7;
	s0 =	simm.s32 @p1 $0x0;
	v0 =	vsel vm0, v1, v0  }
0x41d: {  	s5 =	sor.u32 $0x400, s2;
	s1 =	sshra.s32 @!p0 s1, $0x2;
	s0 =	sor.u32 @!p0 s0, s2;
	[tilespmem:$0x6088] =	vst v0  }
0x41e: {  	[spmem:s5] =	stream.linear.scatter [tilespmem:s6], [sflag:$0x1], $0x2, $0x38;
	[tilespmem:$0x1EC48] =	vst v63  }
0x41f: {  	s1 =	sadd.s32 @!p0 $0x48, s1;
	s0 =	sshll.u32 @!p0 s0, $0x5  }
0x420: {  	[spmem:s0] =	stream.linear.scatter @!p0 [tilespmem:s1], [sflag:$0x1], $0x20, $0x38;
	[tilespmem:$0x1EC48] =	vst v63  }
0x421: {  	s0 =	simm.s32 @!p0 $0x22  }
0x422: {  	s28 =	simm.s32 $0x1;
	s0 =	simm.s32 @p0 $0x2  }
0x423: {  	_ =	swait.ge [sflag:s28], s0  }
0x424: {  	s0 =	ssub.s32 $0x0, s0;
	[sflag:s28] =	ssyncset.done $0x0  }
0x425: {  	p0 =	sne.s32 s15, $0x0;
	[sflag:s28] =	ssyncadd.s32 s0  }
.Ltmp18:
0x426: {  	_ =	sfence.stream.spmem;
	(pc) =	sbr.rel @p0 .LBB2_38-.Ltmp18, $4  }
0x427: {  	s29 =	simm.s32 $0x3;
	[bflag:$0x0] =	sbarrier.arrive $0xFFFF  }
0x428: {  	s30 =	simm.s32 $0x4;
	[sflag:s29] =	ssyncpa.u1 $0x1  }
0x429: {  	s31 =	simm.s32 $0x3C;
	[sflag:s30] =	ssyncpa.u1 $0x1  }
0x42a: {  	s16 =	rddreg [dreg:$0x5];
	[sflag:s31] =	ssyncpa.u1 $0x1  }
0x42b: {  	_ =	sfence.stream.spmem;
	s0 =	simm.s32 $0x5  }
0x42c: {  	s1 =	simm.s32 $0x400;
	s2 =	simm.s32 $0x6098;
	[sflag:s0] =	ssyncpa.u1 $0x0  }
0x42d: {  	[tilespmem:s2], [sflag:$0x5] =	stream.linear.gather [spmem:s1], $0x20, $0x38;
	[tilespmem:$0x1EC48] =	vst v63  }
0x42e: {  	s26 =	simm.s32 $0x0;
	s28 =	simm.s32 $0x60B8  }
0x42f: {  	[tilespmem:s28], [sflag:$0x5] =	stream.linear.gather [spmem:s26], $0x400, $0x38;
	[tilespmem:$0x1EC48] =	vst v63  }
0x430: {  	_ =	swait.ge [sflag:s0], $0x420  }
0x431: {  	[sflag:s0] =	ssyncset.done $0x0  }
0x432: {  	s29 =	simm.s32 $0x0;
	[sflag:s0] =	ssyncadd.s32 $0xFFFFFBE0  }
0x433: {  	v0 =	vld.msk [tilespmem:s29+$0x6098], $0x1;
	_ =	sdelay $0x1  }
0x434: {  	s30 =	simm.s32 $0x1  }
0x435: {  	v1 =	vld.msk [tilespmem:s30+$0x6098], $0x1;
	_ =	sdelay $0x1  }
0x436: {  	(v2sf) =	vpush v0, $0x0;
	_ =	sdelay $0x2  }
0x437: {  	(v2sf) =	vpush v1, $0x0;
	_ =	sdelay $0x2  }
0x438: {  	s31 =	simm.s32 $0x2  }
0x439: {  	v0 =	vld.msk [tilespmem:s31+$0x6098], $0x1;
	_ =	sdelay $0x2  }
0x43a: {  	s6 =	simm.s32 $0xFFFFFFFF;
	s1 =	simm.s32 $0xFFFFFFFF;
	s0 =	simm.s32 $0xC  }
.LBB2_23:
0x43b: {  	s2 =	smov.u32 s6;
	s4 =	smov.u32 s1  }
0x43c: {  	s1 =	sshra.s32 s0, $0x2;
	p1 =	sne.s32 s0, $0x7C;
	s0 =	sadd.s32 $0x4, s0;
	(v2sf) =	vpush v0, $0x0  }
0x43d: {  	v0 =	vld.msk [tilespmem:s1+$0x6098], $0x1  }
.Ltmp19:
0x43e: {  	(pc) =	sbr.rel @p1 .LBB2_23-.Ltmp19, $4  }
0x43f: {  	s6 =	spop (v2sf)  }
0x440: {  	p2 =	sne.s32 s4, $0xFFFFFFFF;
	s1 =	smov.u32 s6  }
0x441: {  	p3 =	seq.s32 s6, $0xFFFFFFFF;
	s1 =	smov.u32 @p2 s4  }
0x442: {  	s6 =	smov.u32 @p3 s2;
	s1 =	smov.u32 @p3 s4  }
0x443: {  	(v2sf) =	vpush v0, $0x0;
	_ =	sdelay $0x8  }
0x444: {  	s0 =	spop (v2sf)  }
0x445: {  	p1 =	sne.s32 s1, $0xFFFFFFFF;
	s2 =	smov.u32 s0  }
0x446: {  	s9 =	simm.s32 $0x6;
	p2 =	seq.s32 s0, $0xFFFFFFFF;
	s2 =	smov.u32 @p1 s1  }
0x447: {  	s10 =	simm.s32 $0x6068;
	s2 =	smov.u32 @p2 s1;
	s1 =	spop (v2sf)  }
0x448: {  	s0 =	smov.u32 @p2 s6;
	p1 =	sne.s32 s2, $0xFFFFFFFF;
	s4 =	smov.u32 s1  }
.Ltmp20:
0x449: {  	p2 =	seq.s32 s1, $0xFFFFFFFF;
	s4 =	smov.u32 @p1 s2;
	(pc) =	sbr.rel .LBB2_25-.Ltmp20, $4  }
0x44a: {  	s11 =	simm.s32 $0x0;
	s4 =	smov.u32 @p2 s2;
	s7 =	spop (v2sf)  }
0x44b: {  	[sflag:s9] =	ssyncpa.u1 $0x0;
	p1 =	sne.s32 s4, $0xFFFFFFFF;
	s8 =	smov.u32 s7  }
0x44c: {  	s1 =	smov.u32 @p2 s0;
	p2 =	seq.s32 s7, $0xFFFFFFFF;
	s8 =	smov.u32 @p1 s4  }
0x44d: {  	s6 =	simm.s32 $0x0;
	s7 =	smov.u32 @p2 s1;
	s8 =	smov.u32 @p2 s4  }
.LBB2_31:
0x44e: {  	p1 =	sgt.u32 s12, $0x27FFD  }
0x44f: {  	p2 =	seq.s32 @!p1 s12, s8  }
0x450: {  	p1 =	por p1, p2  }
0x451: {  	p2 =	sne.s32 @!p1 s12, s7  }
0x452: {  	p1 =	por p1, !p2  }
0x453: {  	s0 =	sshll.u32 @p1 s11, $0x7  }
0x454: {  	s0 =	sand.u32 @!p1 $0x3FFF8, s12  }
0x455: {  	s1 =	sand.u32 @!p1 $0x7, s12;
	s0 =	sadd.s32 @!p1 s3, s0  }
0x456: {  	[tilespmem:s10], [sflag:$0x6] =	stream.linear.gather @!p1 [hbm4b:s0+s1], $0x18, $0x38;
	[tilespmem:$0x1EC48] =	vst v63  }
0x457: {  	_ =	swait.ge @!p1 [sflag:s9], $0x18  }
0x458: {  	[sflag:s9] =	ssyncset.done @!p1 $0x0  }
0x459: {  	[sflag:s9] =	ssyncadd.s32 @!p1 $0xFFFFFFE8  }
0x45a: {  	v1 =	vld @!p1 [tilespmem:$0x6068];
	_ =	sdelay $0x2  }
0x45b: {  	s0 =	sshll.u32 @!p1 s11, $0x7  }
0x45c: {  	s1 =	sshrl.u32 @!p1 s0, $0x2  }
0x45d: {  	[tilespmem:s1+$0x60B8] =	vst.add.f32.msk @!p1 $0xffff, v1  }
0x45e: {  	v1 =	vld @!p1 [tilespmem:$0x6078];
	_ =	sdelay $0x4  }
0x45f: {  	[tilespmem:s1+$0x60C8] =	vst.add.f32.msk @!p1 $0xffff, v1  }
0x460: {  	s0 =	sshrl.u32 s0, $0x2;
	[tilespmem:s6+$0x6098] =	vst.msk $0x1, v0  }
0x461: {  	v0 =	vld [tilespmem:s0+$0x60B8];
	_ =	sdelay $0x2  }
0x462: {  	s31 =	sshll.u32 s6, $0x7  }
0x463: {  	s1 =	sshra.s32 s31, $0x2  }
0x464: {  	[tilespmem:s1+$0x60B8] =	vst v0  }
0x465: {  	v0 =	vld [tilespmem:s0+$0x60C8];
	_ =	sdelay $0x4  }
0x466: {  	s6 =	sadd.s32 $0x1, s6;
	[tilespmem:s1+$0x60C8] =	vst v0  }
.LBB2_32:
0x467: {  	s11 =	sadd.s32 $0x1, s11  }
0x468: {  	p1 =	sne.s32 s11, $0x20  }
.Ltmp21:
0x469: {  	_ = 	snop;
	(pc) =	sbr.rel @!p1 .LBB2_33-.Ltmp21, $1  }
0x46a: {  	_ =	sdelay $0x3  }
.LBB2_25:
0x46b: {  	v0 =	vld.msk [tilespmem:s11+$0x6098], $0x1;
	_ =	sdelay $0x4  }
0x46c: {  	(v2sf) =	vpush v0, $0x0;
	_ =	sdelay $0xe  }
0x46d: {  	s12 =	spop (v2sf)  }
0x46e: {  	p1 =	seq.s32 s12, $0xFFFFFFFF  }
.Ltmp22:
0x46f: {  	_ = 	snop;
	(pc) =	sbr.rel @p1 .LBB2_32-.Ltmp22, $1  }
0x470: {  	_ =	sdelay $0x3  }
0x471: {  	p1 =	slt.s32 s6, $0x1  }
.Ltmp23:
0x472: {  	_ = 	snop;
	(pc) =	sbr.rel @p1 .LBB2_31-.Ltmp23, $1  }
0x473: {  	_ =	sdelay $0x3  }
0x474: {  	s0 =	simm.s32 $0x6098;
	p1 =	por $0x0, $0x0  }
0x475: {  	v1 =	vld.msk @!p1 [tilespmem:s0+$0x0], $0x1;
	_ =	sdelay $0x4  }
0x476: {  	(v2sf) =	vpush @!p1 v1, $0x0;
	_ =	sdelay $0xd  }
0x477: {  	p3 =	sne.s32 s6, $0x1  }
.Ltmp24:
0x478: {  	s1 =	spop @!p1 (v2sf);
	(pc) =	sbr.rel @!p3 .LBB2_29-.Ltmp24, $4  }
0x479: {  	p2 =	seq.s32 @!p1 s12, s1  }
0x47a: {  	s13 =	simm.s32 $0x0;
	p2 =	por !p2, p1  }
0x47b: {  	s1 =	simm.s32 $0xFFFFFFFF;
	s13 =	simm.s32 @p2 $0xFFFFFFFF  }
0x47c: {  	s14 =	simm.s32 $0x1;
	s13 =	smov.u32 @p1 s1  }
.LBB2_28:
0x47d: {  	s1 =	smov.u32 s13;
	p1 =	sne.s32 s13, $0xFFFFFFFF  }
0x47e: {  	s0 =	sadd.s32 $0x1, s0;
	s13 =	smov.u32 s14;
	s14 =	sadd.s32 $0x1, s14  }
0x47f: {  	p2 =	sne.s32 s6, s14;
	v1 =	vld.msk @!p1 [tilespmem:s0+$0x0], $0x1;
	_ =	sdelay $0x4  }
0x480: {  	(v2sf) =	vpush @!p1 v1, $0x0;
	_ =	sdelay $0xe  }
.Ltmp25:
0x481: {  	s2 =	spop @!p1 (v2sf);
	(pc) =	sbr.rel @p2 .LBB2_28-.Ltmp25, $4  }
0x482: {  	p3 =	seq.s32 @!p1 s12, s2  }
0x483: {  	p3 =	por !p3, p1  }
0x484: {  	s13 =	simm.s32 @p3 $0xFFFFFFFF  }
0x485: {  	s13 =	smov.u32 @p1 s1  }
.LBB2_29:
0x486: {  	p1 =	seq.s32 s13, $0xFFFFFFFF  }
.Ltmp26:
0x487: {  	_ = 	snop;
	(pc) =	sbr.rel @p1 .LBB2_31-.Ltmp26, $1  }
0x488: {  	_ =	sdelay $0x3  }
0x489: {  	s0 =	sshll.u32 s11, $0x5  }
0x48a: {  	s0 =	sand.u32 $0x3FFFFFE0, s0  }
0x48b: {  	v0 =	vld [tilespmem:s0+$0x60B8];
	_ =	sdelay $0x2  }
0x48c: {  	s1 =	sshll.u32 s13, $0x7  }
0x48d: {  	s1 =	sshra.s32 s1, $0x2  }
0x48e: {  	[tilespmem:s1+$0x60B8] =	vst.add.f32.msk $0xffff, v0  }
0x48f: {  	v0 =	vld [tilespmem:s0+$0x60C8]  }
.Ltmp27:
0x490: {  	_ = 	snop;
	(pc) =	sbr.rel .LBB2_32-.Ltmp27, $2  }
0x491: {  	_ =	sdelay $0x2  }
0x492: {  	[tilespmem:s1+$0x60C8] =	vst.add.f32.msk $0xffff, v0  }
.LBB2_33:
0x493: {  	s0 =	simm.s32 $0x6;
	p1 =	seq.s32 s6, $0x0  }
0x494: {  	[sflag:s0] =	ssyncpa.u1 $0x1;
	v0 =	vimm.s32 @p1 $0xFFFFFFFF  }
0x495: {  	s0 =	sadd.s32 $0xFFFFFFFF, s6;
	[tilespmem:$0x64B8] =	vst @p1 v0  }
0x496: {  	v0 =	vld.msk @!p1 [tilespmem:s0+$0x6098], $0x1;
	_ =	sdelay $0x1  }
0x497: {  	v1 =	vld.msk @!p1 [tilespmem:$0x6098], $0x1;
	_ =	sdelay $0x2  }
0x498: {  	p2 =	seq.s32 @!p1 s0, $0x0;
	v0 =	vbroadcast @!p1 v0, $0x0  }
0x499: {  	vm0 =	vmmov @!p1 $0x1;
	p2 =	por !p2, p1  }
0x49a: {  	v1 =	vnsel @!p1 vm0, $0xFFFFFFFF, v1;
	vm0 =	vcmask @!p1 $0x308;
	v0 =	vpsel !p2, $0xFFFFFFFF, v0  }
0x49b: {  	p2 =	sne.s32 @!p1 s8, s7;
	v0 =	vsel @!p1 vm0, v1, v0  }
0x49c: {  	s1 =	simm.s32 @!p1 $0x60B8;
	s2 =	simm.s32 @!p1 $0x0;
	p3 =	por !p2, p1;
	[tilespmem:$0x64B8] =	vst @!p1 v0  }
0x49d: {  	[spmem:s2] =	stream.linear.scatter @!p1 [tilespmem:s1], [sflag:$0x1], $0x20, $0x38;
	[tilespmem:$0x1EC48] =	vst v63  }
0x49e: {  	s1 =	sshll.u32 @!p3 s0, $0x7  }
0x49f: {  	s1 =	sshra.s32 @!p3 s1, $0x2  }
0x4a0: {  	s2 =	simm.s32 @!p3 $0x20;
	s1 =	sadd.s32 @!p3 $0x60B8, s1  }
0x4a1: {  	[spmem:s2] =	stream.linear.scatter @!p3 [tilespmem:s1], [sflag:$0x1], $0x20, $0x38;
	[tilespmem:$0x1EC48] =	vst v63  }
0x4a2: {  	s1 =	simm.s32 @!p3 $0x1  }
0x4a3: {  	_ =	swait.ge @!p3 [sflag:s1], $0x40  }
0x4a4: {  	p1 =	por p2, p1;
	[sflag:s1] =	ssyncset.done @!p3 $0x0  }
0x4a5: {  	[sflag:s1] =	ssyncadd.s32 @!p3 $0xFFFFFFC0;
	s1 =	simm.s32 @!p1 $0x1  }
0x4a6: {  	_ =	swait.ge @!p1 [sflag:s1], $0x20  }
0x4a7: {  	s29 =	simm.s32 $0x64B8;
	[sflag:s1] =	ssyncset.done @!p1 $0x0  }
0x4a8: {  	s30 =	simm.s32 $0x400;
	s31 =	simm.s32 $0x1;
	[sflag:s1] =	ssyncadd.s32 @!p1 $0xFFFFFFE0  }
0x4a9: {  	[spmem:s30] =	stream.linear.scatter [tilespmem:s29], [sflag:$0x1], $0x10, $0x38;
	[tilespmem:$0x1EC48] =	vst v63  }
0x4aa: {  	_ =	swait.ge [sflag:s31], $0x10  }
0x4ab: {  	[sflag:s31] =	ssyncset.done $0x0  }
0x4ac: {  	p1 =	seq.s32 s16, $0x0;
	s9 =	rddreg [dreg:$0x1];
	[sflag:s31] =	ssyncadd.s32 $0xFFFFFFF0  }
0x4ad: {  	s2 =	sshll.u32 @p1 s9, $0xE;
	s8 =	rddreg [dreg:$0x2]  }
0x4ae: {  	s1 =	sadd.s32 @p1 $0x15C3C, s2;
	s2 =	sshll.u32 @p1 s8, $0x11  }
0x4af: {  	_ =	sfence.stream.spmem;
	s1 =	sor.u32 @p1 s2, s1  }
0x4b0: {  	[sflag:s1] =	ssyncadd.remote.s32 @p1 $0x1;
	s1 =	simm.s32 @p1 $0x4  }
0x4b1: {  	s4 =	simm.s32 @!p1 $0x3C;
	s2 =	sand.u32 $0xFFFFFFFE, s9;
	_ =	swait.ge @p1 [sflag:s1], $0xA  }
0x4b2: {  	s5 =	simm.s32 @!p1 $0x0;
	s2 =	sadd.s32 @!p1 $0x4, s2;
	[sflag:s1] =	ssyncset.done @p1 $0x0  }
0x4b3: {  	s7 =	simm.s32 @!p1 $0x40;
	[sflag:s1] =	ssyncadd.s32 @p1 $0xFFFFFFF6;
	s1 =	sshll.u32 @!p1 s2, $0x1A  }
0x4b4: {  	s2 =	sshll.u32 @!p1 s2, $0xD;
	s1 =	sor.u32 @!p1 s1, s8;
	_ =	swait.eq @!p1 [sflag:s4], $0x1  }
0x4b5: {  	s2 =	sor.u32 @!p1 $0x1C04, s2;
	s4 =	simm.s32 @!p1 $0x1C03;
	s1 =	sor.u32 @!p1 $0x80004000, s1  }
0x4b6: {  	[spmem:s7], [sflag:s2] =	dma.general @!p1 [spmem:s5], [sflag:s4], length:$0x8, [dreg:$0x0], stride_count:$0x0, ici_dest:s1, dma_misc:DstOpCode:WRITE  }
0x4b7: {  	p2 =	slt.s32 s0, $0x2;
	s5 =	simm.s32 @!p1 $0x80;
	s7 =	simm.s32 @!p1 $0x82  }
0x4b8: {  	[spmem:s7], [sflag:s2] =	dma.general @!p1 [spmem:s5], [sflag:s4], length:$0x2, [dreg:$0x0], stride_count:$0x0, ici_dest:s1, dma_misc:DstOpCode:WRITE  }
.Ltmp28:
0x4b9: {  	s1 =	simm.s32 @!p1 $0x3;
	(pc) =	sbr.rel @p2 .LBB2_37-.Ltmp28, $4  }
0x4ba: {  	s2 =	sshll.u32 @!p1 s9, $0xE;
	_ =	swait.ge @!p1 [sflag:s1], $0xA  }
0x4bb: {  	s4 =	sshll.u32 @!p1 s8, $0x11;
	s2 =	sadd.s32 @!p1 $0x11C3C, s2;
	[sflag:s1] =	ssyncset.done @!p1 $0x0  }
0x4bc: {  	[sflag:s1] =	ssyncadd.s32 @!p1 $0xFFFFFFF6;
	s1 =	sor.u32 @!p1 s4, s2  }
0x4bd: {  	s0 =	simm.s32 $0x0;
	[sflag:s1] =	ssyncadd.remote.s32 @!p1 $0xFFFFFFFF  }
0x4be: {  	s0 =	simm.s32 $0x6099  }
0x4bf: {  	v0 =	vld.msk [tilespmem:s0+$0x0], $0x1;
	_ =	sdelay $0x4  }
0x4c0: {  	(v2sf) =	vpush v0, $0x0;
	_ =	sdelay $0xc  }
0x4c1: {  	s1 =	sadd.s32 $0xFFFFFFFE, s6  }
0x4c2: {  	s1 =	sadd.s32 $0xFFFFFFFF, s1  }
0x4c3: {  	p2 =	sne.s32 s1, $0x0;
	s2 =	spop (v2sf)  }
.Ltmp29:
0x4c4: {  	p1 =	sgt.u32 s2, $0x27FFD;
	(pc) =	sbr.rel @!p2 .LBB2_36-.Ltmp29, $4  }
0x4c5: {  	s7 =	simm.s32 $0x0;
	s4 =	sand.u32 @!p1 $0x3FFF8, s2  }
0x4c6: {  	s0 =	simm.s32 $0x60D8;
	s2 =	sand.u32 @!p1 $0x7, s2;
	s4 =	sadd.s32 @!p1 s3, s4  }
0x4c7: {  	[hbm4b:s4+s2] =	stream.linear.scatter @!p1 [tilespmem:s0], [sflag:$0x5], $0x18, $0x38;
	[tilespmem:$0x1EC48] =	vst v63  }
0x4c8: {  	s6 =	simm.s32 $0x609A;
	s7 =	simm.s32 @!p1 $0x60;
	s2 =	simm.s32 $0x0  }
.LBB2_35:
0x4c9: {  	v0 =	vld.msk [tilespmem:s6+$0x0], $0x1;
	s1 =	sadd.s32 $0xFFFFFFFF, s1;
	s2 =	sadd.s32 s2, s7  }
0x4ca: {  	p1 =	sne.s32 s1, $0x0;
	_ =	sdelay $0x3  }
0x4cb: {  	(v2sf) =	vpush v0, $0x0;
	_ =	sdelay $0xe  }
.Ltmp30:
0x4cc: {  	s4 =	spop (v2sf);
	(pc) =	sbr.rel @p1 .LBB2_35-.Ltmp30, $4  }
0x4cd: {  	s7 =	simm.s32 $0x0;
	p2 =	sgt.u32 s4, $0x27FFD  }
0x4ce: {  	s0 =	sadd.s32 $0x20, s0;
	s7 =	simm.s32 @!p2 $0x60;
	s5 =	sand.u32 @!p2 $0x3FFF8, s4  }
0x4cf: {  	s6 =	sadd.s32 $0x1, s6;
	s4 =	sand.u32 @!p2 $0x7, s4;
	s5 =	sadd.s32 @!p2 s3, s5  }
0x4d0: {  	[hbm4b:s5+s4] =	stream.linear.scatter @!p2 [tilespmem:s0], [sflag:$0x5], $0x18, $0x38;
	[tilespmem:$0x1EC48] =	vst v63  }
.LBB2_36:
0x4d1: {  	s0 =	sadd.s32 s2, s7  }
0x4d2: {  	s0 =	sshrl.u32 s0, $0x2  }
.LBB2_37:
0x4d3: {  	s1 =	simm.s32 $0x5  }
0x4d4: {  	_ =	swait.ge [sflag:s1], s0  }
0x4d5: {  	s31 =	ssub.s32 $0x0, s0;
	[sflag:s1] =	ssyncset.done $0x0  }
0x4d6: {  	[sflag:s1] =	ssyncadd.s32 s31  }
0x4d7: {  	[sflag:s1] =	ssyncpa.u1 $0x1  }
.LBB2_38:
0x4d8: {  	s0 =	sor.u32 s16, s15  }
0x4d9: {  	p1 =	sne.s32 s0, $0x0  }
.Ltmp31:
0x4da: {  	_ = 	snop;
	(pc) =	sbr.rel @p1 .LBB2_53-.Ltmp31, $3  }
0x4db: {  	_ =	sdelay $0x1  }
0x4dc: {  	[bflag:$0x0] =	sbarrier.arrive $0xFFFF  }
0x4dd: {  	_ =	sfence  }
0x4de: {  	s0 =	simm.s32 $0x7  }
0x4df: {  	s1 =	simm.s32 $0x400;
	s2 =	simm.s32 $0x6098;
	[sflag:s0] =	ssyncpa.u1 $0x0  }
0x4e0: {  	[tilespmem:s2], [sflag:$0x7] =	stream.linear.gather [spmem:s1], $0x20, $0x38;
	[tilespmem:$0x1EC48] =	vst v63  }
0x4e1: {  	s30 =	simm.s32 $0x60B8;
	s1 =	simm.s32 $0x0  }
0x4e2: {  	[tilespmem:s30], [sflag:$0x7] =	stream.linear.gather [spmem:s1], $0x400, $0x38;
	[tilespmem:$0x1EC48] =	vst v63  }
.Ltmp32:
0x4e3: {  	_ = 	snop;
	(pc) =	sbr.rel .LBB2_40-.Ltmp32, $4  }
0x4e4: {  	_ =	swait.ge [sflag:s0], $0x420  }
0x4e5: {  	[sflag:s0] =	ssyncset.done $0x0  }
0x4e6: {  	s31 =	simm.s32 $0x8;
	[sflag:s0] =	ssyncadd.s32 $0xFFFFFBE0  }
0x4e7: {  	s2 =	simm.s32 $0x0;
	[sflag:s31] =	ssyncpa.u1 $0x0  }
.LBB2_46:
0x4e8: {  	p1 =	slt.u32 s0, $0x27FFE  }
0x4e9: {  	s4 =	sand.u32 @p1 $0x3FFF8, s0  }
0x4ea: {  	s0 =	sand.u32 @p1 $0x7, s0;
	s5 =	simm.s32 @p1 $0x6068;
	s4 =	sadd.s32 @p1 s3, s4  }
0x4eb: {  	[tilespmem:s5], [sflag:$0x8] =	stream.linear.gather @p1 [hbm4b:s4+s0], $0x18, $0x38;
	[tilespmem:$0x1EC48] =	vst v63  }
0x4ec: {  	s0 =	simm.s32 @p1 $0x8  }
0x4ed: {  	_ =	swait.ge @p1 [sflag:s0], $0x18  }
0x4ee: {  	[sflag:s0] =	ssyncset.done @p1 $0x0  }
0x4ef: {  	[sflag:s0] =	ssyncadd.s32 @p1 $0xFFFFFFE8  }
0x4f0: {  	v1 =	vld @p1 [tilespmem:$0x6068];
	_ =	sdelay $0x2  }
0x4f1: {  	s0 =	sshll.u32 @p1 s2, $0x7  }
0x4f2: {  	s4 =	sshrl.u32 @p1 s0, $0x2  }
0x4f3: {  	[tilespmem:s4+$0x60B8] =	vst.add.f32.msk @p1 $0xffff, v1  }
0x4f4: {  	v1 =	vld @p1 [tilespmem:$0x6078];
	_ =	sdelay $0x3  }
0x4f5: {  	s5 =	sshll.u32 @!p1 s2, $0x7  }
0x4f6: {  	s5 =	smov.u32 @p1 s0;
	[tilespmem:s4+$0x60C8] =	vst.add.f32.msk @p1 $0xffff, v1  }
0x4f7: {  	s0 =	sshrl.u32 s5, $0x2;
	[tilespmem:s1+$0x6098] =	vst.msk $0x1, v0  }
0x4f8: {  	v0 =	vld [tilespmem:s0+$0x60B8];
	_ =	sdelay $0x2  }
0x4f9: {  	s31 =	sshll.u32 s1, $0x7  }
0x4fa: {  	s4 =	sshra.s32 s31, $0x2  }
0x4fb: {  	[tilespmem:s4+$0x60B8] =	vst v0  }
0x4fc: {  	v0 =	vld [tilespmem:s0+$0x60C8];
	_ =	sdelay $0x4  }
0x4fd: {  	s1 =	sadd.s32 $0x1, s1;
	[tilespmem:s4+$0x60C8] =	vst v0  }
.LBB2_47:
0x4fe: {  	s2 =	sadd.s32 $0x1, s2  }
0x4ff: {  	p1 =	sne.s32 s2, $0x20  }
.Ltmp33:
0x500: {  	_ = 	snop;
	(pc) =	sbr.rel @!p1 .LBB2_48-.Ltmp33, $1  }
0x501: {  	_ =	sdelay $0x3  }
.LBB2_40:
0x502: {  	v0 =	vld.msk [tilespmem:s2+$0x6098], $0x1;
	_ =	sdelay $0x4  }
0x503: {  	(v2sf) =	vpush v0, $0x0;
	_ =	sdelay $0xe  }
0x504: {  	s0 =	spop (v2sf)  }
0x505: {  	p1 =	seq.s32 s0, $0xFFFFFFFF  }
.Ltmp34:
0x506: {  	_ = 	snop;
	(pc) =	sbr.rel @p1 .LBB2_47-.Ltmp34, $1  }
0x507: {  	_ =	sdelay $0x3  }
0x508: {  	p1 =	slt.s32 s1, $0x1  }
.Ltmp35:
0x509: {  	_ = 	snop;
	(pc) =	sbr.rel @p1 .LBB2_46-.Ltmp35, $1  }
0x50a: {  	_ =	sdelay $0x3  }
0x50b: {  	s4 =	simm.s32 $0x6098;
	p1 =	por $0x0, $0x0  }
0x50c: {  	v1 =	vld.msk @!p1 [tilespmem:s4+$0x0], $0x1;
	_ =	sdelay $0x4  }
0x50d: {  	(v2sf) =	vpush @!p1 v1, $0x0;
	_ =	sdelay $0xd  }
0x50e: {  	p3 =	sne.s32 s1, $0x1  }
.Ltmp36:
0x50f: {  	s5 =	spop @!p1 (v2sf);
	(pc) =	sbr.rel @!p3 .LBB2_44-.Ltmp36, $4  }
0x510: {  	p2 =	seq.s32 @!p1 s0, s5  }
0x511: {  	s5 =	simm.s32 $0x0;
	p2 =	por !p2, p1  }
0x512: {  	s7 =	simm.s32 $0xFFFFFFFF;
	s5 =	simm.s32 @p2 $0xFFFFFFFF  }
0x513: {  	s6 =	simm.s32 $0x1;
	s5 =	smov.u32 @p1 s7  }
.LBB2_43:
0x514: {  	s7 =	smov.u32 s5;
	p1 =	sne.s32 s5, $0xFFFFFFFF  }
0x515: {  	s4 =	sadd.s32 $0x1, s4;
	s5 =	smov.u32 s6;
	s6 =	sadd.s32 $0x1, s6  }
0x516: {  	p2 =	sne.s32 s1, s6;
	v1 =	vld.msk @!p1 [tilespmem:s4+$0x0], $0x1;
	_ =	sdelay $0x4  }
0x517: {  	(v2sf) =	vpush @!p1 v1, $0x0;
	_ =	sdelay $0xe  }
.Ltmp37:
0x518: {  	s8 =	spop @!p1 (v2sf);
	(pc) =	sbr.rel @p2 .LBB2_43-.Ltmp37, $4  }
0x519: {  	p3 =	seq.s32 @!p1 s0, s8  }
0x51a: {  	p3 =	por !p3, p1  }
0x51b: {  	s5 =	simm.s32 @p3 $0xFFFFFFFF  }
0x51c: {  	s5 =	smov.u32 @p1 s7  }
.LBB2_44:
0x51d: {  	p1 =	seq.s32 s5, $0xFFFFFFFF  }
.Ltmp38:
0x51e: {  	_ = 	snop;
	(pc) =	sbr.rel @p1 .LBB2_46-.Ltmp38, $1  }
0x51f: {  	_ =	sdelay $0x3  }
0x520: {  	s0 =	sshll.u32 s2, $0x5  }
0x521: {  	s0 =	sand.u32 $0x3FFFFFE0, s0  }
0x522: {  	v0 =	vld [tilespmem:s0+$0x60B8];
	_ =	sdelay $0x2  }
0x523: {  	s4 =	sshll.u32 s5, $0x7  }
0x524: {  	s4 =	sshra.s32 s4, $0x2  }
0x525: {  	[tilespmem:s4+$0x60B8] =	vst.add.f32.msk $0xffff, v0  }
0x526: {  	v0 =	vld [tilespmem:s0+$0x60C8]  }
.Ltmp39:
0x527: {  	_ = 	snop;
	(pc) =	sbr.rel .LBB2_47-.Ltmp39, $2  }
0x528: {  	_ =	sdelay $0x2  }
0x529: {  	[tilespmem:s4+$0x60C8] =	vst.add.f32.msk $0xffff, v0  }
.LBB2_48:
0x52a: {  	p1 =	slt.s32 s1, $0x1  }
.Ltmp40:
0x52b: {  	_ = 	snop;
	(pc) =	sbr.rel @p1 .LBB2_52-.Ltmp40, $3  }
0x52c: {  	_ =	sdelay $0x1  }
0x52d: {  	s0 =	simm.s32 $0x8  }
0x52e: {  	[sflag:s0] =	ssyncpa.u1 $0x1;
	s0 =	simm.s32 $0x0  }
0x52f: {  	s2 =	simm.s32 $0x6098  }
0x530: {  	v0 =	vld.msk [tilespmem:s2+$0x0], $0x1;
	_ =	sdelay $0x4  }
0x531: {  	(v2sf) =	vpush v0, $0x0;
	_ =	sdelay $0xe  }
0x532: {  	s1 =	sadd.s32 $0xFFFFFFFF, s1;
	s4 =	spop (v2sf)  }
0x533: {  	p2 =	sne.s32 s1, $0x0;
	p1 =	sgt.u32 s4, $0x27FFD  }
.Ltmp41:
0x534: {  	s5 =	sand.u32 @!p1 $0x3FFF8, s4;
	(pc) =	sbr.rel @!p2 .LBB2_51-.Ltmp41, $4  }
0x535: {  	s2 =	simm.s32 $0x60B8;
	s4 =	sand.u32 @!p1 $0x7, s4;
	s5 =	sadd.s32 @!p1 s3, s5  }
0x536: {  	[hbm4b:s5+s4] =	stream.linear.scatter @!p1 [tilespmem:s2], [sflag:$0x7], $0x18, $0x38;
	[tilespmem:$0x1EC48] =	vst v63  }
0x537: {  	s5 =	simm.s32 $0x0  }
0x538: {  	s4 =	simm.s32 $0x6099;
	s5 =	simm.s32 @!p1 $0x60  }
.LBB2_50:
0x539: {  	v0 =	vld.msk [tilespmem:s4+$0x0], $0x1;
	s1 =	sadd.s32 $0xFFFFFFFF, s1;
	s0 =	sadd.s32 s0, s5  }
0x53a: {  	p1 =	sne.s32 s1, $0x0;
	_ =	sdelay $0x3  }
0x53b: {  	(v2sf) =	vpush v0, $0x0;
	_ =	sdelay $0xe  }
.Ltmp42:
0x53c: {  	s6 =	spop (v2sf);
	(pc) =	sbr.rel @p1 .LBB2_50-.Ltmp42, $4  }
0x53d: {  	s5 =	simm.s32 $0x0;
	p2 =	sgt.u32 s6, $0x27FFD  }
0x53e: {  	s2 =	sadd.s32 $0x20, s2;
	s5 =	simm.s32 @!p2 $0x60;
	s7 =	sand.u32 @!p2 $0x3FFF8, s6  }
0x53f: {  	s4 =	sadd.s32 $0x1, s4;
	s6 =	sand.u32 @!p2 $0x7, s6;
	s7 =	sadd.s32 @!p2 s3, s7  }
0x540: {  	[hbm4b:s7+s6] =	stream.linear.scatter @!p2 [tilespmem:s2], [sflag:$0x7], $0x18, $0x38;
	[tilespmem:$0x1EC48] =	vst v63  }
.LBB2_51:
0x541: {  	s0 =	sadd.s32 s0, s5  }
0x542: {  	s0 =	sshrl.u32 s0, $0x2  }
.LBB2_52:
0x543: {  	s1 =	simm.s32 $0x7  }
0x544: {  	_ =	swait.ge [sflag:s1], s0  }
0x545: {  	s31 =	ssub.s32 $0x0, s0;
	[sflag:s1] =	ssyncset.done $0x0  }
0x546: {  	[sflag:s1] =	ssyncadd.s32 s31  }
0x547: {  	[sflag:s1] =	ssyncpa.u1 $0x1  }
.LBB2_53:
0x548: {  	_ =	sfence;
	s0 =	simm.s32 $0x1  }
0x549: {  	[sflag:s0] =	ssyncpa.u1 $0x1  }
0x54a: {  	_ =	strace $0x90000047  }
0x54b: {  	[bflag:$0x2] =	sbarrier.arrive $0xFFFF  }
0x54c: {  	s0 =	rddreg [dreg:$0x3]  }
0x54d: {  	s0 =	sadd.s32 @!p0 $0x100000, s0  }
0x54e: {  	[sflag:s0] =	ssyncadd.tile.s32 @!p0 $0x1;
	_ =	shalt  }
.Lfunc_end2:
_tile_overlayer_lowered:
.L_overlay_start_2:
0x54f: {  	(tag) =	ssettag $0x2  }
0x550: {  	s0 =	rddreg [dreg:$0x0];
	s2 =	stileid.u32  }
0x551: {  	s1 =	rddreg [dreg:$0x1];
	p0 =	sne.s32 s2, $0x0  }
0x552: {  	s3 =	rddreg [dreg:$0x2];
	[bflag:$0x3] =	sbarrier.arrive $0xFFFF;
	s2 =	simm.s32 @!p0 $0x1C01  }
0x553: {  	[timem:s3], [sflag:s2] =	dma.local @!p0 [hbm:s0], s1  }
0x554: {  	s0 =	simm.s32 @!p0 $0x1  }
0x555: {  	_ =	swait.ge @!p0 [sflag:s0], s1  }
0x556: {  	s1 =	ssub.s32 @!p0 $0x0, s1;
	[sflag:s0] =	ssyncset.done @!p0 $0x0  }
0x557: {  	[sflag:s0] =	ssyncadd.s32 @!p0 s1  }
0x558: {  	[bflag:$0x3] =	sbarrier.arrive $0xFFFF  }
0x559: {  	_ =	shalt  }

</sc_bundles>
